<compile_context>
chip_gen: v7x
topology: tpu7x:2x2x1
jax: 0.10.2.dev20260603
libtpu: 0.0.44.dev20260713+nightly
codegen_flags: <defaults>
</compile_context>

<pallas_src>
import dataclasses
import functools

import jax
from jax import lax
import jax.numpy as jnp
from jax.experimental import pallas as pl
from jax.experimental.pallas import tpu as pltpu
from jax.experimental.pallas import tpu_sc as plsc

SEQ = 4096
BATCH = 4
HIDDEN = 4096
ROWS = SEQ * BATCH
MAXPOS = 8192

NW = 32
BKT = MAXPOS // NW
SB = 8
NS = BKT // SB
NRB = 2
NOUT = 16

_vector_mesh = plsc.VectorSubcoreMesh(
    core_axis_name="core", subcore_axis_name="subcore"
)

_cp = pltpu.CompilerParams()
if "needs_layout_passes" in pltpu.CompilerParams.__dataclass_fields__:
  _cp = dataclasses.replace(_cp, needs_layout_passes=False)


@jax.jit
def _sc_scatter_gather(table, indices):

  @functools.partial(
      pl.kernel,
      out_type=jax.ShapeDtypeStruct((ROWS, HIDDEN), table.dtype),
      mesh=_vector_mesh,
      compiler_params=_cp,
      scratch_types=[
          pltpu.VMEM((ROWS,), jnp.int32),
          pltpu.VMEM((ROWS,), jnp.int32),
          pltpu.VMEM((ROWS,), jnp.int32),
          *[pltpu.VMEM((SB, HIDDEN), table.dtype) for _ in range(NRB)],
          *[pltpu.SemaphoreType.DMA for _ in range(NRB)],
          *[pltpu.SemaphoreType.DMA for _ in range(NRB)],
      ],
  )
  def kern(table_hbm, idx_hbm, out_hbm, idxs, bkt_buf, sub_buf,
           *scratch):
    rowbufs = scratch[:NRB]
    lsems = scratch[NRB:2 * NRB]
    osems = scratch[2 * NRB:]
    wid = lax.axis_index("subcore") * 2 + lax.axis_index("core")
    r0 = wid * BKT

    def start_load(s, b):
      pltpu.async_copy(table_hbm.at[pl.ds(r0 + s * SB, SB)], rowbufs[b],
                       lsems[b])

    def wait_load(b):
      pltpu.make_async_copy(table_hbm.at[pl.ds(0, SB)], rowbufs[b],
                            lsems[b]).wait()

    def wait_one_write(b):
      pltpu.make_async_copy(rowbufs[b].at[pl.ds(0, 1)],
                            out_hbm.at[pl.ds(0, 1)], osems[b]).wait()

    start_load(0, 0)

    pltpu.sync_copy(idx_hbm, idxs)

    iota = lax.iota(jnp.int32, 16)
    ones = jnp.ones((16,), jnp.int32)
    zero16 = jnp.zeros((16,), jnp.int32)

    def p1_body(i, off):
      for u in range(2):
        v = idxs[pl.ds(i * 32 + u * 16, 16)]
        local = v - r0
        m = (local >= 0) & (local < BKT)
        packed = (iota + (i * 32 + u * 16)) * 256 + local
        dst = off + plsc.cumsum(jnp.where(m, ones, zero16)) - 1
        plsc.store_scatter(bkt_buf, [dst], packed, mask=m)
        off = off + plsc.all_reduce_population_count(m)
      return off

    off = lax.fori_loop(0, ROWS // 32, p1_body, zero16)
    total = jnp.max(off)
    nvec = (total + 15) // 16

    def s_pair_body(t, kprev):
      s0 = t * NRB
      for b in range(NRB):
        s = s0 + b
        bn = (b + 1) % NRB

        def p2_body(j, off2, s=s):
          v = bkt_buf[pl.ds(j * 16, 16)]
          local = v & 255
          m = ((local >= s * SB) & (local < (s + 1) * SB)
               & (iota + j * 16 < total))
          packed = (v >> 8) * 8 + (local & 7)
          dst = off2 + plsc.cumsum(jnp.where(m, ones, zero16)) - 1
          plsc.store_scatter(sub_buf, [dst], packed, mask=m)
          return off2 + plsc.all_reduce_population_count(m)

        k2 = jnp.max(lax.fori_loop(0, nvec, p2_body, zero16))

        def late_drain_body(j, carry, bn=bn):
          wait_one_write(bn)
          return carry

        lax.fori_loop(0, jnp.minimum(kprev[bn], NOUT), late_drain_body, 0)
        kprev = tuple(jnp.int32(0) if i == bn else kprev[i]
                      for i in range(NRB))

        @pl.when(s + 1 < NS)
        def _(s=s, bn=bn):
          start_load(s + 1, bn)

        wait_load(b)

        def wr_body(jv, carry, b=b, k2=k2):
          v = sub_buf[pl.ds(jv * 16, 16)]
          for l in range(16):
            j = jv * 16 + l
            valid = j < k2

            @pl.when(valid)
            def _(l=l, b=b):
              w = v[l]
              pltpu.async_copy(rowbufs[b].at[pl.ds(w & 7, 1)],
                               out_hbm.at[pl.ds(w >> 3, 1)], osems[b])

            @pl.when(valid & (j >= NOUT))
            def _(b=b):
              wait_one_write(b)

          return carry

        lax.fori_loop(0, (k2 + 15) // 16, wr_body, 0)
        kprev = tuple(k2 if i == b else kprev[i] for i in range(NRB))
      return kprev

    kfin = lax.fori_loop(0, NS // NRB, s_pair_body,
                         tuple(jnp.int32(0) for _ in range(NRB)))

    for b in range(NRB):

      def fin_drain_body(j, carry, b=b):
        wait_one_write(b)
        return carry

      lax.fori_loop(0, jnp.minimum(kfin[b], NOUT), fin_drain_body, 0)

  return kern(table, indices)


def kernel(position_ids, embedding_table):
  idx = jnp.transpose(position_ids).reshape(ROWS).astype(jnp.int32)
  out = _sc_scatter_gather(embedding_table, idx)
  return out.reshape(BATCH, SEQ, HIDDEN)

# --- scband reference (transcript-rebuilt; emitter-appended) ---
"""Pipeline reference for scband-positional-embedding-16801912062838 (READ-ONLY COPY).

The authoritative reference and input builder live on the scoring server;
editing this copy changes nothing except your own understanding.
"""

import jax, jax.numpy as jnp
import numpy as np

SEQ_LEN = 4096
BATCH = 4
MAX_POS = 8192
HIDDEN = 4096

def setup_inputs(seed: int = 0) -> dict:
    key = jax.random.key(seed)
    k_idx, k_tab = jax.random.split(key)
    position_ids = jax.random.randint(k_idx, (SEQ_LEN, BATCH), 0, MAX_POS, dtype=jnp.int64 if jax.config.jax_enable_x64 else jnp.int32)
    embedding_table = jax.random.normal(k_tab, (MAX_POS, HIDDEN), dtype=jnp.float32) * 0.02
    return {"position_ids": position_ids, "embedding_table": embedding_table}

def reference(position_ids, embedding_table):
    # nn.Embedding lookup -> [seq_len, batch, hidden], then transpose(0, 1)
    emb = jnp.take(embedding_table, position_ids, axis=0)
    return jnp.transpose(emb, (1, 0, 2))

if __name__ == "__main__":
    import jax
    _d = setup_inputs()
    print(jax.jit(kernel)(*tuple(_d.values())))

</pallas_src>

<mosaic_0001>
#map = affine_map<(d0, d1) -> (0, 0)>
#map1 = affine_map<(d0, d1) -> (0)>
module attributes {stable_mosaic.version = 14 : i64} {
  func.func @kern(%arg0: i32, %arg1: i32, %arg2: memref<8192x4096xf32, #tpu.memory_space<hbm>>, %arg3: memref<16384xi32, #tpu.memory_space<hbm>>, %arg4: memref<16384x4096xf32, #tpu.memory_space<hbm>>, %arg5: memref<16384xi32, #tpu.memory_space<vmem>>, %arg6: memref<16384xi32, #tpu.memory_space<vmem>>, %arg7: memref<16384xi32, #tpu.memory_space<vmem>>, %arg8: memref<8x4096xf32, #tpu.memory_space<vmem>>, %arg9: memref<8x4096xf32, #tpu.memory_space<vmem>>, %arg10: memref<!tpu.dma_semaphore, #tpu.memory_space<semaphore_mem>>, %arg11: memref<!tpu.dma_semaphore, #tpu.memory_space<semaphore_mem>>, %arg12: memref<!tpu.dma_semaphore, #tpu.memory_space<semaphore_mem>>, %arg13: memref<!tpu.dma_semaphore, #tpu.memory_space<semaphore_mem>>) attributes {dimension_semantics = [#tpu.dimension_semantics<core_parallel>, #tpu.dimension_semantics<subcore_parallel>], iteration_bounds = array<i64: 2, 16>, scalar_prefetch = 0 : i64, scratch_operands = 9 : i64, tpu.core_type = #tpu.core_type<sc_vector_subcore>, window_params = [{transform_indices = #map}, {transform_indices = #map1}, {transform_indices = #map}]} {
    %mul3A = arith.constant 2 : i32
    %mul3A_0 = arith.muli %arg1, %mul3A : i32
    %add3A = arith.addi %mul3A_0, %arg0 : i32
    %mul3A_1 = arith.constant 256 : i32
    %mul3A_2 = arith.muli %add3A, %mul3A_1 : i32
    %add3A_3 = arith.constant 0 : i32
    %add3A_4 = arith.addi %mul3A_2, %add3A_3 : i32
    %dma_start3A = arith.constant 0 : i32
    %dma_start3A_5 = tpu.memref_slice %arg2[%add3A_4, %dma_start3A] : memref<8192x4096xf32, #tpu.memory_space<hbm>> -> memref<8x4096xf32, #tpu.memory_space<hbm>>
    %dma_start3A_6 = arith.constant 0 : i32
    %dma_start3A_7 = tpu.memref_slice %arg2[%add3A_4, %dma_start3A_6] : memref<8192x4096xf32, #tpu.memory_space<hbm>> -> memref<8x4096xf32, #tpu.memory_space<hbm>>
    tpu.enqueue_dma source(%dma_start3A_7 : memref<8x4096xf32, #tpu.memory_space<hbm>>) target(%arg8 : memref<8x4096xf32, #tpu.memory_space<vmem>>) target_semaphore(%arg10 : memref<!tpu.dma_semaphore, #tpu.memory_space<semaphore_mem>>)
    "tpu.region"() ({
      %run_scoped3A = tpu.sem_alloc : memref<!tpu.dma_semaphore, #tpu.memory_space<semaphore_mem>>
      tpu.enqueue_dma source(%arg3 : memref<16384xi32, #tpu.memory_space<hbm>>) target(%arg5 : memref<16384xi32, #tpu.memory_space<vmem>>) target_semaphore(%run_scoped3A : memref<!tpu.dma_semaphore, #tpu.memory_space<semaphore_mem>>)
      tpu.wait_dma2 semaphore(%run_scoped3A : memref<!tpu.dma_semaphore, #tpu.memory_space<semaphore_mem>>) src(%arg3 : memref<16384xi32, #tpu.memory_space<hbm>>) dst(%arg5 : memref<16384xi32, #tpu.memory_space<vmem>>)
      tpu.yield
    }) : () -> ()
    %iota3A = tpu.iota {dimensions = array<i32: 0>} : vector<16xi32>
    %broadcast_in_dim3A = arith.constant 1 : i32
    %broadcast_in_dim3A_8 = vector.broadcast %broadcast_in_dim3A : i32 to vector<16xi32>
    %broadcast_in_dim3A_9 = arith.constant 0 : i32
    %broadcast_in_dim3A_10 = vector.broadcast %broadcast_in_dim3A_9 : i32 to vector<16xi32>
    %scan3A = arith.constant 0 : i32
    %scan3A_11 = arith.constant 512 : i32
    %scan3A_12 = arith.addi %scan3A, %scan3A_11 : i32
    %scan3A_13 = arith.constant 1 : i32
    %scan3A_14 = scf.for %scan3A_71 = %scan3A to %scan3A_12 step %scan3A_13 iter_args(%scan3A_72 = %broadcast_in_dim3A_10) -> (vector<16xi32>)  : i32 {
      %mul3A_73 = arith.constant 32 : i32
      %mul3A_74 = arith.muli %scan3A_71, %mul3A_73 : i32
      %add3A_75 = arith.constant 0 : i32
      %add3A_76 = arith.addi %mul3A_74, %add3A_75 : i32
      %get3A = arith.index_cast %add3A_76 : i32 to index
      %get3A_77 = tpu.vector_load %arg5[%get3A] {strides = array<i32>} : memref<16384xi32, #tpu.memory_space<vmem>>, vector<16xi32>,
      %sub3A_78 = vector.broadcast %mul3A_2 : i32 to vector<16xi32>
      %sub3A_79 = arith.subi %get3A_77, %sub3A_78 : vector<16xi32>
      %ge3A = arith.constant 0 : i32
      %ge3A_80 = vector.broadcast %ge3A : i32 to vector<16xi32>
      %ge3A_81 = arith.cmpi sge, %sub3A_79, %ge3A_80 : vector<16xi32>
      %lt3A = arith.constant 256 : i32
      %lt3A_82 = vector.broadcast %lt3A : i32 to vector<16xi32>
      %lt3A_83 = arith.cmpi slt, %sub3A_79, %lt3A_82 : vector<16xi32>
      %and3A_84 = arith.andi %ge3A_81, %lt3A_83 : vector<16xi1>
      %mul3A_85 = arith.constant 32 : i32
      %mul3A_86 = arith.muli %scan3A_71, %mul3A_85 : i32
      %add3A_87 = arith.constant 0 : i32
      %add3A_88 = arith.addi %mul3A_86, %add3A_87 : i32
      %add3A_89 = vector.broadcast %add3A_88 : i32 to vector<16xi32>
      %add3A_90 = arith.addi %iota3A, %add3A_89 : vector<16xi32>
      %mul3A_91 = arith.constant 256 : i32
      %mul3A_92 = vector.broadcast %mul3A_91 : i32 to vector<16xi32>
      %mul3A_93 = arith.muli %add3A_90, %mul3A_92 : vector<16xi32>
      %add3A_94 = arith.addi %mul3A_93, %sub3A_79 : vector<16xi32>
      %select_n3A_95 = arith.select %and3A_84, %broadcast_in_dim3A_8, %broadcast_in_dim3A_10 : vector<16xi1>, vector<16xi32>
      %broadcast_in_dim3A_96 = arith.constant true
      %broadcast_in_dim3A_97 = vector.broadcast %broadcast_in_dim3A_96 : i1 to vector<16xi1>
      %masked_cumsum3A = tpu.scan <sum>, %select_n3A_95 masked %broadcast_in_dim3A_97 : vector<16xi32>, vector<16xi1> -> vector<16xi32>
      %add3A_98 = arith.addi %scan3A_72, %masked_cumsum3A : vector<16xi32>
      %sub3A_99 = arith.constant 1 : i32
      %sub3A_100 = vector.broadcast %sub3A_99 : i32 to vector<16xi32>
      %sub3A_101 = arith.subi %add3A_98, %sub3A_100 : vector<16xi32>
      tpu.vector_store_idx %arg6[%sub3A_101], %add3A_94 masked %and3A_84 : memref<16384xi32, #tpu.memory_space<vmem>>[vector<16xi32>], vector<16xi32>, vector<16xi1>
      %all_reduce_population_count3A = tpu.all_reduce %and3A_84 {dim = 0 : i64, kind = #tpu.reduction_kind<sum>} : vector<16xi1> -> vector<16xi32>
      %add3A_102 = arith.addi %scan3A_72, %all_reduce_population_count3A : vector<16xi32>
      %mul3A_103 = arith.constant 32 : i32
      %mul3A_104 = arith.muli %scan3A_71, %mul3A_103 : i32
      %add3A_105 = arith.constant 16 : i32
      %add3A_106 = arith.addi %mul3A_104, %add3A_105 : i32
      %get3A_107 = arith.index_cast %add3A_106 : i32 to index
      %get3A_108 = tpu.vector_load %arg5[%get3A_107] {strides = array<i32>} : memref<16384xi32, #tpu.memory_space<vmem>>, vector<16xi32>,
      %sub3A_109 = vector.broadcast %mul3A_2 : i32 to vector<16xi32>
      %sub3A_110 = arith.subi %get3A_108, %sub3A_109 : vector<16xi32>
      %ge3A_111 = arith.constant 0 : i32
      %ge3A_112 = vector.broadcast %ge3A_111 : i32 to vector<16xi32>
      %ge3A_113 = arith.cmpi sge, %sub3A_110, %ge3A_112 : vector<16xi32>
      %lt3A_114 = arith.constant 256 : i32
      %lt3A_115 = vector.broadcast %lt3A_114 : i32 to vector<16xi32>
      %lt3A_116 = arith.cmpi slt, %sub3A_110, %lt3A_115 : vector<16xi32>
      %and3A_117 = arith.andi %ge3A_113, %lt3A_116 : vector<16xi1>
      %mul3A_118 = arith.constant 32 : i32
      %mul3A_119 = arith.muli %scan3A_71, %mul3A_118 : i32
      %add3A_120 = arith.constant 16 : i32
      %add3A_121 = arith.addi %mul3A_119, %add3A_120 : i32
      %add3A_122 = vector.broadcast %add3A_121 : i32 to vector<16xi32>
      %add3A_123 = arith.addi %iota3A, %add3A_122 : vector<16xi32>
      %mul3A_124 = arith.constant 256 : i32
      %mul3A_125 = vector.broadcast %mul3A_124 : i32 to vector<16xi32>
      %mul3A_126 = arith.muli %add3A_123, %mul3A_125 : vector<16xi32>
      %add3A_127 = arith.addi %mul3A_126, %sub3A_110 : vector<16xi32>
      %select_n3A_128 = arith.select %and3A_117, %broadcast_in_dim3A_8, %broadcast_in_dim3A_10 : vector<16xi1>, vector<16xi32>
      %broadcast_in_dim3A_129 = arith.constant true
      %broadcast_in_dim3A_130 = vector.broadcast %broadcast_in_dim3A_129 : i1 to vector<16xi1>
      %masked_cumsum3A_131 = tpu.scan <sum>, %select_n3A_128 masked %broadcast_in_dim3A_130 : vector<16xi32>, vector<16xi1> -> vector<16xi32>
      %add3A_132 = arith.addi %add3A_102, %masked_cumsum3A_131 : vector<16xi32>
      %sub3A_133 = arith.constant 1 : i32
      %sub3A_134 = vector.broadcast %sub3A_133 : i32 to vector<16xi32>
      %sub3A_135 = arith.subi %add3A_132, %sub3A_134 : vector<16xi32>
      tpu.vector_store_idx %arg6[%sub3A_135], %add3A_127 masked %and3A_117 : memref<16384xi32, #tpu.memory_space<vmem>>[vector<16xi32>], vector<16xi32>, vector<16xi1>
      %all_reduce_population_count3A_136 = tpu.all_reduce %and3A_117 {dim = 0 : i64, kind = #tpu.reduction_kind<sum>} : vector<16xi1> -> vector<16xi32>
      %add3A_137 = arith.addi %add3A_102, %all_reduce_population_count3A_136 : vector<16xi32>
      scf.yield %add3A_137 : vector<16xi32>
    }
    %scan3A_15 = arith.constant 512 : i32
    %reduce_max3A = arith.constant true
    %reduce_max3A_16 = vector.broadcast %reduce_max3A : i1 to vector<16xi1>
    %reduce_max3A_17 = arith.constant -2147483648 : i32
    %reduce_max3A_18 = vector.broadcast %reduce_max3A_17 : i32 to vector<16xi32>
    %reduce_max3A_19 = arith.xori %scan3A_14, %reduce_max3A_18 : vector<16xi32>
    %reduce_max3A_20 = tpu.scan <max>, %reduce_max3A_19 masked %reduce_max3A_16 : vector<16xi32>, vector<16xi1> -> vector<16xi32>
    %reduce_max3A_21 = arith.xori %reduce_max3A_20, %reduce_max3A_18 : vector<16xi32>
    %reduce_max3A_22 = vector.extract %reduce_max3A_21[15] : i32 from vector<16xi32>
    %add3A_23 = arith.constant 15 : i32
    %add3A_24 = arith.addi %reduce_max3A_22, %add3A_23 : i32
    %jit3A = arith.constant 16 : i32
    %div3A = arith.divsi %add3A_24, %jit3A : i32
    %sign3A = arith.constant 0 : i32
    %sign3A_25 = arith.cmpi sgt, %add3A_24, %sign3A : i32
    %sign3A_26 = arith.extui %sign3A_25 : i1 to i32
    %sign3A_27 = arith.constant 0 : i32
    %sign3A_28 = arith.cmpi slt, %add3A_24, %sign3A_27 : i32
    %sign3A_29 = arith.extui %sign3A_28 : i1 to i32
    %sign3A_30 = arith.subi %sign3A_26, %sign3A_29 : i32
    %sign3A_31 = arith.constant 0 : i32
    %sign3A_32 = arith.cmpi sgt, %jit3A, %sign3A_31 : i32
    %sign3A_33 = arith.extui %sign3A_32 : i1 to i32
    %sign3A_34 = arith.constant 0 : i32
    %sign3A_35 = arith.cmpi slt, %jit3A, %sign3A_34 : i32
    %sign3A_36 = arith.extui %sign3A_35 : i1 to i32
    %sign3A_37 = arith.subi %sign3A_33, %sign3A_36 : i32
    %ne3A = arith.cmpi ne, %sign3A_30, %sign3A_37 : i32
    %rem3A = arith.remsi %add3A_24, %jit3A : i32
    %ne3A_38 = arith.constant 0 : i32
    %ne3A_39 = arith.cmpi ne, %rem3A, %ne3A_38 : i32
    %and3A = arith.andi %ne3A, %ne3A_39 : i1
    %sub3A = arith.constant 1 : i32
    %sub3A_40 = arith.subi %div3A, %sub3A : i32
    %select_n3A = arith.select %and3A, %sub3A_40, %div3A : i32
    %scan3A_41 = arith.constant 0 : i32
    %scan3A_42 = arith.constant 0 : i32
    %scan3A_43 = arith.constant 0 : i32
    %scan3A_44 = arith.constant 16 : i32
    %scan3A_45 = arith.addi %scan3A_43, %scan3A_44 : i32
    %scan3A_46 = arith.constant 1 : i32
    %scan3A_47:2 = scf.for %scan3A_71 = %scan3A_43 to %scan3A_45 step %scan3A_46 iter_args(%scan3A_72 = %scan3A_41, %scan3A_73 = %scan3A_42) -> (i32, i32)  : i32 {
      %mul3A_74 = arith.constant 2 : i32
      %mul3A_75 = arith.muli %scan3A_71, %mul3A_74 : i32
      %add3A_76 = arith.constant 0 : i32
      %add3A_77 = arith.addi %mul3A_75, %add3A_76 : i32
      %while3A_78 = arith.constant 0 : i32
      %while3A_79 = arith.subi %select_n3A, %while3A_78 : i32
      %while3A_80 = arith.addi %while3A_78, %while3A_79 : i32
      %while3A_81 = arith.constant 1 : i32
      %while3A_82 = arith.divsi %while3A_79, %while3A_81 : i32
      %while3A_83 = arith.muli %while3A_82, %while3A_81 : i32
      %while3A_84 = arith.addi %while3A_78, %while3A_83 : i32
      %while3A_85 = arith.constant 1 : i32
      %while3A_86 = scf.for %while3A_237 = %while3A_78 to %while3A_84 step %while3A_85 iter_args(%while3A_238 = %broadcast_in_dim3A_10) -> (vector<16xi32>)  : i32 {
        %mul3A_239 = arith.constant 16 : i32
        %mul3A_240 = arith.muli %while3A_237, %mul3A_239 : i32
        %get3A = arith.index_cast %mul3A_240 : i32 to index
        %get3A_241 = tpu.vector_load %arg6[%get3A] {strides = array<i32>} : memref<16384xi32, #tpu.memory_space<vmem>>, vector<16xi32>,
        %and3A_242 = arith.constant 255 : i32
        %and3A_243 = vector.broadcast %and3A_242 : i32 to vector<16xi32>
        %and3A_244 = arith.andi %get3A_241, %and3A_243 : vector<16xi32>
        %mul3A_245 = arith.constant 8 : i32
        %mul3A_246 = arith.muli %add3A_77, %mul3A_245 : i32
        %ge3A = vector.broadcast %mul3A_246 : i32 to vector<16xi32>
        %ge3A_247 = arith.cmpi sge, %and3A_244, %ge3A : vector<16xi32>
        %add3A_248 = arith.constant 1 : i32
        %add3A_249 = arith.addi %add3A_77, %add3A_248 : i32
        %mul3A_250 = arith.constant 8 : i32
        %mul3A_251 = arith.muli %add3A_249, %mul3A_250 : i32
        %lt3A_252 = vector.broadcast %mul3A_251 : i32 to vector<16xi32>
        %lt3A_253 = arith.cmpi slt, %and3A_244, %lt3A_252 : vector<16xi32>
        %and3A_254 = arith.andi %ge3A_247, %lt3A_253 : vector<16xi1>
        %mul3A_255 = arith.constant 16 : i32
        %mul3A_256 = arith.muli %while3A_237, %mul3A_255 : i32
        %add3A_257 = vector.broadcast %mul3A_256 : i32 to vector<16xi32>
        %add3A_258 = arith.addi %iota3A, %add3A_257 : vector<16xi32>
        %lt3A_259 = vector.broadcast %reduce_max3A_22 : i32 to vector<16xi32>
        %lt3A_260 = arith.cmpi slt, %add3A_258, %lt3A_259 : vector<16xi32>
        %and3A_261 = arith.andi %and3A_254, %lt3A_260 : vector<16xi1>
        %shift_right_arithmetic3A = arith.constant 8 : i32
        %shift_right_arithmetic3A_262 = vector.broadcast %shift_right_arithmetic3A : i32 to vector<16xi32>
        %shift_right_arithmetic3A_263 = arith.shrsi %get3A_241, %shift_right_arithmetic3A_262 : vector<16xi32>
        %mul3A_264 = arith.constant 8 : i32
        %mul3A_265 = vector.broadcast %mul3A_264 : i32 to vector<16xi32>
        %mul3A_266 = arith.muli %shift_right_arithmetic3A_263, %mul3A_265 : vector<16xi32>
        %and3A_267 = arith.constant 7 : i32
        %and3A_268 = vector.broadcast %and3A_267 : i32 to vector<16xi32>
        %and3A_269 = arith.andi %and3A_244, %and3A_268 : vector<16xi32>
        %add3A_270 = arith.addi %mul3A_266, %and3A_269 : vector<16xi32>
        %select_n3A_271 = arith.select %and3A_261, %broadcast_in_dim3A_8, %broadcast_in_dim3A_10 : vector<16xi1>, vector<16xi32>
        %broadcast_in_dim3A_272 = arith.constant true
        %broadcast_in_dim3A_273 = vector.broadcast %broadcast_in_dim3A_272 : i1 to vector<16xi1>
        %masked_cumsum3A = tpu.scan <sum>, %select_n3A_271 masked %broadcast_in_dim3A_273 : vector<16xi32>, vector<16xi1> -> vector<16xi32>
        %add3A_274 = arith.addi %while3A_238, %masked_cumsum3A : vector<16xi32>
        %sub3A_275 = arith.constant 1 : i32
        %sub3A_276 = vector.broadcast %sub3A_275 : i32 to vector<16xi32>
        %sub3A_277 = arith.subi %add3A_274, %sub3A_276 : vector<16xi32>
        tpu.vector_store_idx %arg7[%sub3A_277], %add3A_270 masked %and3A_261 : memref<16384xi32, #tpu.memory_space<vmem>>[vector<16xi32>], vector<16xi32>, vector<16xi1>
        %all_reduce_population_count3A = tpu.all_reduce %and3A_261 {dim = 0 : i64, kind = #tpu.reduction_kind<sum>} : vector<16xi1> -> vector<16xi32>
        %add3A_278 = arith.addi %while3A_238, %all_reduce_population_count3A : vector<16xi32>
        scf.yield %add3A_278 : vector<16xi32>
      }
      %while3A_87 = arith.constant 1 : i32
      %while3A_88 = scf.for %while3A_237 = %while3A_84 to %while3A_80 step %while3A_87 iter_args(%while3A_238 = %while3A_86) -> (vector<16xi32>)  : i32 {
        %mul3A_239 = arith.constant 16 : i32
        %mul3A_240 = arith.muli %while3A_237, %mul3A_239 : i32
        %get3A = arith.index_cast %mul3A_240 : i32 to index
        %get3A_241 = tpu.vector_load %arg6[%get3A] {strides = array<i32>} : memref<16384xi32, #tpu.memory_space<vmem>>, vector<16xi32>,
        %and3A_242 = arith.constant 255 : i32
        %and3A_243 = vector.broadcast %and3A_242 : i32 to vector<16xi32>
        %and3A_244 = arith.andi %get3A_241, %and3A_243 : vector<16xi32>
        %mul3A_245 = arith.constant 8 : i32
        %mul3A_246 = arith.muli %add3A_77, %mul3A_245 : i32
        %ge3A = vector.broadcast %mul3A_246 : i32 to vector<16xi32>
        %ge3A_247 = arith.cmpi sge, %and3A_244, %ge3A : vector<16xi32>
        %add3A_248 = arith.constant 1 : i32
        %add3A_249 = arith.addi %add3A_77, %add3A_248 : i32
        %mul3A_250 = arith.constant 8 : i32
        %mul3A_251 = arith.muli %add3A_249, %mul3A_250 : i32
        %lt3A_252 = vector.broadcast %mul3A_251 : i32 to vector<16xi32>
        %lt3A_253 = arith.cmpi slt, %and3A_244, %lt3A_252 : vector<16xi32>
        %and3A_254 = arith.andi %ge3A_247, %lt3A_253 : vector<16xi1>
        %mul3A_255 = arith.constant 16 : i32
        %mul3A_256 = arith.muli %while3A_237, %mul3A_255 : i32
        %add3A_257 = vector.broadcast %mul3A_256 : i32 to vector<16xi32>
        %add3A_258 = arith.addi %iota3A, %add3A_257 : vector<16xi32>
        %lt3A_259 = vector.broadcast %reduce_max3A_22 : i32 to vector<16xi32>
        %lt3A_260 = arith.cmpi slt, %add3A_258, %lt3A_259 : vector<16xi32>
        %and3A_261 = arith.andi %and3A_254, %lt3A_260 : vector<16xi1>
        %shift_right_arithmetic3A = arith.constant 8 : i32
        %shift_right_arithmetic3A_262 = vector.broadcast %shift_right_arithmetic3A : i32 to vector<16xi32>
        %shift_right_arithmetic3A_263 = arith.shrsi %get3A_241, %shift_right_arithmetic3A_262 : vector<16xi32>
        %mul3A_264 = arith.constant 8 : i32
        %mul3A_265 = vector.broadcast %mul3A_264 : i32 to vector<16xi32>
        %mul3A_266 = arith.muli %shift_right_arithmetic3A_263, %mul3A_265 : vector<16xi32>
        %and3A_267 = arith.constant 7 : i32
        %and3A_268 = vector.broadcast %and3A_267 : i32 to vector<16xi32>
        %and3A_269 = arith.andi %and3A_244, %and3A_268 : vector<16xi32>
        %add3A_270 = arith.addi %mul3A_266, %and3A_269 : vector<16xi32>
        %select_n3A_271 = arith.select %and3A_261, %broadcast_in_dim3A_8, %broadcast_in_dim3A_10 : vector<16xi1>, vector<16xi32>
        %broadcast_in_dim3A_272 = arith.constant true
        %broadcast_in_dim3A_273 = vector.broadcast %broadcast_in_dim3A_272 : i1 to vector<16xi1>
        %masked_cumsum3A = tpu.scan <sum>, %select_n3A_271 masked %broadcast_in_dim3A_273 : vector<16xi32>, vector<16xi1> -> vector<16xi32>
        %add3A_274 = arith.addi %while3A_238, %masked_cumsum3A : vector<16xi32>
        %sub3A_275 = arith.constant 1 : i32
        %sub3A_276 = vector.broadcast %sub3A_275 : i32 to vector<16xi32>
        %sub3A_277 = arith.subi %add3A_274, %sub3A_276 : vector<16xi32>
        tpu.vector_store_idx %arg7[%sub3A_277], %add3A_270 masked %and3A_261 : memref<16384xi32, #tpu.memory_space<vmem>>[vector<16xi32>], vector<16xi32>, vector<16xi1>
        %all_reduce_population_count3A = tpu.all_reduce %and3A_261 {dim = 0 : i64, kind = #tpu.reduction_kind<sum>} : vector<16xi1> -> vector<16xi32>
        %add3A_278 = arith.addi %while3A_238, %all_reduce_population_count3A : vector<16xi32>
        scf.yield %add3A_278 : vector<16xi32>
      }
      %reduce_max3A_89 = arith.constant true
      %reduce_max3A_90 = vector.broadcast %reduce_max3A_89 : i1 to vector<16xi1>
      %reduce_max3A_91 = arith.constant -2147483648 : i32
      %reduce_max3A_92 = vector.broadcast %reduce_max3A_91 : i32 to vector<16xi32>
      %reduce_max3A_93 = arith.xori %while3A_88, %reduce_max3A_92 : vector<16xi32>
      %reduce_max3A_94 = tpu.scan <max>, %reduce_max3A_93 masked %reduce_max3A_90 : vector<16xi32>, vector<16xi1> -> vector<16xi32>
      %reduce_max3A_95 = arith.xori %reduce_max3A_94, %reduce_max3A_92 : vector<16xi32>
      %reduce_max3A_96 = vector.extract %reduce_max3A_95[15] : i32 from vector<16xi32>
      %min3A_97 = arith.constant 16 : i32
      %min3A_98 = arith.minsi %scan3A_73, %min3A_97 : i32
      %while3A_99 = arith.constant 0 : i32
      %while3A_100 = arith.constant 0 : i32
      %while3A_101 = arith.subi %min3A_98, %while3A_100 : i32
      %while3A_102 = arith.addi %while3A_100, %while3A_101 : i32
      %while3A_103 = arith.constant 1 : i32
      %while3A_104 = arith.divsi %while3A_101, %while3A_103 : i32
      %while3A_105 = arith.muli %while3A_104, %while3A_103 : i32
      %while3A_106 = arith.addi %while3A_100, %while3A_105 : i32
      %while3A_107 = arith.constant 1 : i32
      scf.for %while3A_237 = %while3A_100 to %while3A_106 step %while3A_107  : i32 {
        %dma_wait3A_238 = arith.constant 0 : i32
        %dma_wait3A_239 = arith.constant 0 : i32
        %dma_wait3A_240 = tpu.memref_slice %arg9[%dma_wait3A_238, %dma_wait3A_239] : memref<8x4096xf32, #tpu.memory_space<vmem>> -> memref<1x4096xf32, #tpu.memory_space<vmem>>
        %dma_wait3A_241 = arith.constant 0 : i32
        %dma_wait3A_242 = arith.constant 0 : i32
        %dma_wait3A_243 = tpu.memref_slice %arg4[%dma_wait3A_241, %dma_wait3A_242] : memref<16384x4096xf32, #tpu.memory_space<hbm>> -> memref<1x4096xf32, #tpu.memory_space<hbm>>
        %dma_wait3A_244 = arith.constant 0 : i32
        %dma_wait3A_245 = arith.constant 0 : i32
        %dma_wait3A_246 = tpu.memref_slice %arg4[%dma_wait3A_244, %dma_wait3A_245] : memref<16384x4096xf32, #tpu.memory_space<hbm>> -> memref<1x4096xf32, #tpu.memory_space<hbm>>
        %dma_wait3A_247 = arith.constant 0 : i32
        %dma_wait3A_248 = arith.constant 0 : i32
        %dma_wait3A_249 = tpu.memref_slice %arg9[%dma_wait3A_247, %dma_wait3A_248] : memref<8x4096xf32, #tpu.memory_space<vmem>> -> memref<1x4096xf32, #tpu.memory_space<vmem>>
        tpu.wait_dma2 semaphore(%arg13 : memref<!tpu.dma_semaphore, #tpu.memory_space<semaphore_mem>>) src(%dma_wait3A_249 : memref<1x4096xf32, #tpu.memory_space<vmem>>) dst(%dma_wait3A_246 : memref<1x4096xf32, #tpu.memory_space<hbm>>)
      }
      %while3A_108 = arith.constant 1 : i32
      scf.for %while3A_237 = %while3A_106 to %while3A_102 step %while3A_108  : i32 {
        %dma_wait3A_238 = arith.constant 0 : i32
        %dma_wait3A_239 = arith.constant 0 : i32
        %dma_wait3A_240 = tpu.memref_slice %arg9[%dma_wait3A_238, %dma_wait3A_239] : memref<8x4096xf32, #tpu.memory_space<vmem>> -> memref<1x4096xf32, #tpu.memory_space<vmem>>
        %dma_wait3A_241 = arith.constant 0 : i32
        %dma_wait3A_242 = arith.constant 0 : i32
        %dma_wait3A_243 = tpu.memref_slice %arg4[%dma_wait3A_241, %dma_wait3A_242] : memref<16384x4096xf32, #tpu.memory_space<hbm>> -> memref<1x4096xf32, #tpu.memory_space<hbm>>
        %dma_wait3A_244 = arith.constant 0 : i32
        %dma_wait3A_245 = arith.constant 0 : i32
        %dma_wait3A_246 = tpu.memref_slice %arg4[%dma_wait3A_244, %dma_wait3A_245] : memref<16384x4096xf32, #tpu.memory_space<hbm>> -> memref<1x4096xf32, #tpu.memory_space<hbm>>
        %dma_wait3A_247 = arith.constant 0 : i32
        %dma_wait3A_248 = arith.constant 0 : i32
        %dma_wait3A_249 = tpu.memref_slice %arg9[%dma_wait3A_247, %dma_wait3A_248] : memref<8x4096xf32, #tpu.memory_space<vmem>> -> memref<1x4096xf32, #tpu.memory_space<vmem>>
        tpu.wait_dma2 semaphore(%arg13 : memref<!tpu.dma_semaphore, #tpu.memory_space<semaphore_mem>>) src(%dma_wait3A_249 : memref<1x4096xf32, #tpu.memory_space<vmem>>) dst(%dma_wait3A_246 : memref<1x4096xf32, #tpu.memory_space<hbm>>)
      }
      %add3A_109 = arith.constant 1 : i32
      %add3A_110 = arith.addi %add3A_77, %add3A_109 : i32
      %lt3A = arith.constant 32 : i32
      %lt3A_111 = arith.cmpi slt, %add3A_110, %lt3A : i32
      %convert_element_type3A = arith.extui %lt3A_111 : i1 to i32
      %cond3A = arith.constant 0 : i32
      %cond3A_112 = arith.cmpi ne, %convert_element_type3A, %cond3A : i32
      scf.if %cond3A_112 {
        %add3A_237 = arith.constant 1 : i32
        %add3A_238 = arith.addi %add3A_77, %add3A_237 : i32
        %mul3A_239 = arith.constant 8 : i32
        %mul3A_240 = arith.muli %add3A_238, %mul3A_239 : i32
        %add3A_241 = arith.addi %mul3A_2, %mul3A_240 : i32
        %dma_start3A_242 = arith.constant 0 : i32
        %dma_start3A_243 = tpu.memref_slice %arg2[%add3A_241, %dma_start3A_242] : memref<8192x4096xf32, #tpu.memory_space<hbm>> -> memref<8x4096xf32, #tpu.memory_space<hbm>>
        %dma_start3A_244 = arith.constant 0 : i32
        %dma_start3A_245 = tpu.memref_slice %arg2[%add3A_241, %dma_start3A_244] : memref<8192x4096xf32, #tpu.memory_space<hbm>> -> memref<8x4096xf32, #tpu.memory_space<hbm>>
        tpu.enqueue_dma source(%dma_start3A_245 : memref<8x4096xf32, #tpu.memory_space<hbm>>) target(%arg9 : memref<8x4096xf32, #tpu.memory_space<vmem>>) target_semaphore(%arg11 : memref<!tpu.dma_semaphore, #tpu.memory_space<semaphore_mem>>)
      } else {
      }
      %dma_wait3A = arith.constant 0 : i32
      %dma_wait3A_113 = arith.constant 0 : i32
      %dma_wait3A_114 = tpu.memref_slice %arg2[%dma_wait3A, %dma_wait3A_113] : memref<8192x4096xf32, #tpu.memory_space<hbm>> -> memref<8x4096xf32, #tpu.memory_space<hbm>>
      %dma_wait3A_115 = arith.constant 0 : i32
      %dma_wait3A_116 = arith.constant 0 : i32
      %dma_wait3A_117 = tpu.memref_slice %arg2[%dma_wait3A_115, %dma_wait3A_116] : memref<8192x4096xf32, #tpu.memory_space<hbm>> -> memref<8x4096xf32, #tpu.memory_space<hbm>>
      tpu.wait_dma2 semaphore(%arg10 : memref<!tpu.dma_semaphore, #tpu.memory_space<semaphore_mem>>) src(%dma_wait3A_117 : memref<8x4096xf32, #tpu.memory_space<hbm>>) dst(%arg8 : memref<8x4096xf32, #tpu.memory_space<vmem>>)
      %add3A_118 = arith.constant 15 : i32
      %add3A_119 = arith.addi %reduce_max3A_96, %add3A_118 : i32
      %jit3A_120 = arith.constant 16 : i32
      %div3A_121 = arith.divsi %add3A_119, %jit3A_120 : i32
      %sign3A_122 = arith.constant 0 : i32
      %sign3A_123 = arith.cmpi sgt, %add3A_119, %sign3A_122 : i32
      %sign3A_124 = arith.extui %sign3A_123 : i1 to i32
      %sign3A_125 = arith.constant 0 : i32
      %sign3A_126 = arith.cmpi slt, %add3A_119, %sign3A_125 : i32
      %sign3A_127 = arith.extui %sign3A_126 : i1 to i32
      %sign3A_128 = arith.subi %sign3A_124, %sign3A_127 : i32
      %sign3A_129 = arith.constant 0 : i32
      %sign3A_130 = arith.cmpi sgt, %jit3A_120, %sign3A_129 : i32
      %sign3A_131 = arith.extui %sign3A_130 : i1 to i32
      %sign3A_132 = arith.constant 0 : i32
      %sign3A_133 = arith.cmpi slt, %jit3A_120, %sign3A_132 : i32
      %sign3A_134 = arith.extui %sign3A_133 : i1 to i32
      %sign3A_135 = arith.subi %sign3A_131, %sign3A_134 : i32
      %ne3A_136 = arith.cmpi ne, %sign3A_128, %sign3A_135 : i32
      %rem3A_137 = arith.remsi %add3A_119, %jit3A_120 : i32
      %ne3A_138 = arith.constant 0 : i32
      %ne3A_139 = arith.cmpi ne, %rem3A_137, %ne3A_138 : i32
      %and3A_140 = arith.andi %ne3A_136, %ne3A_139 : i1
      %sub3A_141 = arith.constant 1 : i32
      %sub3A_142 = arith.subi %div3A_121, %sub3A_141 : i32
      %select_n3A_143 = arith.select %and3A_140, %sub3A_142, %div3A_121 : i32
      %while3A_144 = arith.constant 0 : i32
      %while3A_145 = arith.constant 0 : i32
      %while3A_146 = arith.subi %select_n3A_143, %while3A_145 : i32
      %while3A_147 = arith.addi %while3A_145, %while3A_146 : i32
      %while3A_148 = arith.constant 1 : i32
      %while3A_149 = arith.divsi %while3A_146, %while3A_148 : i32
      %while3A_150 = arith.muli %while3A_149, %while3A_148 : i32
      %while3A_151 = arith.addi %while3A_145, %while3A_150 : i32
      %while3A_152 = arith.constant 1 : i32
      scf.for %while3A_237 = %while3A_145 to %while3A_151 step %while3A_152  : i32 {
        %mul3A_238 = arith.constant 16 : i32
        %mul3A_239 = arith.muli %while3A_237, %mul3A_238 : i32
        %get3A = arith.index_cast %mul3A_239 : i32 to index
        %get3A_240 = tpu.vector_load %arg7[%get3A] {strides = array<i32>} : memref<16384xi32, #tpu.memory_space<vmem>>, vector<16xi32>,
        %mul3A_241 = arith.constant 16 : i32
        %mul3A_242 = arith.muli %while3A_237, %mul3A_241 : i32
        %add3A_243 = arith.constant 0 : i32
        %add3A_244 = arith.addi %mul3A_242, %add3A_243 : i32
        %lt3A_245 = arith.cmpi slt, %add3A_244, %reduce_max3A_96 : i32
        %convert_element_type3A_246 = arith.extui %lt3A_245 : i1 to i32
        %cond3A_247 = arith.constant 0 : i32
        %cond3A_248 = arith.cmpi ne, %convert_element_type3A_246, %cond3A_247 : i32
        scf.if %cond3A_248 {
          %slice3A = vector.extract_strided_slice %get3A_240 {offsets = [0], sizes = [1], strides = [1]} : vector<16xi32> to vector<1xi32>
          %squeeze3A = vector.extract %slice3A[0] : i32 from vector<1xi32>
          %and3A_464 = arith.constant 7 : i32
          %and3A_465 = arith.andi %squeeze3A, %and3A_464 : i32
          %shift_right_arithmetic3A = arith.constant 3 : i32
          %shift_right_arithmetic3A_466 = arith.shrsi %squeeze3A, %shift_right_arithmetic3A : i32
          %dma_start3A_467 = arith.constant 0 : i32
          %dma_start3A_468 = tpu.memref_slice %arg8[%and3A_465, %dma_start3A_467] : memref<8x4096xf32, #tpu.memory_space<vmem>> -> memref<1x4096xf32, #tpu.memory_space<vmem>>
          %dma_start3A_469 = arith.constant 0 : i32
          %dma_start3A_470 = tpu.memref_slice %arg4[%shift_right_arithmetic3A_466, %dma_start3A_469] : memref<16384x4096xf32, #tpu.memory_space<hbm>> -> memref<1x4096xf32, #tpu.memory_space<hbm>>
          %dma_start3A_471 = arith.constant 0 : i32
          %dma_start3A_472 = tpu.memref_slice %arg4[%shift_right_arithmetic3A_466, %dma_start3A_471] : memref<16384x4096xf32, #tpu.memory_space<hbm>> -> memref<1x4096xf32, #tpu.memory_space<hbm>>
          %dma_start3A_473 = arith.constant 0 : i32
          %dma_start3A_474 = tpu.memref_slice %arg8[%and3A_465, %dma_start3A_473] : memref<8x4096xf32, #tpu.memory_space<vmem>> -> memref<1x4096xf32, #tpu.memory_space<vmem>>
          tpu.enqueue_dma source(%dma_start3A_474 : memref<1x4096xf32, #tpu.memory_space<vmem>>) target(%dma_start3A_472 : memref<1x4096xf32, #tpu.memory_space<hbm>>) target_semaphore(%arg12 : memref<!tpu.dma_semaphore, #tpu.memory_space<semaphore_mem>>)
        } else {
        }
        %ge3A = arith.constant 16 : i32
        %ge3A_249 = arith.cmpi sge, %add3A_244, %ge3A : i32
        %and3A_250 = arith.andi %lt3A_245, %ge3A_249 : i1
        %convert_element_type3A_251 = arith.extui %and3A_250 : i1 to i32
        %cond3A_252 = arith.constant 0 : i32
        %cond3A_253 = arith.cmpi ne, %convert_element_type3A_251, %cond3A_252 : i32
        scf.if %cond3A_253 {
          %dma_wait3A_464 = arith.constant 0 : i32
          %dma_wait3A_465 = arith.constant 0 : i32
          %dma_wait3A_466 = tpu.memref_slice %arg8[%dma_wait3A_464, %dma_wait3A_465] : memref<8x4096xf32, #tpu.memory_space<vmem>> -> memref<1x4096xf32, #tpu.memory_space<vmem>>
          %dma_wait3A_467 = arith.constant 0 : i32
          %dma_wait3A_468 = arith.constant 0 : i32
          %dma_wait3A_469 = tpu.memref_slice %arg4[%dma_wait3A_467, %dma_wait3A_468] : memref<16384x4096xf32, #tpu.memory_space<hbm>> -> memref<1x4096xf32, #tpu.memory_space<hbm>>
          %dma_wait3A_470 = arith.constant 0 : i32
          %dma_wait3A_471 = arith.constant 0 : i32
          %dma_wait3A_472 = tpu.memref_slice %arg4[%dma_wait3A_470, %dma_wait3A_471] : memref<16384x4096xf32, #tpu.memory_space<hbm>> -> memref<1x4096xf32, #tpu.memory_space<hbm>>
          %dma_wait3A_473 = arith.constant 0 : i32
          %dma_wait3A_474 = arith.constant 0 : i32
          %dma_wait3A_475 = tpu.memref_slice %arg8[%dma_wait3A_473, %dma_wait3A_474] : memref<8x4096xf32, #tpu.memory_space<vmem>> -> memref<1x4096xf32, #tpu.memory_space<vmem>>
          tpu.wait_dma2 semaphore(%arg12 : memref<!tpu.dma_semaphore, #tpu.memory_space<semaphore_mem>>) src(%dma_wait3A_475 : memref<1x4096xf32, #tpu.memory_space<vmem>>) dst(%dma_wait3A_472 : memref<1x4096xf32, #tpu.memory_space<hbm>>)
        } else {
        }
        %mul3A_254 = arith.constant 16 : i32
        %mul3A_255 = arith.muli %while3A_237, %mul3A_254 : i32
        %add3A_256 = arith.constant 1 : i32
        %add3A_257 = arith.addi %mul3A_255, %add3A_256 : i32
        %lt3A_258 = arith.cmpi slt, %add3A_257, %reduce_max3A_96 : i32
        %convert_element_type3A_259 = arith.extui %lt3A_258 : i1 to i32
        %cond3A_260 = arith.constant 0 : i32
        %cond3A_261 = arith.cmpi ne, %convert_element_type3A_259, %cond3A_260 : i32
        scf.if %cond3A_261 {
          %slice3A = vector.extract_strided_slice %get3A_240 {offsets = [1], sizes = [1], strides = [1]} : vector<16xi32> to vector<1xi32>
          %squeeze3A = vector.extract %slice3A[0] : i32 from vector<1xi32>
          %and3A_464 = arith.constant 7 : i32
          %and3A_465 = arith.andi %squeeze3A, %and3A_464 : i32
          %shift_right_arithmetic3A = arith.constant 3 : i32
          %shift_right_arithmetic3A_466 = arith.shrsi %squeeze3A, %shift_right_arithmetic3A : i32
          %dma_start3A_467 = arith.constant 0 : i32
          %dma_start3A_468 = tpu.memref_slice %arg8[%and3A_465, %dma_start3A_467] : memref<8x4096xf32, #tpu.memory_space<vmem>> -> memref<1x4096xf32, #tpu.memory_space<vmem>>
          %dma_start3A_469 = arith.constant 0 : i32
          %dma_start3A_470 = tpu.memref_slice %arg4[%shift_right_arithmetic3A_466, %dma_start3A_469] : memref<16384x4096xf32, #tpu.memory_space<hbm>> -> memref<1x4096xf32, #tpu.memory_space<hbm>>
          %dma_start3A_471 = arith.constant 0 : i32
          %dma_start3A_472 = tpu.memref_slice %arg4[%shift_right_arithmetic3A_466, %dma_start3A_471] : memref<16384x4096xf32, #tpu.memory_space<hbm>> -> memref<1x4096xf32, #tpu.memory_space<hbm>>
          %dma_start3A_473 = arith.constant 0 : i32
          %dma_start3A_474 = tpu.memref_slice %arg8[%and3A_465, %dma_start3A_473] : memref<8x4096xf32, #tpu.memory_space<vmem>> -> memref<1x4096xf32, #tpu.memory_space<vmem>>
          tpu.enqueue_dma source(%dma_start3A_474 : memref<1x4096xf32, #tpu.memory_space<vmem>>) target(%dma_start3A_472 : memref<1x4096xf32, #tpu.memory_space<hbm>>) target_semaphore(%arg12 : memref<!tpu.dma_semaphore, #tpu.memory_space<semaphore_mem>>)
        } else {
        }
        %ge3A_262 = arith.constant 16 : i32
        %ge3A_263 = arith.cmpi sge, %add3A_257, %ge3A_262 : i32
        %and3A_264 = arith.andi %lt3A_258, %ge3A_263 : i1
        %convert_element_type3A_265 = arith.extui %and3A_264 : i1 to i32
        %cond3A_266 = arith.constant 0 : i32
        %cond3A_267 = arith.cmpi ne, %convert_element_type3A_265, %cond3A_266 : i32
        scf.if %cond3A_267 {
          %dma_wait3A_464 = arith.constant 0 : i32
          %dma_wait3A_465 = arith.constant 0 : i32
          %dma_wait3A_466 = tpu.memref_slice %arg8[%dma_wait3A_464, %dma_wait3A_465] : memref<8x4096xf32, #tpu.memory_space<vmem>> -> memref<1x4096xf32, #tpu.memory_space<vmem>>
          %dma_wait3A_467 = arith.constant 0 : i32
          %dma_wait3A_468 = arith.constant 0 : i32
          %dma_wait3A_469 = tpu.memref_slice %arg4[%dma_wait3A_467, %dma_wait3A_468] : memref<16384x4096xf32, #tpu.memory_space<hbm>> -> memref<1x4096xf32, #tpu.memory_space<hbm>>
          %dma_wait3A_470 = arith.constant 0 : i32
          %dma_wait3A_471 = arith.constant 0 : i32
          %dma_wait3A_472 = tpu.memref_slice %arg4[%dma_wait3A_470, %dma_wait3A_471] : memref<16384x4096xf32, #tpu.memory_space<hbm>> -> memref<1x4096xf32, #tpu.memory_space<hbm>>
          %dma_wait3A_473 = arith.constant 0 : i32
          %dma_wait3A_474 = arith.constant 0 : i32
          %dma_wait3A_475 = tpu.memref_slice %arg8[%dma_wait3A_473, %dma_wait3A_474] : memref<8x4096xf32, #tpu.memory_space<vmem>> -> memref<1x4096xf32, #tpu.memory_space<vmem>>
          tpu.wait_dma2 semaphore(%arg12 : memref<!tpu.dma_semaphore, #tpu.memory_space<semaphore_mem>>) src(%dma_wait3A_475 : memref<1x4096xf32, #tpu.memory_space<vmem>>) dst(%dma_wait3A_472 : memref<1x4096xf32, #tpu.memory_space<hbm>>)
        } else {
        }
        %mul3A_268 = arith.constant 16 : i32
        %mul3A_269 = arith.muli %while3A_237, %mul3A_268 : i32
        %add3A_270 = arith.constant 2 : i32
        %add3A_271 = arith.addi %mul3A_269, %add3A_270 : i32
        %lt3A_272 = arith.cmpi slt, %add3A_271, %reduce_max3A_96 : i32
        %convert_element_type3A_273 = arith.extui %lt3A_272 : i1 to i32
        %cond3A_274 = arith.constant 0 : i32
        %cond3A_275 = arith.cmpi ne, %convert_element_type3A_273, %cond3A_274 : i32
        scf.if %cond3A_275 {
          %slice3A = vector.extract_strided_slice %get3A_240 {offsets = [2], sizes = [1], strides = [1]} : vector<16xi32> to vector<1xi32>
          %squeeze3A = vector.extract %slice3A[0] : i32 from vector<1xi32>
          %and3A_464 = arith.constant 7 : i32
          %and3A_465 = arith.andi %squeeze3A, %and3A_464 : i32
          %shift_right_arithmetic3A = arith.constant 3 : i32
          %shift_right_arithmetic3A_466 = arith.shrsi %squeeze3A, %shift_right_arithmetic3A : i32
          %dma_start3A_467 = arith.constant 0 : i32
          %dma_start3A_468 = tpu.memref_slice %arg8[%and3A_465, %dma_start3A_467] : memref<8x4096xf32, #tpu.memory_space<vmem>> -> memref<1x4096xf32, #tpu.memory_space<vmem>>
          %dma_start3A_469 = arith.constant 0 : i32
          %dma_start3A_470 = tpu.memref_slice %arg4[%shift_right_arithmetic3A_466, %dma_start3A_469] : memref<16384x4096xf32, #tpu.memory_space<hbm>> -> memref<1x4096xf32, #tpu.memory_space<hbm>>
          %dma_start3A_471 = arith.constant 0 : i32
          %dma_start3A_472 = tpu.memref_slice %arg4[%shift_right_arithmetic3A_466, %dma_start3A_471] : memref<16384x4096xf32, #tpu.memory_space<hbm>> -> memref<1x4096xf32, #tpu.memory_space<hbm>>
          %dma_start3A_473 = arith.constant 0 : i32
          %dma_start3A_474 = tpu.memref_slice %arg8[%and3A_465, %dma_start3A_473] : memref<8x4096xf32, #tpu.memory_space<vmem>> -> memref<1x4096xf32, #tpu.memory_space<vmem>>
          tpu.enqueue_dma source(%dma_start3A_474 : memref<1x4096xf32, #tpu.memory_space<vmem>>) target(%dma_start3A_472 : memref<1x4096xf32, #tpu.memory_space<hbm>>) target_semaphore(%arg12 : memref<!tpu.dma_semaphore, #tpu.memory_space<semaphore_mem>>)
        } else {
        }
        %ge3A_276 = arith.constant 16 : i32
        %ge3A_277 = arith.cmpi sge, %add3A_271, %ge3A_276 : i32
        %and3A_278 = arith.andi %lt3A_272, %ge3A_277 : i1
        %convert_element_type3A_279 = arith.extui %and3A_278 : i1 to i32
        %cond3A_280 = arith.constant 0 : i32
        %cond3A_281 = arith.cmpi ne, %convert_element_type3A_279, %cond3A_280 : i32
        scf.if %cond3A_281 {
          %dma_wait3A_464 = arith.constant 0 : i32
          %dma_wait3A_465 = arith.constant 0 : i32
          %dma_wait3A_466 = tpu.memref_slice %arg8[%dma_wait3A_464, %dma_wait3A_465] : memref<8x4096xf32, #tpu.memory_space<vmem>> -> memref<1x4096xf32, #tpu.memory_space<vmem>>
          %dma_wait3A_467 = arith.constant 0 : i32
          %dma_wait3A_468 = arith.constant 0 : i32
          %dma_wait3A_469 = tpu.memref_slice %arg4[%dma_wait3A_467, %dma_wait3A_468] : memref<16384x4096xf32, #tpu.memory_space<hbm>> -> memref<1x4096xf32, #tpu.memory_space<hbm>>
          %dma_wait3A_470 = arith.constant 0 : i32
          %dma_wait3A_471 = arith.constant 0 : i32
          %dma_wait3A_472 = tpu.memref_slice %arg4[%dma_wait3A_470, %dma_wait3A_471] : memref<16384x4096xf32, #tpu.memory_space<hbm>> -> memref<1x4096xf32, #tpu.memory_space<hbm>>
          %dma_wait3A_473 = arith.constant 0 : i32
          %dma_wait3A_474 = arith.constant 0 : i32
          %dma_wait3A_475 = tpu.memref_slice %arg8[%dma_wait3A_473, %dma_wait3A_474] : memref<8x4096xf32, #tpu.memory_space<vmem>> -> memref<1x4096xf32, #tpu.memory_space<vmem>>
          tpu.wait_dma2 semaphore(%arg12 : memref<!tpu.dma_semaphore, #tpu.memory_space<semaphore_mem>>) src(%dma_wait3A_475 : memref<1x4096xf32, #tpu.memory_space<vmem>>) dst(%dma_wait3A_472 : memref<1x4096xf32, #tpu.memory_space<hbm>>)
        } else {
        }
        %mul3A_282 = arith.constant 16 : i32
        %mul3A_283 = arith.muli %while3A_237, %mul3A_282 : i32
        %add3A_284 = arith.constant 3 : i32
        %add3A_285 = arith.addi %mul3A_283, %add3A_284 : i32
        %lt3A_286 = arith.cmpi slt, %add3A_285, %reduce_max3A_96 : i32
        %convert_element_type3A_287 = arith.extui %lt3A_286 : i1 to i32
        %cond3A_288 = arith.constant 0 : i32
        %cond3A_289 = arith.cmpi ne, %convert_element_type3A_287, %cond3A_288 : i32
        scf.if %cond3A_289 {
          %slice3A = vector.extract_strided_slice %get3A_240 {offsets = [3], sizes = [1], strides = [1]} : vector<16xi32> to vector<1xi32>
          %squeeze3A = vector.extract %slice3A[0] : i32 from vector<1xi32>
          %and3A_464 = arith.constant 7 : i32
          %and3A_465 = arith.andi %squeeze3A, %and3A_464 : i32
          %shift_right_arithmetic3A = arith.constant 3 : i32
          %shift_right_arithmetic3A_466 = arith.shrsi %squeeze3A, %shift_right_arithmetic3A : i32
          %dma_start3A_467 = arith.constant 0 : i32
          %dma_start3A_468 = tpu.memref_slice %arg8[%and3A_465, %dma_start3A_467] : memref<8x4096xf32, #tpu.memory_space<vmem>> -> memref<1x4096xf32, #tpu.memory_space<vmem>>
          %dma_start3A_469 = arith.constant 0 : i32
          %dma_start3A_470 = tpu.memref_slice %arg4[%shift_right_arithmetic3A_466, %dma_start3A_469] : memref<16384x4096xf32, #tpu.memory_space<hbm>> -> memref<1x4096xf32, #tpu.memory_space<hbm>>
          %dma_start3A_471 = arith.constant 0 : i32
          %dma_start3A_472 = tpu.memref_slice %arg4[%shift_right_arithmetic3A_466, %dma_start3A_471] : memref<16384x4096xf32, #tpu.memory_space<hbm>> -> memref<1x4096xf32, #tpu.memory_space<hbm>>
          %dma_start3A_473 = arith.constant 0 : i32
          %dma_start3A_474 = tpu.memref_slice %arg8[%and3A_465, %dma_start3A_473] : memref<8x4096xf32, #tpu.memory_space<vmem>> -> memref<1x4096xf32, #tpu.memory_space<vmem>>
          tpu.enqueue_dma source(%dma_start3A_474 : memref<1x4096xf32, #tpu.memory_space<vmem>>) target(%dma_start3A_472 : memref<1x4096xf32, #tpu.memory_space<hbm>>) target_semaphore(%arg12 : memref<!tpu.dma_semaphore, #tpu.memory_space<semaphore_mem>>)
        } else {
        }
        %ge3A_290 = arith.constant 16 : i32
        %ge3A_291 = arith.cmpi sge, %add3A_285, %ge3A_290 : i32
        %and3A_292 = arith.andi %lt3A_286, %ge3A_291 : i1
        %convert_element_type3A_293 = arith.extui %and3A_292 : i1 to i32
        %cond3A_294 = arith.constant 0 : i32
        %cond3A_295 = arith.cmpi ne, %convert_element_type3A_293, %cond3A_294 : i32
        scf.if %cond3A_295 {
          %dma_wait3A_464 = arith.constant 0 : i32
          %dma_wait3A_465 = arith.constant 0 : i32
          %dma_wait3A_466 = tpu.memref_slice %arg8[%dma_wait3A_464, %dma_wait3A_465] : memref<8x4096xf32, #tpu.memory_space<vmem>> -> memref<1x4096xf32, #tpu.memory_space<vmem>>
          %dma_wait3A_467 = arith.constant 0 : i32
          %dma_wait3A_468 = arith.constant 0 : i32
          %dma_wait3A_469 = tpu.memref_slice %arg4[%dma_wait3A_467, %dma_wait3A_468] : memref<16384x4096xf32, #tpu.memory_space<hbm>> -> memref<1x4096xf32, #tpu.memory_space<hbm>>
          %dma_wait3A_470 = arith.constant 0 : i32
          %dma_wait3A_471 = arith.constant 0 : i32
          %dma_wait3A_472 = tpu.memref_slice %arg4[%dma_wait3A_470, %dma_wait3A_471] : memref<16384x4096xf32, #tpu.memory_space<hbm>> -> memref<1x4096xf32, #tpu.memory_space<hbm>>
          %dma_wait3A_473 = arith.constant 0 : i32
          %dma_wait3A_474 = arith.constant 0 : i32
          %dma_wait3A_475 = tpu.memref_slice %arg8[%dma_wait3A_473, %dma_wait3A_474] : memref<8x4096xf32, #tpu.memory_space<vmem>> -> memref<1x4096xf32, #tpu.memory_space<vmem>>
          tpu.wait_dma2 semaphore(%arg12 : memref<!tpu.dma_semaphore, #tpu.memory_space<semaphore_mem>>) src(%dma_wait3A_475 : memref<1x4096xf32, #tpu.memory_space<vmem>>) dst(%dma_wait3A_472 : memref<1x4096xf32, #tpu.memory_space<hbm>>)
        } else {
        }
        %mul3A_296 = arith.constant 16 : i32
        %mul3A_297 = arith.muli %while3A_237, %mul3A_296 : i32
        %add3A_298 = arith.constant 4 : i32
        %add3A_299 = arith.addi %mul3A_297, %add3A_298 : i32
        %lt3A_300 = arith.cmpi slt, %add3A_299, %reduce_max3A_96 : i32
        %convert_element_type3A_301 = arith.extui %lt3A_300 : i1 to i32
        %cond3A_302 = arith.constant 0 : i32
        %cond3A_303 = arith.cmpi ne, %convert_element_type3A_301, %cond3A_302 : i32
        scf.if %cond3A_303 {
          %slice3A = vector.extract_strided_slice %get3A_240 {offsets = [4], sizes = [1], strides = [1]} : vector<16xi32> to vector<1xi32>
          %squeeze3A = vector.extract %slice3A[0] : i32 from vector<1xi32>
          %and3A_464 = arith.constant 7 : i32
          %and3A_465 = arith.andi %squeeze3A, %and3A_464 : i32
          %shift_right_arithmetic3A = arith.constant 3 : i32
          %shift_right_arithmetic3A_466 = arith.shrsi %squeeze3A, %shift_right_arithmetic3A : i32
          %dma_start3A_467 = arith.constant 0 : i32
          %dma_start3A_468 = tpu.memref_slice %arg8[%and3A_465, %dma_start3A_467] : memref<8x4096xf32, #tpu.memory_space<vmem>> -> memref<1x4096xf32, #tpu.memory_space<vmem>>
          %dma_start3A_469 = arith.constant 0 : i32
          %dma_start3A_470 = tpu.memref_slice %arg4[%shift_right_arithmetic3A_466, %dma_start3A_469] : memref<16384x4096xf32, #tpu.memory_space<hbm>> -> memref<1x4096xf32, #tpu.memory_space<hbm>>
          %dma_start3A_471 = arith.constant 0 : i32
          %dma_start3A_472 = tpu.memref_slice %arg4[%shift_right_arithmetic3A_466, %dma_start3A_471] : memref<16384x4096xf32, #tpu.memory_space<hbm>> -> memref<1x4096xf32, #tpu.memory_space<hbm>>
          %dma_start3A_473 = arith.constant 0 : i32
          %dma_start3A_474 = tpu.memref_slice %arg8[%and3A_465, %dma_start3A_473] : memref<8x4096xf32, #tpu.memory_space<vmem>> -> memref<1x4096xf32, #tpu.memory_space<vmem>>
          tpu.enqueue_dma source(%dma_start3A_474 : memref<1x4096xf32, #tpu.memory_space<vmem>>) target(%dma_start3A_472 : memref<1x4096xf32, #tpu.memory_space<hbm>>) target_semaphore(%arg12 : memref<!tpu.dma_semaphore, #tpu.memory_space<semaphore_mem>>)
        } else {
        }
        %ge3A_304 = arith.constant 16 : i32
        %ge3A_305 = arith.cmpi sge, %add3A_299, %ge3A_304 : i32
        %and3A_306 = arith.andi %lt3A_300, %ge3A_305 : i1
        %convert_element_type3A_307 = arith.extui %and3A_306 : i1 to i32
        %cond3A_308 = arith.constant 0 : i32
        %cond3A_309 = arith.cmpi ne, %convert_element_type3A_307, %cond3A_308 : i32
        scf.if %cond3A_309 {
          %dma_wait3A_464 = arith.constant 0 : i32
          %dma_wait3A_465 = arith.constant 0 : i32
          %dma_wait3A_466 = tpu.memref_slice %arg8[%dma_wait3A_464, %dma_wait3A_465] : memref<8x4096xf32, #tpu.memory_space<vmem>> -> memref<1x4096xf32, #tpu.memory_space<vmem>>
          %dma_wait3A_467 = arith.constant 0 : i32
          %dma_wait3A_468 = arith.constant 0 : i32
          %dma_wait3A_469 = tpu.memref_slice %arg4[%dma_wait3A_467, %dma_wait3A_468] : memref<16384x4096xf32, #tpu.memory_space<hbm>> -> memref<1x4096xf32, #tpu.memory_space<hbm>>
          %dma_wait3A_470 = arith.constant 0 : i32
          %dma_wait3A_471 = arith.constant 0 : i32
          %dma_wait3A_472 = tpu.memref_slice %arg4[%dma_wait3A_470, %dma_wait3A_471] : memref<16384x4096xf32, #tpu.memory_space<hbm>> -> memref<1x4096xf32, #tpu.memory_space<hbm>>
          %dma_wait3A_473 = arith.constant 0 : i32
          %dma_wait3A_474 = arith.constant 0 : i32
          %dma_wait3A_475 = tpu.memref_slice %arg8[%dma_wait3A_473, %dma_wait3A_474] : memref<8x4096xf32, #tpu.memory_space<vmem>> -> memref<1x4096xf32, #tpu.memory_space<vmem>>
          tpu.wait_dma2 semaphore(%arg12 : memref<!tpu.dma_semaphore, #tpu.memory_space<semaphore_mem>>) src(%dma_wait3A_475 : memref<1x4096xf32, #tpu.memory_space<vmem>>) dst(%dma_wait3A_472 : memref<1x4096xf32, #tpu.memory_space<hbm>>)
        } else {
        }
        %mul3A_310 = arith.constant 16 : i32
        %mul3A_311 = arith.muli %while3A_237, %mul3A_310 : i32
        %add3A_312 = arith.constant 5 : i32
        %add3A_313 = arith.addi %mul3A_311, %add3A_312 : i32
        %lt3A_314 = arith.cmpi slt, %add3A_313, %reduce_max3A_96 : i32
        %convert_element_type3A_315 = arith.extui %lt3A_314 : i1 to i32
        %cond3A_316 = arith.constant 0 : i32
        %cond3A_317 = arith.cmpi ne, %convert_element_type3A_315, %cond3A_316 : i32
        scf.if %cond3A_317 {
          %slice3A = vector.extract_strided_slice %get3A_240 {offsets = [5], sizes = [1], strides = [1]} : vector<16xi32> to vector<1xi32>
          %squeeze3A = vector.extract %slice3A[0] : i32 from vector<1xi32>
          %and3A_464 = arith.constant 7 : i32
          %and3A_465 = arith.andi %squeeze3A, %and3A_464 : i32
          %shift_right_arithmetic3A = arith.constant 3 : i32
          %shift_right_arithmetic3A_466 = arith.shrsi %squeeze3A, %shift_right_arithmetic3A : i32
          %dma_start3A_467 = arith.constant 0 : i32
          %dma_start3A_468 = tpu.memref_slice %arg8[%and3A_465, %dma_start3A_467] : memref<8x4096xf32, #tpu.memory_space<vmem>> -> memref<1x4096xf32, #tpu.memory_space<vmem>>
          %dma_start3A_469 = arith.constant 0 : i32
          %dma_start3A_470 = tpu.memref_slice %arg4[%shift_right_arithmetic3A_466, %dma_start3A_469] : memref<16384x4096xf32, #tpu.memory_space<hbm>> -> memref<1x4096xf32, #tpu.memory_space<hbm>>
          %dma_start3A_471 = arith.constant 0 : i32
          %dma_start3A_472 = tpu.memref_slice %arg4[%shift_right_arithmetic3A_466, %dma_start3A_471] : memref<16384x4096xf32, #tpu.memory_space<hbm>> -> memref<1x4096xf32, #tpu.memory_space<hbm>>
          %dma_start3A_473 = arith.constant 0 : i32
          %dma_start3A_474 = tpu.memref_slice %arg8[%and3A_465, %dma_start3A_473] : memref<8x4096xf32, #tpu.memory_space<vmem>> -> memref<1x4096xf32, #tpu.memory_space<vmem>>
          tpu.enqueue_dma source(%dma_start3A_474 : memref<1x4096xf32, #tpu.memory_space<vmem>>) target(%dma_start3A_472 : memref<1x4096xf32, #tpu.memory_space<hbm>>) target_semaphore(%arg12 : memref<!tpu.dma_semaphore, #tpu.memory_space<semaphore_mem>>)
        } else {
        }
        %ge3A_318 = arith.constant 16 : i32
        %ge3A_319 = arith.cmpi sge, %add3A_313, %ge3A_318 : i32
        %and3A_320 = arith.andi %lt3A_314, %ge3A_319 : i1
        %convert_element_type3A_321 = arith.extui %and3A_320 : i1 to i32
        %cond3A_322 = arith.constant 0 : i32
        %cond3A_323 = arith.cmpi ne, %convert_element_type3A_321, %cond3A_322 : i32
        scf.if %cond3A_323 {
          %dma_wait3A_464 = arith.constant 0 : i32
          %dma_wait3A_465 = arith.constant 0 : i32
          %dma_wait3A_466 = tpu.memref_slice %arg8[%dma_wait3A_464, %dma_wait3A_465] : memref<8x4096xf32, #tpu.memory_space<vmem>> -> memref<1x4096xf32, #tpu.memory_space<vmem>>
          %dma_wait3A_467 = arith.constant 0 : i32
          %dma_wait3A_468 = arith.constant 0 : i32
          %dma_wait3A_469 = tpu.memref_slice %arg4[%dma_wait3A_467, %dma_wait3A_468] : memref<16384x4096xf32, #tpu.memory_space<hbm>> -> memref<1x4096xf32, #tpu.memory_space<hbm>>
          %dma_wait3A_470 = arith.constant 0 : i32
          %dma_wait3A_471 = arith.constant 0 : i32
          %dma_wait3A_472 = tpu.memref_slice %arg4[%dma_wait3A_470, %dma_wait3A_471] : memref<16384x4096xf32, #tpu.memory_space<hbm>> -> memref<1x4096xf32, #tpu.memory_space<hbm>>
          %dma_wait3A_473 = arith.constant 0 : i32
          %dma_wait3A_474 = arith.constant 0 : i32
          %dma_wait3A_475 = tpu.memref_slice %arg8[%dma_wait3A_473, %dma_wait3A_474] : memref<8x4096xf32, #tpu.memory_space<vmem>> -> memref<1x4096xf32, #tpu.memory_space<vmem>>
          tpu.wait_dma2 semaphore(%arg12 : memref<!tpu.dma_semaphore, #tpu.memory_space<semaphore_mem>>) src(%dma_wait3A_475 : memref<1x4096xf32, #tpu.memory_space<vmem>>) dst(%dma_wait3A_472 : memref<1x4096xf32, #tpu.memory_space<hbm>>)
        } else {
        }
        %mul3A_324 = arith.constant 16 : i32
        %mul3A_325 = arith.muli %while3A_237, %mul3A_324 : i32
        %add3A_326 = arith.constant 6 : i32
        %add3A_327 = arith.addi %mul3A_325, %add3A_326 : i32
        %lt3A_328 = arith.cmpi slt, %add3A_327, %reduce_max3A_96 : i32
        %convert_element_type3A_329 = arith.extui %lt3A_328 : i1 to i32
        %cond3A_330 = arith.constant 0 : i32
        %cond3A_331 = arith.cmpi ne, %convert_element_type3A_329, %cond3A_330 : i32
        scf.if %cond3A_331 {
          %slice3A = vector.extract_strided_slice %get3A_240 {offsets = [6], sizes = [1], strides = [1]} : vector<16xi32> to vector<1xi32>
          %squeeze3A = vector.extract %slice3A[0] : i32 from vector<1xi32>
          %and3A_464 = arith.constant 7 : i32
          %and3A_465 = arith.andi %squeeze3A, %and3A_464 : i32
          %shift_right_arithmetic3A = arith.constant 3 : i32
          %shift_right_arithmetic3A_466 = arith.shrsi %squeeze3A, %shift_right_arithmetic3A : i32
          %dma_start3A_467 = arith.constant 0 : i32
          %dma_start3A_468 = tpu.memref_slice %arg8[%and3A_465, %dma_start3A_467] : memref<8x4096xf32, #tpu.memory_space<vmem>> -> memref<1x4096xf32, #tpu.memory_space<vmem>>
          %dma_start3A_469 = arith.constant 0 : i32
          %dma_start3A_470 = tpu.memref_slice %arg4[%shift_right_arithmetic3A_466, %dma_start3A_469] : memref<16384x4096xf32, #tpu.memory_space<hbm>> -> memref<1x4096xf32, #tpu.memory_space<hbm>>
          %dma_start3A_471 = arith.constant 0 : i32
          %dma_start3A_472 = tpu.memref_slice %arg4[%shift_right_arithmetic3A_466, %dma_start3A_471] : memref<16384x4096xf32, #tpu.memory_space<hbm>> -> memref<1x4096xf32, #tpu.memory_space<hbm>>
          %dma_start3A_473 = arith.constant 0 : i32
          %dma_start3A_474 = tpu.memref_slice %arg8[%and3A_465, %dma_start3A_473] : memref<8x4096xf32, #tpu.memory_space<vmem>> -> memref<1x4096xf32, #tpu.memory_space<vmem>>
          tpu.enqueue_dma source(%dma_start3A_474 : memref<1x4096xf32, #tpu.memory_space<vmem>>) target(%dma_start3A_472 : memref<1x4096xf32, #tpu.memory_space<hbm>>) target_semaphore(%arg12 : memref<!tpu.dma_semaphore, #tpu.memory_space<semaphore_mem>>)
        } else {
        }
        %ge3A_332 = arith.constant 16 : i32
        %ge3A_333 = arith.cmpi sge, %add3A_327, %ge3A_332 : i32
        %and3A_334 = arith.andi %lt3A_328, %ge3A_333 : i1
        %convert_element_type3A_335 = arith.extui %and3A_334 : i1 to i32
        %cond3A_336 = arith.constant 0 : i32
        %cond3A_337 = arith.cmpi ne, %convert_element_type3A_335, %cond3A_336 : i32
        scf.if %cond3A_337 {
          %dma_wait3A_464 = arith.constant 0 : i32
          %dma_wait3A_465 = arith.constant 0 : i32
          %dma_wait3A_466 = tpu.memref_slice %arg8[%dma_wait3A_464, %dma_wait3A_465] : memref<8x4096xf32, #tpu.memory_space<vmem>> -> memref<1x4096xf32, #tpu.memory_space<vmem>>
          %dma_wait3A_467 = arith.constant 0 : i32
          %dma_wait3A_468 = arith.constant 0 : i32
          %dma_wait3A_469 = tpu.memref_slice %arg4[%dma_wait3A_467, %dma_wait3A_468] : memref<16384x4096xf32, #tpu.memory_space<hbm>> -> memref<1x4096xf32, #tpu.memory_space<hbm>>
          %dma_wait3A_470 = arith.constant 0 : i32
          %dma_wait3A_471 = arith.constant 0 : i32
          %dma_wait3A_472 = tpu.memref_slice %arg4[%dma_wait3A_470, %dma_wait3A_471] : memref<16384x4096xf32, #tpu.memory_space<hbm>> -> memref<1x4096xf32, #tpu.memory_space<hbm>>
          %dma_wait3A_473 = arith.constant 0 : i32
          %dma_wait3A_474 = arith.constant 0 : i32
          %dma_wait3A_475 = tpu.memref_slice %arg8[%dma_wait3A_473, %dma_wait3A_474] : memref<8x4096xf32, #tpu.memory_space<vmem>> -> memref<1x4096xf32, #tpu.memory_space<vmem>>
          tpu.wait_dma2 semaphore(%arg12 : memref<!tpu.dma_semaphore, #tpu.memory_space<semaphore_mem>>) src(%dma_wait3A_475 : memref<1x4096xf32, #tpu.memory_space<vmem>>) dst(%dma_wait3A_472 : memref<1x4096xf32, #tpu.memory_space<hbm>>)
        } else {
        }
        %mul3A_338 = arith.constant 16 : i32
        %mul3A_339 = arith.muli %while3A_237, %mul3A_338 : i32
        %add3A_340 = arith.constant 7 : i32
        %add3A_341 = arith.addi %mul3A_339, %add3A_340 : i32
        %lt3A_342 = arith.cmpi slt, %add3A_341, %reduce_max3A_96 : i32
        %convert_element_type3A_343 = arith.extui %lt3A_342 : i1 to i32
        %cond3A_344 = arith.constant 0 : i32
        %cond3A_345 = arith.cmpi ne, %convert_element_type3A_343, %cond3A_344 : i32
        scf.if %cond3A_345 {
          %slice3A = vector.extract_strided_slice %get3A_240 {offsets = [7], sizes = [1], strides = [1]} : vector<16xi32> to vector<1xi32>
          %squeeze3A = vector.extract %slice3A[0] : i32 from vector<1xi32>
          %and3A_464 = arith.constant 7 : i32
          %and3A_465 = arith.andi %squeeze3A, %and3A_464 : i32
          %shift_right_arithmetic3A = arith.constant 3 : i32
          %shift_right_arithmetic3A_466 = arith.shrsi %squeeze3A, %shift_right_arithmetic3A : i32
          %dma_start3A_467 = arith.constant 0 : i32
          %dma_start3A_468 = tpu.memref_slice %arg8[%and3A_465, %dma_start3A_467] : memref<8x4096xf32, #tpu.memory_space<vmem>> -> memref<1x4096xf32, #tpu.memory_space<vmem>>
          %dma_start3A_469 = arith.constant 0 : i32
          %dma_start3A_470 = tpu.memref_slice %arg4[%shift_right_arithmetic3A_466, %dma_start3A_469] : memref<16384x4096xf32, #tpu.memory_space<hbm>> -> memref<1x4096xf32, #tpu.memory_space<hbm>>
          %dma_start3A_471 = arith.constant 0 : i32
          %dma_start3A_472 = tpu.memref_slice %arg4[%shift_right_arithmetic3A_466, %dma_start3A_471] : memref<16384x4096xf32, #tpu.memory_space<hbm>> -> memref<1x4096xf32, #tpu.memory_space<hbm>>
          %dma_start3A_473 = arith.constant 0 : i32
          %dma_start3A_474 = tpu.memref_slice %arg8[%and3A_465, %dma_start3A_473] : memref<8x4096xf32, #tpu.memory_space<vmem>> -> memref<1x4096xf32, #tpu.memory_space<vmem>>
          tpu.enqueue_dma source(%dma_start3A_474 : memref<1x4096xf32, #tpu.memory_space<vmem>>) target(%dma_start3A_472 : memref<1x4096xf32, #tpu.memory_space<hbm>>) target_semaphore(%arg12 : memref<!tpu.dma_semaphore, #tpu.memory_space<semaphore_mem>>)
        } else {
        }
        %ge3A_346 = arith.constant 16 : i32
        %ge3A_347 = arith.cmpi sge, %add3A_341, %ge3A_346 : i32
        %and3A_348 = arith.andi %lt3A_342, %ge3A_347 : i1
        %convert_element_type3A_349 = arith.extui %and3A_348 : i1 to i32
        %cond3A_350 = arith.constant 0 : i32
        %cond3A_351 = arith.cmpi ne, %convert_element_type3A_349, %cond3A_350 : i32
        scf.if %cond3A_351 {
          %dma_wait3A_464 = arith.constant 0 : i32
          %dma_wait3A_465 = arith.constant 0 : i32
          %dma_wait3A_466 = tpu.memref_slice %arg8[%dma_wait3A_464, %dma_wait3A_465] : memref<8x4096xf32, #tpu.memory_space<vmem>> -> memref<1x4096xf32, #tpu.memory_space<vmem>>
          %dma_wait3A_467 = arith.constant 0 : i32
          %dma_wait3A_468 = arith.constant 0 : i32
          %dma_wait3A_469 = tpu.memref_slice %arg4[%dma_wait3A_467, %dma_wait3A_468] : memref<16384x4096xf32, #tpu.memory_space<hbm>> -> memref<1x4096xf32, #tpu.memory_space<hbm>>
          %dma_wait3A_470 = arith.constant 0 : i32
          %dma_wait3A_471 = arith.constant 0 : i32
          %dma_wait3A_472 = tpu.memref_slice %arg4[%dma_wait3A_470, %dma_wait3A_471] : memref<16384x4096xf32, #tpu.memory_space<hbm>> -> memref<1x4096xf32, #tpu.memory_space<hbm>>
          %dma_wait3A_473 = arith.constant 0 : i32
          %dma_wait3A_474 = arith.constant 0 : i32
          %dma_wait3A_475 = tpu.memref_slice %arg8[%dma_wait3A_473, %dma_wait3A_474] : memref<8x4096xf32, #tpu.memory_space<vmem>> -> memref<1x4096xf32, #tpu.memory_space<vmem>>
          tpu.wait_dma2 semaphore(%arg12 : memref<!tpu.dma_semaphore, #tpu.memory_space<semaphore_mem>>) src(%dma_wait3A_475 : memref<1x4096xf32, #tpu.memory_space<vmem>>) dst(%dma_wait3A_472 : memref<1x4096xf32, #tpu.memory_space<hbm>>)
        } else {
        }
        %mul3A_352 = arith.constant 16 : i32
        %mul3A_353 = arith.muli %while3A_237, %mul3A_352 : i32
        %add3A_354 = arith.constant 8 : i32
        %add3A_355 = arith.addi %mul3A_353, %add3A_354 : i32
        %lt3A_356 = arith.cmpi slt, %add3A_355, %reduce_max3A_96 : i32
        %convert_element_type3A_357 = arith.extui %lt3A_356 : i1 to i32
        %cond3A_358 = arith.constant 0 : i32
        %cond3A_359 = arith.cmpi ne, %convert_element_type3A_357, %cond3A_358 : i32
        scf.if %cond3A_359 {
          %slice3A = vector.extract_strided_slice %get3A_240 {offsets = [8], sizes = [1], strides = [1]} : vector<16xi32> to vector<1xi32>
          %squeeze3A = vector.extract %slice3A[0] : i32 from vector<1xi32>
          %and3A_464 = arith.constant 7 : i32
          %and3A_465 = arith.andi %squeeze3A, %and3A_464 : i32
          %shift_right_arithmetic3A = arith.constant 3 : i32
          %shift_right_arithmetic3A_466 = arith.shrsi %squeeze3A, %shift_right_arithmetic3A : i32
          %dma_start3A_467 = arith.constant 0 : i32
          %dma_start3A_468 = tpu.memref_slice %arg8[%and3A_465, %dma_start3A_467] : memref<8x4096xf32, #tpu.memory_space<vmem>> -> memref<1x4096xf32, #tpu.memory_space<vmem>>
          %dma_start3A_469 = arith.constant 0 : i32
          %dma_start3A_470 = tpu.memref_slice %arg4[%shift_right_arithmetic3A_466, %dma_start3A_469] : memref<16384x4096xf32, #tpu.memory_space<hbm>> -> memref<1x4096xf32, #tpu.memory_space<hbm>>
          %dma_start3A_471 = arith.constant 0 : i32
          %dma_start3A_472 = tpu.memref_slice %arg4[%shift_right_arithmetic3A_466, %dma_start3A_471] : memref<16384x4096xf32, #tpu.memory_space<hbm>> -> memref<1x4096xf32, #tpu.memory_space<hbm>>
          %dma_start3A_473 = arith.constant 0 : i32
          %dma_start3A_474 = tpu.memref_slice %arg8[%and3A_465, %dma_start3A_473] : memref<8x4096xf32, #tpu.memory_space<vmem>> -> memref<1x4096xf32, #tpu.memory_space<vmem>>
          tpu.enqueue_dma source(%dma_start3A_474 : memref<1x4096xf32, #tpu.memory_space<vmem>>) target(%dma_start3A_472 : memref<1x4096xf32, #tpu.memory_space<hbm>>) target_semaphore(%arg12 : memref<!tpu.dma_semaphore, #tpu.memory_space<semaphore_mem>>)
        } else {
        }
        %ge3A_360 = arith.constant 16 : i32
        %ge3A_361 = arith.cmpi sge, %add3A_355, %ge3A_360 : i32
        %and3A_362 = arith.andi %lt3A_356, %ge3A_361 : i1
        %convert_element_type3A_363 = arith.extui %and3A_362 : i1 to i32
        %cond3A_364 = arith.constant 0 : i32
        %cond3A_365 = arith.cmpi ne, %convert_element_type3A_363, %cond3A_364 : i32
        scf.if %cond3A_365 {
          %dma_wait3A_464 = arith.constant 0 : i32
          %dma_wait3A_465 = arith.constant 0 : i32
          %dma_wait3A_466 = tpu.memref_slice %arg8[%dma_wait3A_464, %dma_wait3A_465] : memref<8x4096xf32, #tpu.memory_space<vmem>> -> memref<1x4096xf32, #tpu.memory_space<vmem>>
          %dma_wait3A_467 = arith.constant 0 : i32
          %dma_wait3A_468 = arith.constant 0 : i32
          %dma_wait3A_469 = tpu.memref_slice %arg4[%dma_wait3A_467, %dma_wait3A_468] : memref<16384x4096xf32, #tpu.memory_space<hbm>> -> memref<1x4096xf32, #tpu.memory_space<hbm>>
          %dma_wait3A_470 = arith.constant 0 : i32
          %dma_wait3A_471 = arith.constant 0 : i32
          %dma_wait3A_472 = tpu.memref_slice %arg4[%dma_wait3A_470, %dma_wait3A_471] : memref<16384x4096xf32, #tpu.memory_space<hbm>> -> memref<1x4096xf32, #tpu.memory_space<hbm>>
          %dma_wait3A_473 = arith.constant 0 : i32
          %dma_wait3A_474 = arith.constant 0 : i32
          %dma_wait3A_475 = tpu.memref_slice %arg8[%dma_wait3A_473, %dma_wait3A_474] : memref<8x4096xf32, #tpu.memory_space<vmem>> -> memref<1x4096xf32, #tpu.memory_space<vmem>>
          tpu.wait_dma2 semaphore(%arg12 : memref<!tpu.dma_semaphore, #tpu.memory_space<semaphore_mem>>) src(%dma_wait3A_475 : memref<1x4096xf32, #tpu.memory_space<vmem>>) dst(%dma_wait3A_472 : memref<1x4096xf32, #tpu.memory_space<hbm>>)
        } else {
        }
        %mul3A_366 = arith.constant 16 : i32
        %mul3A_367 = arith.muli %while3A_237, %mul3A_366 : i32
        %add3A_368 = arith.constant 9 : i32
        %add3A_369 = arith.addi %mul3A_367, %add3A_368 : i32
        %lt3A_370 = arith.cmpi slt, %add3A_369, %reduce_max3A_96 : i32
        %convert_element_type3A_371 = arith.extui %lt3A_370 : i1 to i32
        %cond3A_372 = arith.constant 0 : i32
        %cond3A_373 = arith.cmpi ne, %convert_element_type3A_371, %cond3A_372 : i32
        scf.if %cond3A_373 {
          %slice3A = vector.extract_strided_slice %get3A_240 {offsets = [9], sizes = [1], strides = [1]} : vector<16xi32> to vector<1xi32>
          %squeeze3A = vector.extract %slice3A[0] : i32 from vector<1xi32>
          %and3A_464 = arith.constant 7 : i32
          %and3A_465 = arith.andi %squeeze3A, %and3A_464 : i32
          %shift_right_arithmetic3A = arith.constant 3 : i32
          %shift_right_arithmetic3A_466 = arith.shrsi %squeeze3A, %shift_right_arithmetic3A : i32
          %dma_start3A_467 = arith.constant 0 : i32
          %dma_start3A_468 = tpu.memref_slice %arg8[%and3A_465, %dma_start3A_467] : memref<8x4096xf32, #tpu.memory_space<vmem>> -> memref<1x4096xf32, #tpu.memory_space<vmem>>
          %dma_start3A_469 = arith.constant 0 : i32
          %dma_start3A_470 = tpu.memref_slice %arg4[%shift_right_arithmetic3A_466, %dma_start3A_469] : memref<16384x4096xf32, #tpu.memory_space<hbm>> -> memref<1x4096xf32, #tpu.memory_space<hbm>>
          %dma_start3A_471 = arith.constant 0 : i32
          %dma_start3A_472 = tpu.memref_slice %arg4[%shift_right_arithmetic3A_466, %dma_start3A_471] : memref<16384x4096xf32, #tpu.memory_space<hbm>> -> memref<1x4096xf32, #tpu.memory_space<hbm>>
          %dma_start3A_473 = arith.constant 0 : i32
          %dma_start3A_474 = tpu.memref_slice %arg8[%and3A_465, %dma_start3A_473] : memref<8x4096xf32, #tpu.memory_space<vmem>> -> memref<1x4096xf32, #tpu.memory_space<vmem>>
          tpu.enqueue_dma source(%dma_start3A_474 : memref<1x4096xf32, #tpu.memory_space<vmem>>) target(%dma_start3A_472 : memref<1x4096xf32, #tpu.memory_space<hbm>>) target_semaphore(%arg12 : memref<!tpu.dma_semaphore, #tpu.memory_space<semaphore_mem>>)
        } else {
        }
        %ge3A_374 = arith.constant 16 : i32
        %ge3A_375 = arith.cmpi sge, %add3A_369, %ge3A_374 : i32
        %and3A_376 = arith.andi %lt3A_370, %ge3A_375 : i1
        %convert_element_type3A_377 = arith.extui %and3A_376 : i1 to i32
        %cond3A_378 = arith.constant 0 : i32
        %cond3A_379 = arith.cmpi ne, %convert_element_type3A_377, %cond3A_378 : i32
        scf.if %cond3A_379 {
          %dma_wait3A_464 = arith.constant 0 : i32
          %dma_wait3A_465 = arith.constant 0 : i32
          %dma_wait3A_466 = tpu.memref_slice %arg8[%dma_wait3A_464, %dma_wait3A_465] : memref<8x4096xf32, #tpu.memory_space<vmem>> -> memref<1x4096xf32, #tpu.memory_space<vmem>>
          %dma_wait3A_467 = arith.constant 0 : i32
          %dma_wait3A_468 = arith.constant 0 : i32
          %dma_wait3A_469 = tpu.memref_slice %arg4[%dma_wait3A_467, %dma_wait3A_468] : memref<16384x4096xf32, #tpu.memory_space<hbm>> -> memref<1x4096xf32, #tpu.memory_space<hbm>>
          %dma_wait3A_470 = arith.constant 0 : i32
          %dma_wait3A_471 = arith.constant 0 : i32
          %dma_wait3A_472 = tpu.memref_slice %arg4[%dma_wait3A_470, %dma_wait3A_471] : memref<16384x4096xf32, #tpu.memory_space<hbm>> -> memref<1x4096xf32, #tpu.memory_space<hbm>>
          %dma_wait3A_473 = arith.constant 0 : i32
          %dma_wait3A_474 = arith.constant 0 : i32
          %dma_wait3A_475 = tpu.memref_slice %arg8[%dma_wait3A_473, %dma_wait3A_474] : memref<8x4096xf32, #tpu.memory_space<vmem>> -> memref<1x4096xf32, #tpu.memory_space<vmem>>
          tpu.wait_dma2 semaphore(%arg12 : memref<!tpu.dma_semaphore, #tpu.memory_space<semaphore_mem>>) src(%dma_wait3A_475 : memref<1x4096xf32, #tpu.memory_space<vmem>>) dst(%dma_wait3A_472 : memref<1x4096xf32, #tpu.memory_space<hbm>>)
        } else {
        }
        %mul3A_380 = arith.constant 16 : i32
        %mul3A_381 = arith.muli %while3A_237, %mul3A_380 : i32
        %add3A_382 = arith.constant 10 : i32
        %add3A_383 = arith.addi %mul3A_381, %add3A_382 : i32
        %lt3A_384 = arith.cmpi slt, %add3A_383, %reduce_max3A_96 : i32
        %convert_element_type3A_385 = arith.extui %lt3A_384 : i1 to i32
        %cond3A_386 = arith.constant 0 : i32
        %cond3A_387 = arith.cmpi ne, %convert_element_type3A_385, %cond3A_386 : i32
        scf.if %cond3A_387 {
          %slice3A = vector.extract_strided_slice %get3A_240 {offsets = [10], sizes = [1], strides = [1]} : vector<16xi32> to vector<1xi32>
          %squeeze3A = vector.extract %slice3A[0] : i32 from vector<1xi32>
          %and3A_464 = arith.constant 7 : i32
          %and3A_465 = arith.andi %squeeze3A, %and3A_464 : i32
          %shift_right_arithmetic3A = arith.constant 3 : i32
          %shift_right_arithmetic3A_466 = arith.shrsi %squeeze3A, %shift_right_arithmetic3A : i32
          %dma_start3A_467 = arith.constant 0 : i32
          %dma_start3A_468 = tpu.memref_slice %arg8[%and3A_465, %dma_start3A_467] : memref<8x4096xf32, #tpu.memory_space<vmem>> -> memref<1x4096xf32, #tpu.memory_space<vmem>>
          %dma_start3A_469 = arith.constant 0 : i32
          %dma_start3A_470 = tpu.memref_slice %arg4[%shift_right_arithmetic3A_466, %dma_start3A_469] : memref<16384x4096xf32, #tpu.memory_space<hbm>> -> memref<1x4096xf32, #tpu.memory_space<hbm>>
          %dma_start3A_471 = arith.constant 0 : i32
          %dma_start3A_472 = tpu.memref_slice %arg4[%shift_right_arithmetic3A_466, %dma_start3A_471] : memref<16384x4096xf32, #tpu.memory_space<hbm>> -> memref<1x4096xf32, #tpu.memory_space<hbm>>
          %dma_start3A_473 = arith.constant 0 : i32
          %dma_start3A_474 = tpu.memref_slice %arg8[%and3A_465, %dma_start3A_473] : memref<8x4096xf32, #tpu.memory_space<vmem>> -> memref<1x4096xf32, #tpu.memory_space<vmem>>
          tpu.enqueue_dma source(%dma_start3A_474 : memref<1x4096xf32, #tpu.memory_space<vmem>>) target(%dma_start3A_472 : memref<1x4096xf32, #tpu.memory_space<hbm>>) target_semaphore(%arg12 : memref<!tpu.dma_semaphore, #tpu.memory_space<semaphore_mem>>)
        } else {
        }
        %ge3A_388 = arith.constant 16 : i32
        %ge3A_389 = arith.cmpi sge, %add3A_383, %ge3A_388 : i32
        %and3A_390 = arith.andi %lt3A_384, %ge3A_389 : i1
        %convert_element_type3A_391 = arith.extui %and3A_390 : i1 to i32
        %cond3A_392 = arith.constant 0 : i32
        %cond3A_393 = arith.cmpi ne, %convert_element_type3A_391, %cond3A_392 : i32
        scf.if %cond3A_393 {
          %dma_wait3A_464 = arith.constant 0 : i32
          %dma_wait3A_465 = arith.constant 0 : i32
          %dma_wait3A_466 = tpu.memref_slice %arg8[%dma_wait3A_464, %dma_wait3A_465] : memref<8x4096xf32, #tpu.memory_space<vmem>> -> memref<1x4096xf32, #tpu.memory_space<vmem>>
          %dma_wait3A_467 = arith.constant 0 : i32
          %dma_wait3A_468 = arith.constant 0 : i32
          %dma_wait3A_469 = tpu.memref_slice %arg4[%dma_wait3A_467, %dma_wait3A_468] : memref<16384x4096xf32, #tpu.memory_space<hbm>> -> memref<1x4096xf32, #tpu.memory_space<hbm>>
          %dma_wait3A_470 = arith.constant 0 : i32
          %dma_wait3A_471 = arith.constant 0 : i32
          %dma_wait3A_472 = tpu.memref_slice %arg4[%dma_wait3A_470, %dma_wait3A_471] : memref<16384x4096xf32, #tpu.memory_space<hbm>> -> memref<1x4096xf32, #tpu.memory_space<hbm>>
          %dma_wait3A_473 = arith.constant 0 : i32
          %dma_wait3A_474 = arith.constant 0 : i32
          %dma_wait3A_475 = tpu.memref_slice %arg8[%dma_wait3A_473, %dma_wait3A_474] : memref<8x4096xf32, #tpu.memory_space<vmem>> -> memref<1x4096xf32, #tpu.memory_space<vmem>>
          tpu.wait_dma2 semaphore(%arg12 : memref<!tpu.dma_semaphore, #tpu.memory_space<semaphore_mem>>) src(%dma_wait3A_475 : memref<1x4096xf32, #tpu.memory_space<vmem>>) dst(%dma_wait3A_472 : memref<1x4096xf32, #tpu.memory_space<hbm>>)
        } else {
        }
        %mul3A_394 = arith.constant 16 : i32
        %mul3A_395 = arith.muli %while3A_237, %mul3A_394 : i32
        %add3A_396 = arith.constant 11 : i32
        %add3A_397 = arith.addi %mul3A_395, %add3A_396 : i32
        %lt3A_398 = arith.cmpi slt, %add3A_397, %reduce_max3A_96 : i32
        %convert_element_type3A_399 = arith.extui %lt3A_398 : i1 to i32
        %cond3A_400 = arith.constant 0 : i32
        %cond3A_401 = arith.cmpi ne, %convert_element_type3A_399, %cond3A_400 : i32
        scf.if %cond3A_401 {
          %slice3A = vector.extract_strided_slice %get3A_240 {offsets = [11], sizes = [1], strides = [1]} : vector<16xi32> to vector<1xi32>
          %squeeze3A = vector.extract %slice3A[0] : i32 from vector<1xi32>
          %and3A_464 = arith.constant 7 : i32
          %and3A_465 = arith.andi %squeeze3A, %and3A_464 : i32
          %shift_right_arithmetic3A = arith.constant 3 : i32
          %shift_right_arithmetic3A_466 = arith.shrsi %squeeze3A, %shift_right_arithmetic3A : i32
          %dma_start3A_467 = arith.constant 0 : i32
          %dma_start3A_468 = tpu.memref_slice %arg8[%and3A_465, %dma_start3A_467] : memref<8x4096xf32, #tpu.memory_space<vmem>> -> memref<1x4096xf32, #tpu.memory_space<vmem>>
          %dma_start3A_469 = arith.constant 0 : i32
          %dma_start3A_470 = tpu.memref_slice %arg4[%shift_right_arithmetic3A_466, %dma_start3A_469] : memref<16384x4096xf32, #tpu.memory_space<hbm>> -> memref<1x4096xf32, #tpu.memory_space<hbm>>
          %dma_start3A_471 = arith.constant 0 : i32
          %dma_start3A_472 = tpu.memref_slice %arg4[%shift_right_arithmetic3A_466, %dma_start3A_471] : memref<16384x4096xf32, #tpu.memory_space<hbm>> -> memref<1x4096xf32, #tpu.memory_space<hbm>>
          %dma_start3A_473 = arith.constant 0 : i32
          %dma_start3A_474 = tpu.memref_slice %arg8[%and3A_465, %dma_start3A_473] : memref<8x4096xf32, #tpu.memory_space<vmem>> -> memref<1x4096xf32, #tpu.memory_space<vmem>>
          tpu.enqueue_dma source(%dma_start3A_474 : memref<1x4096xf32, #tpu.memory_space<vmem>>) target(%dma_start3A_472 : memref<1x4096xf32, #tpu.memory_space<hbm>>) target_semaphore(%arg12 : memref<!tpu.dma_semaphore, #tpu.memory_space<semaphore_mem>>)
        } else {
        }
        %ge3A_402 = arith.constant 16 : i32
        %ge3A_403 = arith.cmpi sge, %add3A_397, %ge3A_402 : i32
        %and3A_404 = arith.andi %lt3A_398, %ge3A_403 : i1
        %convert_element_type3A_405 = arith.extui %and3A_404 : i1 to i32
        %cond3A_406 = arith.constant 0 : i32
        %cond3A_407 = arith.cmpi ne, %convert_element_type3A_405, %cond3A_406 : i32
        scf.if %cond3A_407 {
          %dma_wait3A_464 = arith.constant 0 : i32
          %dma_wait3A_465 = arith.constant 0 : i32
          %dma_wait3A_466 = tpu.memref_slice %arg8[%dma_wait3A_464, %dma_wait3A_465] : memref<8x4096xf32, #tpu.memory_space<vmem>> -> memref<1x4096xf32, #tpu.memory_space<vmem>>
          %dma_wait3A_467 = arith.constant 0 : i32
          %dma_wait3A_468 = arith.constant 0 : i32
          %dma_wait3A_469 = tpu.memref_slice %arg4[%dma_wait3A_467, %dma_wait3A_468] : memref<16384x4096xf32, #tpu.memory_space<hbm>> -> memref<1x4096xf32, #tpu.memory_space<hbm>>
          %dma_wait3A_470 = arith.constant 0 : i32
          %dma_wait3A_471 = arith.constant 0 : i32
          %dma_wait3A_472 = tpu.memref_slice %arg4[%dma_wait3A_470, %dma_wait3A_471] : memref<16384x4096xf32, #tpu.memory_space<hbm>> -> memref<1x4096xf32, #tpu.memory_space<hbm>>
          %dma_wait3A_473 = arith.constant 0 : i32
          %dma_wait3A_474 = arith.constant 0 : i32
          %dma_wait3A_475 = tpu.memref_slice %arg8[%dma_wait3A_473, %dma_wait3A_474] : memref<8x4096xf32, #tpu.memory_space<vmem>> -> memref<1x4096xf32, #tpu.memory_space<vmem>>
          tpu.wait_dma2 semaphore(%arg12 : memref<!tpu.dma_semaphore, #tpu.memory_space<semaphore_mem>>) src(%dma_wait3A_475 : memref<1x4096xf32, #tpu.memory_space<vmem>>) dst(%dma_wait3A_472 : memref<1x4096xf32, #tpu.memory_space<hbm>>)
        } else {
        }
        %mul3A_408 = arith.constant 16 : i32
        %mul3A_409 = arith.muli %while3A_237, %mul3A_408 : i32
        %add3A_410 = arith.constant 12 : i32
        %add3A_411 = arith.addi %mul3A_409, %add3A_410 : i32
        %lt3A_412 = arith.cmpi slt, %add3A_411, %reduce_max3A_96 : i32
        %convert_element_type3A_413 = arith.extui %lt3A_412 : i1 to i32
        %cond3A_414 = arith.constant 0 : i32
        %cond3A_415 = arith.cmpi ne, %convert_element_type3A_413, %cond3A_414 : i32
        scf.if %cond3A_415 {
          %slice3A = vector.extract_strided_slice %get3A_240 {offsets = [12], sizes = [1], strides = [1]} : vector<16xi32> to vector<1xi32>
          %squeeze3A = vector.extract %slice3A[0] : i32 from vector<1xi32>
          %and3A_464 = arith.constant 7 : i32
          %and3A_465 = arith.andi %squeeze3A, %and3A_464 : i32
          %shift_right_arithmetic3A = arith.constant 3 : i32
          %shift_right_arithmetic3A_466 = arith.shrsi %squeeze3A, %shift_right_arithmetic3A : i32
          %dma_start3A_467 = arith.constant 0 : i32
          %dma_start3A_468 = tpu.memref_slice %arg8[%and3A_465, %dma_start3A_467] : memref<8x4096xf32, #tpu.memory_space<vmem>> -> memref<1x4096xf32, #tpu.memory_space<vmem>>
          %dma_start3A_469 = arith.constant 0 : i32
          %dma_start3A_470 = tpu.memref_slice %arg4[%shift_right_arithmetic3A_466, %dma_start3A_469] : memref<16384x4096xf32, #tpu.memory_space<hbm>> -> memref<1x4096xf32, #tpu.memory_space<hbm>>
          %dma_start3A_471 = arith.constant 0 : i32
          %dma_start3A_472 = tpu.memref_slice %arg4[%shift_right_arithmetic3A_466, %dma_start3A_471] : memref<16384x4096xf32, #tpu.memory_space<hbm>> -> memref<1x4096xf32, #tpu.memory_space<hbm>>
          %dma_start3A_473 = arith.constant 0 : i32
          %dma_start3A_474 = tpu.memref_slice %arg8[%and3A_465, %dma_start3A_473] : memref<8x4096xf32, #tpu.memory_space<vmem>> -> memref<1x4096xf32, #tpu.memory_space<vmem>>
          tpu.enqueue_dma source(%dma_start3A_474 : memref<1x4096xf32, #tpu.memory_space<vmem>>) target(%dma_start3A_472 : memref<1x4096xf32, #tpu.memory_space<hbm>>) target_semaphore(%arg12 : memref<!tpu.dma_semaphore, #tpu.memory_space<semaphore_mem>>)
        } else {
        }
        %ge3A_416 = arith.constant 16 : i32
        %ge3A_417 = arith.cmpi sge, %add3A_411, %ge3A_416 : i32
        %and3A_418 = arith.andi %lt3A_412, %ge3A_417 : i1
        %convert_element_type3A_419 = arith.extui %and3A_418 : i1 to i32
        %cond3A_420 = arith.constant 0 : i32
        %cond3A_421 = arith.cmpi ne, %convert_element_type3A_419, %cond3A_420 : i32
        scf.if %cond3A_421 {
          %dma_wait3A_464 = arith.constant 0 : i32
          %dma_wait3A_465 = arith.constant 0 : i32
          %dma_wait3A_466 = tpu.memref_slice %arg8[%dma_wait3A_464, %dma_wait3A_465] : memref<8x4096xf32, #tpu.memory_space<vmem>> -> memref<1x4096xf32, #tpu.memory_space<vmem>>
          %dma_wait3A_467 = arith.constant 0 : i32
          %dma_wait3A_468 = arith.constant 0 : i32
          %dma_wait3A_469 = tpu.memref_slice %arg4[%dma_wait3A_467, %dma_wait3A_468] : memref<16384x4096xf32, #tpu.memory_space<hbm>> -> memref<1x4096xf32, #tpu.memory_space<hbm>>
          %dma_wait3A_470 = arith.constant 0 : i32
          %dma_wait3A_471 = arith.constant 0 : i32
          %dma_wait3A_472 = tpu.memref_slice %arg4[%dma_wait3A_470, %dma_wait3A_471] : memref<16384x4096xf32, #tpu.memory_space<hbm>> -> memref<1x4096xf32, #tpu.memory_space<hbm>>
          %dma_wait3A_473 = arith.constant 0 : i32
          %dma_wait3A_474 = arith.constant 0 : i32
          %dma_wait3A_475 = tpu.memref_slice %arg8[%dma_wait3A_473, %dma_wait3A_474] : memref<8x4096xf32, #tpu.memory_space<vmem>> -> memref<1x4096xf32, #tpu.memory_space<vmem>>
          tpu.wait_dma2 semaphore(%arg12 : memref<!tpu.dma_semaphore, #tpu.memory_space<semaphore_mem>>) src(%dma_wait3A_475 : memref<1x4096xf32, #tpu.memory_space<vmem>>) dst(%dma_wait3A_472 : memref<1x4096xf32, #tpu.memory_space<hbm>>)
        } else {
        }
        %mul3A_422 = arith.constant 16 : i32
        %mul3A_423 = arith.muli %while3A_237, %mul3A_422 : i32
        %add3A_424 = arith.constant 13 : i32
        %add3A_425 = arith.addi %mul3A_423, %add3A_424 : i32
        %lt3A_426 = arith.cmpi slt, %add3A_425, %reduce_max3A_96 : i32
        %convert_element_type3A_427 = arith.extui %lt3A_426 : i1 to i32
        %cond3A_428 = arith.constant 0 : i32
        %cond3A_429 = arith.cmpi ne, %convert_element_type3A_427, %cond3A_428 : i32
        scf.if %cond3A_429 {
          %slice3A = vector.extract_strided_slice %get3A_240 {offsets = [13], sizes = [1], strides = [1]} : vector<16xi32> to vector<1xi32>
          %squeeze3A = vector.extract %slice3A[0] : i32 from vector<1xi32>
          %and3A_464 = arith.constant 7 : i32
          %and3A_465 = arith.andi %squeeze3A, %and3A_464 : i32
          %shift_right_arithmetic3A = arith.constant 3 : i32
          %shift_right_arithmetic3A_466 = arith.shrsi %squeeze3A, %shift_right_arithmetic3A : i32
          %dma_start3A_467 = arith.constant 0 : i32
          %dma_start3A_468 = tpu.memref_slice %arg8[%and3A_465, %dma_start3A_467] : memref<8x4096xf32, #tpu.memory_space<vmem>> -> memref<1x4096xf32, #tpu.memory_space<vmem>>
          %dma_start3A_469 = arith.constant 0 : i32
          %dma_start3A_470 = tpu.memref_slice %arg4[%shift_right_arithmetic3A_466, %dma_start3A_469] : memref<16384x4096xf32, #tpu.memory_space<hbm>> -> memref<1x4096xf32, #tpu.memory_space<hbm>>
          %dma_start3A_471 = arith.constant 0 : i32
          %dma_start3A_472 = tpu.memref_slice %arg4[%shift_right_arithmetic3A_466, %dma_start3A_471] : memref<16384x4096xf32, #tpu.memory_space<hbm>> -> memref<1x4096xf32, #tpu.memory_space<hbm>>
          %dma_start3A_473 = arith.constant 0 : i32
          %dma_start3A_474 = tpu.memref_slice %arg8[%and3A_465, %dma_start3A_473] : memref<8x4096xf32, #tpu.memory_space<vmem>> -> memref<1x4096xf32, #tpu.memory_space<vmem>>
          tpu.enqueue_dma source(%dma_start3A_474 : memref<1x4096xf32, #tpu.memory_space<vmem>>) target(%dma_start3A_472 : memref<1x4096xf32, #tpu.memory_space<hbm>>) target_semaphore(%arg12 : memref<!tpu.dma_semaphore, #tpu.memory_space<semaphore_mem>>)
        } else {
        }
        %ge3A_430 = arith.constant 16 : i32
        %ge3A_431 = arith.cmpi sge, %add3A_425, %ge3A_430 : i32
        %and3A_432 = arith.andi %lt3A_426, %ge3A_431 : i1
        %convert_element_type3A_433 = arith.extui %and3A_432 : i1 to i32
        %cond3A_434 = arith.constant 0 : i32
        %cond3A_435 = arith.cmpi ne, %convert_element_type3A_433, %cond3A_434 : i32
        scf.if %cond3A_435 {
          %dma_wait3A_464 = arith.constant 0 : i32
          %dma_wait3A_465 = arith.constant 0 : i32
          %dma_wait3A_466 = tpu.memref_slice %arg8[%dma_wait3A_464, %dma_wait3A_465] : memref<8x4096xf32, #tpu.memory_space<vmem>> -> memref<1x4096xf32, #tpu.memory_space<vmem>>
          %dma_wait3A_467 = arith.constant 0 : i32
          %dma_wait3A_468 = arith.constant 0 : i32
          %dma_wait3A_469 = tpu.memref_slice %arg4[%dma_wait3A_467, %dma_wait3A_468] : memref<16384x4096xf32, #tpu.memory_space<hbm>> -> memref<1x4096xf32, #tpu.memory_space<hbm>>
          %dma_wait3A_470 = arith.constant 0 : i32
          %dma_wait3A_471 = arith.constant 0 : i32
          %dma_wait3A_472 = tpu.memref_slice %arg4[%dma_wait3A_470, %dma_wait3A_471] : memref<16384x4096xf32, #tpu.memory_space<hbm>> -> memref<1x4096xf32, #tpu.memory_space<hbm>>
          %dma_wait3A_473 = arith.constant 0 : i32
          %dma_wait3A_474 = arith.constant 0 : i32
          %dma_wait3A_475 = tpu.memref_slice %arg8[%dma_wait3A_473, %dma_wait3A_474] : memref<8x4096xf32, #tpu.memory_space<vmem>> -> memref<1x4096xf32, #tpu.memory_space<vmem>>
          tpu.wait_dma2 semaphore(%arg12 : memref<!tpu.dma_semaphore, #tpu.memory_space<semaphore_mem>>) src(%dma_wait3A_475 : memref<1x4096xf32, #tpu.memory_space<vmem>>) dst(%dma_wait3A_472 : memref<1x4096xf32, #tpu.memory_space<hbm>>)
        } else {
        }
        %mul3A_436 = arith.constant 16 : i32
        %mul3A_437 = arith.muli %while3A_237, %mul3A_436 : i32
        %add3A_438 = arith.constant 14 : i32
        %add3A_439 = arith.addi %mul3A_437, %add3A_438 : i32
        %lt3A_440 = arith.cmpi slt, %add3A_439, %reduce_max3A_96 : i32
        %convert_element_type3A_441 = arith.extui %lt3A_440 : i1 to i32
        %cond3A_442 = arith.constant 0 : i32
        %cond3A_443 = arith.cmpi ne, %convert_element_type3A_441, %cond3A_442 : i32
        scf.if %cond3A_443 {
          %slice3A = vector.extract_strided_slice %get3A_240 {offsets = [14], sizes = [1], strides = [1]} : vector<16xi32> to vector<1xi32>
          %squeeze3A = vector.extract %slice3A[0] : i32 from vector<1xi32>
          %and3A_464 = arith.constant 7 : i32
          %and3A_465 = arith.andi %squeeze3A, %and3A_464 : i32
          %shift_right_arithmetic3A = arith.constant 3 : i32
          %shift_right_arithmetic3A_466 = arith.shrsi %squeeze3A, %shift_right_arithmetic3A : i32
          %dma_start3A_467 = arith.constant 0 : i32
          %dma_start3A_468 = tpu.memref_slice %arg8[%and3A_465, %dma_start3A_467] : memref<8x4096xf32, #tpu.memory_space<vmem>> -> memref<1x4096xf32, #tpu.memory_space<vmem>>
          %dma_start3A_469 = arith.constant 0 : i32
          %dma_start3A_470 = tpu.memref_slice %arg4[%shift_right_arithmetic3A_466, %dma_start3A_469] : memref<16384x4096xf32, #tpu.memory_space<hbm>> -> memref<1x4096xf32, #tpu.memory_space<hbm>>
          %dma_start3A_471 = arith.constant 0 : i32
          %dma_start3A_472 = tpu.memref_slice %arg4[%shift_right_arithmetic3A_466, %dma_start3A_471] : memref<16384x4096xf32, #tpu.memory_space<hbm>> -> memref<1x4096xf32, #tpu.memory_space<hbm>>
          %dma_start3A_473 = arith.constant 0 : i32
          %dma_start3A_474 = tpu.memref_slice %arg8[%and3A_465, %dma_start3A_473] : memref<8x4096xf32, #tpu.memory_space<vmem>> -> memref<1x4096xf32, #tpu.memory_space<vmem>>
          tpu.enqueue_dma source(%dma_start3A_474 : memref<1x4096xf32, #tpu.memory_space<vmem>>) target(%dma_start3A_472 : memref<1x4096xf32, #tpu.memory_space<hbm>>) target_semaphore(%arg12 : memref<!tpu.dma_semaphore, #tpu.memory_space<semaphore_mem>>)
        } else {
        }
        %ge3A_444 = arith.constant 16 : i32
        %ge3A_445 = arith.cmpi sge, %add3A_439, %ge3A_444 : i32
        %and3A_446 = arith.andi %lt3A_440, %ge3A_445 : i1
        %convert_element_type3A_447 = arith.extui %and3A_446 : i1 to i32
        %cond3A_448 = arith.constant 0 : i32
        %cond3A_449 = arith.cmpi ne, %convert_element_type3A_447, %cond3A_448 : i32
        scf.if %cond3A_449 {
          %dma_wait3A_464 = arith.constant 0 : i32
          %dma_wait3A_465 = arith.constant 0 : i32
          %dma_wait3A_466 = tpu.memref_slice %arg8[%dma_wait3A_464, %dma_wait3A_465] : memref<8x4096xf32, #tpu.memory_space<vmem>> -> memref<1x4096xf32, #tpu.memory_space<vmem>>
          %dma_wait3A_467 = arith.constant 0 : i32
          %dma_wait3A_468 = arith.constant 0 : i32
          %dma_wait3A_469 = tpu.memref_slice %arg4[%dma_wait3A_467, %dma_wait3A_468] : memref<16384x4096xf32, #tpu.memory_space<hbm>> -> memref<1x4096xf32, #tpu.memory_space<hbm>>
          %dma_wait3A_470 = arith.constant 0 : i32
          %dma_wait3A_471 = arith.constant 0 : i32
          %dma_wait3A_472 = tpu.memref_slice %arg4[%dma_wait3A_470, %dma_wait3A_471] : memref<16384x4096xf32, #tpu.memory_space<hbm>> -> memref<1x4096xf32, #tpu.memory_space<hbm>>
          %dma_wait3A_473 = arith.constant 0 : i32
          %dma_wait3A_474 = arith.constant 0 : i32
          %dma_wait3A_475 = tpu.memref_slice %arg8[%dma_wait3A_473, %dma_wait3A_474] : memref<8x4096xf32, #tpu.memory_space<vmem>> -> memref<1x4096xf32, #tpu.memory_space<vmem>>
          tpu.wait_dma2 semaphore(%arg12 : memref<!tpu.dma_semaphore, #tpu.memory_space<semaphore_mem>>) src(%dma_wait3A_475 : memref<1x4096xf32, #tpu.memory_space<vmem>>) dst(%dma_wait3A_472 : memref<1x4096xf32, #tpu.memory_space<hbm>>)
        } else {
        }
        %mul3A_450 = arith.constant 16 : i32
        %mul3A_451 = arith.muli %while3A_237, %mul3A_450 : i32
        %add3A_452 = arith.constant 15 : i32
        %add3A_453 = arith.addi %mul3A_451, %add3A_452 : i32
        %lt3A_454 = arith.cmpi slt, %add3A_453, %reduce_max3A_96 : i32
        %convert_element_type3A_455 = arith.extui %lt3A_454 : i1 to i32
        %cond3A_456 = arith.constant 0 : i32
        %cond3A_457 = arith.cmpi ne, %convert_element_type3A_455, %cond3A_456 : i32
        scf.if %cond3A_457 {
          %slice3A = vector.extract_strided_slice %get3A_240 {offsets = [15], sizes = [1], strides = [1]} : vector<16xi32> to vector<1xi32>
          %squeeze3A = vector.extract %slice3A[0] : i32 from vector<1xi32>
          %and3A_464 = arith.constant 7 : i32
          %and3A_465 = arith.andi %squeeze3A, %and3A_464 : i32
          %shift_right_arithmetic3A = arith.constant 3 : i32
          %shift_right_arithmetic3A_466 = arith.shrsi %squeeze3A, %shift_right_arithmetic3A : i32
          %dma_start3A_467 = arith.constant 0 : i32
          %dma_start3A_468 = tpu.memref_slice %arg8[%and3A_465, %dma_start3A_467] : memref<8x4096xf32, #tpu.memory_space<vmem>> -> memref<1x4096xf32, #tpu.memory_space<vmem>>
          %dma_start3A_469 = arith.constant 0 : i32
          %dma_start3A_470 = tpu.memref_slice %arg4[%shift_right_arithmetic3A_466, %dma_start3A_469] : memref<16384x4096xf32, #tpu.memory_space<hbm>> -> memref<1x4096xf32, #tpu.memory_space<hbm>>
          %dma_start3A_471 = arith.constant 0 : i32
          %dma_start3A_472 = tpu.memref_slice %arg4[%shift_right_arithmetic3A_466, %dma_start3A_471] : memref<16384x4096xf32, #tpu.memory_space<hbm>> -> memref<1x4096xf32, #tpu.memory_space<hbm>>
          %dma_start3A_473 = arith.constant 0 : i32
          %dma_start3A_474 = tpu.memref_slice %arg8[%and3A_465, %dma_start3A_473] : memref<8x4096xf32, #tpu.memory_space<vmem>> -> memref<1x4096xf32, #tpu.memory_space<vmem>>
          tpu.enqueue_dma source(%dma_start3A_474 : memref<1x4096xf32, #tpu.memory_space<vmem>>) target(%dma_start3A_472 : memref<1x4096xf32, #tpu.memory_space<hbm>>) target_semaphore(%arg12 : memref<!tpu.dma_semaphore, #tpu.memory_space<semaphore_mem>>)
        } else {
        }
        %ge3A_458 = arith.constant 16 : i32
        %ge3A_459 = arith.cmpi sge, %add3A_453, %ge3A_458 : i32
        %and3A_460 = arith.andi %lt3A_454, %ge3A_459 : i1
        %convert_element_type3A_461 = arith.extui %and3A_460 : i1 to i32
        %cond3A_462 = arith.constant 0 : i32
        %cond3A_463 = arith.cmpi ne, %convert_element_type3A_461, %cond3A_462 : i32
        scf.if %cond3A_463 {
          %dma_wait3A_464 = arith.constant 0 : i32
          %dma_wait3A_465 = arith.constant 0 : i32
          %dma_wait3A_466 = tpu.memref_slice %arg8[%dma_wait3A_464, %dma_wait3A_465] : memref<8x4096xf32, #tpu.memory_space<vmem>> -> memref<1x4096xf32, #tpu.memory_space<vmem>>
          %dma_wait3A_467 = arith.constant 0 : i32
          %dma_wait3A_468 = arith.constant 0 : i32
          %dma_wait3A_469 = tpu.memref_slice %arg4[%dma_wait3A_467, %dma_wait3A_468] : memref<16384x4096xf32, #tpu.memory_space<hbm>> -> memref<1x4096xf32, #tpu.memory_space<hbm>>
          %dma_wait3A_470 = arith.constant 0 : i32
          %dma_wait3A_471 = arith.constant 0 : i32
          %dma_wait3A_472 = tpu.memref_slice %arg4[%dma_wait3A_470, %dma_wait3A_471] : memref<16384x4096xf32, #tpu.memory_space<hbm>> -> memref<1x4096xf32, #tpu.memory_space<hbm>>
          %dma_wait3A_473 = arith.constant 0 : i32
          %dma_wait3A_474 = arith.constant 0 : i32
          %dma_wait3A_475 = tpu.memref_slice %arg8[%dma_wait3A_473, %dma_wait3A_474] : memref<8x4096xf32, #tpu.memory_space<vmem>> -> memref<1x4096xf32, #tpu.memory_space<vmem>>
          tpu.wait_dma2 semaphore(%arg12 : memref<!tpu.dma_semaphore, #tpu.memory_space<semaphore_mem>>) src(%dma_wait3A_475 : memref<1x4096xf32, #tpu.memory_space<vmem>>) dst(%dma_wait3A_472 : memref<1x4096xf32, #tpu.memory_space<hbm>>)
        } else {
        }
      }
      %while3A_153 = arith.constant 1 : i32
      scf.for %while3A_237 = %while3A_151 to %while3A_147 step %while3A_153  : i32 {
        %mul3A_238 = arith.constant 16 : i32
        %mul3A_239 = arith.muli %while3A_237, %mul3A_238 : i32
        %get3A = arith.index_cast %mul3A_239 : i32 to index
        %get3A_240 = tpu.vector_load %arg7[%get3A] {strides = array<i32>} : memref<16384xi32, #tpu.memory_space<vmem>>, vector<16xi32>,
        %mul3A_241 = arith.constant 16 : i32
        %mul3A_242 = arith.muli %while3A_237, %mul3A_241 : i32
        %add3A_243 = arith.constant 0 : i32
        %add3A_244 = arith.addi %mul3A_242, %add3A_243 : i32
        %lt3A_245 = arith.cmpi slt, %add3A_244, %reduce_max3A_96 : i32
        %convert_element_type3A_246 = arith.extui %lt3A_245 : i1 to i32
        %cond3A_247 = arith.constant 0 : i32
        %cond3A_248 = arith.cmpi ne, %convert_element_type3A_246, %cond3A_247 : i32
        scf.if %cond3A_248 {
          %slice3A = vector.extract_strided_slice %get3A_240 {offsets = [0], sizes = [1], strides = [1]} : vector<16xi32> to vector<1xi32>
          %squeeze3A = vector.extract %slice3A[0] : i32 from vector<1xi32>
          %and3A_464 = arith.constant 7 : i32
          %and3A_465 = arith.andi %squeeze3A, %and3A_464 : i32
          %shift_right_arithmetic3A = arith.constant 3 : i32
          %shift_right_arithmetic3A_466 = arith.shrsi %squeeze3A, %shift_right_arithmetic3A : i32
          %dma_start3A_467 = arith.constant 0 : i32
          %dma_start3A_468 = tpu.memref_slice %arg8[%and3A_465, %dma_start3A_467] : memref<8x4096xf32, #tpu.memory_space<vmem>> -> memref<1x4096xf32, #tpu.memory_space<vmem>>
          %dma_start3A_469 = arith.constant 0 : i32
          %dma_start3A_470 = tpu.memref_slice %arg4[%shift_right_arithmetic3A_466, %dma_start3A_469] : memref<16384x4096xf32, #tpu.memory_space<hbm>> -> memref<1x4096xf32, #tpu.memory_space<hbm>>
          %dma_start3A_471 = arith.constant 0 : i32
          %dma_start3A_472 = tpu.memref_slice %arg4[%shift_right_arithmetic3A_466, %dma_start3A_471] : memref<16384x4096xf32, #tpu.memory_space<hbm>> -> memref<1x4096xf32, #tpu.memory_space<hbm>>
          %dma_start3A_473 = arith.constant 0 : i32
          %dma_start3A_474 = tpu.memref_slice %arg8[%and3A_465, %dma_start3A_473] : memref<8x4096xf32, #tpu.memory_space<vmem>> -> memref<1x4096xf32, #tpu.memory_space<vmem>>
          tpu.enqueue_dma source(%dma_start3A_474 : memref<1x4096xf32, #tpu.memory_space<vmem>>) target(%dma_start3A_472 : memref<1x4096xf32, #tpu.memory_space<hbm>>) target_semaphore(%arg12 : memref<!tpu.dma_semaphore, #tpu.memory_space<semaphore_mem>>)
        } else {
        }
        %ge3A = arith.constant 16 : i32
        %ge3A_249 = arith.cmpi sge, %add3A_244, %ge3A : i32
        %and3A_250 = arith.andi %lt3A_245, %ge3A_249 : i1
        %convert_element_type3A_251 = arith.extui %and3A_250 : i1 to i32
        %cond3A_252 = arith.constant 0 : i32
        %cond3A_253 = arith.cmpi ne, %convert_element_type3A_251, %cond3A_252 : i32
        scf.if %cond3A_253 {
          %dma_wait3A_464 = arith.constant 0 : i32
          %dma_wait3A_465 = arith.constant 0 : i32
          %dma_wait3A_466 = tpu.memref_slice %arg8[%dma_wait3A_464, %dma_wait3A_465] : memref<8x4096xf32, #tpu.memory_space<vmem>> -> memref<1x4096xf32, #tpu.memory_space<vmem>>
          %dma_wait3A_467 = arith.constant 0 : i32
          %dma_wait3A_468 = arith.constant 0 : i32
          %dma_wait3A_469 = tpu.memref_slice %arg4[%dma_wait3A_467, %dma_wait3A_468] : memref<16384x4096xf32, #tpu.memory_space<hbm>> -> memref<1x4096xf32, #tpu.memory_space<hbm>>
          %dma_wait3A_470 = arith.constant 0 : i32
          %dma_wait3A_471 = arith.constant 0 : i32
          %dma_wait3A_472 = tpu.memref_slice %arg4[%dma_wait3A_470, %dma_wait3A_471] : memref<16384x4096xf32, #tpu.memory_space<hbm>> -> memref<1x4096xf32, #tpu.memory_space<hbm>>
          %dma_wait3A_473 = arith.constant 0 : i32
          %dma_wait3A_474 = arith.constant 0 : i32
          %dma_wait3A_475 = tpu.memref_slice %arg8[%dma_wait3A_473, %dma_wait3A_474] : memref<8x4096xf32, #tpu.memory_space<vmem>> -> memref<1x4096xf32, #tpu.memory_space<vmem>>
          tpu.wait_dma2 semaphore(%arg12 : memref<!tpu.dma_semaphore, #tpu.memory_space<semaphore_mem>>) src(%dma_wait3A_475 : memref<1x4096xf32, #tpu.memory_space<vmem>>) dst(%dma_wait3A_472 : memref<1x4096xf32, #tpu.memory_space<hbm>>)
        } else {
        }
        %mul3A_254 = arith.constant 16 : i32
        %mul3A_255 = arith.muli %while3A_237, %mul3A_254 : i32
        %add3A_256 = arith.constant 1 : i32
        %add3A_257 = arith.addi %mul3A_255, %add3A_256 : i32
        %lt3A_258 = arith.cmpi slt, %add3A_257, %reduce_max3A_96 : i32
        %convert_element_type3A_259 = arith.extui %lt3A_258 : i1 to i32
        %cond3A_260 = arith.constant 0 : i32
        %cond3A_261 = arith.cmpi ne, %convert_element_type3A_259, %cond3A_260 : i32
        scf.if %cond3A_261 {
          %slice3A = vector.extract_strided_slice %get3A_240 {offsets = [1], sizes = [1], strides = [1]} : vector<16xi32> to vector<1xi32>
          %squeeze3A = vector.extract %slice3A[0] : i32 from vector<1xi32>
          %and3A_464 = arith.constant 7 : i32
          %and3A_465 = arith.andi %squeeze3A, %and3A_464 : i32
          %shift_right_arithmetic3A = arith.constant 3 : i32
          %shift_right_arithmetic3A_466 = arith.shrsi %squeeze3A, %shift_right_arithmetic3A : i32
          %dma_start3A_467 = arith.constant 0 : i32
          %dma_start3A_468 = tpu.memref_slice %arg8[%and3A_465, %dma_start3A_467] : memref<8x4096xf32, #tpu.memory_space<vmem>> -> memref<1x4096xf32, #tpu.memory_space<vmem>>
          %dma_start3A_469 = arith.constant 0 : i32
          %dma_start3A_470 = tpu.memref_slice %arg4[%shift_right_arithmetic3A_466, %dma_start3A_469] : memref<16384x4096xf32, #tpu.memory_space<hbm>> -> memref<1x4096xf32, #tpu.memory_space<hbm>>
          %dma_start3A_471 = arith.constant 0 : i32
          %dma_start3A_472 = tpu.memref_slice %arg4[%shift_right_arithmetic3A_466, %dma_start3A_471] : memref<16384x4096xf32, #tpu.memory_space<hbm>> -> memref<1x4096xf32, #tpu.memory_space<hbm>>
          %dma_start3A_473 = arith.constant 0 : i32
          %dma_start3A_474 = tpu.memref_slice %arg8[%and3A_465, %dma_start3A_473] : memref<8x4096xf32, #tpu.memory_space<vmem>> -> memref<1x4096xf32, #tpu.memory_space<vmem>>
          tpu.enqueue_dma source(%dma_start3A_474 : memref<1x4096xf32, #tpu.memory_space<vmem>>) target(%dma_start3A_472 : memref<1x4096xf32, #tpu.memory_space<hbm>>) target_semaphore(%arg12 : memref<!tpu.dma_semaphore, #tpu.memory_space<semaphore_mem>>)
        } else {
        }
        %ge3A_262 = arith.constant 16 : i32
        %ge3A_263 = arith.cmpi sge, %add3A_257, %ge3A_262 : i32
        %and3A_264 = arith.andi %lt3A_258, %ge3A_263 : i1
        %convert_element_type3A_265 = arith.extui %and3A_264 : i1 to i32
        %cond3A_266 = arith.constant 0 : i32
        %cond3A_267 = arith.cmpi ne, %convert_element_type3A_265, %cond3A_266 : i32
        scf.if %cond3A_267 {
          %dma_wait3A_464 = arith.constant 0 : i32
          %dma_wait3A_465 = arith.constant 0 : i32
          %dma_wait3A_466 = tpu.memref_slice %arg8[%dma_wait3A_464, %dma_wait3A_465] : memref<8x4096xf32, #tpu.memory_space<vmem>> -> memref<1x4096xf32, #tpu.memory_space<vmem>>
          %dma_wait3A_467 = arith.constant 0 : i32
          %dma_wait3A_468 = arith.constant 0 : i32
          %dma_wait3A_469 = tpu.memref_slice %arg4[%dma_wait3A_467, %dma_wait3A_468] : memref<16384x4096xf32, #tpu.memory_space<hbm>> -> memref<1x4096xf32, #tpu.memory_space<hbm>>
          %dma_wait3A_470 = arith.constant 0 : i32
          %dma_wait3A_471 = arith.constant 0 : i32
          %dma_wait3A_472 = tpu.memref_slice %arg4[%dma_wait3A_470, %dma_wait3A_471] : memref<16384x4096xf32, #tpu.memory_space<hbm>> -> memref<1x4096xf32, #tpu.memory_space<hbm>>
          %dma_wait3A_473 = arith.constant 0 : i32
          %dma_wait3A_474 = arith.constant 0 : i32
          %dma_wait3A_475 = tpu.memref_slice %arg8[%dma_wait3A_473, %dma_wait3A_474] : memref<8x4096xf32, #tpu.memory_space<vmem>> -> memref<1x4096xf32, #tpu.memory_space<vmem>>
          tpu.wait_dma2 semaphore(%arg12 : memref<!tpu.dma_semaphore, #tpu.memory_space<semaphore_mem>>) src(%dma_wait3A_475 : memref<1x4096xf32, #tpu.memory_space<vmem>>) dst(%dma_wait3A_472 : memref<1x4096xf32, #tpu.memory_space<hbm>>)
        } else {
        }
        %mul3A_268 = arith.constant 16 : i32
        %mul3A_269 = arith.muli %while3A_237, %mul3A_268 : i32
        %add3A_270 = arith.constant 2 : i32
        %add3A_271 = arith.addi %mul3A_269, %add3A_270 : i32
        %lt3A_272 = arith.cmpi slt, %add3A_271, %reduce_max3A_96 : i32
        %convert_element_type3A_273 = arith.extui %lt3A_272 : i1 to i32
        %cond3A_274 = arith.constant 0 : i32
        %cond3A_275 = arith.cmpi ne, %convert_element_type3A_273, %cond3A_274 : i32
        scf.if %cond3A_275 {
          %slice3A = vector.extract_strided_slice %get3A_240 {offsets = [2], sizes = [1], strides = [1]} : vector<16xi32> to vector<1xi32>
          %squeeze3A = vector.extract %slice3A[0] : i32 from vector<1xi32>
          %and3A_464 = arith.constant 7 : i32
          %and3A_465 = arith.andi %squeeze3A, %and3A_464 : i32
          %shift_right_arithmetic3A = arith.constant 3 : i32
          %shift_right_arithmetic3A_466 = arith.shrsi %squeeze3A, %shift_right_arithmetic3A : i32
          %dma_start3A_467 = arith.constant 0 : i32
          %dma_start3A_468 = tpu.memref_slice %arg8[%and3A_465, %dma_start3A_467] : memref<8x4096xf32, #tpu.memory_space<vmem>> -> memref<1x4096xf32, #tpu.memory_space<vmem>>
          %dma_start3A_469 = arith.constant 0 : i32
          %dma_start3A_470 = tpu.memref_slice %arg4[%shift_right_arithmetic3A_466, %dma_start3A_469] : memref<16384x4096xf32, #tpu.memory_space<hbm>> -> memref<1x4096xf32, #tpu.memory_space<hbm>>
          %dma_start3A_471 = arith.constant 0 : i32
          %dma_start3A_472 = tpu.memref_slice %arg4[%shift_right_arithmetic3A_466, %dma_start3A_471] : memref<16384x4096xf32, #tpu.memory_space<hbm>> -> memref<1x4096xf32, #tpu.memory_space<hbm>>
          %dma_start3A_473 = arith.constant 0 : i32
          %dma_start3A_474 = tpu.memref_slice %arg8[%and3A_465, %dma_start3A_473] : memref<8x4096xf32, #tpu.memory_space<vmem>> -> memref<1x4096xf32, #tpu.memory_space<vmem>>
          tpu.enqueue_dma source(%dma_start3A_474 : memref<1x4096xf32, #tpu.memory_space<vmem>>) target(%dma_start3A_472 : memref<1x4096xf32, #tpu.memory_space<hbm>>) target_semaphore(%arg12 : memref<!tpu.dma_semaphore, #tpu.memory_space<semaphore_mem>>)
        } else {
        }
        %ge3A_276 = arith.constant 16 : i32
        %ge3A_277 = arith.cmpi sge, %add3A_271, %ge3A_276 : i32
        %and3A_278 = arith.andi %lt3A_272, %ge3A_277 : i1
        %convert_element_type3A_279 = arith.extui %and3A_278 : i1 to i32
        %cond3A_280 = arith.constant 0 : i32
        %cond3A_281 = arith.cmpi ne, %convert_element_type3A_279, %cond3A_280 : i32
        scf.if %cond3A_281 {
          %dma_wait3A_464 = arith.constant 0 : i32
          %dma_wait3A_465 = arith.constant 0 : i32
          %dma_wait3A_466 = tpu.memref_slice %arg8[%dma_wait3A_464, %dma_wait3A_465] : memref<8x4096xf32, #tpu.memory_space<vmem>> -> memref<1x4096xf32, #tpu.memory_space<vmem>>
          %dma_wait3A_467 = arith.constant 0 : i32
          %dma_wait3A_468 = arith.constant 0 : i32
          %dma_wait3A_469 = tpu.memref_slice %arg4[%dma_wait3A_467, %dma_wait3A_468] : memref<16384x4096xf32, #tpu.memory_space<hbm>> -> memref<1x4096xf32, #tpu.memory_space<hbm>>
          %dma_wait3A_470 = arith.constant 0 : i32
          %dma_wait3A_471 = arith.constant 0 : i32
          %dma_wait3A_472 = tpu.memref_slice %arg4[%dma_wait3A_470, %dma_wait3A_471] : memref<16384x4096xf32, #tpu.memory_space<hbm>> -> memref<1x4096xf32, #tpu.memory_space<hbm>>
          %dma_wait3A_473 = arith.constant 0 : i32
          %dma_wait3A_474 = arith.constant 0 : i32
          %dma_wait3A_475 = tpu.memref_slice %arg8[%dma_wait3A_473, %dma_wait3A_474] : memref<8x4096xf32, #tpu.memory_space<vmem>> -> memref<1x4096xf32, #tpu.memory_space<vmem>>
          tpu.wait_dma2 semaphore(%arg12 : memref<!tpu.dma_semaphore, #tpu.memory_space<semaphore_mem>>) src(%dma_wait3A_475 : memref<1x4096xf32, #tpu.memory_space<vmem>>) dst(%dma_wait3A_472 : memref<1x4096xf32, #tpu.memory_space<hbm>>)
        } else {
        }
        %mul3A_282 = arith.constant 16 : i32
        %mul3A_283 = arith.muli %while3A_237, %mul3A_282 : i32
        %add3A_284 = arith.constant 3 : i32
        %add3A_285 = arith.addi %mul3A_283, %add3A_284 : i32
        %lt3A_286 = arith.cmpi slt, %add3A_285, %reduce_max3A_96 : i32
        %convert_element_type3A_287 = arith.extui %lt3A_286 : i1 to i32
        %cond3A_288 = arith.constant 0 : i32
        %cond3A_289 = arith.cmpi ne, %convert_element_type3A_287, %cond3A_288 : i32
        scf.if %cond3A_289 {
          %slice3A = vector.extract_strided_slice %get3A_240 {offsets = [3], sizes = [1], strides = [1]} : vector<16xi32> to vector<1xi32>
          %squeeze3A = vector.extract %slice3A[0] : i32 from vector<1xi32>
          %and3A_464 = arith.constant 7 : i32
          %and3A_465 = arith.andi %squeeze3A, %and3A_464 : i32
          %shift_right_arithmetic3A = arith.constant 3 : i32
          %shift_right_arithmetic3A_466 = arith.shrsi %squeeze3A, %shift_right_arithmetic3A : i32
          %dma_start3A_467 = arith.constant 0 : i32
          %dma_start3A_468 = tpu.memref_slice %arg8[%and3A_465, %dma_start3A_467] : memref<8x4096xf32, #tpu.memory_space<vmem>> -> memref<1x4096xf32, #tpu.memory_space<vmem>>
          %dma_start3A_469 = arith.constant 0 : i32
          %dma_start3A_470 = tpu.memref_slice %arg4[%shift_right_arithmetic3A_466, %dma_start3A_469] : memref<16384x4096xf32, #tpu.memory_space<hbm>> -> memref<1x4096xf32, #tpu.memory_space<hbm>>
          %dma_start3A_471 = arith.constant 0 : i32
          %dma_start3A_472 = tpu.memref_slice %arg4[%shift_right_arithmetic3A_466, %dma_start3A_471] : memref<16384x4096xf32, #tpu.memory_space<hbm>> -> memref<1x4096xf32, #tpu.memory_space<hbm>>
          %dma_start3A_473 = arith.constant 0 : i32
          %dma_start3A_474 = tpu.memref_slice %arg8[%and3A_465, %dma_start3A_473] : memref<8x4096xf32, #tpu.memory_space<vmem>> -> memref<1x4096xf32, #tpu.memory_space<vmem>>
          tpu.enqueue_dma source(%dma_start3A_474 : memref<1x4096xf32, #tpu.memory_space<vmem>>) target(%dma_start3A_472 : memref<1x4096xf32, #tpu.memory_space<hbm>>) target_semaphore(%arg12 : memref<!tpu.dma_semaphore, #tpu.memory_space<semaphore_mem>>)
        } else {
        }
        %ge3A_290 = arith.constant 16 : i32
        %ge3A_291 = arith.cmpi sge, %add3A_285, %ge3A_290 : i32
        %and3A_292 = arith.andi %lt3A_286, %ge3A_291 : i1
        %convert_element_type3A_293 = arith.extui %and3A_292 : i1 to i32
        %cond3A_294 = arith.constant 0 : i32
        %cond3A_295 = arith.cmpi ne, %convert_element_type3A_293, %cond3A_294 : i32
        scf.if %cond3A_295 {
          %dma_wait3A_464 = arith.constant 0 : i32
          %dma_wait3A_465 = arith.constant 0 : i32
          %dma_wait3A_466 = tpu.memref_slice %arg8[%dma_wait3A_464, %dma_wait3A_465] : memref<8x4096xf32, #tpu.memory_space<vmem>> -> memref<1x4096xf32, #tpu.memory_space<vmem>>
          %dma_wait3A_467 = arith.constant 0 : i32
          %dma_wait3A_468 = arith.constant 0 : i32
          %dma_wait3A_469 = tpu.memref_slice %arg4[%dma_wait3A_467, %dma_wait3A_468] : memref<16384x4096xf32, #tpu.memory_space<hbm>> -> memref<1x4096xf32, #tpu.memory_space<hbm>>
          %dma_wait3A_470 = arith.constant 0 : i32
          %dma_wait3A_471 = arith.constant 0 : i32
          %dma_wait3A_472 = tpu.memref_slice %arg4[%dma_wait3A_470, %dma_wait3A_471] : memref<16384x4096xf32, #tpu.memory_space<hbm>> -> memref<1x4096xf32, #tpu.memory_space<hbm>>
          %dma_wait3A_473 = arith.constant 0 : i32
          %dma_wait3A_474 = arith.constant 0 : i32
          %dma_wait3A_475 = tpu.memref_slice %arg8[%dma_wait3A_473, %dma_wait3A_474] : memref<8x4096xf32, #tpu.memory_space<vmem>> -> memref<1x4096xf32, #tpu.memory_space<vmem>>
          tpu.wait_dma2 semaphore(%arg12 : memref<!tpu.dma_semaphore, #tpu.memory_space<semaphore_mem>>) src(%dma_wait3A_475 : memref<1x4096xf32, #tpu.memory_space<vmem>>) dst(%dma_wait3A_472 : memref<1x4096xf32, #tpu.memory_space<hbm>>)
        } else {
        }
        %mul3A_296 = arith.constant 16 : i32
        %mul3A_297 = arith.muli %while3A_237, %mul3A_296 : i32
        %add3A_298 = arith.constant 4 : i32
        %add3A_299 = arith.addi %mul3A_297, %add3A_298 : i32
        %lt3A_300 = arith.cmpi slt, %add3A_299, %reduce_max3A_96 : i32
        %convert_element_type3A_301 = arith.extui %lt3A_300 : i1 to i32
        %cond3A_302 = arith.constant 0 : i32
        %cond3A_303 = arith.cmpi ne, %convert_element_type3A_301, %cond3A_302 : i32
        scf.if %cond3A_303 {
          %slice3A = vector.extract_strided_slice %get3A_240 {offsets = [4], sizes = [1], strides = [1]} : vector<16xi32> to vector<1xi32>
          %squeeze3A = vector.extract %slice3A[0] : i32 from vector<1xi32>
          %and3A_464 = arith.constant 7 : i32
          %and3A_465 = arith.andi %squeeze3A, %and3A_464 : i32
          %shift_right_arithmetic3A = arith.constant 3 : i32
          %shift_right_arithmetic3A_466 = arith.shrsi %squeeze3A, %shift_right_arithmetic3A : i32
          %dma_start3A_467 = arith.constant 0 : i32
          %dma_start3A_468 = tpu.memref_slice %arg8[%and3A_465, %dma_start3A_467] : memref<8x4096xf32, #tpu.memory_space<vmem>> -> memref<1x4096xf32, #tpu.memory_space<vmem>>
          %dma_start3A_469 = arith.constant 0 : i32
          %dma_start3A_470 = tpu.memref_slice %arg4[%shift_right_arithmetic3A_466, %dma_start3A_469] : memref<16384x4096xf32, #tpu.memory_space<hbm>> -> memref<1x4096xf32, #tpu.memory_space<hbm>>
          %dma_start3A_471 = arith.constant 0 : i32
          %dma_start3A_472 = tpu.memref_slice %arg4[%shift_right_arithmetic3A_466, %dma_start3A_471] : memref<16384x4096xf32, #tpu.memory_space<hbm>> -> memref<1x4096xf32, #tpu.memory_space<hbm>>
          %dma_start3A_473 = arith.constant 0 : i32
          %dma_start3A_474 = tpu.memref_slice %arg8[%and3A_465, %dma_start3A_473] : memref<8x4096xf32, #tpu.memory_space<vmem>> -> memref<1x4096xf32, #tpu.memory_space<vmem>>
          tpu.enqueue_dma source(%dma_start3A_474 : memref<1x4096xf32, #tpu.memory_space<vmem>>) target(%dma_start3A_472 : memref<1x4096xf32, #tpu.memory_space<hbm>>) target_semaphore(%arg12 : memref<!tpu.dma_semaphore, #tpu.memory_space<semaphore_mem>>)
        } else {
        }
        %ge3A_304 = arith.constant 16 : i32
        %ge3A_305 = arith.cmpi sge, %add3A_299, %ge3A_304 : i32
        %and3A_306 = arith.andi %lt3A_300, %ge3A_305 : i1
        %convert_element_type3A_307 = arith.extui %and3A_306 : i1 to i32
        %cond3A_308 = arith.constant 0 : i32
        %cond3A_309 = arith.cmpi ne, %convert_element_type3A_307, %cond3A_308 : i32
        scf.if %cond3A_309 {
          %dma_wait3A_464 = arith.constant 0 : i32
          %dma_wait3A_465 = arith.constant 0 : i32
          %dma_wait3A_466 = tpu.memref_slice %arg8[%dma_wait3A_464, %dma_wait3A_465] : memref<8x4096xf32, #tpu.memory_space<vmem>> -> memref<1x4096xf32, #tpu.memory_space<vmem>>
          %dma_wait3A_467 = arith.constant 0 : i32
          %dma_wait3A_468 = arith.constant 0 : i32
          %dma_wait3A_469 = tpu.memref_slice %arg4[%dma_wait3A_467, %dma_wait3A_468] : memref<16384x4096xf32, #tpu.memory_space<hbm>> -> memref<1x4096xf32, #tpu.memory_space<hbm>>
          %dma_wait3A_470 = arith.constant 0 : i32
          %dma_wait3A_471 = arith.constant 0 : i32
          %dma_wait3A_472 = tpu.memref_slice %arg4[%dma_wait3A_470, %dma_wait3A_471] : memref<16384x4096xf32, #tpu.memory_space<hbm>> -> memref<1x4096xf32, #tpu.memory_space<hbm>>
          %dma_wait3A_473 = arith.constant 0 : i32
          %dma_wait3A_474 = arith.constant 0 : i32
          %dma_wait3A_475 = tpu.memref_slice %arg8[%dma_wait3A_473, %dma_wait3A_474] : memref<8x4096xf32, #tpu.memory_space<vmem>> -> memref<1x4096xf32, #tpu.memory_space<vmem>>
          tpu.wait_dma2 semaphore(%arg12 : memref<!tpu.dma_semaphore, #tpu.memory_space<semaphore_mem>>) src(%dma_wait3A_475 : memref<1x4096xf32, #tpu.memory_space<vmem>>) dst(%dma_wait3A_472 : memref<1x4096xf32, #tpu.memory_space<hbm>>)
        } else {
        }
        %mul3A_310 = arith.constant 16 : i32
        %mul3A_311 = arith.muli %while3A_237, %mul3A_310 : i32
        %add3A_312 = arith.constant 5 : i32
        %add3A_313 = arith.addi %mul3A_311, %add3A_312 : i32
        %lt3A_314 = arith.cmpi slt, %add3A_313, %reduce_max3A_96 : i32
        %convert_element_type3A_315 = arith.extui %lt3A_314 : i1 to i32
        %cond3A_316 = arith.constant 0 : i32
        %cond3A_317 = arith.cmpi ne, %convert_element_type3A_315, %cond3A_316 : i32
        scf.if %cond3A_317 {
          %slice3A = vector.extract_strided_slice %get3A_240 {offsets = [5], sizes = [1], strides = [1]} : vector<16xi32> to vector<1xi32>
          %squeeze3A = vector.extract %slice3A[0] : i32 from vector<1xi32>
          %and3A_464 = arith.constant 7 : i32
          %and3A_465 = arith.andi %squeeze3A, %and3A_464 : i32
          %shift_right_arithmetic3A = arith.constant 3 : i32
          %shift_right_arithmetic3A_466 = arith.shrsi %squeeze3A, %shift_right_arithmetic3A : i32
          %dma_start3A_467 = arith.constant 0 : i32
          %dma_start3A_468 = tpu.memref_slice %arg8[%and3A_465, %dma_start3A_467] : memref<8x4096xf32, #tpu.memory_space<vmem>> -> memref<1x4096xf32, #tpu.memory_space<vmem>>
          %dma_start3A_469 = arith.constant 0 : i32
          %dma_start3A_470 = tpu.memref_slice %arg4[%shift_right_arithmetic3A_466, %dma_start3A_469] : memref<16384x4096xf32, #tpu.memory_space<hbm>> -> memref<1x4096xf32, #tpu.memory_space<hbm>>
          %dma_start3A_471 = arith.constant 0 : i32
          %dma_start3A_472 = tpu.memref_slice %arg4[%shift_right_arithmetic3A_466, %dma_start3A_471] : memref<16384x4096xf32, #tpu.memory_space<hbm>> -> memref<1x4096xf32, #tpu.memory_space<hbm>>
          %dma_start3A_473 = arith.constant 0 : i32
          %dma_start3A_474 = tpu.memref_slice %arg8[%and3A_465, %dma_start3A_473] : memref<8x4096xf32, #tpu.memory_space<vmem>> -> memref<1x4096xf32, #tpu.memory_space<vmem>>
          tpu.enqueue_dma source(%dma_start3A_474 : memref<1x4096xf32, #tpu.memory_space<vmem>>) target(%dma_start3A_472 : memref<1x4096xf32, #tpu.memory_space<hbm>>) target_semaphore(%arg12 : memref<!tpu.dma_semaphore, #tpu.memory_space<semaphore_mem>>)
        } else {
        }
        %ge3A_318 = arith.constant 16 : i32
        %ge3A_319 = arith.cmpi sge, %add3A_313, %ge3A_318 : i32
        %and3A_320 = arith.andi %lt3A_314, %ge3A_319 : i1
        %convert_element_type3A_321 = arith.extui %and3A_320 : i1 to i32
        %cond3A_322 = arith.constant 0 : i32
        %cond3A_323 = arith.cmpi ne, %convert_element_type3A_321, %cond3A_322 : i32
        scf.if %cond3A_323 {
          %dma_wait3A_464 = arith.constant 0 : i32
          %dma_wait3A_465 = arith.constant 0 : i32
          %dma_wait3A_466 = tpu.memref_slice %arg8[%dma_wait3A_464, %dma_wait3A_465] : memref<8x4096xf32, #tpu.memory_space<vmem>> -> memref<1x4096xf32, #tpu.memory_space<vmem>>
          %dma_wait3A_467 = arith.constant 0 : i32
          %dma_wait3A_468 = arith.constant 0 : i32
          %dma_wait3A_469 = tpu.memref_slice %arg4[%dma_wait3A_467, %dma_wait3A_468] : memref<16384x4096xf32, #tpu.memory_space<hbm>> -> memref<1x4096xf32, #tpu.memory_space<hbm>>
          %dma_wait3A_470 = arith.constant 0 : i32
          %dma_wait3A_471 = arith.constant 0 : i32
          %dma_wait3A_472 = tpu.memref_slice %arg4[%dma_wait3A_470, %dma_wait3A_471] : memref<16384x4096xf32, #tpu.memory_space<hbm>> -> memref<1x4096xf32, #tpu.memory_space<hbm>>
          %dma_wait3A_473 = arith.constant 0 : i32
          %dma_wait3A_474 = arith.constant 0 : i32
          %dma_wait3A_475 = tpu.memref_slice %arg8[%dma_wait3A_473, %dma_wait3A_474] : memref<8x4096xf32, #tpu.memory_space<vmem>> -> memref<1x4096xf32, #tpu.memory_space<vmem>>
          tpu.wait_dma2 semaphore(%arg12 : memref<!tpu.dma_semaphore, #tpu.memory_space<semaphore_mem>>) src(%dma_wait3A_475 : memref<1x4096xf32, #tpu.memory_space<vmem>>) dst(%dma_wait3A_472 : memref<1x4096xf32, #tpu.memory_space<hbm>>)
        } else {
        }
        %mul3A_324 = arith.constant 16 : i32
        %mul3A_325 = arith.muli %while3A_237, %mul3A_324 : i32
        %add3A_326 = arith.constant 6 : i32
        %add3A_327 = arith.addi %mul3A_325, %add3A_326 : i32
        %lt3A_328 = arith.cmpi slt, %add3A_327, %reduce_max3A_96 : i32
        %convert_element_type3A_329 = arith.extui %lt3A_328 : i1 to i32
        %cond3A_330 = arith.constant 0 : i32
        %cond3A_331 = arith.cmpi ne, %convert_element_type3A_329, %cond3A_330 : i32
        scf.if %cond3A_331 {
          %slice3A = vector.extract_strided_slice %get3A_240 {offsets = [6], sizes = [1], strides = [1]} : vector<16xi32> to vector<1xi32>
          %squeeze3A = vector.extract %slice3A[0] : i32 from vector<1xi32>
          %and3A_464 = arith.constant 7 : i32
          %and3A_465 = arith.andi %squeeze3A, %and3A_464 : i32
          %shift_right_arithmetic3A = arith.constant 3 : i32
          %shift_right_arithmetic3A_466 = arith.shrsi %squeeze3A, %shift_right_arithmetic3A : i32
          %dma_start3A_467 = arith.constant 0 : i32
          %dma_start3A_468 = tpu.memref_slice %arg8[%and3A_465, %dma_start3A_467] : memref<8x4096xf32, #tpu.memory_space<vmem>> -> memref<1x4096xf32, #tpu.memory_space<vmem>>
          %dma_start3A_469 = arith.constant 0 : i32
          %dma_start3A_470 = tpu.memref_slice %arg4[%shift_right_arithmetic3A_466, %dma_start3A_469] : memref<16384x4096xf32, #tpu.memory_space<hbm>> -> memref<1x4096xf32, #tpu.memory_space<hbm>>
          %dma_start3A_471 = arith.constant 0 : i32
          %dma_start3A_472 = tpu.memref_slice %arg4[%shift_right_arithmetic3A_466, %dma_start3A_471] : memref<16384x4096xf32, #tpu.memory_space<hbm>> -> memref<1x4096xf32, #tpu.memory_space<hbm>>
          %dma_start3A_473 = arith.constant 0 : i32
          %dma_start3A_474 = tpu.memref_slice %arg8[%and3A_465, %dma_start3A_473] : memref<8x4096xf32, #tpu.memory_space<vmem>> -> memref<1x4096xf32, #tpu.memory_space<vmem>>
          tpu.enqueue_dma source(%dma_start3A_474 : memref<1x4096xf32, #tpu.memory_space<vmem>>) target(%dma_start3A_472 : memref<1x4096xf32, #tpu.memory_space<hbm>>) target_semaphore(%arg12 : memref<!tpu.dma_semaphore, #tpu.memory_space<semaphore_mem>>)
        } else {
        }
        %ge3A_332 = arith.constant 16 : i32
        %ge3A_333 = arith.cmpi sge, %add3A_327, %ge3A_332 : i32
        %and3A_334 = arith.andi %lt3A_328, %ge3A_333 : i1
        %convert_element_type3A_335 = arith.extui %and3A_334 : i1 to i32
        %cond3A_336 = arith.constant 0 : i32
        %cond3A_337 = arith.cmpi ne, %convert_element_type3A_335, %cond3A_336 : i32
        scf.if %cond3A_337 {
          %dma_wait3A_464 = arith.constant 0 : i32
          %dma_wait3A_465 = arith.constant 0 : i32
          %dma_wait3A_466 = tpu.memref_slice %arg8[%dma_wait3A_464, %dma_wait3A_465] : memref<8x4096xf32, #tpu.memory_space<vmem>> -> memref<1x4096xf32, #tpu.memory_space<vmem>>
          %dma_wait3A_467 = arith.constant 0 : i32
          %dma_wait3A_468 = arith.constant 0 : i32
          %dma_wait3A_469 = tpu.memref_slice %arg4[%dma_wait3A_467, %dma_wait3A_468] : memref<16384x4096xf32, #tpu.memory_space<hbm>> -> memref<1x4096xf32, #tpu.memory_space<hbm>>
          %dma_wait3A_470 = arith.constant 0 : i32
          %dma_wait3A_471 = arith.constant 0 : i32
          %dma_wait3A_472 = tpu.memref_slice %arg4[%dma_wait3A_470, %dma_wait3A_471] : memref<16384x4096xf32, #tpu.memory_space<hbm>> -> memref<1x4096xf32, #tpu.memory_space<hbm>>
          %dma_wait3A_473 = arith.constant 0 : i32
          %dma_wait3A_474 = arith.constant 0 : i32
          %dma_wait3A_475 = tpu.memref_slice %arg8[%dma_wait3A_473, %dma_wait3A_474] : memref<8x4096xf32, #tpu.memory_space<vmem>> -> memref<1x4096xf32, #tpu.memory_space<vmem>>
          tpu.wait_dma2 semaphore(%arg12 : memref<!tpu.dma_semaphore, #tpu.memory_space<semaphore_mem>>) src(%dma_wait3A_475 : memref<1x4096xf32, #tpu.memory_space<vmem>>) dst(%dma_wait3A_472 : memref<1x4096xf32, #tpu.memory_space<hbm>>)
        } else {
        }
        %mul3A_338 = arith.constant 16 : i32
        %mul3A_339 = arith.muli %while3A_237, %mul3A_338 : i32
        %add3A_340 = arith.constant 7 : i32
        %add3A_341 = arith.addi %mul3A_339, %add3A_340 : i32
        %lt3A_342 = arith.cmpi slt, %add3A_341, %reduce_max3A_96 : i32
        %convert_element_type3A_343 = arith.extui %lt3A_342 : i1 to i32
        %cond3A_344 = arith.constant 0 : i32
        %cond3A_345 = arith.cmpi ne, %convert_element_type3A_343, %cond3A_344 : i32
        scf.if %cond3A_345 {
          %slice3A = vector.extract_strided_slice %get3A_240 {offsets = [7], sizes = [1], strides = [1]} : vector<16xi32> to vector<1xi32>
          %squeeze3A = vector.extract %slice3A[0] : i32 from vector<1xi32>
          %and3A_464 = arith.constant 7 : i32
          %and3A_465 = arith.andi %squeeze3A, %and3A_464 : i32
          %shift_right_arithmetic3A = arith.constant 3 : i32
          %shift_right_arithmetic3A_466 = arith.shrsi %squeeze3A, %shift_right_arithmetic3A : i32
          %dma_start3A_467 = arith.constant 0 : i32
          %dma_start3A_468 = tpu.memref_slice %arg8[%and3A_465, %dma_start3A_467] : memref<8x4096xf32, #tpu.memory_space<vmem>> -> memref<1x4096xf32, #tpu.memory_space<vmem>>
          %dma_start3A_469 = arith.constant 0 : i32
          %dma_start3A_470 = tpu.memref_slice %arg4[%shift_right_arithmetic3A_466, %dma_start3A_469] : memref<16384x4096xf32, #tpu.memory_space<hbm>> -> memref<1x4096xf32, #tpu.memory_space<hbm>>
          %dma_start3A_471 = arith.constant 0 : i32
          %dma_start3A_472 = tpu.memref_slice %arg4[%shift_right_arithmetic3A_466, %dma_start3A_471] : memref<16384x4096xf32, #tpu.memory_space<hbm>> -> memref<1x4096xf32, #tpu.memory_space<hbm>>
          %dma_start3A_473 = arith.constant 0 : i32
          %dma_start3A_474 = tpu.memref_slice %arg8[%and3A_465, %dma_start3A_473] : memref<8x4096xf32, #tpu.memory_space<vmem>> -> memref<1x4096xf32, #tpu.memory_space<vmem>>
          tpu.enqueue_dma source(%dma_start3A_474 : memref<1x4096xf32, #tpu.memory_space<vmem>>) target(%dma_start3A_472 : memref<1x4096xf32, #tpu.memory_space<hbm>>) target_semaphore(%arg12 : memref<!tpu.dma_semaphore, #tpu.memory_space<semaphore_mem>>)
        } else {
        }
        %ge3A_346 = arith.constant 16 : i32
        %ge3A_347 = arith.cmpi sge, %add3A_341, %ge3A_346 : i32
        %and3A_348 = arith.andi %lt3A_342, %ge3A_347 : i1
        %convert_element_type3A_349 = arith.extui %and3A_348 : i1 to i32
        %cond3A_350 = arith.constant 0 : i32
        %cond3A_351 = arith.cmpi ne, %convert_element_type3A_349, %cond3A_350 : i32
        scf.if %cond3A_351 {
          %dma_wait3A_464 = arith.constant 0 : i32
          %dma_wait3A_465 = arith.constant 0 : i32
          %dma_wait3A_466 = tpu.memref_slice %arg8[%dma_wait3A_464, %dma_wait3A_465] : memref<8x4096xf32, #tpu.memory_space<vmem>> -> memref<1x4096xf32, #tpu.memory_space<vmem>>
          %dma_wait3A_467 = arith.constant 0 : i32
          %dma_wait3A_468 = arith.constant 0 : i32
          %dma_wait3A_469 = tpu.memref_slice %arg4[%dma_wait3A_467, %dma_wait3A_468] : memref<16384x4096xf32, #tpu.memory_space<hbm>> -> memref<1x4096xf32, #tpu.memory_space<hbm>>
          %dma_wait3A_470 = arith.constant 0 : i32
          %dma_wait3A_471 = arith.constant 0 : i32
          %dma_wait3A_472 = tpu.memref_slice %arg4[%dma_wait3A_470, %dma_wait3A_471] : memref<16384x4096xf32, #tpu.memory_space<hbm>> -> memref<1x4096xf32, #tpu.memory_space<hbm>>
          %dma_wait3A_473 = arith.constant 0 : i32
          %dma_wait3A_474 = arith.constant 0 : i32
          %dma_wait3A_475 = tpu.memref_slice %arg8[%dma_wait3A_473, %dma_wait3A_474] : memref<8x4096xf32, #tpu.memory_space<vmem>> -> memref<1x4096xf32, #tpu.memory_space<vmem>>
          tpu.wait_dma2 semaphore(%arg12 : memref<!tpu.dma_semaphore, #tpu.memory_space<semaphore_mem>>) src(%dma_wait3A_475 : memref<1x4096xf32, #tpu.memory_space<vmem>>) dst(%dma_wait3A_472 : memref<1x4096xf32, #tpu.memory_space<hbm>>)
        } else {
        }
        %mul3A_352 = arith.constant 16 : i32
        %mul3A_353 = arith.muli %while3A_237, %mul3A_352 : i32
        %add3A_354 = arith.constant 8 : i32
        %add3A_355 = arith.addi %mul3A_353, %add3A_354 : i32
        %lt3A_356 = arith.cmpi slt, %add3A_355, %reduce_max3A_96 : i32
        %convert_element_type3A_357 = arith.extui %lt3A_356 : i1 to i32
        %cond3A_358 = arith.constant 0 : i32
        %cond3A_359 = arith.cmpi ne, %convert_element_type3A_357, %cond3A_358 : i32
        scf.if %cond3A_359 {
          %slice3A = vector.extract_strided_slice %get3A_240 {offsets = [8], sizes = [1], strides = [1]} : vector<16xi32> to vector<1xi32>
          %squeeze3A = vector.extract %slice3A[0] : i32 from vector<1xi32>
          %and3A_464 = arith.constant 7 : i32
          %and3A_465 = arith.andi %squeeze3A, %and3A_464 : i32
          %shift_right_arithmetic3A = arith.constant 3 : i32
          %shift_right_arithmetic3A_466 = arith.shrsi %squeeze3A, %shift_right_arithmetic3A : i32
          %dma_start3A_467 = arith.constant 0 : i32
          %dma_start3A_468 = tpu.memref_slice %arg8[%and3A_465, %dma_start3A_467] : memref<8x4096xf32, #tpu.memory_space<vmem>> -> memref<1x4096xf32, #tpu.memory_space<vmem>>
          %dma_start3A_469 = arith.constant 0 : i32
          %dma_start3A_470 = tpu.memref_slice %arg4[%shift_right_arithmetic3A_466, %dma_start3A_469] : memref<16384x4096xf32, #tpu.memory_space<hbm>> -> memref<1x4096xf32, #tpu.memory_space<hbm>>
          %dma_start3A_471 = arith.constant 0 : i32
          %dma_start3A_472 = tpu.memref_slice %arg4[%shift_right_arithmetic3A_466, %dma_start3A_471] : memref<16384x4096xf32, #tpu.memory_space<hbm>> -> memref<1x4096xf32, #tpu.memory_space<hbm>>
          %dma_start3A_473 = arith.constant 0 : i32
          %dma_start3A_474 = tpu.memref_slice %arg8[%and3A_465, %dma_start3A_473] : memref<8x4096xf32, #tpu.memory_space<vmem>> -> memref<1x4096xf32, #tpu.memory_space<vmem>>
          tpu.enqueue_dma source(%dma_start3A_474 : memref<1x4096xf32, #tpu.memory_space<vmem>>) target(%dma_start3A_472 : memref<1x4096xf32, #tpu.memory_space<hbm>>) target_semaphore(%arg12 : memref<!tpu.dma_semaphore, #tpu.memory_space<semaphore_mem>>)
        } else {
        }
        %ge3A_360 = arith.constant 16 : i32
        %ge3A_361 = arith.cmpi sge, %add3A_355, %ge3A_360 : i32
        %and3A_362 = arith.andi %lt3A_356, %ge3A_361 : i1
        %convert_element_type3A_363 = arith.extui %and3A_362 : i1 to i32
        %cond3A_364 = arith.constant 0 : i32
        %cond3A_365 = arith.cmpi ne, %convert_element_type3A_363, %cond3A_364 : i32
        scf.if %cond3A_365 {
          %dma_wait3A_464 = arith.constant 0 : i32
          %dma_wait3A_465 = arith.constant 0 : i32
          %dma_wait3A_466 = tpu.memref_slice %arg8[%dma_wait3A_464, %dma_wait3A_465] : memref<8x4096xf32, #tpu.memory_space<vmem>> -> memref<1x4096xf32, #tpu.memory_space<vmem>>
          %dma_wait3A_467 = arith.constant 0 : i32
          %dma_wait3A_468 = arith.constant 0 : i32
          %dma_wait3A_469 = tpu.memref_slice %arg4[%dma_wait3A_467, %dma_wait3A_468] : memref<16384x4096xf32, #tpu.memory_space<hbm>> -> memref<1x4096xf32, #tpu.memory_space<hbm>>
          %dma_wait3A_470 = arith.constant 0 : i32
          %dma_wait3A_471 = arith.constant 0 : i32
          %dma_wait3A_472 = tpu.memref_slice %arg4[%dma_wait3A_470, %dma_wait3A_471] : memref<16384x4096xf32, #tpu.memory_space<hbm>> -> memref<1x4096xf32, #tpu.memory_space<hbm>>
          %dma_wait3A_473 = arith.constant 0 : i32
          %dma_wait3A_474 = arith.constant 0 : i32
          %dma_wait3A_475 = tpu.memref_slice %arg8[%dma_wait3A_473, %dma_wait3A_474] : memref<8x4096xf32, #tpu.memory_space<vmem>> -> memref<1x4096xf32, #tpu.memory_space<vmem>>
          tpu.wait_dma2 semaphore(%arg12 : memref<!tpu.dma_semaphore, #tpu.memory_space<semaphore_mem>>) src(%dma_wait3A_475 : memref<1x4096xf32, #tpu.memory_space<vmem>>) dst(%dma_wait3A_472 : memref<1x4096xf32, #tpu.memory_space<hbm>>)
        } else {
        }
        %mul3A_366 = arith.constant 16 : i32
        %mul3A_367 = arith.muli %while3A_237, %mul3A_366 : i32
        %add3A_368 = arith.constant 9 : i32
        %add3A_369 = arith.addi %mul3A_367, %add3A_368 : i32
        %lt3A_370 = arith.cmpi slt, %add3A_369, %reduce_max3A_96 : i32
        %convert_element_type3A_371 = arith.extui %lt3A_370 : i1 to i32
        %cond3A_372 = arith.constant 0 : i32
        %cond3A_373 = arith.cmpi ne, %convert_element_type3A_371, %cond3A_372 : i32
        scf.if %cond3A_373 {
          %slice3A = vector.extract_strided_slice %get3A_240 {offsets = [9], sizes = [1], strides = [1]} : vector<16xi32> to vector<1xi32>
          %squeeze3A = vector.extract %slice3A[0] : i32 from vector<1xi32>
          %and3A_464 = arith.constant 7 : i32
          %and3A_465 = arith.andi %squeeze3A, %and3A_464 : i32
          %shift_right_arithmetic3A = arith.constant 3 : i32
          %shift_right_arithmetic3A_466 = arith.shrsi %squeeze3A, %shift_right_arithmetic3A : i32
          %dma_start3A_467 = arith.constant 0 : i32
          %dma_start3A_468 = tpu.memref_slice %arg8[%and3A_465, %dma_start3A_467] : memref<8x4096xf32, #tpu.memory_space<vmem>> -> memref<1x4096xf32, #tpu.memory_space<vmem>>
          %dma_start3A_469 = arith.constant 0 : i32
          %dma_start3A_470 = tpu.memref_slice %arg4[%shift_right_arithmetic3A_466, %dma_start3A_469] : memref<16384x4096xf32, #tpu.memory_space<hbm>> -> memref<1x4096xf32, #tpu.memory_space<hbm>>
          %dma_start3A_471 = arith.constant 0 : i32
          %dma_start3A_472 = tpu.memref_slice %arg4[%shift_right_arithmetic3A_466, %dma_start3A_471] : memref<16384x4096xf32, #tpu.memory_space<hbm>> -> memref<1x4096xf32, #tpu.memory_space<hbm>>
          %dma_start3A_473 = arith.constant 0 : i32
          %dma_start3A_474 = tpu.memref_slice %arg8[%and3A_465, %dma_start3A_473] : memref<8x4096xf32, #tpu.memory_space<vmem>> -> memref<1x4096xf32, #tpu.memory_space<vmem>>
          tpu.enqueue_dma source(%dma_start3A_474 : memref<1x4096xf32, #tpu.memory_space<vmem>>) target(%dma_start3A_472 : memref<1x4096xf32, #tpu.memory_space<hbm>>) target_semaphore(%arg12 : memref<!tpu.dma_semaphore, #tpu.memory_space<semaphore_mem>>)
        } else {
        }
        %ge3A_374 = arith.constant 16 : i32
        %ge3A_375 = arith.cmpi sge, %add3A_369, %ge3A_374 : i32
        %and3A_376 = arith.andi %lt3A_370, %ge3A_375 : i1
        %convert_element_type3A_377 = arith.extui %and3A_376 : i1 to i32
        %cond3A_378 = arith.constant 0 : i32
        %cond3A_379 = arith.cmpi ne, %convert_element_type3A_377, %cond3A_378 : i32
        scf.if %cond3A_379 {
          %dma_wait3A_464 = arith.constant 0 : i32
          %dma_wait3A_465 = arith.constant 0 : i32
          %dma_wait3A_466 = tpu.memref_slice %arg8[%dma_wait3A_464, %dma_wait3A_465] : memref<8x4096xf32, #tpu.memory_space<vmem>> -> memref<1x4096xf32, #tpu.memory_space<vmem>>
          %dma_wait3A_467 = arith.constant 0 : i32
          %dma_wait3A_468 = arith.constant 0 : i32
          %dma_wait3A_469 = tpu.memref_slice %arg4[%dma_wait3A_467, %dma_wait3A_468] : memref<16384x4096xf32, #tpu.memory_space<hbm>> -> memref<1x4096xf32, #tpu.memory_space<hbm>>
          %dma_wait3A_470 = arith.constant 0 : i32
          %dma_wait3A_471 = arith.constant 0 : i32
          %dma_wait3A_472 = tpu.memref_slice %arg4[%dma_wait3A_470, %dma_wait3A_471] : memref<16384x4096xf32, #tpu.memory_space<hbm>> -> memref<1x4096xf32, #tpu.memory_space<hbm>>
          %dma_wait3A_473 = arith.constant 0 : i32
          %dma_wait3A_474 = arith.constant 0 : i32
          %dma_wait3A_475 = tpu.memref_slice %arg8[%dma_wait3A_473, %dma_wait3A_474] : memref<8x4096xf32, #tpu.memory_space<vmem>> -> memref<1x4096xf32, #tpu.memory_space<vmem>>
          tpu.wait_dma2 semaphore(%arg12 : memref<!tpu.dma_semaphore, #tpu.memory_space<semaphore_mem>>) src(%dma_wait3A_475 : memref<1x4096xf32, #tpu.memory_space<vmem>>) dst(%dma_wait3A_472 : memref<1x4096xf32, #tpu.memory_space<hbm>>)
        } else {
        }
        %mul3A_380 = arith.constant 16 : i32
        %mul3A_381 = arith.muli %while3A_237, %mul3A_380 : i32
        %add3A_382 = arith.constant 10 : i32
        %add3A_383 = arith.addi %mul3A_381, %add3A_382 : i32
        %lt3A_384 = arith.cmpi slt, %add3A_383, %reduce_max3A_96 : i32
        %convert_element_type3A_385 = arith.extui %lt3A_384 : i1 to i32
        %cond3A_386 = arith.constant 0 : i32
        %cond3A_387 = arith.cmpi ne, %convert_element_type3A_385, %cond3A_386 : i32
        scf.if %cond3A_387 {
          %slice3A = vector.extract_strided_slice %get3A_240 {offsets = [10], sizes = [1], strides = [1]} : vector<16xi32> to vector<1xi32>
          %squeeze3A = vector.extract %slice3A[0] : i32 from vector<1xi32>
          %and3A_464 = arith.constant 7 : i32
          %and3A_465 = arith.andi %squeeze3A, %and3A_464 : i32
          %shift_right_arithmetic3A = arith.constant 3 : i32
          %shift_right_arithmetic3A_466 = arith.shrsi %squeeze3A, %shift_right_arithmetic3A : i32
          %dma_start3A_467 = arith.constant 0 : i32
          %dma_start3A_468 = tpu.memref_slice %arg8[%and3A_465, %dma_start3A_467] : memref<8x4096xf32, #tpu.memory_space<vmem>> -> memref<1x4096xf32, #tpu.memory_space<vmem>>
          %dma_start3A_469 = arith.constant 0 : i32
          %dma_start3A_470 = tpu.memref_slice %arg4[%shift_right_arithmetic3A_466, %dma_start3A_469] : memref<16384x4096xf32, #tpu.memory_space<hbm>> -> memref<1x4096xf32, #tpu.memory_space<hbm>>
          %dma_start3A_471 = arith.constant 0 : i32
          %dma_start3A_472 = tpu.memref_slice %arg4[%shift_right_arithmetic3A_466, %dma_start3A_471] : memref<16384x4096xf32, #tpu.memory_space<hbm>> -> memref<1x4096xf32, #tpu.memory_space<hbm>>
          %dma_start3A_473 = arith.constant 0 : i32
          %dma_start3A_474 = tpu.memref_slice %arg8[%and3A_465, %dma_start3A_473] : memref<8x4096xf32, #tpu.memory_space<vmem>> -> memref<1x4096xf32, #tpu.memory_space<vmem>>
          tpu.enqueue_dma source(%dma_start3A_474 : memref<1x4096xf32, #tpu.memory_space<vmem>>) target(%dma_start3A_472 : memref<1x4096xf32, #tpu.memory_space<hbm>>) target_semaphore(%arg12 : memref<!tpu.dma_semaphore, #tpu.memory_space<semaphore_mem>>)
        } else {
        }
        %ge3A_388 = arith.constant 16 : i32
        %ge3A_389 = arith.cmpi sge, %add3A_383, %ge3A_388 : i32
        %and3A_390 = arith.andi %lt3A_384, %ge3A_389 : i1
        %convert_element_type3A_391 = arith.extui %and3A_390 : i1 to i32
        %cond3A_392 = arith.constant 0 : i32
        %cond3A_393 = arith.cmpi ne, %convert_element_type3A_391, %cond3A_392 : i32
        scf.if %cond3A_393 {
          %dma_wait3A_464 = arith.constant 0 : i32
          %dma_wait3A_465 = arith.constant 0 : i32
          %dma_wait3A_466 = tpu.memref_slice %arg8[%dma_wait3A_464, %dma_wait3A_465] : memref<8x4096xf32, #tpu.memory_space<vmem>> -> memref<1x4096xf32, #tpu.memory_space<vmem>>
          %dma_wait3A_467 = arith.constant 0 : i32
          %dma_wait3A_468 = arith.constant 0 : i32
          %dma_wait3A_469 = tpu.memref_slice %arg4[%dma_wait3A_467, %dma_wait3A_468] : memref<16384x4096xf32, #tpu.memory_space<hbm>> -> memref<1x4096xf32, #tpu.memory_space<hbm>>
          %dma_wait3A_470 = arith.constant 0 : i32
          %dma_wait3A_471 = arith.constant 0 : i32
          %dma_wait3A_472 = tpu.memref_slice %arg4[%dma_wait3A_470, %dma_wait3A_471] : memref<16384x4096xf32, #tpu.memory_space<hbm>> -> memref<1x4096xf32, #tpu.memory_space<hbm>>
          %dma_wait3A_473 = arith.constant 0 : i32
          %dma_wait3A_474 = arith.constant 0 : i32
          %dma_wait3A_475 = tpu.memref_slice %arg8[%dma_wait3A_473, %dma_wait3A_474] : memref<8x4096xf32, #tpu.memory_space<vmem>> -> memref<1x4096xf32, #tpu.memory_space<vmem>>
          tpu.wait_dma2 semaphore(%arg12 : memref<!tpu.dma_semaphore, #tpu.memory_space<semaphore_mem>>) src(%dma_wait3A_475 : memref<1x4096xf32, #tpu.memory_space<vmem>>) dst(%dma_wait3A_472 : memref<1x4096xf32, #tpu.memory_space<hbm>>)
        } else {
        }
        %mul3A_394 = arith.constant 16 : i32
        %mul3A_395 = arith.muli %while3A_237, %mul3A_394 : i32
        %add3A_396 = arith.constant 11 : i32
        %add3A_397 = arith.addi %mul3A_395, %add3A_396 : i32
        %lt3A_398 = arith.cmpi slt, %add3A_397, %reduce_max3A_96 : i32
        %convert_element_type3A_399 = arith.extui %lt3A_398 : i1 to i32
        %cond3A_400 = arith.constant 0 : i32
        %cond3A_401 = arith.cmpi ne, %convert_element_type3A_399, %cond3A_400 : i32
        scf.if %cond3A_401 {
          %slice3A = vector.extract_strided_slice %get3A_240 {offsets = [11], sizes = [1], strides = [1]} : vector<16xi32> to vector<1xi32>
          %squeeze3A = vector.extract %slice3A[0] : i32 from vector<1xi32>
          %and3A_464 = arith.constant 7 : i32
          %and3A_465 = arith.andi %squeeze3A, %and3A_464 : i32
          %shift_right_arithmetic3A = arith.constant 3 : i32
          %shift_right_arithmetic3A_466 = arith.shrsi %squeeze3A, %shift_right_arithmetic3A : i32
          %dma_start3A_467 = arith.constant 0 : i32
          %dma_start3A_468 = tpu.memref_slice %arg8[%and3A_465, %dma_start3A_467] : memref<8x4096xf32, #tpu.memory_space<vmem>> -> memref<1x4096xf32, #tpu.memory_space<vmem>>
          %dma_start3A_469 = arith.constant 0 : i32
          %dma_start3A_470 = tpu.memref_slice %arg4[%shift_right_arithmetic3A_466, %dma_start3A_469] : memref<16384x4096xf32, #tpu.memory_space<hbm>> -> memref<1x4096xf32, #tpu.memory_space<hbm>>
          %dma_start3A_471 = arith.constant 0 : i32
          %dma_start3A_472 = tpu.memref_slice %arg4[%shift_right_arithmetic3A_466, %dma_start3A_471] : memref<16384x4096xf32, #tpu.memory_space<hbm>> -> memref<1x4096xf32, #tpu.memory_space<hbm>>
          %dma_start3A_473 = arith.constant 0 : i32
          %dma_start3A_474 = tpu.memref_slice %arg8[%and3A_465, %dma_start3A_473] : memref<8x4096xf32, #tpu.memory_space<vmem>> -> memref<1x4096xf32, #tpu.memory_space<vmem>>
          tpu.enqueue_dma source(%dma_start3A_474 : memref<1x4096xf32, #tpu.memory_space<vmem>>) target(%dma_start3A_472 : memref<1x4096xf32, #tpu.memory_space<hbm>>) target_semaphore(%arg12 : memref<!tpu.dma_semaphore, #tpu.memory_space<semaphore_mem>>)
        } else {
        }
        %ge3A_402 = arith.constant 16 : i32
        %ge3A_403 = arith.cmpi sge, %add3A_397, %ge3A_402 : i32
        %and3A_404 = arith.andi %lt3A_398, %ge3A_403 : i1
        %convert_element_type3A_405 = arith.extui %and3A_404 : i1 to i32
        %cond3A_406 = arith.constant 0 : i32
        %cond3A_407 = arith.cmpi ne, %convert_element_type3A_405, %cond3A_406 : i32
        scf.if %cond3A_407 {
          %dma_wait3A_464 = arith.constant 0 : i32
          %dma_wait3A_465 = arith.constant 0 : i32
          %dma_wait3A_466 = tpu.memref_slice %arg8[%dma_wait3A_464, %dma_wait3A_465] : memref<8x4096xf32, #tpu.memory_space<vmem>> -> memref<1x4096xf32, #tpu.memory_space<vmem>>
          %dma_wait3A_467 = arith.constant 0 : i32
          %dma_wait3A_468 = arith.constant 0 : i32
          %dma_wait3A_469 = tpu.memref_slice %arg4[%dma_wait3A_467, %dma_wait3A_468] : memref<16384x4096xf32, #tpu.memory_space<hbm>> -> memref<1x4096xf32, #tpu.memory_space<hbm>>
          %dma_wait3A_470 = arith.constant 0 : i32
          %dma_wait3A_471 = arith.constant 0 : i32
          %dma_wait3A_472 = tpu.memref_slice %arg4[%dma_wait3A_470, %dma_wait3A_471] : memref<16384x4096xf32, #tpu.memory_space<hbm>> -> memref<1x4096xf32, #tpu.memory_space<hbm>>
          %dma_wait3A_473 = arith.constant 0 : i32
          %dma_wait3A_474 = arith.constant 0 : i32
          %dma_wait3A_475 = tpu.memref_slice %arg8[%dma_wait3A_473, %dma_wait3A_474] : memref<8x4096xf32, #tpu.memory_space<vmem>> -> memref<1x4096xf32, #tpu.memory_space<vmem>>
          tpu.wait_dma2 semaphore(%arg12 : memref<!tpu.dma_semaphore, #tpu.memory_space<semaphore_mem>>) src(%dma_wait3A_475 : memref<1x4096xf32, #tpu.memory_space<vmem>>) dst(%dma_wait3A_472 : memref<1x4096xf32, #tpu.memory_space<hbm>>)
        } else {
        }
        %mul3A_408 = arith.constant 16 : i32
        %mul3A_409 = arith.muli %while3A_237, %mul3A_408 : i32
        %add3A_410 = arith.constant 12 : i32
        %add3A_411 = arith.addi %mul3A_409, %add3A_410 : i32
        %lt3A_412 = arith.cmpi slt, %add3A_411, %reduce_max3A_96 : i32
        %convert_element_type3A_413 = arith.extui %lt3A_412 : i1 to i32
        %cond3A_414 = arith.constant 0 : i32
        %cond3A_415 = arith.cmpi ne, %convert_element_type3A_413, %cond3A_414 : i32
        scf.if %cond3A_415 {
          %slice3A = vector.extract_strided_slice %get3A_240 {offsets = [12], sizes = [1], strides = [1]} : vector<16xi32> to vector<1xi32>
          %squeeze3A = vector.extract %slice3A[0] : i32 from vector<1xi32>
          %and3A_464 = arith.constant 7 : i32
          %and3A_465 = arith.andi %squeeze3A, %and3A_464 : i32
          %shift_right_arithmetic3A = arith.constant 3 : i32
          %shift_right_arithmetic3A_466 = arith.shrsi %squeeze3A, %shift_right_arithmetic3A : i32
          %dma_start3A_467 = arith.constant 0 : i32
          %dma_start3A_468 = tpu.memref_slice %arg8[%and3A_465, %dma_start3A_467] : memref<8x4096xf32, #tpu.memory_space<vmem>> -> memref<1x4096xf32, #tpu.memory_space<vmem>>
          %dma_start3A_469 = arith.constant 0 : i32
          %dma_start3A_470 = tpu.memref_slice %arg4[%shift_right_arithmetic3A_466, %dma_start3A_469] : memref<16384x4096xf32, #tpu.memory_space<hbm>> -> memref<1x4096xf32, #tpu.memory_space<hbm>>
          %dma_start3A_471 = arith.constant 0 : i32
          %dma_start3A_472 = tpu.memref_slice %arg4[%shift_right_arithmetic3A_466, %dma_start3A_471] : memref<16384x4096xf32, #tpu.memory_space<hbm>> -> memref<1x4096xf32, #tpu.memory_space<hbm>>
          %dma_start3A_473 = arith.constant 0 : i32
          %dma_start3A_474 = tpu.memref_slice %arg8[%and3A_465, %dma_start3A_473] : memref<8x4096xf32, #tpu.memory_space<vmem>> -> memref<1x4096xf32, #tpu.memory_space<vmem>>
          tpu.enqueue_dma source(%dma_start3A_474 : memref<1x4096xf32, #tpu.memory_space<vmem>>) target(%dma_start3A_472 : memref<1x4096xf32, #tpu.memory_space<hbm>>) target_semaphore(%arg12 : memref<!tpu.dma_semaphore, #tpu.memory_space<semaphore_mem>>)
        } else {
        }
        %ge3A_416 = arith.constant 16 : i32
        %ge3A_417 = arith.cmpi sge, %add3A_411, %ge3A_416 : i32
        %and3A_418 = arith.andi %lt3A_412, %ge3A_417 : i1
        %convert_element_type3A_419 = arith.extui %and3A_418 : i1 to i32
        %cond3A_420 = arith.constant 0 : i32
        %cond3A_421 = arith.cmpi ne, %convert_element_type3A_419, %cond3A_420 : i32
        scf.if %cond3A_421 {
          %dma_wait3A_464 = arith.constant 0 : i32
          %dma_wait3A_465 = arith.constant 0 : i32
          %dma_wait3A_466 = tpu.memref_slice %arg8[%dma_wait3A_464, %dma_wait3A_465] : memref<8x4096xf32, #tpu.memory_space<vmem>> -> memref<1x4096xf32, #tpu.memory_space<vmem>>
          %dma_wait3A_467 = arith.constant 0 : i32
          %dma_wait3A_468 = arith.constant 0 : i32
          %dma_wait3A_469 = tpu.memref_slice %arg4[%dma_wait3A_467, %dma_wait3A_468] : memref<16384x4096xf32, #tpu.memory_space<hbm>> -> memref<1x4096xf32, #tpu.memory_space<hbm>>
          %dma_wait3A_470 = arith.constant 0 : i32
          %dma_wait3A_471 = arith.constant 0 : i32
          %dma_wait3A_472 = tpu.memref_slice %arg4[%dma_wait3A_470, %dma_wait3A_471] : memref<16384x4096xf32, #tpu.memory_space<hbm>> -> memref<1x4096xf32, #tpu.memory_space<hbm>>
          %dma_wait3A_473 = arith.constant 0 : i32
          %dma_wait3A_474 = arith.constant 0 : i32
          %dma_wait3A_475 = tpu.memref_slice %arg8[%dma_wait3A_473, %dma_wait3A_474] : memref<8x4096xf32, #tpu.memory_space<vmem>> -> memref<1x4096xf32, #tpu.memory_space<vmem>>
          tpu.wait_dma2 semaphore(%arg12 : memref<!tpu.dma_semaphore, #tpu.memory_space<semaphore_mem>>) src(%dma_wait3A_475 : memref<1x4096xf32, #tpu.memory_space<vmem>>) dst(%dma_wait3A_472 : memref<1x4096xf32, #tpu.memory_space<hbm>>)
        } else {
        }
        %mul3A_422 = arith.constant 16 : i32
        %mul3A_423 = arith.muli %while3A_237, %mul3A_422 : i32
        %add3A_424 = arith.constant 13 : i32
        %add3A_425 = arith.addi %mul3A_423, %add3A_424 : i32
        %lt3A_426 = arith.cmpi slt, %add3A_425, %reduce_max3A_96 : i32
        %convert_element_type3A_427 = arith.extui %lt3A_426 : i1 to i32
        %cond3A_428 = arith.constant 0 : i32
        %cond3A_429 = arith.cmpi ne, %convert_element_type3A_427, %cond3A_428 : i32
        scf.if %cond3A_429 {
          %slice3A = vector.extract_strided_slice %get3A_240 {offsets = [13], sizes = [1], strides = [1]} : vector<16xi32> to vector<1xi32>
          %squeeze3A = vector.extract %slice3A[0] : i32 from vector<1xi32>
          %and3A_464 = arith.constant 7 : i32
          %and3A_465 = arith.andi %squeeze3A, %and3A_464 : i32
          %shift_right_arithmetic3A = arith.constant 3 : i32
          %shift_right_arithmetic3A_466 = arith.shrsi %squeeze3A, %shift_right_arithmetic3A : i32
          %dma_start3A_467 = arith.constant 0 : i32
          %dma_start3A_468 = tpu.memref_slice %arg8[%and3A_465, %dma_start3A_467] : memref<8x4096xf32, #tpu.memory_space<vmem>> -> memref<1x4096xf32, #tpu.memory_space<vmem>>
          %dma_start3A_469 = arith.constant 0 : i32
          %dma_start3A_470 = tpu.memref_slice %arg4[%shift_right_arithmetic3A_466, %dma_start3A_469] : memref<16384x4096xf32, #tpu.memory_space<hbm>> -> memref<1x4096xf32, #tpu.memory_space<hbm>>
          %dma_start3A_471 = arith.constant 0 : i32
          %dma_start3A_472 = tpu.memref_slice %arg4[%shift_right_arithmetic3A_466, %dma_start3A_471] : memref<16384x4096xf32, #tpu.memory_space<hbm>> -> memref<1x4096xf32, #tpu.memory_space<hbm>>
          %dma_start3A_473 = arith.constant 0 : i32
          %dma_start3A_474 = tpu.memref_slice %arg8[%and3A_465, %dma_start3A_473] : memref<8x4096xf32, #tpu.memory_space<vmem>> -> memref<1x4096xf32, #tpu.memory_space<vmem>>
          tpu.enqueue_dma source(%dma_start3A_474 : memref<1x4096xf32, #tpu.memory_space<vmem>>) target(%dma_start3A_472 : memref<1x4096xf32, #tpu.memory_space<hbm>>) target_semaphore(%arg12 : memref<!tpu.dma_semaphore, #tpu.memory_space<semaphore_mem>>)
        } else {
        }
        %ge3A_430 = arith.constant 16 : i32
        %ge3A_431 = arith.cmpi sge, %add3A_425, %ge3A_430 : i32
        %and3A_432 = arith.andi %lt3A_426, %ge3A_431 : i1
        %convert_element_type3A_433 = arith.extui %and3A_432 : i1 to i32
        %cond3A_434 = arith.constant 0 : i32
        %cond3A_435 = arith.cmpi ne, %convert_element_type3A_433, %cond3A_434 : i32
        scf.if %cond3A_435 {
          %dma_wait3A_464 = arith.constant 0 : i32
          %dma_wait3A_465 = arith.constant 0 : i32
          %dma_wait3A_466 = tpu.memref_slice %arg8[%dma_wait3A_464, %dma_wait3A_465] : memref<8x4096xf32, #tpu.memory_space<vmem>> -> memref<1x4096xf32, #tpu.memory_space<vmem>>
          %dma_wait3A_467 = arith.constant 0 : i32
          %dma_wait3A_468 = arith.constant 0 : i32
          %dma_wait3A_469 = tpu.memref_slice %arg4[%dma_wait3A_467, %dma_wait3A_468] : memref<16384x4096xf32, #tpu.memory_space<hbm>> -> memref<1x4096xf32, #tpu.memory_space<hbm>>
          %dma_wait3A_470 = arith.constant 0 : i32
          %dma_wait3A_471 = arith.constant 0 : i32
          %dma_wait3A_472 = tpu.memref_slice %arg4[%dma_wait3A_470, %dma_wait3A_471] : memref<16384x4096xf32, #tpu.memory_space<hbm>> -> memref<1x4096xf32, #tpu.memory_space<hbm>>
          %dma_wait3A_473 = arith.constant 0 : i32
          %dma_wait3A_474 = arith.constant 0 : i32
          %dma_wait3A_475 = tpu.memref_slice %arg8[%dma_wait3A_473, %dma_wait3A_474] : memref<8x4096xf32, #tpu.memory_space<vmem>> -> memref<1x4096xf32, #tpu.memory_space<vmem>>
          tpu.wait_dma2 semaphore(%arg12 : memref<!tpu.dma_semaphore, #tpu.memory_space<semaphore_mem>>) src(%dma_wait3A_475 : memref<1x4096xf32, #tpu.memory_space<vmem>>) dst(%dma_wait3A_472 : memref<1x4096xf32, #tpu.memory_space<hbm>>)
        } else {
        }
        %mul3A_436 = arith.constant 16 : i32
        %mul3A_437 = arith.muli %while3A_237, %mul3A_436 : i32
        %add3A_438 = arith.constant 14 : i32
        %add3A_439 = arith.addi %mul3A_437, %add3A_438 : i32
        %lt3A_440 = arith.cmpi slt, %add3A_439, %reduce_max3A_96 : i32
        %convert_element_type3A_441 = arith.extui %lt3A_440 : i1 to i32
        %cond3A_442 = arith.constant 0 : i32
        %cond3A_443 = arith.cmpi ne, %convert_element_type3A_441, %cond3A_442 : i32
        scf.if %cond3A_443 {
          %slice3A = vector.extract_strided_slice %get3A_240 {offsets = [14], sizes = [1], strides = [1]} : vector<16xi32> to vector<1xi32>
          %squeeze3A = vector.extract %slice3A[0] : i32 from vector<1xi32>
          %and3A_464 = arith.constant 7 : i32
          %and3A_465 = arith.andi %squeeze3A, %and3A_464 : i32
          %shift_right_arithmetic3A = arith.constant 3 : i32
          %shift_right_arithmetic3A_466 = arith.shrsi %squeeze3A, %shift_right_arithmetic3A : i32
          %dma_start3A_467 = arith.constant 0 : i32
          %dma_start3A_468 = tpu.memref_slice %arg8[%and3A_465, %dma_start3A_467] : memref<8x4096xf32, #tpu.memory_space<vmem>> -> memref<1x4096xf32, #tpu.memory_space<vmem>>
          %dma_start3A_469 = arith.constant 0 : i32
          %dma_start3A_470 = tpu.memref_slice %arg4[%shift_right_arithmetic3A_466, %dma_start3A_469] : memref<16384x4096xf32, #tpu.memory_space<hbm>> -> memref<1x4096xf32, #tpu.memory_space<hbm>>
          %dma_start3A_471 = arith.constant 0 : i32
          %dma_start3A_472 = tpu.memref_slice %arg4[%shift_right_arithmetic3A_466, %dma_start3A_471] : memref<16384x4096xf32, #tpu.memory_space<hbm>> -> memref<1x4096xf32, #tpu.memory_space<hbm>>
          %dma_start3A_473 = arith.constant 0 : i32
          %dma_start3A_474 = tpu.memref_slice %arg8[%and3A_465, %dma_start3A_473] : memref<8x4096xf32, #tpu.memory_space<vmem>> -> memref<1x4096xf32, #tpu.memory_space<vmem>>
          tpu.enqueue_dma source(%dma_start3A_474 : memref<1x4096xf32, #tpu.memory_space<vmem>>) target(%dma_start3A_472 : memref<1x4096xf32, #tpu.memory_space<hbm>>) target_semaphore(%arg12 : memref<!tpu.dma_semaphore, #tpu.memory_space<semaphore_mem>>)
        } else {
        }
        %ge3A_444 = arith.constant 16 : i32
        %ge3A_445 = arith.cmpi sge, %add3A_439, %ge3A_444 : i32
        %and3A_446 = arith.andi %lt3A_440, %ge3A_445 : i1
        %convert_element_type3A_447 = arith.extui %and3A_446 : i1 to i32
        %cond3A_448 = arith.constant 0 : i32
        %cond3A_449 = arith.cmpi ne, %convert_element_type3A_447, %cond3A_448 : i32
        scf.if %cond3A_449 {
          %dma_wait3A_464 = arith.constant 0 : i32
          %dma_wait3A_465 = arith.constant 0 : i32
          %dma_wait3A_466 = tpu.memref_slice %arg8[%dma_wait3A_464, %dma_wait3A_465] : memref<8x4096xf32, #tpu.memory_space<vmem>> -> memref<1x4096xf32, #tpu.memory_space<vmem>>
          %dma_wait3A_467 = arith.constant 0 : i32
          %dma_wait3A_468 = arith.constant 0 : i32
          %dma_wait3A_469 = tpu.memref_slice %arg4[%dma_wait3A_467, %dma_wait3A_468] : memref<16384x4096xf32, #tpu.memory_space<hbm>> -> memref<1x4096xf32, #tpu.memory_space<hbm>>
          %dma_wait3A_470 = arith.constant 0 : i32
          %dma_wait3A_471 = arith.constant 0 : i32
          %dma_wait3A_472 = tpu.memref_slice %arg4[%dma_wait3A_470, %dma_wait3A_471] : memref<16384x4096xf32, #tpu.memory_space<hbm>> -> memref<1x4096xf32, #tpu.memory_space<hbm>>
          %dma_wait3A_473 = arith.constant 0 : i32
          %dma_wait3A_474 = arith.constant 0 : i32
          %dma_wait3A_475 = tpu.memref_slice %arg8[%dma_wait3A_473, %dma_wait3A_474] : memref<8x4096xf32, #tpu.memory_space<vmem>> -> memref<1x4096xf32, #tpu.memory_space<vmem>>
          tpu.wait_dma2 semaphore(%arg12 : memref<!tpu.dma_semaphore, #tpu.memory_space<semaphore_mem>>) src(%dma_wait3A_475 : memref<1x4096xf32, #tpu.memory_space<vmem>>) dst(%dma_wait3A_472 : memref<1x4096xf32, #tpu.memory_space<hbm>>)
        } else {
        }
        %mul3A_450 = arith.constant 16 : i32
        %mul3A_451 = arith.muli %while3A_237, %mul3A_450 : i32
        %add3A_452 = arith.constant 15 : i32
        %add3A_453 = arith.addi %mul3A_451, %add3A_452 : i32
        %lt3A_454 = arith.cmpi slt, %add3A_453, %reduce_max3A_96 : i32
        %convert_element_type3A_455 = arith.extui %lt3A_454 : i1 to i32
        %cond3A_456 = arith.constant 0 : i32
        %cond3A_457 = arith.cmpi ne, %convert_element_type3A_455, %cond3A_456 : i32
        scf.if %cond3A_457 {
          %slice3A = vector.extract_strided_slice %get3A_240 {offsets = [15], sizes = [1], strides = [1]} : vector<16xi32> to vector<1xi32>
          %squeeze3A = vector.extract %slice3A[0] : i32 from vector<1xi32>
          %and3A_464 = arith.constant 7 : i32
          %and3A_465 = arith.andi %squeeze3A, %and3A_464 : i32
          %shift_right_arithmetic3A = arith.constant 3 : i32
          %shift_right_arithmetic3A_466 = arith.shrsi %squeeze3A, %shift_right_arithmetic3A : i32
          %dma_start3A_467 = arith.constant 0 : i32
          %dma_start3A_468 = tpu.memref_slice %arg8[%and3A_465, %dma_start3A_467] : memref<8x4096xf32, #tpu.memory_space<vmem>> -> memref<1x4096xf32, #tpu.memory_space<vmem>>
          %dma_start3A_469 = arith.constant 0 : i32
          %dma_start3A_470 = tpu.memref_slice %arg4[%shift_right_arithmetic3A_466, %dma_start3A_469] : memref<16384x4096xf32, #tpu.memory_space<hbm>> -> memref<1x4096xf32, #tpu.memory_space<hbm>>
          %dma_start3A_471 = arith.constant 0 : i32
          %dma_start3A_472 = tpu.memref_slice %arg4[%shift_right_arithmetic3A_466, %dma_start3A_471] : memref<16384x4096xf32, #tpu.memory_space<hbm>> -> memref<1x4096xf32, #tpu.memory_space<hbm>>
          %dma_start3A_473 = arith.constant 0 : i32
          %dma_start3A_474 = tpu.memref_slice %arg8[%and3A_465, %dma_start3A_473] : memref<8x4096xf32, #tpu.memory_space<vmem>> -> memref<1x4096xf32, #tpu.memory_space<vmem>>
          tpu.enqueue_dma source(%dma_start3A_474 : memref<1x4096xf32, #tpu.memory_space<vmem>>) target(%dma_start3A_472 : memref<1x4096xf32, #tpu.memory_space<hbm>>) target_semaphore(%arg12 : memref<!tpu.dma_semaphore, #tpu.memory_space<semaphore_mem>>)
        } else {
        }
        %ge3A_458 = arith.constant 16 : i32
        %ge3A_459 = arith.cmpi sge, %add3A_453, %ge3A_458 : i32
        %and3A_460 = arith.andi %lt3A_454, %ge3A_459 : i1
        %convert_element_type3A_461 = arith.extui %and3A_460 : i1 to i32
        %cond3A_462 = arith.constant 0 : i32
        %cond3A_463 = arith.cmpi ne, %convert_element_type3A_461, %cond3A_462 : i32
        scf.if %cond3A_463 {
          %dma_wait3A_464 = arith.constant 0 : i32
          %dma_wait3A_465 = arith.constant 0 : i32
          %dma_wait3A_466 = tpu.memref_slice %arg8[%dma_wait3A_464, %dma_wait3A_465] : memref<8x4096xf32, #tpu.memory_space<vmem>> -> memref<1x4096xf32, #tpu.memory_space<vmem>>
          %dma_wait3A_467 = arith.constant 0 : i32
          %dma_wait3A_468 = arith.constant 0 : i32
          %dma_wait3A_469 = tpu.memref_slice %arg4[%dma_wait3A_467, %dma_wait3A_468] : memref<16384x4096xf32, #tpu.memory_space<hbm>> -> memref<1x4096xf32, #tpu.memory_space<hbm>>
          %dma_wait3A_470 = arith.constant 0 : i32
          %dma_wait3A_471 = arith.constant 0 : i32
          %dma_wait3A_472 = tpu.memref_slice %arg4[%dma_wait3A_470, %dma_wait3A_471] : memref<16384x4096xf32, #tpu.memory_space<hbm>> -> memref<1x4096xf32, #tpu.memory_space<hbm>>
          %dma_wait3A_473 = arith.constant 0 : i32
          %dma_wait3A_474 = arith.constant 0 : i32
          %dma_wait3A_475 = tpu.memref_slice %arg8[%dma_wait3A_473, %dma_wait3A_474] : memref<8x4096xf32, #tpu.memory_space<vmem>> -> memref<1x4096xf32, #tpu.memory_space<vmem>>
          tpu.wait_dma2 semaphore(%arg12 : memref<!tpu.dma_semaphore, #tpu.memory_space<semaphore_mem>>) src(%dma_wait3A_475 : memref<1x4096xf32, #tpu.memory_space<vmem>>) dst(%dma_wait3A_472 : memref<1x4096xf32, #tpu.memory_space<hbm>>)
        } else {
        }
      }
      %add3A_154 = arith.constant 1 : i32
      %add3A_155 = arith.addi %mul3A_75, %add3A_154 : i32
      %while3A_156 = arith.constant 0 : i32
      %while3A_157 = arith.subi %select_n3A, %while3A_156 : i32
      %while3A_158 = arith.addi %while3A_156, %while3A_157 : i32
      %while3A_159 = arith.constant 1 : i32
      %while3A_160 = arith.divsi %while3A_157, %while3A_159 : i32
      %while3A_161 = arith.muli %while3A_160, %while3A_159 : i32
      %while3A_162 = arith.addi %while3A_156, %while3A_161 : i32
      %while3A_163 = arith.constant 1 : i32
      %while3A_164 = scf.for %while3A_237 = %while3A_156 to %while3A_162 step %while3A_163 iter_args(%while3A_238 = %broadcast_in_dim3A_10) -> (vector<16xi32>)  : i32 {
        %mul3A_239 = arith.constant 16 : i32
        %mul3A_240 = arith.muli %while3A_237, %mul3A_239 : i32
        %get3A = arith.index_cast %mul3A_240 : i32 to index
        %get3A_241 = tpu.vector_load %arg6[%get3A] {strides = array<i32>} : memref<16384xi32, #tpu.memory_space<vmem>>, vector<16xi32>,
        %and3A_242 = arith.constant 255 : i32
        %and3A_243 = vector.broadcast %and3A_242 : i32 to vector<16xi32>
        %and3A_244 = arith.andi %get3A_241, %and3A_243 : vector<16xi32>
        %mul3A_245 = arith.constant 8 : i32
        %mul3A_246 = arith.muli %add3A_155, %mul3A_245 : i32
        %ge3A = vector.broadcast %mul3A_246 : i32 to vector<16xi32>
        %ge3A_247 = arith.cmpi sge, %and3A_244, %ge3A : vector<16xi32>
        %add3A_248 = arith.constant 1 : i32
        %add3A_249 = arith.addi %add3A_155, %add3A_248 : i32
        %mul3A_250 = arith.constant 8 : i32
        %mul3A_251 = arith.muli %add3A_249, %mul3A_250 : i32
        %lt3A_252 = vector.broadcast %mul3A_251 : i32 to vector<16xi32>
        %lt3A_253 = arith.cmpi slt, %and3A_244, %lt3A_252 : vector<16xi32>
        %and3A_254 = arith.andi %ge3A_247, %lt3A_253 : vector<16xi1>
        %mul3A_255 = arith.constant 16 : i32
        %mul3A_256 = arith.muli %while3A_237, %mul3A_255 : i32
        %add3A_257 = vector.broadcast %mul3A_256 : i32 to vector<16xi32>
        %add3A_258 = arith.addi %iota3A, %add3A_257 : vector<16xi32>
        %lt3A_259 = vector.broadcast %reduce_max3A_22 : i32 to vector<16xi32>
        %lt3A_260 = arith.cmpi slt, %add3A_258, %lt3A_259 : vector<16xi32>
        %and3A_261 = arith.andi %and3A_254, %lt3A_260 : vector<16xi1>
        %shift_right_arithmetic3A = arith.constant 8 : i32
        %shift_right_arithmetic3A_262 = vector.broadcast %shift_right_arithmetic3A : i32 to vector<16xi32>
        %shift_right_arithmetic3A_263 = arith.shrsi %get3A_241, %shift_right_arithmetic3A_262 : vector<16xi32>
        %mul3A_264 = arith.constant 8 : i32
        %mul3A_265 = vector.broadcast %mul3A_264 : i32 to vector<16xi32>
        %mul3A_266 = arith.muli %shift_right_arithmetic3A_263, %mul3A_265 : vector<16xi32>
        %and3A_267 = arith.constant 7 : i32
        %and3A_268 = vector.broadcast %and3A_267 : i32 to vector<16xi32>
        %and3A_269 = arith.andi %and3A_244, %and3A_268 : vector<16xi32>
        %add3A_270 = arith.addi %mul3A_266, %and3A_269 : vector<16xi32>
        %select_n3A_271 = arith.select %and3A_261, %broadcast_in_dim3A_8, %broadcast_in_dim3A_10 : vector<16xi1>, vector<16xi32>
        %broadcast_in_dim3A_272 = arith.constant true
        %broadcast_in_dim3A_273 = vector.broadcast %broadcast_in_dim3A_272 : i1 to vector<16xi1>
        %masked_cumsum3A = tpu.scan <sum>, %select_n3A_271 masked %broadcast_in_dim3A_273 : vector<16xi32>, vector<16xi1> -> vector<16xi32>
        %add3A_274 = arith.addi %while3A_238, %masked_cumsum3A : vector<16xi32>
        %sub3A_275 = arith.constant 1 : i32
        %sub3A_276 = vector.broadcast %sub3A_275 : i32 to vector<16xi32>
        %sub3A_277 = arith.subi %add3A_274, %sub3A_276 : vector<16xi32>
        tpu.vector_store_idx %arg7[%sub3A_277], %add3A_270 masked %and3A_261 : memref<16384xi32, #tpu.memory_space<vmem>>[vector<16xi32>], vector<16xi32>, vector<16xi1>
        %all_reduce_population_count3A = tpu.all_reduce %and3A_261 {dim = 0 : i64, kind = #tpu.reduction_kind<sum>} : vector<16xi1> -> vector<16xi32>
        %add3A_278 = arith.addi %while3A_238, %all_reduce_population_count3A : vector<16xi32>
        scf.yield %add3A_278 : vector<16xi32>
      }
      %while3A_165 = arith.constant 1 : i32
      %while3A_166 = scf.for %while3A_237 = %while3A_162 to %while3A_158 step %while3A_165 iter_args(%while3A_238 = %while3A_164) -> (vector<16xi32>)  : i32 {
        %mul3A_239 = arith.constant 16 : i32
        %mul3A_240 = arith.muli %while3A_237, %mul3A_239 : i32
        %get3A = arith.index_cast %mul3A_240 : i32 to index
        %get3A_241 = tpu.vector_load %arg6[%get3A] {strides = array<i32>} : memref<16384xi32, #tpu.memory_space<vmem>>, vector<16xi32>,
        %and3A_242 = arith.constant 255 : i32
        %and3A_243 = vector.broadcast %and3A_242 : i32 to vector<16xi32>
        %and3A_244 = arith.andi %get3A_241, %and3A_243 : vector<16xi32>
        %mul3A_245 = arith.constant 8 : i32
        %mul3A_246 = arith.muli %add3A_155, %mul3A_245 : i32
        %ge3A = vector.broadcast %mul3A_246 : i32 to vector<16xi32>
        %ge3A_247 = arith.cmpi sge, %and3A_244, %ge3A : vector<16xi32>
        %add3A_248 = arith.constant 1 : i32
        %add3A_249 = arith.addi %add3A_155, %add3A_248 : i32
        %mul3A_250 = arith.constant 8 : i32
        %mul3A_251 = arith.muli %add3A_249, %mul3A_250 : i32
        %lt3A_252 = vector.broadcast %mul3A_251 : i32 to vector<16xi32>
        %lt3A_253 = arith.cmpi slt, %and3A_244, %lt3A_252 : vector<16xi32>
        %and3A_254 = arith.andi %ge3A_247, %lt3A_253 : vector<16xi1>
        %mul3A_255 = arith.constant 16 : i32
        %mul3A_256 = arith.muli %while3A_237, %mul3A_255 : i32
        %add3A_257 = vector.broadcast %mul3A_256 : i32 to vector<16xi32>
        %add3A_258 = arith.addi %iota3A, %add3A_257 : vector<16xi32>
        %lt3A_259 = vector.broadcast %reduce_max3A_22 : i32 to vector<16xi32>
        %lt3A_260 = arith.cmpi slt, %add3A_258, %lt3A_259 : vector<16xi32>
        %and3A_261 = arith.andi %and3A_254, %lt3A_260 : vector<16xi1>
        %shift_right_arithmetic3A = arith.constant 8 : i32
        %shift_right_arithmetic3A_262 = vector.broadcast %shift_right_arithmetic3A : i32 to vector<16xi32>
        %shift_right_arithmetic3A_263 = arith.shrsi %get3A_241, %shift_right_arithmetic3A_262 : vector<16xi32>
        %mul3A_264 = arith.constant 8 : i32
        %mul3A_265 = vector.broadcast %mul3A_264 : i32 to vector<16xi32>
        %mul3A_266 = arith.muli %shift_right_arithmetic3A_263, %mul3A_265 : vector<16xi32>
        %and3A_267 = arith.constant 7 : i32
        %and3A_268 = vector.broadcast %and3A_267 : i32 to vector<16xi32>
        %and3A_269 = arith.andi %and3A_244, %and3A_268 : vector<16xi32>
        %add3A_270 = arith.addi %mul3A_266, %and3A_269 : vector<16xi32>
        %select_n3A_271 = arith.select %and3A_261, %broadcast_in_dim3A_8, %broadcast_in_dim3A_10 : vector<16xi1>, vector<16xi32>
        %broadcast_in_dim3A_272 = arith.constant true
        %broadcast_in_dim3A_273 = vector.broadcast %broadcast_in_dim3A_272 : i1 to vector<16xi1>
        %masked_cumsum3A = tpu.scan <sum>, %select_n3A_271 masked %broadcast_in_dim3A_273 : vector<16xi32>, vector<16xi1> -> vector<16xi32>
        %add3A_274 = arith.addi %while3A_238, %masked_cumsum3A : vector<16xi32>
        %sub3A_275 = arith.constant 1 : i32
        %sub3A_276 = vector.broadcast %sub3A_275 : i32 to vector<16xi32>
        %sub3A_277 = arith.subi %add3A_274, %sub3A_276 : vector<16xi32>
        tpu.vector_store_idx %arg7[%sub3A_277], %add3A_270 masked %and3A_261 : memref<16384xi32, #tpu.memory_space<vmem>>[vector<16xi32>], vector<16xi32>, vector<16xi1>
        %all_reduce_population_count3A = tpu.all_reduce %and3A_261 {dim = 0 : i64, kind = #tpu.reduction_kind<sum>} : vector<16xi1> -> vector<16xi32>
        %add3A_278 = arith.addi %while3A_238, %all_reduce_population_count3A : vector<16xi32>
        scf.yield %add3A_278 : vector<16xi32>
      }
      %reduce_max3A_167 = arith.constant true
      %reduce_max3A_168 = vector.broadcast %reduce_max3A_167 : i1 to vector<16xi1>
      %reduce_max3A_169 = arith.constant -2147483648 : i32
      %reduce_max3A_170 = vector.broadcast %reduce_max3A_169 : i32 to vector<16xi32>
      %reduce_max3A_171 = arith.xori %while3A_166, %reduce_max3A_170 : vector<16xi32>
      %reduce_max3A_172 = tpu.scan <max>, %reduce_max3A_171 masked %reduce_max3A_168 : vector<16xi32>, vector<16xi1> -> vector<16xi32>
      %reduce_max3A_173 = arith.xori %reduce_max3A_172, %reduce_max3A_170 : vector<16xi32>
      %reduce_max3A_174 = vector.extract %reduce_max3A_173[15] : i32 from vector<16xi32>
      %min3A_175 = arith.constant 16 : i32
      %min3A_176 = arith.minsi %reduce_max3A_96, %min3A_175 : i32
      %while3A_177 = arith.constant 0 : i32
      %while3A_178 = arith.constant 0 : i32
      %while3A_179 = arith.subi %min3A_176, %while3A_178 : i32
      %while3A_180 = arith.addi %while3A_178, %while3A_179 : i32
      %while3A_181 = arith.constant 1 : i32
      %while3A_182 = arith.divsi %while3A_179, %while3A_181 : i32
      %while3A_183 = arith.muli %while3A_182, %while3A_181 : i32
      %while3A_184 = arith.addi %while3A_178, %while3A_183 : i32
      %while3A_185 = arith.constant 1 : i32
      scf.for %while3A_237 = %while3A_178 to %while3A_184 step %while3A_185  : i32 {
        %dma_wait3A_238 = arith.constant 0 : i32
        %dma_wait3A_239 = arith.constant 0 : i32
        %dma_wait3A_240 = tpu.memref_slice %arg8[%dma_wait3A_238, %dma_wait3A_239] : memref<8x4096xf32, #tpu.memory_space<vmem>> -> memref<1x4096xf32, #tpu.memory_space<vmem>>
        %dma_wait3A_241 = arith.constant 0 : i32
        %dma_wait3A_242 = arith.constant 0 : i32
        %dma_wait3A_243 = tpu.memref_slice %arg4[%dma_wait3A_241, %dma_wait3A_242] : memref<16384x4096xf32, #tpu.memory_space<hbm>> -> memref<1x4096xf32, #tpu.memory_space<hbm>>
        %dma_wait3A_244 = arith.constant 0 : i32
        %dma_wait3A_245 = arith.constant 0 : i32
        %dma_wait3A_246 = tpu.memref_slice %arg4[%dma_wait3A_244, %dma_wait3A_245] : memref<16384x4096xf32, #tpu.memory_space<hbm>> -> memref<1x4096xf32, #tpu.memory_space<hbm>>
        %dma_wait3A_247 = arith.constant 0 : i32
        %dma_wait3A_248 = arith.constant 0 : i32
        %dma_wait3A_249 = tpu.memref_slice %arg8[%dma_wait3A_247, %dma_wait3A_248] : memref<8x4096xf32, #tpu.memory_space<vmem>> -> memref<1x4096xf32, #tpu.memory_space<vmem>>
        tpu.wait_dma2 semaphore(%arg12 : memref<!tpu.dma_semaphore, #tpu.memory_space<semaphore_mem>>) src(%dma_wait3A_249 : memref<1x4096xf32, #tpu.memory_space<vmem>>) dst(%dma_wait3A_246 : memref<1x4096xf32, #tpu.memory_space<hbm>>)
      }
      %while3A_186 = arith.constant 1 : i32
      scf.for %while3A_237 = %while3A_184 to %while3A_180 step %while3A_186  : i32 {
        %dma_wait3A_238 = arith.constant 0 : i32
        %dma_wait3A_239 = arith.constant 0 : i32
        %dma_wait3A_240 = tpu.memref_slice %arg8[%dma_wait3A_238, %dma_wait3A_239] : memref<8x4096xf32, #tpu.memory_space<vmem>> -> memref<1x4096xf32, #tpu.memory_space<vmem>>
        %dma_wait3A_241 = arith.constant 0 : i32
        %dma_wait3A_242 = arith.constant 0 : i32
        %dma_wait3A_243 = tpu.memref_slice %arg4[%dma_wait3A_241, %dma_wait3A_242] : memref<16384x4096xf32, #tpu.memory_space<hbm>> -> memref<1x4096xf32, #tpu.memory_space<hbm>>
        %dma_wait3A_244 = arith.constant 0 : i32
        %dma_wait3A_245 = arith.constant 0 : i32
        %dma_wait3A_246 = tpu.memref_slice %arg4[%dma_wait3A_244, %dma_wait3A_245] : memref<16384x4096xf32, #tpu.memory_space<hbm>> -> memref<1x4096xf32, #tpu.memory_space<hbm>>
        %dma_wait3A_247 = arith.constant 0 : i32
        %dma_wait3A_248 = arith.constant 0 : i32
        %dma_wait3A_249 = tpu.memref_slice %arg8[%dma_wait3A_247, %dma_wait3A_248] : memref<8x4096xf32, #tpu.memory_space<vmem>> -> memref<1x4096xf32, #tpu.memory_space<vmem>>
        tpu.wait_dma2 semaphore(%arg12 : memref<!tpu.dma_semaphore, #tpu.memory_space<semaphore_mem>>) src(%dma_wait3A_249 : memref<1x4096xf32, #tpu.memory_space<vmem>>) dst(%dma_wait3A_246 : memref<1x4096xf32, #tpu.memory_space<hbm>>)
      }
      %add3A_187 = arith.constant 1 : i32
      %add3A_188 = arith.addi %add3A_155, %add3A_187 : i32
      %lt3A_189 = arith.constant 32 : i32
      %lt3A_190 = arith.cmpi slt, %add3A_188, %lt3A_189 : i32
      %convert_element_type3A_191 = arith.extui %lt3A_190 : i1 to i32
      %cond3A_192 = arith.constant 0 : i32
      %cond3A_193 = arith.cmpi ne, %convert_element_type3A_191, %cond3A_192 : i32
      scf.if %cond3A_193 {
        %add3A_237 = arith.constant 1 : i32
        %add3A_238 = arith.addi %add3A_155, %add3A_237 : i32
        %mul3A_239 = arith.constant 8 : i32
        %mul3A_240 = arith.muli %add3A_238, %mul3A_239 : i32
        %add3A_241 = arith.addi %mul3A_2, %mul3A_240 : i32
        %dma_start3A_242 = arith.constant 0 : i32
        %dma_start3A_243 = tpu.memref_slice %arg2[%add3A_241, %dma_start3A_242] : memref<8192x4096xf32, #tpu.memory_space<hbm>> -> memref<8x4096xf32, #tpu.memory_space<hbm>>
        %dma_start3A_244 = arith.constant 0 : i32
        %dma_start3A_245 = tpu.memref_slice %arg2[%add3A_241, %dma_start3A_244] : memref<8192x4096xf32, #tpu.memory_space<hbm>> -> memref<8x4096xf32, #tpu.memory_space<hbm>>
        tpu.enqueue_dma source(%dma_start3A_245 : memref<8x4096xf32, #tpu.memory_space<hbm>>) target(%arg8 : memref<8x4096xf32, #tpu.memory_space<vmem>>) target_semaphore(%arg10 : memref<!tpu.dma_semaphore, #tpu.memory_space<semaphore_mem>>)
      } else {
      }
      %dma_wait3A_194 = arith.constant 0 : i32
      %dma_wait3A_195 = arith.constant 0 : i32
      %dma_wait3A_196 = tpu.memref_slice %arg2[%dma_wait3A_194, %dma_wait3A_195] : memref<8192x4096xf32, #tpu.memory_space<hbm>> -> memref<8x4096xf32, #tpu.memory_space<hbm>>
      %dma_wait3A_197 = arith.constant 0 : i32
      %dma_wait3A_198 = arith.constant 0 : i32
      %dma_wait3A_199 = tpu.memref_slice %arg2[%dma_wait3A_197, %dma_wait3A_198] : memref<8192x4096xf32, #tpu.memory_space<hbm>> -> memref<8x4096xf32, #tpu.memory_space<hbm>>
      tpu.wait_dma2 semaphore(%arg11 : memref<!tpu.dma_semaphore, #tpu.memory_space<semaphore_mem>>) src(%dma_wait3A_199 : memref<8x4096xf32, #tpu.memory_space<hbm>>) dst(%arg9 : memref<8x4096xf32, #tpu.memory_space<vmem>>)
      %add3A_200 = arith.constant 15 : i32
      %add3A_201 = arith.addi %reduce_max3A_174, %add3A_200 : i32
      %jit3A_202 = arith.constant 16 : i32
      %div3A_203 = arith.divsi %add3A_201, %jit3A_202 : i32
      %sign3A_204 = arith.constant 0 : i32
      %sign3A_205 = arith.cmpi sgt, %add3A_201, %sign3A_204 : i32
      %sign3A_206 = arith.extui %sign3A_205 : i1 to i32
      %sign3A_207 = arith.constant 0 : i32
      %sign3A_208 = arith.cmpi slt, %add3A_201, %sign3A_207 : i32
      %sign3A_209 = arith.extui %sign3A_208 : i1 to i32
      %sign3A_210 = arith.subi %sign3A_206, %sign3A_209 : i32
      %sign3A_211 = arith.constant 0 : i32
      %sign3A_212 = arith.cmpi sgt, %jit3A_202, %sign3A_211 : i32
      %sign3A_213 = arith.extui %sign3A_212 : i1 to i32
      %sign3A_214 = arith.constant 0 : i32
      %sign3A_215 = arith.cmpi slt, %jit3A_202, %sign3A_214 : i32
      %sign3A_216 = arith.extui %sign3A_215 : i1 to i32
      %sign3A_217 = arith.subi %sign3A_213, %sign3A_216 : i32
      %ne3A_218 = arith.cmpi ne, %sign3A_210, %sign3A_217 : i32
      %rem3A_219 = arith.remsi %add3A_201, %jit3A_202 : i32
      %ne3A_220 = arith.constant 0 : i32
      %ne3A_221 = arith.cmpi ne, %rem3A_219, %ne3A_220 : i32
      %and3A_222 = arith.andi %ne3A_218, %ne3A_221 : i1
      %sub3A_223 = arith.constant 1 : i32
      %sub3A_224 = arith.subi %div3A_203, %sub3A_223 : i32
      %select_n3A_225 = arith.select %and3A_222, %sub3A_224, %div3A_203 : i32
      %while3A_226 = arith.constant 0 : i32
      %while3A_227 = arith.constant 0 : i32
      %while3A_228 = arith.subi %select_n3A_225, %while3A_227 : i32
      %while3A_229 = arith.addi %while3A_227, %while3A_228 : i32
      %while3A_230 = arith.constant 1 : i32
      %while3A_231 = arith.divsi %while3A_228, %while3A_230 : i32
      %while3A_232 = arith.muli %while3A_231, %while3A_230 : i32
      %while3A_233 = arith.addi %while3A_227, %while3A_232 : i32
      %while3A_234 = arith.constant 1 : i32
      scf.for %while3A_237 = %while3A_227 to %while3A_233 step %while3A_234  : i32 {
        %mul3A_238 = arith.constant 16 : i32
        %mul3A_239 = arith.muli %while3A_237, %mul3A_238 : i32
        %get3A = arith.index_cast %mul3A_239 : i32 to index
        %get3A_240 = tpu.vector_load %arg7[%get3A] {strides = array<i32>} : memref<16384xi32, #tpu.memory_space<vmem>>, vector<16xi32>,
        %mul3A_241 = arith.constant 16 : i32
        %mul3A_242 = arith.muli %while3A_237, %mul3A_241 : i32
        %add3A_243 = arith.constant 0 : i32
        %add3A_244 = arith.addi %mul3A_242, %add3A_243 : i32
        %lt3A_245 = arith.cmpi slt, %add3A_244, %reduce_max3A_174 : i32
        %convert_element_type3A_246 = arith.extui %lt3A_245 : i1 to i32
        %cond3A_247 = arith.constant 0 : i32
        %cond3A_248 = arith.cmpi ne, %convert_element_type3A_246, %cond3A_247 : i32
        scf.if %cond3A_248 {
          %slice3A = vector.extract_strided_slice %get3A_240 {offsets = [0], sizes = [1], strides = [1]} : vector<16xi32> to vector<1xi32>
          %squeeze3A = vector.extract %slice3A[0] : i32 from vector<1xi32>
          %and3A_464 = arith.constant 7 : i32
          %and3A_465 = arith.andi %squeeze3A, %and3A_464 : i32
          %shift_right_arithmetic3A = arith.constant 3 : i32
          %shift_right_arithmetic3A_466 = arith.shrsi %squeeze3A, %shift_right_arithmetic3A : i32
          %dma_start3A_467 = arith.constant 0 : i32
          %dma_start3A_468 = tpu.memref_slice %arg9[%and3A_465, %dma_start3A_467] : memref<8x4096xf32, #tpu.memory_space<vmem>> -> memref<1x4096xf32, #tpu.memory_space<vmem>>
          %dma_start3A_469 = arith.constant 0 : i32
          %dma_start3A_470 = tpu.memref_slice %arg4[%shift_right_arithmetic3A_466, %dma_start3A_469] : memref<16384x4096xf32, #tpu.memory_space<hbm>> -> memref<1x4096xf32, #tpu.memory_space<hbm>>
          %dma_start3A_471 = arith.constant 0 : i32
          %dma_start3A_472 = tpu.memref_slice %arg4[%shift_right_arithmetic3A_466, %dma_start3A_471] : memref<16384x4096xf32, #tpu.memory_space<hbm>> -> memref<1x4096xf32, #tpu.memory_space<hbm>>
          %dma_start3A_473 = arith.constant 0 : i32
          %dma_start3A_474 = tpu.memref_slice %arg9[%and3A_465, %dma_start3A_473] : memref<8x4096xf32, #tpu.memory_space<vmem>> -> memref<1x4096xf32, #tpu.memory_space<vmem>>
          tpu.enqueue_dma source(%dma_start3A_474 : memref<1x4096xf32, #tpu.memory_space<vmem>>) target(%dma_start3A_472 : memref<1x4096xf32, #tpu.memory_space<hbm>>) target_semaphore(%arg13 : memref<!tpu.dma_semaphore, #tpu.memory_space<semaphore_mem>>)
        } else {
        }
        %ge3A = arith.constant 16 : i32
        %ge3A_249 = arith.cmpi sge, %add3A_244, %ge3A : i32
        %and3A_250 = arith.andi %lt3A_245, %ge3A_249 : i1
        %convert_element_type3A_251 = arith.extui %and3A_250 : i1 to i32
        %cond3A_252 = arith.constant 0 : i32
        %cond3A_253 = arith.cmpi ne, %convert_element_type3A_251, %cond3A_252 : i32
        scf.if %cond3A_253 {
          %dma_wait3A_464 = arith.constant 0 : i32
          %dma_wait3A_465 = arith.constant 0 : i32
          %dma_wait3A_466 = tpu.memref_slice %arg9[%dma_wait3A_464, %dma_wait3A_465] : memref<8x4096xf32, #tpu.memory_space<vmem>> -> memref<1x4096xf32, #tpu.memory_space<vmem>>
          %dma_wait3A_467 = arith.constant 0 : i32
          %dma_wait3A_468 = arith.constant 0 : i32
          %dma_wait3A_469 = tpu.memref_slice %arg4[%dma_wait3A_467, %dma_wait3A_468] : memref<16384x4096xf32, #tpu.memory_space<hbm>> -> memref<1x4096xf32, #tpu.memory_space<hbm>>
          %dma_wait3A_470 = arith.constant 0 : i32
          %dma_wait3A_471 = arith.constant 0 : i32
          %dma_wait3A_472 = tpu.memref_slice %arg4[%dma_wait3A_470, %dma_wait3A_471] : memref<16384x4096xf32, #tpu.memory_space<hbm>> -> memref<1x4096xf32, #tpu.memory_space<hbm>>
          %dma_wait3A_473 = arith.constant 0 : i32
          %dma_wait3A_474 = arith.constant 0 : i32
          %dma_wait3A_475 = tpu.memref_slice %arg9[%dma_wait3A_473, %dma_wait3A_474] : memref<8x4096xf32, #tpu.memory_space<vmem>> -> memref<1x4096xf32, #tpu.memory_space<vmem>>
          tpu.wait_dma2 semaphore(%arg13 : memref<!tpu.dma_semaphore, #tpu.memory_space<semaphore_mem>>) src(%dma_wait3A_475 : memref<1x4096xf32, #tpu.memory_space<vmem>>) dst(%dma_wait3A_472 : memref<1x4096xf32, #tpu.memory_space<hbm>>)
        } else {
        }
        %mul3A_254 = arith.constant 16 : i32
        %mul3A_255 = arith.muli %while3A_237, %mul3A_254 : i32
        %add3A_256 = arith.constant 1 : i32
        %add3A_257 = arith.addi %mul3A_255, %add3A_256 : i32
        %lt3A_258 = arith.cmpi slt, %add3A_257, %reduce_max3A_174 : i32
        %convert_element_type3A_259 = arith.extui %lt3A_258 : i1 to i32
        %cond3A_260 = arith.constant 0 : i32
        %cond3A_261 = arith.cmpi ne, %convert_element_type3A_259, %cond3A_260 : i32
        scf.if %cond3A_261 {
          %slice3A = vector.extract_strided_slice %get3A_240 {offsets = [1], sizes = [1], strides = [1]} : vector<16xi32> to vector<1xi32>
          %squeeze3A = vector.extract %slice3A[0] : i32 from vector<1xi32>
          %and3A_464 = arith.constant 7 : i32
          %and3A_465 = arith.andi %squeeze3A, %and3A_464 : i32
          %shift_right_arithmetic3A = arith.constant 3 : i32
          %shift_right_arithmetic3A_466 = arith.shrsi %squeeze3A, %shift_right_arithmetic3A : i32
          %dma_start3A_467 = arith.constant 0 : i32
          %dma_start3A_468 = tpu.memref_slice %arg9[%and3A_465, %dma_start3A_467] : memref<8x4096xf32, #tpu.memory_space<vmem>> -> memref<1x4096xf32, #tpu.memory_space<vmem>>
          %dma_start3A_469 = arith.constant 0 : i32
          %dma_start3A_470 = tpu.memref_slice %arg4[%shift_right_arithmetic3A_466, %dma_start3A_469] : memref<16384x4096xf32, #tpu.memory_space<hbm>> -> memref<1x4096xf32, #tpu.memory_space<hbm>>
          %dma_start3A_471 = arith.constant 0 : i32
          %dma_start3A_472 = tpu.memref_slice %arg4[%shift_right_arithmetic3A_466, %dma_start3A_471] : memref<16384x4096xf32, #tpu.memory_space<hbm>> -> memref<1x4096xf32, #tpu.memory_space<hbm>>
          %dma_start3A_473 = arith.constant 0 : i32
          %dma_start3A_474 = tpu.memref_slice %arg9[%and3A_465, %dma_start3A_473] : memref<8x4096xf32, #tpu.memory_space<vmem>> -> memref<1x4096xf32, #tpu.memory_space<vmem>>
          tpu.enqueue_dma source(%dma_start3A_474 : memref<1x4096xf32, #tpu.memory_space<vmem>>) target(%dma_start3A_472 : memref<1x4096xf32, #tpu.memory_space<hbm>>) target_semaphore(%arg13 : memref<!tpu.dma_semaphore, #tpu.memory_space<semaphore_mem>>)
        } else {
        }
        %ge3A_262 = arith.constant 16 : i32
        %ge3A_263 = arith.cmpi sge, %add3A_257, %ge3A_262 : i32
        %and3A_264 = arith.andi %lt3A_258, %ge3A_263 : i1
        %convert_element_type3A_265 = arith.extui %and3A_264 : i1 to i32
        %cond3A_266 = arith.constant 0 : i32
        %cond3A_267 = arith.cmpi ne, %convert_element_type3A_265, %cond3A_266 : i32
        scf.if %cond3A_267 {
          %dma_wait3A_464 = arith.constant 0 : i32
          %dma_wait3A_465 = arith.constant 0 : i32
          %dma_wait3A_466 = tpu.memref_slice %arg9[%dma_wait3A_464, %dma_wait3A_465] : memref<8x4096xf32, #tpu.memory_space<vmem>> -> memref<1x4096xf32, #tpu.memory_space<vmem>>
          %dma_wait3A_467 = arith.constant 0 : i32
          %dma_wait3A_468 = arith.constant 0 : i32
          %dma_wait3A_469 = tpu.memref_slice %arg4[%dma_wait3A_467, %dma_wait3A_468] : memref<16384x4096xf32, #tpu.memory_space<hbm>> -> memref<1x4096xf32, #tpu.memory_space<hbm>>
          %dma_wait3A_470 = arith.constant 0 : i32
          %dma_wait3A_471 = arith.constant 0 : i32
          %dma_wait3A_472 = tpu.memref_slice %arg4[%dma_wait3A_470, %dma_wait3A_471] : memref<16384x4096xf32, #tpu.memory_space<hbm>> -> memref<1x4096xf32, #tpu.memory_space<hbm>>
          %dma_wait3A_473 = arith.constant 0 : i32
          %dma_wait3A_474 = arith.constant 0 : i32
          %dma_wait3A_475 = tpu.memref_slice %arg9[%dma_wait3A_473, %dma_wait3A_474] : memref<8x4096xf32, #tpu.memory_space<vmem>> -> memref<1x4096xf32, #tpu.memory_space<vmem>>
          tpu.wait_dma2 semaphore(%arg13 : memref<!tpu.dma_semaphore, #tpu.memory_space<semaphore_mem>>) src(%dma_wait3A_475 : memref<1x4096xf32, #tpu.memory_space<vmem>>) dst(%dma_wait3A_472 : memref<1x4096xf32, #tpu.memory_space<hbm>>)
        } else {
        }
        %mul3A_268 = arith.constant 16 : i32
        %mul3A_269 = arith.muli %while3A_237, %mul3A_268 : i32
        %add3A_270 = arith.constant 2 : i32
        %add3A_271 = arith.addi %mul3A_269, %add3A_270 : i32
        %lt3A_272 = arith.cmpi slt, %add3A_271, %reduce_max3A_174 : i32
        %convert_element_type3A_273 = arith.extui %lt3A_272 : i1 to i32
        %cond3A_274 = arith.constant 0 : i32
        %cond3A_275 = arith.cmpi ne, %convert_element_type3A_273, %cond3A_274 : i32
        scf.if %cond3A_275 {
          %slice3A = vector.extract_strided_slice %get3A_240 {offsets = [2], sizes = [1], strides = [1]} : vector<16xi32> to vector<1xi32>
          %squeeze3A = vector.extract %slice3A[0] : i32 from vector<1xi32>
          %and3A_464 = arith.constant 7 : i32
          %and3A_465 = arith.andi %squeeze3A, %and3A_464 : i32
          %shift_right_arithmetic3A = arith.constant 3 : i32
          %shift_right_arithmetic3A_466 = arith.shrsi %squeeze3A, %shift_right_arithmetic3A : i32
          %dma_start3A_467 = arith.constant 0 : i32
          %dma_start3A_468 = tpu.memref_slice %arg9[%and3A_465, %dma_start3A_467] : memref<8x4096xf32, #tpu.memory_space<vmem>> -> memref<1x4096xf32, #tpu.memory_space<vmem>>
          %dma_start3A_469 = arith.constant 0 : i32
          %dma_start3A_470 = tpu.memref_slice %arg4[%shift_right_arithmetic3A_466, %dma_start3A_469] : memref<16384x4096xf32, #tpu.memory_space<hbm>> -> memref<1x4096xf32, #tpu.memory_space<hbm>>
          %dma_start3A_471 = arith.constant 0 : i32
          %dma_start3A_472 = tpu.memref_slice %arg4[%shift_right_arithmetic3A_466, %dma_start3A_471] : memref<16384x4096xf32, #tpu.memory_space<hbm>> -> memref<1x4096xf32, #tpu.memory_space<hbm>>
          %dma_start3A_473 = arith.constant 0 : i32
          %dma_start3A_474 = tpu.memref_slice %arg9[%and3A_465, %dma_start3A_473] : memref<8x4096xf32, #tpu.memory_space<vmem>> -> memref<1x4096xf32, #tpu.memory_space<vmem>>
          tpu.enqueue_dma source(%dma_start3A_474 : memref<1x4096xf32, #tpu.memory_space<vmem>>) target(%dma_start3A_472 : memref<1x4096xf32, #tpu.memory_space<hbm>>) target_semaphore(%arg13 : memref<!tpu.dma_semaphore, #tpu.memory_space<semaphore_mem>>)
        } else {
        }
        %ge3A_276 = arith.constant 16 : i32
        %ge3A_277 = arith.cmpi sge, %add3A_271, %ge3A_276 : i32
        %and3A_278 = arith.andi %lt3A_272, %ge3A_277 : i1
        %convert_element_type3A_279 = arith.extui %and3A_278 : i1 to i32
        %cond3A_280 = arith.constant 0 : i32
        %cond3A_281 = arith.cmpi ne, %convert_element_type3A_279, %cond3A_280 : i32
        scf.if %cond3A_281 {
          %dma_wait3A_464 = arith.constant 0 : i32
          %dma_wait3A_465 = arith.constant 0 : i32
          %dma_wait3A_466 = tpu.memref_slice %arg9[%dma_wait3A_464, %dma_wait3A_465] : memref<8x4096xf32, #tpu.memory_space<vmem>> -> memref<1x4096xf32, #tpu.memory_space<vmem>>
          %dma_wait3A_467 = arith.constant 0 : i32
          %dma_wait3A_468 = arith.constant 0 : i32
          %dma_wait3A_469 = tpu.memref_slice %arg4[%dma_wait3A_467, %dma_wait3A_468] : memref<16384x4096xf32, #tpu.memory_space<hbm>> -> memref<1x4096xf32, #tpu.memory_space<hbm>>
          %dma_wait3A_470 = arith.constant 0 : i32
          %dma_wait3A_471 = arith.constant 0 : i32
          %dma_wait3A_472 = tpu.memref_slice %arg4[%dma_wait3A_470, %dma_wait3A_471] : memref<16384x4096xf32, #tpu.memory_space<hbm>> -> memref<1x4096xf32, #tpu.memory_space<hbm>>
          %dma_wait3A_473 = arith.constant 0 : i32
          %dma_wait3A_474 = arith.constant 0 : i32
          %dma_wait3A_475 = tpu.memref_slice %arg9[%dma_wait3A_473, %dma_wait3A_474] : memref<8x4096xf32, #tpu.memory_space<vmem>> -> memref<1x4096xf32, #tpu.memory_space<vmem>>
          tpu.wait_dma2 semaphore(%arg13 : memref<!tpu.dma_semaphore, #tpu.memory_space<semaphore_mem>>) src(%dma_wait3A_475 : memref<1x4096xf32, #tpu.memory_space<vmem>>) dst(%dma_wait3A_472 : memref<1x4096xf32, #tpu.memory_space<hbm>>)
        } else {
        }
        %mul3A_282 = arith.constant 16 : i32
        %mul3A_283 = arith.muli %while3A_237, %mul3A_282 : i32
        %add3A_284 = arith.constant 3 : i32
        %add3A_285 = arith.addi %mul3A_283, %add3A_284 : i32
        %lt3A_286 = arith.cmpi slt, %add3A_285, %reduce_max3A_174 : i32
        %convert_element_type3A_287 = arith.extui %lt3A_286 : i1 to i32
        %cond3A_288 = arith.constant 0 : i32
        %cond3A_289 = arith.cmpi ne, %convert_element_type3A_287, %cond3A_288 : i32
        scf.if %cond3A_289 {
          %slice3A = vector.extract_strided_slice %get3A_240 {offsets = [3], sizes = [1], strides = [1]} : vector<16xi32> to vector<1xi32>
          %squeeze3A = vector.extract %slice3A[0] : i32 from vector<1xi32>
          %and3A_464 = arith.constant 7 : i32
          %and3A_465 = arith.andi %squeeze3A, %and3A_464 : i32
          %shift_right_arithmetic3A = arith.constant 3 : i32
          %shift_right_arithmetic3A_466 = arith.shrsi %squeeze3A, %shift_right_arithmetic3A : i32
          %dma_start3A_467 = arith.constant 0 : i32
          %dma_start3A_468 = tpu.memref_slice %arg9[%and3A_465, %dma_start3A_467] : memref<8x4096xf32, #tpu.memory_space<vmem>> -> memref<1x4096xf32, #tpu.memory_space<vmem>>
          %dma_start3A_469 = arith.constant 0 : i32
          %dma_start3A_470 = tpu.memref_slice %arg4[%shift_right_arithmetic3A_466, %dma_start3A_469] : memref<16384x4096xf32, #tpu.memory_space<hbm>> -> memref<1x4096xf32, #tpu.memory_space<hbm>>
          %dma_start3A_471 = arith.constant 0 : i32
          %dma_start3A_472 = tpu.memref_slice %arg4[%shift_right_arithmetic3A_466, %dma_start3A_471] : memref<16384x4096xf32, #tpu.memory_space<hbm>> -> memref<1x4096xf32, #tpu.memory_space<hbm>>
          %dma_start3A_473 = arith.constant 0 : i32
          %dma_start3A_474 = tpu.memref_slice %arg9[%and3A_465, %dma_start3A_473] : memref<8x4096xf32, #tpu.memory_space<vmem>> -> memref<1x4096xf32, #tpu.memory_space<vmem>>
          tpu.enqueue_dma source(%dma_start3A_474 : memref<1x4096xf32, #tpu.memory_space<vmem>>) target(%dma_start3A_472 : memref<1x4096xf32, #tpu.memory_space<hbm>>) target_semaphore(%arg13 : memref<!tpu.dma_semaphore, #tpu.memory_space<semaphore_mem>>)
        } else {
        }
        %ge3A_290 = arith.constant 16 : i32
        %ge3A_291 = arith.cmpi sge, %add3A_285, %ge3A_290 : i32
        %and3A_292 = arith.andi %lt3A_286, %ge3A_291 : i1
        %convert_element_type3A_293 = arith.extui %and3A_292 : i1 to i32
        %cond3A_294 = arith.constant 0 : i32
        %cond3A_295 = arith.cmpi ne, %convert_element_type3A_293, %cond3A_294 : i32
        scf.if %cond3A_295 {
          %dma_wait3A_464 = arith.constant 0 : i32
          %dma_wait3A_465 = arith.constant 0 : i32
          %dma_wait3A_466 = tpu.memref_slice %arg9[%dma_wait3A_464, %dma_wait3A_465] : memref<8x4096xf32, #tpu.memory_space<vmem>> -> memref<1x4096xf32, #tpu.memory_space<vmem>>
          %dma_wait3A_467 = arith.constant 0 : i32
          %dma_wait3A_468 = arith.constant 0 : i32
          %dma_wait3A_469 = tpu.memref_slice %arg4[%dma_wait3A_467, %dma_wait3A_468] : memref<16384x4096xf32, #tpu.memory_space<hbm>> -> memref<1x4096xf32, #tpu.memory_space<hbm>>
          %dma_wait3A_470 = arith.constant 0 : i32
          %dma_wait3A_471 = arith.constant 0 : i32
          %dma_wait3A_472 = tpu.memref_slice %arg4[%dma_wait3A_470, %dma_wait3A_471] : memref<16384x4096xf32, #tpu.memory_space<hbm>> -> memref<1x4096xf32, #tpu.memory_space<hbm>>
          %dma_wait3A_473 = arith.constant 0 : i32
          %dma_wait3A_474 = arith.constant 0 : i32
          %dma_wait3A_475 = tpu.memref_slice %arg9[%dma_wait3A_473, %dma_wait3A_474] : memref<8x4096xf32, #tpu.memory_space<vmem>> -> memref<1x4096xf32, #tpu.memory_space<vmem>>
          tpu.wait_dma2 semaphore(%arg13 : memref<!tpu.dma_semaphore, #tpu.memory_space<semaphore_mem>>) src(%dma_wait3A_475 : memref<1x4096xf32, #tpu.memory_space<vmem>>) dst(%dma_wait3A_472 : memref<1x4096xf32, #tpu.memory_space<hbm>>)
        } else {
        }
        %mul3A_296 = arith.constant 16 : i32
        %mul3A_297 = arith.muli %while3A_237, %mul3A_296 : i32
        %add3A_298 = arith.constant 4 : i32
        %add3A_299 = arith.addi %mul3A_297, %add3A_298 : i32
        %lt3A_300 = arith.cmpi slt, %add3A_299, %reduce_max3A_174 : i32
        %convert_element_type3A_301 = arith.extui %lt3A_300 : i1 to i32
        %cond3A_302 = arith.constant 0 : i32
        %cond3A_303 = arith.cmpi ne, %convert_element_type3A_301, %cond3A_302 : i32
        scf.if %cond3A_303 {
          %slice3A = vector.extract_strided_slice %get3A_240 {offsets = [4], sizes = [1], strides = [1]} : vector<16xi32> to vector<1xi32>
          %squeeze3A = vector.extract %slice3A[0] : i32 from vector<1xi32>
          %and3A_464 = arith.constant 7 : i32
          %and3A_465 = arith.andi %squeeze3A, %and3A_464 : i32
          %shift_right_arithmetic3A = arith.constant 3 : i32
          %shift_right_arithmetic3A_466 = arith.shrsi %squeeze3A, %shift_right_arithmetic3A : i32
          %dma_start3A_467 = arith.constant 0 : i32
          %dma_start3A_468 = tpu.memref_slice %arg9[%and3A_465, %dma_start3A_467] : memref<8x4096xf32, #tpu.memory_space<vmem>> -> memref<1x4096xf32, #tpu.memory_space<vmem>>
          %dma_start3A_469 = arith.constant 0 : i32
          %dma_start3A_470 = tpu.memref_slice %arg4[%shift_right_arithmetic3A_466, %dma_start3A_469] : memref<16384x4096xf32, #tpu.memory_space<hbm>> -> memref<1x4096xf32, #tpu.memory_space<hbm>>
          %dma_start3A_471 = arith.constant 0 : i32
          %dma_start3A_472 = tpu.memref_slice %arg4[%shift_right_arithmetic3A_466, %dma_start3A_471] : memref<16384x4096xf32, #tpu.memory_space<hbm>> -> memref<1x4096xf32, #tpu.memory_space<hbm>>
          %dma_start3A_473 = arith.constant 0 : i32
          %dma_start3A_474 = tpu.memref_slice %arg9[%and3A_465, %dma_start3A_473] : memref<8x4096xf32, #tpu.memory_space<vmem>> -> memref<1x4096xf32, #tpu.memory_space<vmem>>
          tpu.enqueue_dma source(%dma_start3A_474 : memref<1x4096xf32, #tpu.memory_space<vmem>>) target(%dma_start3A_472 : memref<1x4096xf32, #tpu.memory_space<hbm>>) target_semaphore(%arg13 : memref<!tpu.dma_semaphore, #tpu.memory_space<semaphore_mem>>)
        } else {
        }
        %ge3A_304 = arith.constant 16 : i32
        %ge3A_305 = arith.cmpi sge, %add3A_299, %ge3A_304 : i32
        %and3A_306 = arith.andi %lt3A_300, %ge3A_305 : i1
        %convert_element_type3A_307 = arith.extui %and3A_306 : i1 to i32
        %cond3A_308 = arith.constant 0 : i32
        %cond3A_309 = arith.cmpi ne, %convert_element_type3A_307, %cond3A_308 : i32
        scf.if %cond3A_309 {
          %dma_wait3A_464 = arith.constant 0 : i32
          %dma_wait3A_465 = arith.constant 0 : i32
          %dma_wait3A_466 = tpu.memref_slice %arg9[%dma_wait3A_464, %dma_wait3A_465] : memref<8x4096xf32, #tpu.memory_space<vmem>> -> memref<1x4096xf32, #tpu.memory_space<vmem>>
          %dma_wait3A_467 = arith.constant 0 : i32
          %dma_wait3A_468 = arith.constant 0 : i32
          %dma_wait3A_469 = tpu.memref_slice %arg4[%dma_wait3A_467, %dma_wait3A_468] : memref<16384x4096xf32, #tpu.memory_space<hbm>> -> memref<1x4096xf32, #tpu.memory_space<hbm>>
          %dma_wait3A_470 = arith.constant 0 : i32
          %dma_wait3A_471 = arith.constant 0 : i32
          %dma_wait3A_472 = tpu.memref_slice %arg4[%dma_wait3A_470, %dma_wait3A_471] : memref<16384x4096xf32, #tpu.memory_space<hbm>> -> memref<1x4096xf32, #tpu.memory_space<hbm>>
          %dma_wait3A_473 = arith.constant 0 : i32
          %dma_wait3A_474 = arith.constant 0 : i32
          %dma_wait3A_475 = tpu.memref_slice %arg9[%dma_wait3A_473, %dma_wait3A_474] : memref<8x4096xf32, #tpu.memory_space<vmem>> -> memref<1x4096xf32, #tpu.memory_space<vmem>>
          tpu.wait_dma2 semaphore(%arg13 : memref<!tpu.dma_semaphore, #tpu.memory_space<semaphore_mem>>) src(%dma_wait3A_475 : memref<1x4096xf32, #tpu.memory_space<vmem>>) dst(%dma_wait3A_472 : memref<1x4096xf32, #tpu.memory_space<hbm>>)
        } else {
        }
        %mul3A_310 = arith.constant 16 : i32
        %mul3A_311 = arith.muli %while3A_237, %mul3A_310 : i32
        %add3A_312 = arith.constant 5 : i32
        %add3A_313 = arith.addi %mul3A_311, %add3A_312 : i32
        %lt3A_314 = arith.cmpi slt, %add3A_313, %reduce_max3A_174 : i32
        %convert_element_type3A_315 = arith.extui %lt3A_314 : i1 to i32
        %cond3A_316 = arith.constant 0 : i32
        %cond3A_317 = arith.cmpi ne, %convert_element_type3A_315, %cond3A_316 : i32
        scf.if %cond3A_317 {
          %slice3A = vector.extract_strided_slice %get3A_240 {offsets = [5], sizes = [1], strides = [1]} : vector<16xi32> to vector<1xi32>
          %squeeze3A = vector.extract %slice3A[0] : i32 from vector<1xi32>
          %and3A_464 = arith.constant 7 : i32
          %and3A_465 = arith.andi %squeeze3A, %and3A_464 : i32
          %shift_right_arithmetic3A = arith.constant 3 : i32
          %shift_right_arithmetic3A_466 = arith.shrsi %squeeze3A, %shift_right_arithmetic3A : i32
          %dma_start3A_467 = arith.constant 0 : i32
          %dma_start3A_468 = tpu.memref_slice %arg9[%and3A_465, %dma_start3A_467] : memref<8x4096xf32, #tpu.memory_space<vmem>> -> memref<1x4096xf32, #tpu.memory_space<vmem>>
          %dma_start3A_469 = arith.constant 0 : i32
          %dma_start3A_470 = tpu.memref_slice %arg4[%shift_right_arithmetic3A_466, %dma_start3A_469] : memref<16384x4096xf32, #tpu.memory_space<hbm>> -> memref<1x4096xf32, #tpu.memory_space<hbm>>
          %dma_start3A_471 = arith.constant 0 : i32
          %dma_start3A_472 = tpu.memref_slice %arg4[%shift_right_arithmetic3A_466, %dma_start3A_471] : memref<16384x4096xf32, #tpu.memory_space<hbm>> -> memref<1x4096xf32, #tpu.memory_space<hbm>>
          %dma_start3A_473 = arith.constant 0 : i32
          %dma_start3A_474 = tpu.memref_slice %arg9[%and3A_465, %dma_start3A_473] : memref<8x4096xf32, #tpu.memory_space<vmem>> -> memref<1x4096xf32, #tpu.memory_space<vmem>>
          tpu.enqueue_dma source(%dma_start3A_474 : memref<1x4096xf32, #tpu.memory_space<vmem>>) target(%dma_start3A_472 : memref<1x4096xf32, #tpu.memory_space<hbm>>) target_semaphore(%arg13 : memref<!tpu.dma_semaphore, #tpu.memory_space<semaphore_mem>>)
        } else {
        }
        %ge3A_318 = arith.constant 16 : i32
        %ge3A_319 = arith.cmpi sge, %add3A_313, %ge3A_318 : i32
        %and3A_320 = arith.andi %lt3A_314, %ge3A_319 : i1
        %convert_element_type3A_321 = arith.extui %and3A_320 : i1 to i32
        %cond3A_322 = arith.constant 0 : i32
        %cond3A_323 = arith.cmpi ne, %convert_element_type3A_321, %cond3A_322 : i32
        scf.if %cond3A_323 {
          %dma_wait3A_464 = arith.constant 0 : i32
          %dma_wait3A_465 = arith.constant 0 : i32
          %dma_wait3A_466 = tpu.memref_slice %arg9[%dma_wait3A_464, %dma_wait3A_465] : memref<8x4096xf32, #tpu.memory_space<vmem>> -> memref<1x4096xf32, #tpu.memory_space<vmem>>
          %dma_wait3A_467 = arith.constant 0 : i32
          %dma_wait3A_468 = arith.constant 0 : i32
          %dma_wait3A_469 = tpu.memref_slice %arg4[%dma_wait3A_467, %dma_wait3A_468] : memref<16384x4096xf32, #tpu.memory_space<hbm>> -> memref<1x4096xf32, #tpu.memory_space<hbm>>
          %dma_wait3A_470 = arith.constant 0 : i32
          %dma_wait3A_471 = arith.constant 0 : i32
          %dma_wait3A_472 = tpu.memref_slice %arg4[%dma_wait3A_470, %dma_wait3A_471] : memref<16384x4096xf32, #tpu.memory_space<hbm>> -> memref<1x4096xf32, #tpu.memory_space<hbm>>
          %dma_wait3A_473 = arith.constant 0 : i32
          %dma_wait3A_474 = arith.constant 0 : i32
          %dma_wait3A_475 = tpu.memref_slice %arg9[%dma_wait3A_473, %dma_wait3A_474] : memref<8x4096xf32, #tpu.memory_space<vmem>> -> memref<1x4096xf32, #tpu.memory_space<vmem>>
          tpu.wait_dma2 semaphore(%arg13 : memref<!tpu.dma_semaphore, #tpu.memory_space<semaphore_mem>>) src(%dma_wait3A_475 : memref<1x4096xf32, #tpu.memory_space<vmem>>) dst(%dma_wait3A_472 : memref<1x4096xf32, #tpu.memory_space<hbm>>)
        } else {
        }
        %mul3A_324 = arith.constant 16 : i32
        %mul3A_325 = arith.muli %while3A_237, %mul3A_324 : i32
        %add3A_326 = arith.constant 6 : i32
        %add3A_327 = arith.addi %mul3A_325, %add3A_326 : i32
        %lt3A_328 = arith.cmpi slt, %add3A_327, %reduce_max3A_174 : i32
        %convert_element_type3A_329 = arith.extui %lt3A_328 : i1 to i32
        %cond3A_330 = arith.constant 0 : i32
        %cond3A_331 = arith.cmpi ne, %convert_element_type3A_329, %cond3A_330 : i32
        scf.if %cond3A_331 {
          %slice3A = vector.extract_strided_slice %get3A_240 {offsets = [6], sizes = [1], strides = [1]} : vector<16xi32> to vector<1xi32>
          %squeeze3A = vector.extract %slice3A[0] : i32 from vector<1xi32>
          %and3A_464 = arith.constant 7 : i32
          %and3A_465 = arith.andi %squeeze3A, %and3A_464 : i32
          %shift_right_arithmetic3A = arith.constant 3 : i32
          %shift_right_arithmetic3A_466 = arith.shrsi %squeeze3A, %shift_right_arithmetic3A : i32
          %dma_start3A_467 = arith.constant 0 : i32
          %dma_start3A_468 = tpu.memref_slice %arg9[%and3A_465, %dma_start3A_467] : memref<8x4096xf32, #tpu.memory_space<vmem>> -> memref<1x4096xf32, #tpu.memory_space<vmem>>
          %dma_start3A_469 = arith.constant 0 : i32
          %dma_start3A_470 = tpu.memref_slice %arg4[%shift_right_arithmetic3A_466, %dma_start3A_469] : memref<16384x4096xf32, #tpu.memory_space<hbm>> -> memref<1x4096xf32, #tpu.memory_space<hbm>>
          %dma_start3A_471 = arith.constant 0 : i32
          %dma_start3A_472 = tpu.memref_slice %arg4[%shift_right_arithmetic3A_466, %dma_start3A_471] : memref<16384x4096xf32, #tpu.memory_space<hbm>> -> memref<1x4096xf32, #tpu.memory_space<hbm>>
          %dma_start3A_473 = arith.constant 0 : i32
          %dma_start3A_474 = tpu.memref_slice %arg9[%and3A_465, %dma_start3A_473] : memref<8x4096xf32, #tpu.memory_space<vmem>> -> memref<1x4096xf32, #tpu.memory_space<vmem>>
          tpu.enqueue_dma source(%dma_start3A_474 : memref<1x4096xf32, #tpu.memory_space<vmem>>) target(%dma_start3A_472 : memref<1x4096xf32, #tpu.memory_space<hbm>>) target_semaphore(%arg13 : memref<!tpu.dma_semaphore, #tpu.memory_space<semaphore_mem>>)
        } else {
        }
        %ge3A_332 = arith.constant 16 : i32
        %ge3A_333 = arith.cmpi sge, %add3A_327, %ge3A_332 : i32
        %and3A_334 = arith.andi %lt3A_328, %ge3A_333 : i1
        %convert_element_type3A_335 = arith.extui %and3A_334 : i1 to i32
        %cond3A_336 = arith.constant 0 : i32
        %cond3A_337 = arith.cmpi ne, %convert_element_type3A_335, %cond3A_336 : i32
        scf.if %cond3A_337 {
          %dma_wait3A_464 = arith.constant 0 : i32
          %dma_wait3A_465 = arith.constant 0 : i32
          %dma_wait3A_466 = tpu.memref_slice %arg9[%dma_wait3A_464, %dma_wait3A_465] : memref<8x4096xf32, #tpu.memory_space<vmem>> -> memref<1x4096xf32, #tpu.memory_space<vmem>>
          %dma_wait3A_467 = arith.constant 0 : i32
          %dma_wait3A_468 = arith.constant 0 : i32
          %dma_wait3A_469 = tpu.memref_slice %arg4[%dma_wait3A_467, %dma_wait3A_468] : memref<16384x4096xf32, #tpu.memory_space<hbm>> -> memref<1x4096xf32, #tpu.memory_space<hbm>>
          %dma_wait3A_470 = arith.constant 0 : i32
          %dma_wait3A_471 = arith.constant 0 : i32
          %dma_wait3A_472 = tpu.memref_slice %arg4[%dma_wait3A_470, %dma_wait3A_471] : memref<16384x4096xf32, #tpu.memory_space<hbm>> -> memref<1x4096xf32, #tpu.memory_space<hbm>>
          %dma_wait3A_473 = arith.constant 0 : i32
          %dma_wait3A_474 = arith.constant 0 : i32
          %dma_wait3A_475 = tpu.memref_slice %arg9[%dma_wait3A_473, %dma_wait3A_474] : memref<8x4096xf32, #tpu.memory_space<vmem>> -> memref<1x4096xf32, #tpu.memory_space<vmem>>
          tpu.wait_dma2 semaphore(%arg13 : memref<!tpu.dma_semaphore, #tpu.memory_space<semaphore_mem>>) src(%dma_wait3A_475 : memref<1x4096xf32, #tpu.memory_space<vmem>>) dst(%dma_wait3A_472 : memref<1x4096xf32, #tpu.memory_space<hbm>>)
        } else {
        }
        %mul3A_338 = arith.constant 16 : i32
        %mul3A_339 = arith.muli %while3A_237, %mul3A_338 : i32
        %add3A_340 = arith.constant 7 : i32
        %add3A_341 = arith.addi %mul3A_339, %add3A_340 : i32
        %lt3A_342 = arith.cmpi slt, %add3A_341, %reduce_max3A_174 : i32
        %convert_element_type3A_343 = arith.extui %lt3A_342 : i1 to i32
        %cond3A_344 = arith.constant 0 : i32
        %cond3A_345 = arith.cmpi ne, %convert_element_type3A_343, %cond3A_344 : i32
        scf.if %cond3A_345 {
          %slice3A = vector.extract_strided_slice %get3A_240 {offsets = [7], sizes = [1], strides = [1]} : vector<16xi32> to vector<1xi32>
          %squeeze3A = vector.extract %slice3A[0] : i32 from vector<1xi32>
          %and3A_464 = arith.constant 7 : i32
          %and3A_465 = arith.andi %squeeze3A, %and3A_464 : i32
          %shift_right_arithmetic3A = arith.constant 3 : i32
          %shift_right_arithmetic3A_466 = arith.shrsi %squeeze3A, %shift_right_arithmetic3A : i32
          %dma_start3A_467 = arith.constant 0 : i32
          %dma_start3A_468 = tpu.memref_slice %arg9[%and3A_465, %dma_start3A_467] : memref<8x4096xf32, #tpu.memory_space<vmem>> -> memref<1x4096xf32, #tpu.memory_space<vmem>>
          %dma_start3A_469 = arith.constant 0 : i32
          %dma_start3A_470 = tpu.memref_slice %arg4[%shift_right_arithmetic3A_466, %dma_start3A_469] : memref<16384x4096xf32, #tpu.memory_space<hbm>> -> memref<1x4096xf32, #tpu.memory_space<hbm>>
          %dma_start3A_471 = arith.constant 0 : i32
          %dma_start3A_472 = tpu.memref_slice %arg4[%shift_right_arithmetic3A_466, %dma_start3A_471] : memref<16384x4096xf32, #tpu.memory_space<hbm>> -> memref<1x4096xf32, #tpu.memory_space<hbm>>
          %dma_start3A_473 = arith.constant 0 : i32
          %dma_start3A_474 = tpu.memref_slice %arg9[%and3A_465, %dma_start3A_473] : memref<8x4096xf32, #tpu.memory_space<vmem>> -> memref<1x4096xf32, #tpu.memory_space<vmem>>
          tpu.enqueue_dma source(%dma_start3A_474 : memref<1x4096xf32, #tpu.memory_space<vmem>>) target(%dma_start3A_472 : memref<1x4096xf32, #tpu.memory_space<hbm>>) target_semaphore(%arg13 : memref<!tpu.dma_semaphore, #tpu.memory_space<semaphore_mem>>)
        } else {
        }
        %ge3A_346 = arith.constant 16 : i32
        %ge3A_347 = arith.cmpi sge, %add3A_341, %ge3A_346 : i32
        %and3A_348 = arith.andi %lt3A_342, %ge3A_347 : i1
        %convert_element_type3A_349 = arith.extui %and3A_348 : i1 to i32
        %cond3A_350 = arith.constant 0 : i32
        %cond3A_351 = arith.cmpi ne, %convert_element_type3A_349, %cond3A_350 : i32
        scf.if %cond3A_351 {
          %dma_wait3A_464 = arith.constant 0 : i32
          %dma_wait3A_465 = arith.constant 0 : i32
          %dma_wait3A_466 = tpu.memref_slice %arg9[%dma_wait3A_464, %dma_wait3A_465] : memref<8x4096xf32, #tpu.memory_space<vmem>> -> memref<1x4096xf32, #tpu.memory_space<vmem>>
          %dma_wait3A_467 = arith.constant 0 : i32
          %dma_wait3A_468 = arith.constant 0 : i32
          %dma_wait3A_469 = tpu.memref_slice %arg4[%dma_wait3A_467, %dma_wait3A_468] : memref<16384x4096xf32, #tpu.memory_space<hbm>> -> memref<1x4096xf32, #tpu.memory_space<hbm>>
          %dma_wait3A_470 = arith.constant 0 : i32
          %dma_wait3A_471 = arith.constant 0 : i32
          %dma_wait3A_472 = tpu.memref_slice %arg4[%dma_wait3A_470, %dma_wait3A_471] : memref<16384x4096xf32, #tpu.memory_space<hbm>> -> memref<1x4096xf32, #tpu.memory_space<hbm>>
          %dma_wait3A_473 = arith.constant 0 : i32
          %dma_wait3A_474 = arith.constant 0 : i32
          %dma_wait3A_475 = tpu.memref_slice %arg9[%dma_wait3A_473, %dma_wait3A_474] : memref<8x4096xf32, #tpu.memory_space<vmem>> -> memref<1x4096xf32, #tpu.memory_space<vmem>>
          tpu.wait_dma2 semaphore(%arg13 : memref<!tpu.dma_semaphore, #tpu.memory_space<semaphore_mem>>) src(%dma_wait3A_475 : memref<1x4096xf32, #tpu.memory_space<vmem>>) dst(%dma_wait3A_472 : memref<1x4096xf32, #tpu.memory_space<hbm>>)
        } else {
        }
        %mul3A_352 = arith.constant 16 : i32
        %mul3A_353 = arith.muli %while3A_237, %mul3A_352 : i32
        %add3A_354 = arith.constant 8 : i32
        %add3A_355 = arith.addi %mul3A_353, %add3A_354 : i32
        %lt3A_356 = arith.cmpi slt, %add3A_355, %reduce_max3A_174 : i32
        %convert_element_type3A_357 = arith.extui %lt3A_356 : i1 to i32
        %cond3A_358 = arith.constant 0 : i32
        %cond3A_359 = arith.cmpi ne, %convert_element_type3A_357, %cond3A_358 : i32
        scf.if %cond3A_359 {
          %slice3A = vector.extract_strided_slice %get3A_240 {offsets = [8], sizes = [1], strides = [1]} : vector<16xi32> to vector<1xi32>
          %squeeze3A = vector.extract %slice3A[0] : i32 from vector<1xi32>
          %and3A_464 = arith.constant 7 : i32
          %and3A_465 = arith.andi %squeeze3A, %and3A_464 : i32
          %shift_right_arithmetic3A = arith.constant 3 : i32
          %shift_right_arithmetic3A_466 = arith.shrsi %squeeze3A, %shift_right_arithmetic3A : i32
          %dma_start3A_467 = arith.constant 0 : i32
          %dma_start3A_468 = tpu.memref_slice %arg9[%and3A_465, %dma_start3A_467] : memref<8x4096xf32, #tpu.memory_space<vmem>> -> memref<1x4096xf32, #tpu.memory_space<vmem>>
          %dma_start3A_469 = arith.constant 0 : i32
          %dma_start3A_470 = tpu.memref_slice %arg4[%shift_right_arithmetic3A_466, %dma_start3A_469] : memref<16384x4096xf32, #tpu.memory_space<hbm>> -> memref<1x4096xf32, #tpu.memory_space<hbm>>
          %dma_start3A_471 = arith.constant 0 : i32
          %dma_start3A_472 = tpu.memref_slice %arg4[%shift_right_arithmetic3A_466, %dma_start3A_471] : memref<16384x4096xf32, #tpu.memory_space<hbm>> -> memref<1x4096xf32, #tpu.memory_space<hbm>>
          %dma_start3A_473 = arith.constant 0 : i32
          %dma_start3A_474 = tpu.memref_slice %arg9[%and3A_465, %dma_start3A_473] : memref<8x4096xf32, #tpu.memory_space<vmem>> -> memref<1x4096xf32, #tpu.memory_space<vmem>>
          tpu.enqueue_dma source(%dma_start3A_474 : memref<1x4096xf32, #tpu.memory_space<vmem>>) target(%dma_start3A_472 : memref<1x4096xf32, #tpu.memory_space<hbm>>) target_semaphore(%arg13 : memref<!tpu.dma_semaphore, #tpu.memory_space<semaphore_mem>>)
        } else {
        }
        %ge3A_360 = arith.constant 16 : i32
        %ge3A_361 = arith.cmpi sge, %add3A_355, %ge3A_360 : i32
        %and3A_362 = arith.andi %lt3A_356, %ge3A_361 : i1
        %convert_element_type3A_363 = arith.extui %and3A_362 : i1 to i32
        %cond3A_364 = arith.constant 0 : i32
        %cond3A_365 = arith.cmpi ne, %convert_element_type3A_363, %cond3A_364 : i32
        scf.if %cond3A_365 {
          %dma_wait3A_464 = arith.constant 0 : i32
          %dma_wait3A_465 = arith.constant 0 : i32
          %dma_wait3A_466 = tpu.memref_slice %arg9[%dma_wait3A_464, %dma_wait3A_465] : memref<8x4096xf32, #tpu.memory_space<vmem>> -> memref<1x4096xf32, #tpu.memory_space<vmem>>
          %dma_wait3A_467 = arith.constant 0 : i32
          %dma_wait3A_468 = arith.constant 0 : i32
          %dma_wait3A_469 = tpu.memref_slice %arg4[%dma_wait3A_467, %dma_wait3A_468] : memref<16384x4096xf32, #tpu.memory_space<hbm>> -> memref<1x4096xf32, #tpu.memory_space<hbm>>
          %dma_wait3A_470 = arith.constant 0 : i32
          %dma_wait3A_471 = arith.constant 0 : i32
          %dma_wait3A_472 = tpu.memref_slice %arg4[%dma_wait3A_470, %dma_wait3A_471] : memref<16384x4096xf32, #tpu.memory_space<hbm>> -> memref<1x4096xf32, #tpu.memory_space<hbm>>
          %dma_wait3A_473 = arith.constant 0 : i32
          %dma_wait3A_474 = arith.constant 0 : i32
          %dma_wait3A_475 = tpu.memref_slice %arg9[%dma_wait3A_473, %dma_wait3A_474] : memref<8x4096xf32, #tpu.memory_space<vmem>> -> memref<1x4096xf32, #tpu.memory_space<vmem>>
          tpu.wait_dma2 semaphore(%arg13 : memref<!tpu.dma_semaphore, #tpu.memory_space<semaphore_mem>>) src(%dma_wait3A_475 : memref<1x4096xf32, #tpu.memory_space<vmem>>) dst(%dma_wait3A_472 : memref<1x4096xf32, #tpu.memory_space<hbm>>)
        } else {
        }
        %mul3A_366 = arith.constant 16 : i32
        %mul3A_367 = arith.muli %while3A_237, %mul3A_366 : i32
        %add3A_368 = arith.constant 9 : i32
        %add3A_369 = arith.addi %mul3A_367, %add3A_368 : i32
        %lt3A_370 = arith.cmpi slt, %add3A_369, %reduce_max3A_174 : i32
        %convert_element_type3A_371 = arith.extui %lt3A_370 : i1 to i32
        %cond3A_372 = arith.constant 0 : i32
        %cond3A_373 = arith.cmpi ne, %convert_element_type3A_371, %cond3A_372 : i32
        scf.if %cond3A_373 {
          %slice3A = vector.extract_strided_slice %get3A_240 {offsets = [9], sizes = [1], strides = [1]} : vector<16xi32> to vector<1xi32>
          %squeeze3A = vector.extract %slice3A[0] : i32 from vector<1xi32>
          %and3A_464 = arith.constant 7 : i32
          %and3A_465 = arith.andi %squeeze3A, %and3A_464 : i32
          %shift_right_arithmetic3A = arith.constant 3 : i32
          %shift_right_arithmetic3A_466 = arith.shrsi %squeeze3A, %shift_right_arithmetic3A : i32
          %dma_start3A_467 = arith.constant 0 : i32
          %dma_start3A_468 = tpu.memref_slice %arg9[%and3A_465, %dma_start3A_467] : memref<8x4096xf32, #tpu.memory_space<vmem>> -> memref<1x4096xf32, #tpu.memory_space<vmem>>
          %dma_start3A_469 = arith.constant 0 : i32
          %dma_start3A_470 = tpu.memref_slice %arg4[%shift_right_arithmetic3A_466, %dma_start3A_469] : memref<16384x4096xf32, #tpu.memory_space<hbm>> -> memref<1x4096xf32, #tpu.memory_space<hbm>>
          %dma_start3A_471 = arith.constant 0 : i32
          %dma_start3A_472 = tpu.memref_slice %arg4[%shift_right_arithmetic3A_466, %dma_start3A_471] : memref<16384x4096xf32, #tpu.memory_space<hbm>> -> memref<1x4096xf32, #tpu.memory_space<hbm>>
          %dma_start3A_473 = arith.constant 0 : i32
          %dma_start3A_474 = tpu.memref_slice %arg9[%and3A_465, %dma_start3A_473] : memref<8x4096xf32, #tpu.memory_space<vmem>> -> memref<1x4096xf32, #tpu.memory_space<vmem>>
          tpu.enqueue_dma source(%dma_start3A_474 : memref<1x4096xf32, #tpu.memory_space<vmem>>) target(%dma_start3A_472 : memref<1x4096xf32, #tpu.memory_space<hbm>>) target_semaphore(%arg13 : memref<!tpu.dma_semaphore, #tpu.memory_space<semaphore_mem>>)
        } else {
        }
        %ge3A_374 = arith.constant 16 : i32
        %ge3A_375 = arith.cmpi sge, %add3A_369, %ge3A_374 : i32
        %and3A_376 = arith.andi %lt3A_370, %ge3A_375 : i1
        %convert_element_type3A_377 = arith.extui %and3A_376 : i1 to i32
        %cond3A_378 = arith.constant 0 : i32
        %cond3A_379 = arith.cmpi ne, %convert_element_type3A_377, %cond3A_378 : i32
        scf.if %cond3A_379 {
          %dma_wait3A_464 = arith.constant 0 : i32
          %dma_wait3A_465 = arith.constant 0 : i32
          %dma_wait3A_466 = tpu.memref_slice %arg9[%dma_wait3A_464, %dma_wait3A_465] : memref<8x4096xf32, #tpu.memory_space<vmem>> -> memref<1x4096xf32, #tpu.memory_space<vmem>>
          %dma_wait3A_467 = arith.constant 0 : i32
          %dma_wait3A_468 = arith.constant 0 : i32
          %dma_wait3A_469 = tpu.memref_slice %arg4[%dma_wait3A_467, %dma_wait3A_468] : memref<16384x4096xf32, #tpu.memory_space<hbm>> -> memref<1x4096xf32, #tpu.memory_space<hbm>>
          %dma_wait3A_470 = arith.constant 0 : i32
          %dma_wait3A_471 = arith.constant 0 : i32
          %dma_wait3A_472 = tpu.memref_slice %arg4[%dma_wait3A_470, %dma_wait3A_471] : memref<16384x4096xf32, #tpu.memory_space<hbm>> -> memref<1x4096xf32, #tpu.memory_space<hbm>>
          %dma_wait3A_473 = arith.constant 0 : i32
          %dma_wait3A_474 = arith.constant 0 : i32
          %dma_wait3A_475 = tpu.memref_slice %arg9[%dma_wait3A_473, %dma_wait3A_474] : memref<8x4096xf32, #tpu.memory_space<vmem>> -> memref<1x4096xf32, #tpu.memory_space<vmem>>
          tpu.wait_dma2 semaphore(%arg13 : memref<!tpu.dma_semaphore, #tpu.memory_space<semaphore_mem>>) src(%dma_wait3A_475 : memref<1x4096xf32, #tpu.memory_space<vmem>>) dst(%dma_wait3A_472 : memref<1x4096xf32, #tpu.memory_space<hbm>>)
        } else {
        }
        %mul3A_380 = arith.constant 16 : i32
        %mul3A_381 = arith.muli %while3A_237, %mul3A_380 : i32
        %add3A_382 = arith.constant 10 : i32
        %add3A_383 = arith.addi %mul3A_381, %add3A_382 : i32
        %lt3A_384 = arith.cmpi slt, %add3A_383, %reduce_max3A_174 : i32
        %convert_element_type3A_385 = arith.extui %lt3A_384 : i1 to i32
        %cond3A_386 = arith.constant 0 : i32
        %cond3A_387 = arith.cmpi ne, %convert_element_type3A_385, %cond3A_386 : i32
        scf.if %cond3A_387 {
          %slice3A = vector.extract_strided_slice %get3A_240 {offsets = [10], sizes = [1], strides = [1]} : vector<16xi32> to vector<1xi32>
          %squeeze3A = vector.extract %slice3A[0] : i32 from vector<1xi32>
          %and3A_464 = arith.constant 7 : i32
          %and3A_465 = arith.andi %squeeze3A, %and3A_464 : i32
          %shift_right_arithmetic3A = arith.constant 3 : i32
          %shift_right_arithmetic3A_466 = arith.shrsi %squeeze3A, %shift_right_arithmetic3A : i32
          %dma_start3A_467 = arith.constant 0 : i32
          %dma_start3A_468 = tpu.memref_slice %arg9[%and3A_465, %dma_start3A_467] : memref<8x4096xf32, #tpu.memory_space<vmem>> -> memref<1x4096xf32, #tpu.memory_space<vmem>>
          %dma_start3A_469 = arith.constant 0 : i32
          %dma_start3A_470 = tpu.memref_slice %arg4[%shift_right_arithmetic3A_466, %dma_start3A_469] : memref<16384x4096xf32, #tpu.memory_space<hbm>> -> memref<1x4096xf32, #tpu.memory_space<hbm>>
          %dma_start3A_471 = arith.constant 0 : i32
          %dma_start3A_472 = tpu.memref_slice %arg4[%shift_right_arithmetic3A_466, %dma_start3A_471] : memref<16384x4096xf32, #tpu.memory_space<hbm>> -> memref<1x4096xf32, #tpu.memory_space<hbm>>
          %dma_start3A_473 = arith.constant 0 : i32
          %dma_start3A_474 = tpu.memref_slice %arg9[%and3A_465, %dma_start3A_473] : memref<8x4096xf32, #tpu.memory_space<vmem>> -> memref<1x4096xf32, #tpu.memory_space<vmem>>
          tpu.enqueue_dma source(%dma_start3A_474 : memref<1x4096xf32, #tpu.memory_space<vmem>>) target(%dma_start3A_472 : memref<1x4096xf32, #tpu.memory_space<hbm>>) target_semaphore(%arg13 : memref<!tpu.dma_semaphore, #tpu.memory_space<semaphore_mem>>)
        } else {
        }
        %ge3A_388 = arith.constant 16 : i32
        %ge3A_389 = arith.cmpi sge, %add3A_383, %ge3A_388 : i32
        %and3A_390 = arith.andi %lt3A_384, %ge3A_389 : i1
        %convert_element_type3A_391 = arith.extui %and3A_390 : i1 to i32
        %cond3A_392 = arith.constant 0 : i32
        %cond3A_393 = arith.cmpi ne, %convert_element_type3A_391, %cond3A_392 : i32
        scf.if %cond3A_393 {
          %dma_wait3A_464 = arith.constant 0 : i32
          %dma_wait3A_465 = arith.constant 0 : i32
          %dma_wait3A_466 = tpu.memref_slice %arg9[%dma_wait3A_464, %dma_wait3A_465] : memref<8x4096xf32, #tpu.memory_space<vmem>> -> memref<1x4096xf32, #tpu.memory_space<vmem>>
          %dma_wait3A_467 = arith.constant 0 : i32
          %dma_wait3A_468 = arith.constant 0 : i32
          %dma_wait3A_469 = tpu.memref_slice %arg4[%dma_wait3A_467, %dma_wait3A_468] : memref<16384x4096xf32, #tpu.memory_space<hbm>> -> memref<1x4096xf32, #tpu.memory_space<hbm>>
          %dma_wait3A_470 = arith.constant 0 : i32
          %dma_wait3A_471 = arith.constant 0 : i32
          %dma_wait3A_472 = tpu.memref_slice %arg4[%dma_wait3A_470, %dma_wait3A_471] : memref<16384x4096xf32, #tpu.memory_space<hbm>> -> memref<1x4096xf32, #tpu.memory_space<hbm>>
          %dma_wait3A_473 = arith.constant 0 : i32
          %dma_wait3A_474 = arith.constant 0 : i32
          %dma_wait3A_475 = tpu.memref_slice %arg9[%dma_wait3A_473, %dma_wait3A_474] : memref<8x4096xf32, #tpu.memory_space<vmem>> -> memref<1x4096xf32, #tpu.memory_space<vmem>>
          tpu.wait_dma2 semaphore(%arg13 : memref<!tpu.dma_semaphore, #tpu.memory_space<semaphore_mem>>) src(%dma_wait3A_475 : memref<1x4096xf32, #tpu.memory_space<vmem>>) dst(%dma_wait3A_472 : memref<1x4096xf32, #tpu.memory_space<hbm>>)
        } else {
        }
        %mul3A_394 = arith.constant 16 : i32
        %mul3A_395 = arith.muli %while3A_237, %mul3A_394 : i32
        %add3A_396 = arith.constant 11 : i32
        %add3A_397 = arith.addi %mul3A_395, %add3A_396 : i32
        %lt3A_398 = arith.cmpi slt, %add3A_397, %reduce_max3A_174 : i32
        %convert_element_type3A_399 = arith.extui %lt3A_398 : i1 to i32
        %cond3A_400 = arith.constant 0 : i32
        %cond3A_401 = arith.cmpi ne, %convert_element_type3A_399, %cond3A_400 : i32
        scf.if %cond3A_401 {
          %slice3A = vector.extract_strided_slice %get3A_240 {offsets = [11], sizes = [1], strides = [1]} : vector<16xi32> to vector<1xi32>
          %squeeze3A = vector.extract %slice3A[0] : i32 from vector<1xi32>
          %and3A_464 = arith.constant 7 : i32
          %and3A_465 = arith.andi %squeeze3A, %and3A_464 : i32
          %shift_right_arithmetic3A = arith.constant 3 : i32
          %shift_right_arithmetic3A_466 = arith.shrsi %squeeze3A, %shift_right_arithmetic3A : i32
          %dma_start3A_467 = arith.constant 0 : i32
          %dma_start3A_468 = tpu.memref_slice %arg9[%and3A_465, %dma_start3A_467] : memref<8x4096xf32, #tpu.memory_space<vmem>> -> memref<1x4096xf32, #tpu.memory_space<vmem>>
          %dma_start3A_469 = arith.constant 0 : i32
          %dma_start3A_470 = tpu.memref_slice %arg4[%shift_right_arithmetic3A_466, %dma_start3A_469] : memref<16384x4096xf32, #tpu.memory_space<hbm>> -> memref<1x4096xf32, #tpu.memory_space<hbm>>
          %dma_start3A_471 = arith.constant 0 : i32
          %dma_start3A_472 = tpu.memref_slice %arg4[%shift_right_arithmetic3A_466, %dma_start3A_471] : memref<16384x4096xf32, #tpu.memory_space<hbm>> -> memref<1x4096xf32, #tpu.memory_space<hbm>>
          %dma_start3A_473 = arith.constant 0 : i32
          %dma_start3A_474 = tpu.memref_slice %arg9[%and3A_465, %dma_start3A_473] : memref<8x4096xf32, #tpu.memory_space<vmem>> -> memref<1x4096xf32, #tpu.memory_space<vmem>>
          tpu.enqueue_dma source(%dma_start3A_474 : memref<1x4096xf32, #tpu.memory_space<vmem>>) target(%dma_start3A_472 : memref<1x4096xf32, #tpu.memory_space<hbm>>) target_semaphore(%arg13 : memref<!tpu.dma_semaphore, #tpu.memory_space<semaphore_mem>>)
        } else {
        }
        %ge3A_402 = arith.constant 16 : i32
        %ge3A_403 = arith.cmpi sge, %add3A_397, %ge3A_402 : i32
        %and3A_404 = arith.andi %lt3A_398, %ge3A_403 : i1
        %convert_element_type3A_405 = arith.extui %and3A_404 : i1 to i32
        %cond3A_406 = arith.constant 0 : i32
        %cond3A_407 = arith.cmpi ne, %convert_element_type3A_405, %cond3A_406 : i32
        scf.if %cond3A_407 {
          %dma_wait3A_464 = arith.constant 0 : i32
          %dma_wait3A_465 = arith.constant 0 : i32
          %dma_wait3A_466 = tpu.memref_slice %arg9[%dma_wait3A_464, %dma_wait3A_465] : memref<8x4096xf32, #tpu.memory_space<vmem>> -> memref<1x4096xf32, #tpu.memory_space<vmem>>
          %dma_wait3A_467 = arith.constant 0 : i32
          %dma_wait3A_468 = arith.constant 0 : i32
          %dma_wait3A_469 = tpu.memref_slice %arg4[%dma_wait3A_467, %dma_wait3A_468] : memref<16384x4096xf32, #tpu.memory_space<hbm>> -> memref<1x4096xf32, #tpu.memory_space<hbm>>
          %dma_wait3A_470 = arith.constant 0 : i32
          %dma_wait3A_471 = arith.constant 0 : i32
          %dma_wait3A_472 = tpu.memref_slice %arg4[%dma_wait3A_470, %dma_wait3A_471] : memref<16384x4096xf32, #tpu.memory_space<hbm>> -> memref<1x4096xf32, #tpu.memory_space<hbm>>
          %dma_wait3A_473 = arith.constant 0 : i32
          %dma_wait3A_474 = arith.constant 0 : i32
          %dma_wait3A_475 = tpu.memref_slice %arg9[%dma_wait3A_473, %dma_wait3A_474] : memref<8x4096xf32, #tpu.memory_space<vmem>> -> memref<1x4096xf32, #tpu.memory_space<vmem>>
          tpu.wait_dma2 semaphore(%arg13 : memref<!tpu.dma_semaphore, #tpu.memory_space<semaphore_mem>>) src(%dma_wait3A_475 : memref<1x4096xf32, #tpu.memory_space<vmem>>) dst(%dma_wait3A_472 : memref<1x4096xf32, #tpu.memory_space<hbm>>)
        } else {
        }
        %mul3A_408 = arith.constant 16 : i32
        %mul3A_409 = arith.muli %while3A_237, %mul3A_408 : i32
        %add3A_410 = arith.constant 12 : i32
        %add3A_411 = arith.addi %mul3A_409, %add3A_410 : i32
        %lt3A_412 = arith.cmpi slt, %add3A_411, %reduce_max3A_174 : i32
        %convert_element_type3A_413 = arith.extui %lt3A_412 : i1 to i32
        %cond3A_414 = arith.constant 0 : i32
        %cond3A_415 = arith.cmpi ne, %convert_element_type3A_413, %cond3A_414 : i32
        scf.if %cond3A_415 {
          %slice3A = vector.extract_strided_slice %get3A_240 {offsets = [12], sizes = [1], strides = [1]} : vector<16xi32> to vector<1xi32>
          %squeeze3A = vector.extract %slice3A[0] : i32 from vector<1xi32>
          %and3A_464 = arith.constant 7 : i32
          %and3A_465 = arith.andi %squeeze3A, %and3A_464 : i32
          %shift_right_arithmetic3A = arith.constant 3 : i32
          %shift_right_arithmetic3A_466 = arith.shrsi %squeeze3A, %shift_right_arithmetic3A : i32
          %dma_start3A_467 = arith.constant 0 : i32
          %dma_start3A_468 = tpu.memref_slice %arg9[%and3A_465, %dma_start3A_467] : memref<8x4096xf32, #tpu.memory_space<vmem>> -> memref<1x4096xf32, #tpu.memory_space<vmem>>
          %dma_start3A_469 = arith.constant 0 : i32
          %dma_start3A_470 = tpu.memref_slice %arg4[%shift_right_arithmetic3A_466, %dma_start3A_469] : memref<16384x4096xf32, #tpu.memory_space<hbm>> -> memref<1x4096xf32, #tpu.memory_space<hbm>>
          %dma_start3A_471 = arith.constant 0 : i32
          %dma_start3A_472 = tpu.memref_slice %arg4[%shift_right_arithmetic3A_466, %dma_start3A_471] : memref<16384x4096xf32, #tpu.memory_space<hbm>> -> memref<1x4096xf32, #tpu.memory_space<hbm>>
          %dma_start3A_473 = arith.constant 0 : i32
          %dma_start3A_474 = tpu.memref_slice %arg9[%and3A_465, %dma_start3A_473] : memref<8x4096xf32, #tpu.memory_space<vmem>> -> memref<1x4096xf32, #tpu.memory_space<vmem>>
          tpu.enqueue_dma source(%dma_start3A_474 : memref<1x4096xf32, #tpu.memory_space<vmem>>) target(%dma_start3A_472 : memref<1x4096xf32, #tpu.memory_space<hbm>>) target_semaphore(%arg13 : memref<!tpu.dma_semaphore, #tpu.memory_space<semaphore_mem>>)
        } else {
        }
        %ge3A_416 = arith.constant 16 : i32
        %ge3A_417 = arith.cmpi sge, %add3A_411, %ge3A_416 : i32
        %and3A_418 = arith.andi %lt3A_412, %ge3A_417 : i1
        %convert_element_type3A_419 = arith.extui %and3A_418 : i1 to i32
        %cond3A_420 = arith.constant 0 : i32
        %cond3A_421 = arith.cmpi ne, %convert_element_type3A_419, %cond3A_420 : i32
        scf.if %cond3A_421 {
          %dma_wait3A_464 = arith.constant 0 : i32
          %dma_wait3A_465 = arith.constant 0 : i32
          %dma_wait3A_466 = tpu.memref_slice %arg9[%dma_wait3A_464, %dma_wait3A_465] : memref<8x4096xf32, #tpu.memory_space<vmem>> -> memref<1x4096xf32, #tpu.memory_space<vmem>>
          %dma_wait3A_467 = arith.constant 0 : i32
          %dma_wait3A_468 = arith.constant 0 : i32
          %dma_wait3A_469 = tpu.memref_slice %arg4[%dma_wait3A_467, %dma_wait3A_468] : memref<16384x4096xf32, #tpu.memory_space<hbm>> -> memref<1x4096xf32, #tpu.memory_space<hbm>>
          %dma_wait3A_470 = arith.constant 0 : i32
          %dma_wait3A_471 = arith.constant 0 : i32
          %dma_wait3A_472 = tpu.memref_slice %arg4[%dma_wait3A_470, %dma_wait3A_471] : memref<16384x4096xf32, #tpu.memory_space<hbm>> -> memref<1x4096xf32, #tpu.memory_space<hbm>>
          %dma_wait3A_473 = arith.constant 0 : i32
          %dma_wait3A_474 = arith.constant 0 : i32
          %dma_wait3A_475 = tpu.memref_slice %arg9[%dma_wait3A_473, %dma_wait3A_474] : memref<8x4096xf32, #tpu.memory_space<vmem>> -> memref<1x4096xf32, #tpu.memory_space<vmem>>
          tpu.wait_dma2 semaphore(%arg13 : memref<!tpu.dma_semaphore, #tpu.memory_space<semaphore_mem>>) src(%dma_wait3A_475 : memref<1x4096xf32, #tpu.memory_space<vmem>>) dst(%dma_wait3A_472 : memref<1x4096xf32, #tpu.memory_space<hbm>>)
        } else {
        }
        %mul3A_422 = arith.constant 16 : i32
        %mul3A_423 = arith.muli %while3A_237, %mul3A_422 : i32
        %add3A_424 = arith.constant 13 : i32
        %add3A_425 = arith.addi %mul3A_423, %add3A_424 : i32
        %lt3A_426 = arith.cmpi slt, %add3A_425, %reduce_max3A_174 : i32
        %convert_element_type3A_427 = arith.extui %lt3A_426 : i1 to i32
        %cond3A_428 = arith.constant 0 : i32
        %cond3A_429 = arith.cmpi ne, %convert_element_type3A_427, %cond3A_428 : i32
        scf.if %cond3A_429 {
          %slice3A = vector.extract_strided_slice %get3A_240 {offsets = [13], sizes = [1], strides = [1]} : vector<16xi32> to vector<1xi32>
          %squeeze3A = vector.extract %slice3A[0] : i32 from vector<1xi32>
          %and3A_464 = arith.constant 7 : i32
          %and3A_465 = arith.andi %squeeze3A, %and3A_464 : i32
          %shift_right_arithmetic3A = arith.constant 3 : i32
          %shift_right_arithmetic3A_466 = arith.shrsi %squeeze3A, %shift_right_arithmetic3A : i32
          %dma_start3A_467 = arith.constant 0 : i32
          %dma_start3A_468 = tpu.memref_slice %arg9[%and3A_465, %dma_start3A_467] : memref<8x4096xf32, #tpu.memory_space<vmem>> -> memref<1x4096xf32, #tpu.memory_space<vmem>>
          %dma_start3A_469 = arith.constant 0 : i32
          %dma_start3A_470 = tpu.memref_slice %arg4[%shift_right_arithmetic3A_466, %dma_start3A_469] : memref<16384x4096xf32, #tpu.memory_space<hbm>> -> memref<1x4096xf32, #tpu.memory_space<hbm>>
          %dma_start3A_471 = arith.constant 0 : i32
          %dma_start3A_472 = tpu.memref_slice %arg4[%shift_right_arithmetic3A_466, %dma_start3A_471] : memref<16384x4096xf32, #tpu.memory_space<hbm>> -> memref<1x4096xf32, #tpu.memory_space<hbm>>
          %dma_start3A_473 = arith.constant 0 : i32
          %dma_start3A_474 = tpu.memref_slice %arg9[%and3A_465, %dma_start3A_473] : memref<8x4096xf32, #tpu.memory_space<vmem>> -> memref<1x4096xf32, #tpu.memory_space<vmem>>
          tpu.enqueue_dma source(%dma_start3A_474 : memref<1x4096xf32, #tpu.memory_space<vmem>>) target(%dma_start3A_472 : memref<1x4096xf32, #tpu.memory_space<hbm>>) target_semaphore(%arg13 : memref<!tpu.dma_semaphore, #tpu.memory_space<semaphore_mem>>)
        } else {
        }
        %ge3A_430 = arith.constant 16 : i32
        %ge3A_431 = arith.cmpi sge, %add3A_425, %ge3A_430 : i32
        %and3A_432 = arith.andi %lt3A_426, %ge3A_431 : i1
        %convert_element_type3A_433 = arith.extui %and3A_432 : i1 to i32
        %cond3A_434 = arith.constant 0 : i32
        %cond3A_435 = arith.cmpi ne, %convert_element_type3A_433, %cond3A_434 : i32
        scf.if %cond3A_435 {
          %dma_wait3A_464 = arith.constant 0 : i32
          %dma_wait3A_465 = arith.constant 0 : i32
          %dma_wait3A_466 = tpu.memref_slice %arg9[%dma_wait3A_464, %dma_wait3A_465] : memref<8x4096xf32, #tpu.memory_space<vmem>> -> memref<1x4096xf32, #tpu.memory_space<vmem>>
          %dma_wait3A_467 = arith.constant 0 : i32
          %dma_wait3A_468 = arith.constant 0 : i32
          %dma_wait3A_469 = tpu.memref_slice %arg4[%dma_wait3A_467, %dma_wait3A_468] : memref<16384x4096xf32, #tpu.memory_space<hbm>> -> memref<1x4096xf32, #tpu.memory_space<hbm>>
          %dma_wait3A_470 = arith.constant 0 : i32
          %dma_wait3A_471 = arith.constant 0 : i32
          %dma_wait3A_472 = tpu.memref_slice %arg4[%dma_wait3A_470, %dma_wait3A_471] : memref<16384x4096xf32, #tpu.memory_space<hbm>> -> memref<1x4096xf32, #tpu.memory_space<hbm>>
          %dma_wait3A_473 = arith.constant 0 : i32
          %dma_wait3A_474 = arith.constant 0 : i32
          %dma_wait3A_475 = tpu.memref_slice %arg9[%dma_wait3A_473, %dma_wait3A_474] : memref<8x4096xf32, #tpu.memory_space<vmem>> -> memref<1x4096xf32, #tpu.memory_space<vmem>>
          tpu.wait_dma2 semaphore(%arg13 : memref<!tpu.dma_semaphore, #tpu.memory_space<semaphore_mem>>) src(%dma_wait3A_475 : memref<1x4096xf32, #tpu.memory_space<vmem>>) dst(%dma_wait3A_472 : memref<1x4096xf32, #tpu.memory_space<hbm>>)
        } else {
        }
        %mul3A_436 = arith.constant 16 : i32
        %mul3A_437 = arith.muli %while3A_237, %mul3A_436 : i32
        %add3A_438 = arith.constant 14 : i32
        %add3A_439 = arith.addi %mul3A_437, %add3A_438 : i32
        %lt3A_440 = arith.cmpi slt, %add3A_439, %reduce_max3A_174 : i32
        %convert_element_type3A_441 = arith.extui %lt3A_440 : i1 to i32
        %cond3A_442 = arith.constant 0 : i32
        %cond3A_443 = arith.cmpi ne, %convert_element_type3A_441, %cond3A_442 : i32
        scf.if %cond3A_443 {
          %slice3A = vector.extract_strided_slice %get3A_240 {offsets = [14], sizes = [1], strides = [1]} : vector<16xi32> to vector<1xi32>
          %squeeze3A = vector.extract %slice3A[0] : i32 from vector<1xi32>
          %and3A_464 = arith.constant 7 : i32
          %and3A_465 = arith.andi %squeeze3A, %and3A_464 : i32
          %shift_right_arithmetic3A = arith.constant 3 : i32
          %shift_right_arithmetic3A_466 = arith.shrsi %squeeze3A, %shift_right_arithmetic3A : i32
          %dma_start3A_467 = arith.constant 0 : i32
          %dma_start3A_468 = tpu.memref_slice %arg9[%and3A_465, %dma_start3A_467] : memref<8x4096xf32, #tpu.memory_space<vmem>> -> memref<1x4096xf32, #tpu.memory_space<vmem>>
          %dma_start3A_469 = arith.constant 0 : i32
          %dma_start3A_470 = tpu.memref_slice %arg4[%shift_right_arithmetic3A_466, %dma_start3A_469] : memref<16384x4096xf32, #tpu.memory_space<hbm>> -> memref<1x4096xf32, #tpu.memory_space<hbm>>
          %dma_start3A_471 = arith.constant 0 : i32
          %dma_start3A_472 = tpu.memref_slice %arg4[%shift_right_arithmetic3A_466, %dma_start3A_471] : memref<16384x4096xf32, #tpu.memory_space<hbm>> -> memref<1x4096xf32, #tpu.memory_space<hbm>>
          %dma_start3A_473 = arith.constant 0 : i32
          %dma_start3A_474 = tpu.memref_slice %arg9[%and3A_465, %dma_start3A_473] : memref<8x4096xf32, #tpu.memory_space<vmem>> -> memref<1x4096xf32, #tpu.memory_space<vmem>>
          tpu.enqueue_dma source(%dma_start3A_474 : memref<1x4096xf32, #tpu.memory_space<vmem>>) target(%dma_start3A_472 : memref<1x4096xf32, #tpu.memory_space<hbm>>) target_semaphore(%arg13 : memref<!tpu.dma_semaphore, #tpu.memory_space<semaphore_mem>>)
        } else {
        }
        %ge3A_444 = arith.constant 16 : i32
        %ge3A_445 = arith.cmpi sge, %add3A_439, %ge3A_444 : i32
        %and3A_446 = arith.andi %lt3A_440, %ge3A_445 : i1
        %convert_element_type3A_447 = arith.extui %and3A_446 : i1 to i32
        %cond3A_448 = arith.constant 0 : i32
        %cond3A_449 = arith.cmpi ne, %convert_element_type3A_447, %cond3A_448 : i32
        scf.if %cond3A_449 {
          %dma_wait3A_464 = arith.constant 0 : i32
          %dma_wait3A_465 = arith.constant 0 : i32
          %dma_wait3A_466 = tpu.memref_slice %arg9[%dma_wait3A_464, %dma_wait3A_465] : memref<8x4096xf32, #tpu.memory_space<vmem>> -> memref<1x4096xf32, #tpu.memory_space<vmem>>
          %dma_wait3A_467 = arith.constant 0 : i32
          %dma_wait3A_468 = arith.constant 0 : i32
          %dma_wait3A_469 = tpu.memref_slice %arg4[%dma_wait3A_467, %dma_wait3A_468] : memref<16384x4096xf32, #tpu.memory_space<hbm>> -> memref<1x4096xf32, #tpu.memory_space<hbm>>
          %dma_wait3A_470 = arith.constant 0 : i32
          %dma_wait3A_471 = arith.constant 0 : i32
          %dma_wait3A_472 = tpu.memref_slice %arg4[%dma_wait3A_470, %dma_wait3A_471] : memref<16384x4096xf32, #tpu.memory_space<hbm>> -> memref<1x4096xf32, #tpu.memory_space<hbm>>
          %dma_wait3A_473 = arith.constant 0 : i32
          %dma_wait3A_474 = arith.constant 0 : i32
          %dma_wait3A_475 = tpu.memref_slice %arg9[%dma_wait3A_473, %dma_wait3A_474] : memref<8x4096xf32, #tpu.memory_space<vmem>> -> memref<1x4096xf32, #tpu.memory_space<vmem>>
          tpu.wait_dma2 semaphore(%arg13 : memref<!tpu.dma_semaphore, #tpu.memory_space<semaphore_mem>>) src(%dma_wait3A_475 : memref<1x4096xf32, #tpu.memory_space<vmem>>) dst(%dma_wait3A_472 : memref<1x4096xf32, #tpu.memory_space<hbm>>)
        } else {
        }
        %mul3A_450 = arith.constant 16 : i32
        %mul3A_451 = arith.muli %while3A_237, %mul3A_450 : i32
        %add3A_452 = arith.constant 15 : i32
        %add3A_453 = arith.addi %mul3A_451, %add3A_452 : i32
        %lt3A_454 = arith.cmpi slt, %add3A_453, %reduce_max3A_174 : i32
        %convert_element_type3A_455 = arith.extui %lt3A_454 : i1 to i32
        %cond3A_456 = arith.constant 0 : i32
        %cond3A_457 = arith.cmpi ne, %convert_element_type3A_455, %cond3A_456 : i32
        scf.if %cond3A_457 {
          %slice3A = vector.extract_strided_slice %get3A_240 {offsets = [15], sizes = [1], strides = [1]} : vector<16xi32> to vector<1xi32>
          %squeeze3A = vector.extract %slice3A[0] : i32 from vector<1xi32>
          %and3A_464 = arith.constant 7 : i32
          %and3A_465 = arith.andi %squeeze3A, %and3A_464 : i32
          %shift_right_arithmetic3A = arith.constant 3 : i32
          %shift_right_arithmetic3A_466 = arith.shrsi %squeeze3A, %shift_right_arithmetic3A : i32
          %dma_start3A_467 = arith.constant 0 : i32
          %dma_start3A_468 = tpu.memref_slice %arg9[%and3A_465, %dma_start3A_467] : memref<8x4096xf32, #tpu.memory_space<vmem>> -> memref<1x4096xf32, #tpu.memory_space<vmem>>
          %dma_start3A_469 = arith.constant 0 : i32
          %dma_start3A_470 = tpu.memref_slice %arg4[%shift_right_arithmetic3A_466, %dma_start3A_469] : memref<16384x4096xf32, #tpu.memory_space<hbm>> -> memref<1x4096xf32, #tpu.memory_space<hbm>>
          %dma_start3A_471 = arith.constant 0 : i32
          %dma_start3A_472 = tpu.memref_slice %arg4[%shift_right_arithmetic3A_466, %dma_start3A_471] : memref<16384x4096xf32, #tpu.memory_space<hbm>> -> memref<1x4096xf32, #tpu.memory_space<hbm>>
          %dma_start3A_473 = arith.constant 0 : i32
          %dma_start3A_474 = tpu.memref_slice %arg9[%and3A_465, %dma_start3A_473] : memref<8x4096xf32, #tpu.memory_space<vmem>> -> memref<1x4096xf32, #tpu.memory_space<vmem>>
          tpu.enqueue_dma source(%dma_start3A_474 : memref<1x4096xf32, #tpu.memory_space<vmem>>) target(%dma_start3A_472 : memref<1x4096xf32, #tpu.memory_space<hbm>>) target_semaphore(%arg13 : memref<!tpu.dma_semaphore, #tpu.memory_space<semaphore_mem>>)
        } else {
        }
        %ge3A_458 = arith.constant 16 : i32
        %ge3A_459 = arith.cmpi sge, %add3A_453, %ge3A_458 : i32
        %and3A_460 = arith.andi %lt3A_454, %ge3A_459 : i1
        %convert_element_type3A_461 = arith.extui %and3A_460 : i1 to i32
        %cond3A_462 = arith.constant 0 : i32
        %cond3A_463 = arith.cmpi ne, %convert_element_type3A_461, %cond3A_462 : i32
        scf.if %cond3A_463 {
          %dma_wait3A_464 = arith.constant 0 : i32
          %dma_wait3A_465 = arith.constant 0 : i32
          %dma_wait3A_466 = tpu.memref_slice %arg9[%dma_wait3A_464, %dma_wait3A_465] : memref<8x4096xf32, #tpu.memory_space<vmem>> -> memref<1x4096xf32, #tpu.memory_space<vmem>>
          %dma_wait3A_467 = arith.constant 0 : i32
          %dma_wait3A_468 = arith.constant 0 : i32
          %dma_wait3A_469 = tpu.memref_slice %arg4[%dma_wait3A_467, %dma_wait3A_468] : memref<16384x4096xf32, #tpu.memory_space<hbm>> -> memref<1x4096xf32, #tpu.memory_space<hbm>>
          %dma_wait3A_470 = arith.constant 0 : i32
          %dma_wait3A_471 = arith.constant 0 : i32
          %dma_wait3A_472 = tpu.memref_slice %arg4[%dma_wait3A_470, %dma_wait3A_471] : memref<16384x4096xf32, #tpu.memory_space<hbm>> -> memref<1x4096xf32, #tpu.memory_space<hbm>>
          %dma_wait3A_473 = arith.constant 0 : i32
          %dma_wait3A_474 = arith.constant 0 : i32
          %dma_wait3A_475 = tpu.memref_slice %arg9[%dma_wait3A_473, %dma_wait3A_474] : memref<8x4096xf32, #tpu.memory_space<vmem>> -> memref<1x4096xf32, #tpu.memory_space<vmem>>
          tpu.wait_dma2 semaphore(%arg13 : memref<!tpu.dma_semaphore, #tpu.memory_space<semaphore_mem>>) src(%dma_wait3A_475 : memref<1x4096xf32, #tpu.memory_space<vmem>>) dst(%dma_wait3A_472 : memref<1x4096xf32, #tpu.memory_space<hbm>>)
        } else {
        }
      }
      %while3A_235 = arith.constant 1 : i32
      scf.for %while3A_237 = %while3A_233 to %while3A_229 step %while3A_235  : i32 {
        %mul3A_238 = arith.constant 16 : i32
        %mul3A_239 = arith.muli %while3A_237, %mul3A_238 : i32
        %get3A = arith.index_cast %mul3A_239 : i32 to index
        %get3A_240 = tpu.vector_load %arg7[%get3A] {strides = array<i32>} : memref<16384xi32, #tpu.memory_space<vmem>>, vector<16xi32>,
        %mul3A_241 = arith.constant 16 : i32
        %mul3A_242 = arith.muli %while3A_237, %mul3A_241 : i32
        %add3A_243 = arith.constant 0 : i32
        %add3A_244 = arith.addi %mul3A_242, %add3A_243 : i32
        %lt3A_245 = arith.cmpi slt, %add3A_244, %reduce_max3A_174 : i32
        %convert_element_type3A_246 = arith.extui %lt3A_245 : i1 to i32
        %cond3A_247 = arith.constant 0 : i32
        %cond3A_248 = arith.cmpi ne, %convert_element_type3A_246, %cond3A_247 : i32
        scf.if %cond3A_248 {
          %slice3A = vector.extract_strided_slice %get3A_240 {offsets = [0], sizes = [1], strides = [1]} : vector<16xi32> to vector<1xi32>
          %squeeze3A = vector.extract %slice3A[0] : i32 from vector<1xi32>
          %and3A_464 = arith.constant 7 : i32
          %and3A_465 = arith.andi %squeeze3A, %and3A_464 : i32
          %shift_right_arithmetic3A = arith.constant 3 : i32
          %shift_right_arithmetic3A_466 = arith.shrsi %squeeze3A, %shift_right_arithmetic3A : i32
          %dma_start3A_467 = arith.constant 0 : i32
          %dma_start3A_468 = tpu.memref_slice %arg9[%and3A_465, %dma_start3A_467] : memref<8x4096xf32, #tpu.memory_space<vmem>> -> memref<1x4096xf32, #tpu.memory_space<vmem>>
          %dma_start3A_469 = arith.constant 0 : i32
          %dma_start3A_470 = tpu.memref_slice %arg4[%shift_right_arithmetic3A_466, %dma_start3A_469] : memref<16384x4096xf32, #tpu.memory_space<hbm>> -> memref<1x4096xf32, #tpu.memory_space<hbm>>
          %dma_start3A_471 = arith.constant 0 : i32
          %dma_start3A_472 = tpu.memref_slice %arg4[%shift_right_arithmetic3A_466, %dma_start3A_471] : memref<16384x4096xf32, #tpu.memory_space<hbm>> -> memref<1x4096xf32, #tpu.memory_space<hbm>>
          %dma_start3A_473 = arith.constant 0 : i32
          %dma_start3A_474 = tpu.memref_slice %arg9[%and3A_465, %dma_start3A_473] : memref<8x4096xf32, #tpu.memory_space<vmem>> -> memref<1x4096xf32, #tpu.memory_space<vmem>>
          tpu.enqueue_dma source(%dma_start3A_474 : memref<1x4096xf32, #tpu.memory_space<vmem>>) target(%dma_start3A_472 : memref<1x4096xf32, #tpu.memory_space<hbm>>) target_semaphore(%arg13 : memref<!tpu.dma_semaphore, #tpu.memory_space<semaphore_mem>>)
        } else {
        }
        %ge3A = arith.constant 16 : i32
        %ge3A_249 = arith.cmpi sge, %add3A_244, %ge3A : i32
        %and3A_250 = arith.andi %lt3A_245, %ge3A_249 : i1
        %convert_element_type3A_251 = arith.extui %and3A_250 : i1 to i32
        %cond3A_252 = arith.constant 0 : i32
        %cond3A_253 = arith.cmpi ne, %convert_element_type3A_251, %cond3A_252 : i32
        scf.if %cond3A_253 {
          %dma_wait3A_464 = arith.constant 0 : i32
          %dma_wait3A_465 = arith.constant 0 : i32
          %dma_wait3A_466 = tpu.memref_slice %arg9[%dma_wait3A_464, %dma_wait3A_465] : memref<8x4096xf32, #tpu.memory_space<vmem>> -> memref<1x4096xf32, #tpu.memory_space<vmem>>
          %dma_wait3A_467 = arith.constant 0 : i32
          %dma_wait3A_468 = arith.constant 0 : i32
          %dma_wait3A_469 = tpu.memref_slice %arg4[%dma_wait3A_467, %dma_wait3A_468] : memref<16384x4096xf32, #tpu.memory_space<hbm>> -> memref<1x4096xf32, #tpu.memory_space<hbm>>
          %dma_wait3A_470 = arith.constant 0 : i32
          %dma_wait3A_471 = arith.constant 0 : i32
          %dma_wait3A_472 = tpu.memref_slice %arg4[%dma_wait3A_470, %dma_wait3A_471] : memref<16384x4096xf32, #tpu.memory_space<hbm>> -> memref<1x4096xf32, #tpu.memory_space<hbm>>
          %dma_wait3A_473 = arith.constant 0 : i32
          %dma_wait3A_474 = arith.constant 0 : i32
          %dma_wait3A_475 = tpu.memref_slice %arg9[%dma_wait3A_473, %dma_wait3A_474] : memref<8x4096xf32, #tpu.memory_space<vmem>> -> memref<1x4096xf32, #tpu.memory_space<vmem>>
          tpu.wait_dma2 semaphore(%arg13 : memref<!tpu.dma_semaphore, #tpu.memory_space<semaphore_mem>>) src(%dma_wait3A_475 : memref<1x4096xf32, #tpu.memory_space<vmem>>) dst(%dma_wait3A_472 : memref<1x4096xf32, #tpu.memory_space<hbm>>)
        } else {
        }
        %mul3A_254 = arith.constant 16 : i32
        %mul3A_255 = arith.muli %while3A_237, %mul3A_254 : i32
        %add3A_256 = arith.constant 1 : i32
        %add3A_257 = arith.addi %mul3A_255, %add3A_256 : i32
        %lt3A_258 = arith.cmpi slt, %add3A_257, %reduce_max3A_174 : i32
        %convert_element_type3A_259 = arith.extui %lt3A_258 : i1 to i32
        %cond3A_260 = arith.constant 0 : i32
        %cond3A_261 = arith.cmpi ne, %convert_element_type3A_259, %cond3A_260 : i32
        scf.if %cond3A_261 {
          %slice3A = vector.extract_strided_slice %get3A_240 {offsets = [1], sizes = [1], strides = [1]} : vector<16xi32> to vector<1xi32>
          %squeeze3A = vector.extract %slice3A[0] : i32 from vector<1xi32>
          %and3A_464 = arith.constant 7 : i32
          %and3A_465 = arith.andi %squeeze3A, %and3A_464 : i32
          %shift_right_arithmetic3A = arith.constant 3 : i32
          %shift_right_arithmetic3A_466 = arith.shrsi %squeeze3A, %shift_right_arithmetic3A : i32
          %dma_start3A_467 = arith.constant 0 : i32
          %dma_start3A_468 = tpu.memref_slice %arg9[%and3A_465, %dma_start3A_467] : memref<8x4096xf32, #tpu.memory_space<vmem>> -> memref<1x4096xf32, #tpu.memory_space<vmem>>
          %dma_start3A_469 = arith.constant 0 : i32
          %dma_start3A_470 = tpu.memref_slice %arg4[%shift_right_arithmetic3A_466, %dma_start3A_469] : memref<16384x4096xf32, #tpu.memory_space<hbm>> -> memref<1x4096xf32, #tpu.memory_space<hbm>>
          %dma_start3A_471 = arith.constant 0 : i32
          %dma_start3A_472 = tpu.memref_slice %arg4[%shift_right_arithmetic3A_466, %dma_start3A_471] : memref<16384x4096xf32, #tpu.memory_space<hbm>> -> memref<1x4096xf32, #tpu.memory_space<hbm>>
          %dma_start3A_473 = arith.constant 0 : i32
          %dma_start3A_474 = tpu.memref_slice %arg9[%and3A_465, %dma_start3A_473] : memref<8x4096xf32, #tpu.memory_space<vmem>> -> memref<1x4096xf32, #tpu.memory_space<vmem>>
          tpu.enqueue_dma source(%dma_start3A_474 : memref<1x4096xf32, #tpu.memory_space<vmem>>) target(%dma_start3A_472 : memref<1x4096xf32, #tpu.memory_space<hbm>>) target_semaphore(%arg13 : memref<!tpu.dma_semaphore, #tpu.memory_space<semaphore_mem>>)
        } else {
        }
        %ge3A_262 = arith.constant 16 : i32
        %ge3A_263 = arith.cmpi sge, %add3A_257, %ge3A_262 : i32
        %and3A_264 = arith.andi %lt3A_258, %ge3A_263 : i1
        %convert_element_type3A_265 = arith.extui %and3A_264 : i1 to i32
        %cond3A_266 = arith.constant 0 : i32
        %cond3A_267 = arith.cmpi ne, %convert_element_type3A_265, %cond3A_266 : i32
        scf.if %cond3A_267 {
          %dma_wait3A_464 = arith.constant 0 : i32
          %dma_wait3A_465 = arith.constant 0 : i32
          %dma_wait3A_466 = tpu.memref_slice %arg9[%dma_wait3A_464, %dma_wait3A_465] : memref<8x4096xf32, #tpu.memory_space<vmem>> -> memref<1x4096xf32, #tpu.memory_space<vmem>>
          %dma_wait3A_467 = arith.constant 0 : i32
          %dma_wait3A_468 = arith.constant 0 : i32
          %dma_wait3A_469 = tpu.memref_slice %arg4[%dma_wait3A_467, %dma_wait3A_468] : memref<16384x4096xf32, #tpu.memory_space<hbm>> -> memref<1x4096xf32, #tpu.memory_space<hbm>>
          %dma_wait3A_470 = arith.constant 0 : i32
          %dma_wait3A_471 = arith.constant 0 : i32
          %dma_wait3A_472 = tpu.memref_slice %arg4[%dma_wait3A_470, %dma_wait3A_471] : memref<16384x4096xf32, #tpu.memory_space<hbm>> -> memref<1x4096xf32, #tpu.memory_space<hbm>>
          %dma_wait3A_473 = arith.constant 0 : i32
          %dma_wait3A_474 = arith.constant 0 : i32
          %dma_wait3A_475 = tpu.memref_slice %arg9[%dma_wait3A_473, %dma_wait3A_474] : memref<8x4096xf32, #tpu.memory_space<vmem>> -> memref<1x4096xf32, #tpu.memory_space<vmem>>
          tpu.wait_dma2 semaphore(%arg13 : memref<!tpu.dma_semaphore, #tpu.memory_space<semaphore_mem>>) src(%dma_wait3A_475 : memref<1x4096xf32, #tpu.memory_space<vmem>>) dst(%dma_wait3A_472 : memref<1x4096xf32, #tpu.memory_space<hbm>>)
        } else {
        }
        %mul3A_268 = arith.constant 16 : i32
        %mul3A_269 = arith.muli %while3A_237, %mul3A_268 : i32
        %add3A_270 = arith.constant 2 : i32
        %add3A_271 = arith.addi %mul3A_269, %add3A_270 : i32
        %lt3A_272 = arith.cmpi slt, %add3A_271, %reduce_max3A_174 : i32
        %convert_element_type3A_273 = arith.extui %lt3A_272 : i1 to i32
        %cond3A_274 = arith.constant 0 : i32
        %cond3A_275 = arith.cmpi ne, %convert_element_type3A_273, %cond3A_274 : i32
        scf.if %cond3A_275 {
          %slice3A = vector.extract_strided_slice %get3A_240 {offsets = [2], sizes = [1], strides = [1]} : vector<16xi32> to vector<1xi32>
          %squeeze3A = vector.extract %slice3A[0] : i32 from vector<1xi32>
          %and3A_464 = arith.constant 7 : i32
          %and3A_465 = arith.andi %squeeze3A, %and3A_464 : i32
          %shift_right_arithmetic3A = arith.constant 3 : i32
          %shift_right_arithmetic3A_466 = arith.shrsi %squeeze3A, %shift_right_arithmetic3A : i32
          %dma_start3A_467 = arith.constant 0 : i32
          %dma_start3A_468 = tpu.memref_slice %arg9[%and3A_465, %dma_start3A_467] : memref<8x4096xf32, #tpu.memory_space<vmem>> -> memref<1x4096xf32, #tpu.memory_space<vmem>>
          %dma_start3A_469 = arith.constant 0 : i32
          %dma_start3A_470 = tpu.memref_slice %arg4[%shift_right_arithmetic3A_466, %dma_start3A_469] : memref<16384x4096xf32, #tpu.memory_space<hbm>> -> memref<1x4096xf32, #tpu.memory_space<hbm>>
          %dma_start3A_471 = arith.constant 0 : i32
          %dma_start3A_472 = tpu.memref_slice %arg4[%shift_right_arithmetic3A_466, %dma_start3A_471] : memref<16384x4096xf32, #tpu.memory_space<hbm>> -> memref<1x4096xf32, #tpu.memory_space<hbm>>
          %dma_start3A_473 = arith.constant 0 : i32
          %dma_start3A_474 = tpu.memref_slice %arg9[%and3A_465, %dma_start3A_473] : memref<8x4096xf32, #tpu.memory_space<vmem>> -> memref<1x4096xf32, #tpu.memory_space<vmem>>
          tpu.enqueue_dma source(%dma_start3A_474 : memref<1x4096xf32, #tpu.memory_space<vmem>>) target(%dma_start3A_472 : memref<1x4096xf32, #tpu.memory_space<hbm>>) target_semaphore(%arg13 : memref<!tpu.dma_semaphore, #tpu.memory_space<semaphore_mem>>)
        } else {
        }
        %ge3A_276 = arith.constant 16 : i32
        %ge3A_277 = arith.cmpi sge, %add3A_271, %ge3A_276 : i32
        %and3A_278 = arith.andi %lt3A_272, %ge3A_277 : i1
        %convert_element_type3A_279 = arith.extui %and3A_278 : i1 to i32
        %cond3A_280 = arith.constant 0 : i32
        %cond3A_281 = arith.cmpi ne, %convert_element_type3A_279, %cond3A_280 : i32
        scf.if %cond3A_281 {
          %dma_wait3A_464 = arith.constant 0 : i32
          %dma_wait3A_465 = arith.constant 0 : i32
          %dma_wait3A_466 = tpu.memref_slice %arg9[%dma_wait3A_464, %dma_wait3A_465] : memref<8x4096xf32, #tpu.memory_space<vmem>> -> memref<1x4096xf32, #tpu.memory_space<vmem>>
          %dma_wait3A_467 = arith.constant 0 : i32
          %dma_wait3A_468 = arith.constant 0 : i32
          %dma_wait3A_469 = tpu.memref_slice %arg4[%dma_wait3A_467, %dma_wait3A_468] : memref<16384x4096xf32, #tpu.memory_space<hbm>> -> memref<1x4096xf32, #tpu.memory_space<hbm>>
          %dma_wait3A_470 = arith.constant 0 : i32
          %dma_wait3A_471 = arith.constant 0 : i32
          %dma_wait3A_472 = tpu.memref_slice %arg4[%dma_wait3A_470, %dma_wait3A_471] : memref<16384x4096xf32, #tpu.memory_space<hbm>> -> memref<1x4096xf32, #tpu.memory_space<hbm>>
          %dma_wait3A_473 = arith.constant 0 : i32
          %dma_wait3A_474 = arith.constant 0 : i32
          %dma_wait3A_475 = tpu.memref_slice %arg9[%dma_wait3A_473, %dma_wait3A_474] : memref<8x4096xf32, #tpu.memory_space<vmem>> -> memref<1x4096xf32, #tpu.memory_space<vmem>>
          tpu.wait_dma2 semaphore(%arg13 : memref<!tpu.dma_semaphore, #tpu.memory_space<semaphore_mem>>) src(%dma_wait3A_475 : memref<1x4096xf32, #tpu.memory_space<vmem>>) dst(%dma_wait3A_472 : memref<1x4096xf32, #tpu.memory_space<hbm>>)
        } else {
        }
        %mul3A_282 = arith.constant 16 : i32
        %mul3A_283 = arith.muli %while3A_237, %mul3A_282 : i32
        %add3A_284 = arith.constant 3 : i32
        %add3A_285 = arith.addi %mul3A_283, %add3A_284 : i32
        %lt3A_286 = arith.cmpi slt, %add3A_285, %reduce_max3A_174 : i32
        %convert_element_type3A_287 = arith.extui %lt3A_286 : i1 to i32
        %cond3A_288 = arith.constant 0 : i32
        %cond3A_289 = arith.cmpi ne, %convert_element_type3A_287, %cond3A_288 : i32
        scf.if %cond3A_289 {
          %slice3A = vector.extract_strided_slice %get3A_240 {offsets = [3], sizes = [1], strides = [1]} : vector<16xi32> to vector<1xi32>
          %squeeze3A = vector.extract %slice3A[0] : i32 from vector<1xi32>
          %and3A_464 = arith.constant 7 : i32
          %and3A_465 = arith.andi %squeeze3A, %and3A_464 : i32
          %shift_right_arithmetic3A = arith.constant 3 : i32
          %shift_right_arithmetic3A_466 = arith.shrsi %squeeze3A, %shift_right_arithmetic3A : i32
          %dma_start3A_467 = arith.constant 0 : i32
          %dma_start3A_468 = tpu.memref_slice %arg9[%and3A_465, %dma_start3A_467] : memref<8x4096xf32, #tpu.memory_space<vmem>> -> memref<1x4096xf32, #tpu.memory_space<vmem>>
          %dma_start3A_469 = arith.constant 0 : i32
          %dma_start3A_470 = tpu.memref_slice %arg4[%shift_right_arithmetic3A_466, %dma_start3A_469] : memref<16384x4096xf32, #tpu.memory_space<hbm>> -> memref<1x4096xf32, #tpu.memory_space<hbm>>
          %dma_start3A_471 = arith.constant 0 : i32
          %dma_start3A_472 = tpu.memref_slice %arg4[%shift_right_arithmetic3A_466, %dma_start3A_471] : memref<16384x4096xf32, #tpu.memory_space<hbm>> -> memref<1x4096xf32, #tpu.memory_space<hbm>>
          %dma_start3A_473 = arith.constant 0 : i32
          %dma_start3A_474 = tpu.memref_slice %arg9[%and3A_465, %dma_start3A_473] : memref<8x4096xf32, #tpu.memory_space<vmem>> -> memref<1x4096xf32, #tpu.memory_space<vmem>>
          tpu.enqueue_dma source(%dma_start3A_474 : memref<1x4096xf32, #tpu.memory_space<vmem>>) target(%dma_start3A_472 : memref<1x4096xf32, #tpu.memory_space<hbm>>) target_semaphore(%arg13 : memref<!tpu.dma_semaphore, #tpu.memory_space<semaphore_mem>>)
        } else {
        }
        %ge3A_290 = arith.constant 16 : i32
        %ge3A_291 = arith.cmpi sge, %add3A_285, %ge3A_290 : i32
        %and3A_292 = arith.andi %lt3A_286, %ge3A_291 : i1
        %convert_element_type3A_293 = arith.extui %and3A_292 : i1 to i32
        %cond3A_294 = arith.constant 0 : i32
        %cond3A_295 = arith.cmpi ne, %convert_element_type3A_293, %cond3A_294 : i32
        scf.if %cond3A_295 {
          %dma_wait3A_464 = arith.constant 0 : i32
          %dma_wait3A_465 = arith.constant 0 : i32
          %dma_wait3A_466 = tpu.memref_slice %arg9[%dma_wait3A_464, %dma_wait3A_465] : memref<8x4096xf32, #tpu.memory_space<vmem>> -> memref<1x4096xf32, #tpu.memory_space<vmem>>
          %dma_wait3A_467 = arith.constant 0 : i32
          %dma_wait3A_468 = arith.constant 0 : i32
          %dma_wait3A_469 = tpu.memref_slice %arg4[%dma_wait3A_467, %dma_wait3A_468] : memref<16384x4096xf32, #tpu.memory_space<hbm>> -> memref<1x4096xf32, #tpu.memory_space<hbm>>
          %dma_wait3A_470 = arith.constant 0 : i32
          %dma_wait3A_471 = arith.constant 0 : i32
          %dma_wait3A_472 = tpu.memref_slice %arg4[%dma_wait3A_470, %dma_wait3A_471] : memref<16384x4096xf32, #tpu.memory_space<hbm>> -> memref<1x4096xf32, #tpu.memory_space<hbm>>
          %dma_wait3A_473 = arith.constant 0 : i32
          %dma_wait3A_474 = arith.constant 0 : i32
          %dma_wait3A_475 = tpu.memref_slice %arg9[%dma_wait3A_473, %dma_wait3A_474] : memref<8x4096xf32, #tpu.memory_space<vmem>> -> memref<1x4096xf32, #tpu.memory_space<vmem>>
          tpu.wait_dma2 semaphore(%arg13 : memref<!tpu.dma_semaphore, #tpu.memory_space<semaphore_mem>>) src(%dma_wait3A_475 : memref<1x4096xf32, #tpu.memory_space<vmem>>) dst(%dma_wait3A_472 : memref<1x4096xf32, #tpu.memory_space<hbm>>)
        } else {
        }
        %mul3A_296 = arith.constant 16 : i32
        %mul3A_297 = arith.muli %while3A_237, %mul3A_296 : i32
        %add3A_298 = arith.constant 4 : i32
        %add3A_299 = arith.addi %mul3A_297, %add3A_298 : i32
        %lt3A_300 = arith.cmpi slt, %add3A_299, %reduce_max3A_174 : i32
        %convert_element_type3A_301 = arith.extui %lt3A_300 : i1 to i32
        %cond3A_302 = arith.constant 0 : i32
        %cond3A_303 = arith.cmpi ne, %convert_element_type3A_301, %cond3A_302 : i32
        scf.if %cond3A_303 {
          %slice3A = vector.extract_strided_slice %get3A_240 {offsets = [4], sizes = [1], strides = [1]} : vector<16xi32> to vector<1xi32>
          %squeeze3A = vector.extract %slice3A[0] : i32 from vector<1xi32>
          %and3A_464 = arith.constant 7 : i32
          %and3A_465 = arith.andi %squeeze3A, %and3A_464 : i32
          %shift_right_arithmetic3A = arith.constant 3 : i32
          %shift_right_arithmetic3A_466 = arith.shrsi %squeeze3A, %shift_right_arithmetic3A : i32
          %dma_start3A_467 = arith.constant 0 : i32
          %dma_start3A_468 = tpu.memref_slice %arg9[%and3A_465, %dma_start3A_467] : memref<8x4096xf32, #tpu.memory_space<vmem>> -> memref<1x4096xf32, #tpu.memory_space<vmem>>
          %dma_start3A_469 = arith.constant 0 : i32
          %dma_start3A_470 = tpu.memref_slice %arg4[%shift_right_arithmetic3A_466, %dma_start3A_469] : memref<16384x4096xf32, #tpu.memory_space<hbm>> -> memref<1x4096xf32, #tpu.memory_space<hbm>>
          %dma_start3A_471 = arith.constant 0 : i32
          %dma_start3A_472 = tpu.memref_slice %arg4[%shift_right_arithmetic3A_466, %dma_start3A_471] : memref<16384x4096xf32, #tpu.memory_space<hbm>> -> memref<1x4096xf32, #tpu.memory_space<hbm>>
          %dma_start3A_473 = arith.constant 0 : i32
          %dma_start3A_474 = tpu.memref_slice %arg9[%and3A_465, %dma_start3A_473] : memref<8x4096xf32, #tpu.memory_space<vmem>> -> memref<1x4096xf32, #tpu.memory_space<vmem>>
          tpu.enqueue_dma source(%dma_start3A_474 : memref<1x4096xf32, #tpu.memory_space<vmem>>) target(%dma_start3A_472 : memref<1x4096xf32, #tpu.memory_space<hbm>>) target_semaphore(%arg13 : memref<!tpu.dma_semaphore, #tpu.memory_space<semaphore_mem>>)
        } else {
        }
        %ge3A_304 = arith.constant 16 : i32
        %ge3A_305 = arith.cmpi sge, %add3A_299, %ge3A_304 : i32
        %and3A_306 = arith.andi %lt3A_300, %ge3A_305 : i1
        %convert_element_type3A_307 = arith.extui %and3A_306 : i1 to i32
        %cond3A_308 = arith.constant 0 : i32
        %cond3A_309 = arith.cmpi ne, %convert_element_type3A_307, %cond3A_308 : i32
        scf.if %cond3A_309 {
          %dma_wait3A_464 = arith.constant 0 : i32
          %dma_wait3A_465 = arith.constant 0 : i32
          %dma_wait3A_466 = tpu.memref_slice %arg9[%dma_wait3A_464, %dma_wait3A_465] : memref<8x4096xf32, #tpu.memory_space<vmem>> -> memref<1x4096xf32, #tpu.memory_space<vmem>>
          %dma_wait3A_467 = arith.constant 0 : i32
          %dma_wait3A_468 = arith.constant 0 : i32
          %dma_wait3A_469 = tpu.memref_slice %arg4[%dma_wait3A_467, %dma_wait3A_468] : memref<16384x4096xf32, #tpu.memory_space<hbm>> -> memref<1x4096xf32, #tpu.memory_space<hbm>>
          %dma_wait3A_470 = arith.constant 0 : i32
          %dma_wait3A_471 = arith.constant 0 : i32
          %dma_wait3A_472 = tpu.memref_slice %arg4[%dma_wait3A_470, %dma_wait3A_471] : memref<16384x4096xf32, #tpu.memory_space<hbm>> -> memref<1x4096xf32, #tpu.memory_space<hbm>>
          %dma_wait3A_473 = arith.constant 0 : i32
          %dma_wait3A_474 = arith.constant 0 : i32
          %dma_wait3A_475 = tpu.memref_slice %arg9[%dma_wait3A_473, %dma_wait3A_474] : memref<8x4096xf32, #tpu.memory_space<vmem>> -> memref<1x4096xf32, #tpu.memory_space<vmem>>
          tpu.wait_dma2 semaphore(%arg13 : memref<!tpu.dma_semaphore, #tpu.memory_space<semaphore_mem>>) src(%dma_wait3A_475 : memref<1x4096xf32, #tpu.memory_space<vmem>>) dst(%dma_wait3A_472 : memref<1x4096xf32, #tpu.memory_space<hbm>>)
        } else {
        }
        %mul3A_310 = arith.constant 16 : i32
        %mul3A_311 = arith.muli %while3A_237, %mul3A_310 : i32
        %add3A_312 = arith.constant 5 : i32
        %add3A_313 = arith.addi %mul3A_311, %add3A_312 : i32
        %lt3A_314 = arith.cmpi slt, %add3A_313, %reduce_max3A_174 : i32
        %convert_element_type3A_315 = arith.extui %lt3A_314 : i1 to i32
        %cond3A_316 = arith.constant 0 : i32
        %cond3A_317 = arith.cmpi ne, %convert_element_type3A_315, %cond3A_316 : i32
        scf.if %cond3A_317 {
          %slice3A = vector.extract_strided_slice %get3A_240 {offsets = [5], sizes = [1], strides = [1]} : vector<16xi32> to vector<1xi32>
          %squeeze3A = vector.extract %slice3A[0] : i32 from vector<1xi32>
          %and3A_464 = arith.constant 7 : i32
          %and3A_465 = arith.andi %squeeze3A, %and3A_464 : i32
          %shift_right_arithmetic3A = arith.constant 3 : i32
          %shift_right_arithmetic3A_466 = arith.shrsi %squeeze3A, %shift_right_arithmetic3A : i32
          %dma_start3A_467 = arith.constant 0 : i32
          %dma_start3A_468 = tpu.memref_slice %arg9[%and3A_465, %dma_start3A_467] : memref<8x4096xf32, #tpu.memory_space<vmem>> -> memref<1x4096xf32, #tpu.memory_space<vmem>>
          %dma_start3A_469 = arith.constant 0 : i32
          %dma_start3A_470 = tpu.memref_slice %arg4[%shift_right_arithmetic3A_466, %dma_start3A_469] : memref<16384x4096xf32, #tpu.memory_space<hbm>> -> memref<1x4096xf32, #tpu.memory_space<hbm>>
          %dma_start3A_471 = arith.constant 0 : i32
          %dma_start3A_472 = tpu.memref_slice %arg4[%shift_right_arithmetic3A_466, %dma_start3A_471] : memref<16384x4096xf32, #tpu.memory_space<hbm>> -> memref<1x4096xf32, #tpu.memory_space<hbm>>
          %dma_start3A_473 = arith.constant 0 : i32
          %dma_start3A_474 = tpu.memref_slice %arg9[%and3A_465, %dma_start3A_473] : memref<8x4096xf32, #tpu.memory_space<vmem>> -> memref<1x4096xf32, #tpu.memory_space<vmem>>
          tpu.enqueue_dma source(%dma_start3A_474 : memref<1x4096xf32, #tpu.memory_space<vmem>>) target(%dma_start3A_472 : memref<1x4096xf32, #tpu.memory_space<hbm>>) target_semaphore(%arg13 : memref<!tpu.dma_semaphore, #tpu.memory_space<semaphore_mem>>)
        } else {
        }
        %ge3A_318 = arith.constant 16 : i32
        %ge3A_319 = arith.cmpi sge, %add3A_313, %ge3A_318 : i32
        %and3A_320 = arith.andi %lt3A_314, %ge3A_319 : i1
        %convert_element_type3A_321 = arith.extui %and3A_320 : i1 to i32
        %cond3A_322 = arith.constant 0 : i32
        %cond3A_323 = arith.cmpi ne, %convert_element_type3A_321, %cond3A_322 : i32
        scf.if %cond3A_323 {
          %dma_wait3A_464 = arith.constant 0 : i32
          %dma_wait3A_465 = arith.constant 0 : i32
          %dma_wait3A_466 = tpu.memref_slice %arg9[%dma_wait3A_464, %dma_wait3A_465] : memref<8x4096xf32, #tpu.memory_space<vmem>> -> memref<1x4096xf32, #tpu.memory_space<vmem>>
          %dma_wait3A_467 = arith.constant 0 : i32
          %dma_wait3A_468 = arith.constant 0 : i32
          %dma_wait3A_469 = tpu.memref_slice %arg4[%dma_wait3A_467, %dma_wait3A_468] : memref<16384x4096xf32, #tpu.memory_space<hbm>> -> memref<1x4096xf32, #tpu.memory_space<hbm>>
          %dma_wait3A_470 = arith.constant 0 : i32
          %dma_wait3A_471 = arith.constant 0 : i32
          %dma_wait3A_472 = tpu.memref_slice %arg4[%dma_wait3A_470, %dma_wait3A_471] : memref<16384x4096xf32, #tpu.memory_space<hbm>> -> memref<1x4096xf32, #tpu.memory_space<hbm>>
          %dma_wait3A_473 = arith.constant 0 : i32
          %dma_wait3A_474 = arith.constant 0 : i32
          %dma_wait3A_475 = tpu.memref_slice %arg9[%dma_wait3A_473, %dma_wait3A_474] : memref<8x4096xf32, #tpu.memory_space<vmem>> -> memref<1x4096xf32, #tpu.memory_space<vmem>>
          tpu.wait_dma2 semaphore(%arg13 : memref<!tpu.dma_semaphore, #tpu.memory_space<semaphore_mem>>) src(%dma_wait3A_475 : memref<1x4096xf32, #tpu.memory_space<vmem>>) dst(%dma_wait3A_472 : memref<1x4096xf32, #tpu.memory_space<hbm>>)
        } else {
        }
        %mul3A_324 = arith.constant 16 : i32
        %mul3A_325 = arith.muli %while3A_237, %mul3A_324 : i32
        %add3A_326 = arith.constant 6 : i32
        %add3A_327 = arith.addi %mul3A_325, %add3A_326 : i32
        %lt3A_328 = arith.cmpi slt, %add3A_327, %reduce_max3A_174 : i32
        %convert_element_type3A_329 = arith.extui %lt3A_328 : i1 to i32
        %cond3A_330 = arith.constant 0 : i32
        %cond3A_331 = arith.cmpi ne, %convert_element_type3A_329, %cond3A_330 : i32
        scf.if %cond3A_331 {
          %slice3A = vector.extract_strided_slice %get3A_240 {offsets = [6], sizes = [1], strides = [1]} : vector<16xi32> to vector<1xi32>
          %squeeze3A = vector.extract %slice3A[0] : i32 from vector<1xi32>
          %and3A_464 = arith.constant 7 : i32
          %and3A_465 = arith.andi %squeeze3A, %and3A_464 : i32
          %shift_right_arithmetic3A = arith.constant 3 : i32
          %shift_right_arithmetic3A_466 = arith.shrsi %squeeze3A, %shift_right_arithmetic3A : i32
          %dma_start3A_467 = arith.constant 0 : i32
          %dma_start3A_468 = tpu.memref_slice %arg9[%and3A_465, %dma_start3A_467] : memref<8x4096xf32, #tpu.memory_space<vmem>> -> memref<1x4096xf32, #tpu.memory_space<vmem>>
          %dma_start3A_469 = arith.constant 0 : i32
          %dma_start3A_470 = tpu.memref_slice %arg4[%shift_right_arithmetic3A_466, %dma_start3A_469] : memref<16384x4096xf32, #tpu.memory_space<hbm>> -> memref<1x4096xf32, #tpu.memory_space<hbm>>
          %dma_start3A_471 = arith.constant 0 : i32
          %dma_start3A_472 = tpu.memref_slice %arg4[%shift_right_arithmetic3A_466, %dma_start3A_471] : memref<16384x4096xf32, #tpu.memory_space<hbm>> -> memref<1x4096xf32, #tpu.memory_space<hbm>>
          %dma_start3A_473 = arith.constant 0 : i32
          %dma_start3A_474 = tpu.memref_slice %arg9[%and3A_465, %dma_start3A_473] : memref<8x4096xf32, #tpu.memory_space<vmem>> -> memref<1x4096xf32, #tpu.memory_space<vmem>>
          tpu.enqueue_dma source(%dma_start3A_474 : memref<1x4096xf32, #tpu.memory_space<vmem>>) target(%dma_start3A_472 : memref<1x4096xf32, #tpu.memory_space<hbm>>) target_semaphore(%arg13 : memref<!tpu.dma_semaphore, #tpu.memory_space<semaphore_mem>>)
        } else {
        }
        %ge3A_332 = arith.constant 16 : i32
        %ge3A_333 = arith.cmpi sge, %add3A_327, %ge3A_332 : i32
        %and3A_334 = arith.andi %lt3A_328, %ge3A_333 : i1
        %convert_element_type3A_335 = arith.extui %and3A_334 : i1 to i32
        %cond3A_336 = arith.constant 0 : i32
        %cond3A_337 = arith.cmpi ne, %convert_element_type3A_335, %cond3A_336 : i32
        scf.if %cond3A_337 {
          %dma_wait3A_464 = arith.constant 0 : i32
          %dma_wait3A_465 = arith.constant 0 : i32
          %dma_wait3A_466 = tpu.memref_slice %arg9[%dma_wait3A_464, %dma_wait3A_465] : memref<8x4096xf32, #tpu.memory_space<vmem>> -> memref<1x4096xf32, #tpu.memory_space<vmem>>
          %dma_wait3A_467 = arith.constant 0 : i32
          %dma_wait3A_468 = arith.constant 0 : i32
          %dma_wait3A_469 = tpu.memref_slice %arg4[%dma_wait3A_467, %dma_wait3A_468] : memref<16384x4096xf32, #tpu.memory_space<hbm>> -> memref<1x4096xf32, #tpu.memory_space<hbm>>
          %dma_wait3A_470 = arith.constant 0 : i32
          %dma_wait3A_471 = arith.constant 0 : i32
          %dma_wait3A_472 = tpu.memref_slice %arg4[%dma_wait3A_470, %dma_wait3A_471] : memref<16384x4096xf32, #tpu.memory_space<hbm>> -> memref<1x4096xf32, #tpu.memory_space<hbm>>
          %dma_wait3A_473 = arith.constant 0 : i32
          %dma_wait3A_474 = arith.constant 0 : i32
          %dma_wait3A_475 = tpu.memref_slice %arg9[%dma_wait3A_473, %dma_wait3A_474] : memref<8x4096xf32, #tpu.memory_space<vmem>> -> memref<1x4096xf32, #tpu.memory_space<vmem>>
          tpu.wait_dma2 semaphore(%arg13 : memref<!tpu.dma_semaphore, #tpu.memory_space<semaphore_mem>>) src(%dma_wait3A_475 : memref<1x4096xf32, #tpu.memory_space<vmem>>) dst(%dma_wait3A_472 : memref<1x4096xf32, #tpu.memory_space<hbm>>)
        } else {
        }
        %mul3A_338 = arith.constant 16 : i32
        %mul3A_339 = arith.muli %while3A_237, %mul3A_338 : i32
        %add3A_340 = arith.constant 7 : i32
        %add3A_341 = arith.addi %mul3A_339, %add3A_340 : i32
        %lt3A_342 = arith.cmpi slt, %add3A_341, %reduce_max3A_174 : i32
        %convert_element_type3A_343 = arith.extui %lt3A_342 : i1 to i32
        %cond3A_344 = arith.constant 0 : i32
        %cond3A_345 = arith.cmpi ne, %convert_element_type3A_343, %cond3A_344 : i32
        scf.if %cond3A_345 {
          %slice3A = vector.extract_strided_slice %get3A_240 {offsets = [7], sizes = [1], strides = [1]} : vector<16xi32> to vector<1xi32>
          %squeeze3A = vector.extract %slice3A[0] : i32 from vector<1xi32>
          %and3A_464 = arith.constant 7 : i32
          %and3A_465 = arith.andi %squeeze3A, %and3A_464 : i32
          %shift_right_arithmetic3A = arith.constant 3 : i32
          %shift_right_arithmetic3A_466 = arith.shrsi %squeeze3A, %shift_right_arithmetic3A : i32
          %dma_start3A_467 = arith.constant 0 : i32
          %dma_start3A_468 = tpu.memref_slice %arg9[%and3A_465, %dma_start3A_467] : memref<8x4096xf32, #tpu.memory_space<vmem>> -> memref<1x4096xf32, #tpu.memory_space<vmem>>
          %dma_start3A_469 = arith.constant 0 : i32
          %dma_start3A_470 = tpu.memref_slice %arg4[%shift_right_arithmetic3A_466, %dma_start3A_469] : memref<16384x4096xf32, #tpu.memory_space<hbm>> -> memref<1x4096xf32, #tpu.memory_space<hbm>>
          %dma_start3A_471 = arith.constant 0 : i32
          %dma_start3A_472 = tpu.memref_slice %arg4[%shift_right_arithmetic3A_466, %dma_start3A_471] : memref<16384x4096xf32, #tpu.memory_space<hbm>> -> memref<1x4096xf32, #tpu.memory_space<hbm>>
          %dma_start3A_473 = arith.constant 0 : i32
          %dma_start3A_474 = tpu.memref_slice %arg9[%and3A_465, %dma_start3A_473] : memref<8x4096xf32, #tpu.memory_space<vmem>> -> memref<1x4096xf32, #tpu.memory_space<vmem>>
          tpu.enqueue_dma source(%dma_start3A_474 : memref<1x4096xf32, #tpu.memory_space<vmem>>) target(%dma_start3A_472 : memref<1x4096xf32, #tpu.memory_space<hbm>>) target_semaphore(%arg13 : memref<!tpu.dma_semaphore, #tpu.memory_space<semaphore_mem>>)
        } else {
        }
        %ge3A_346 = arith.constant 16 : i32
        %ge3A_347 = arith.cmpi sge, %add3A_341, %ge3A_346 : i32
        %and3A_348 = arith.andi %lt3A_342, %ge3A_347 : i1
        %convert_element_type3A_349 = arith.extui %and3A_348 : i1 to i32
        %cond3A_350 = arith.constant 0 : i32
        %cond3A_351 = arith.cmpi ne, %convert_element_type3A_349, %cond3A_350 : i32
        scf.if %cond3A_351 {
          %dma_wait3A_464 = arith.constant 0 : i32
          %dma_wait3A_465 = arith.constant 0 : i32
          %dma_wait3A_466 = tpu.memref_slice %arg9[%dma_wait3A_464, %dma_wait3A_465] : memref<8x4096xf32, #tpu.memory_space<vmem>> -> memref<1x4096xf32, #tpu.memory_space<vmem>>
          %dma_wait3A_467 = arith.constant 0 : i32
          %dma_wait3A_468 = arith.constant 0 : i32
          %dma_wait3A_469 = tpu.memref_slice %arg4[%dma_wait3A_467, %dma_wait3A_468] : memref<16384x4096xf32, #tpu.memory_space<hbm>> -> memref<1x4096xf32, #tpu.memory_space<hbm>>
          %dma_wait3A_470 = arith.constant 0 : i32
          %dma_wait3A_471 = arith.constant 0 : i32
          %dma_wait3A_472 = tpu.memref_slice %arg4[%dma_wait3A_470, %dma_wait3A_471] : memref<16384x4096xf32, #tpu.memory_space<hbm>> -> memref<1x4096xf32, #tpu.memory_space<hbm>>
          %dma_wait3A_473 = arith.constant 0 : i32
          %dma_wait3A_474 = arith.constant 0 : i32
          %dma_wait3A_475 = tpu.memref_slice %arg9[%dma_wait3A_473, %dma_wait3A_474] : memref<8x4096xf32, #tpu.memory_space<vmem>> -> memref<1x4096xf32, #tpu.memory_space<vmem>>
          tpu.wait_dma2 semaphore(%arg13 : memref<!tpu.dma_semaphore, #tpu.memory_space<semaphore_mem>>) src(%dma_wait3A_475 : memref<1x4096xf32, #tpu.memory_space<vmem>>) dst(%dma_wait3A_472 : memref<1x4096xf32, #tpu.memory_space<hbm>>)
        } else {
        }
        %mul3A_352 = arith.constant 16 : i32
        %mul3A_353 = arith.muli %while3A_237, %mul3A_352 : i32
        %add3A_354 = arith.constant 8 : i32
        %add3A_355 = arith.addi %mul3A_353, %add3A_354 : i32
        %lt3A_356 = arith.cmpi slt, %add3A_355, %reduce_max3A_174 : i32
        %convert_element_type3A_357 = arith.extui %lt3A_356 : i1 to i32
        %cond3A_358 = arith.constant 0 : i32
        %cond3A_359 = arith.cmpi ne, %convert_element_type3A_357, %cond3A_358 : i32
        scf.if %cond3A_359 {
          %slice3A = vector.extract_strided_slice %get3A_240 {offsets = [8], sizes = [1], strides = [1]} : vector<16xi32> to vector<1xi32>
          %squeeze3A = vector.extract %slice3A[0] : i32 from vector<1xi32>
          %and3A_464 = arith.constant 7 : i32
          %and3A_465 = arith.andi %squeeze3A, %and3A_464 : i32
          %shift_right_arithmetic3A = arith.constant 3 : i32
          %shift_right_arithmetic3A_466 = arith.shrsi %squeeze3A, %shift_right_arithmetic3A : i32
          %dma_start3A_467 = arith.constant 0 : i32
          %dma_start3A_468 = tpu.memref_slice %arg9[%and3A_465, %dma_start3A_467] : memref<8x4096xf32, #tpu.memory_space<vmem>> -> memref<1x4096xf32, #tpu.memory_space<vmem>>
          %dma_start3A_469 = arith.constant 0 : i32
          %dma_start3A_470 = tpu.memref_slice %arg4[%shift_right_arithmetic3A_466, %dma_start3A_469] : memref<16384x4096xf32, #tpu.memory_space<hbm>> -> memref<1x4096xf32, #tpu.memory_space<hbm>>
          %dma_start3A_471 = arith.constant 0 : i32
          %dma_start3A_472 = tpu.memref_slice %arg4[%shift_right_arithmetic3A_466, %dma_start3A_471] : memref<16384x4096xf32, #tpu.memory_space<hbm>> -> memref<1x4096xf32, #tpu.memory_space<hbm>>
          %dma_start3A_473 = arith.constant 0 : i32
          %dma_start3A_474 = tpu.memref_slice %arg9[%and3A_465, %dma_start3A_473] : memref<8x4096xf32, #tpu.memory_space<vmem>> -> memref<1x4096xf32, #tpu.memory_space<vmem>>
          tpu.enqueue_dma source(%dma_start3A_474 : memref<1x4096xf32, #tpu.memory_space<vmem>>) target(%dma_start3A_472 : memref<1x4096xf32, #tpu.memory_space<hbm>>) target_semaphore(%arg13 : memref<!tpu.dma_semaphore, #tpu.memory_space<semaphore_mem>>)
        } else {
        }
        %ge3A_360 = arith.constant 16 : i32
        %ge3A_361 = arith.cmpi sge, %add3A_355, %ge3A_360 : i32
        %and3A_362 = arith.andi %lt3A_356, %ge3A_361 : i1
        %convert_element_type3A_363 = arith.extui %and3A_362 : i1 to i32
        %cond3A_364 = arith.constant 0 : i32
        %cond3A_365 = arith.cmpi ne, %convert_element_type3A_363, %cond3A_364 : i32
        scf.if %cond3A_365 {
          %dma_wait3A_464 = arith.constant 0 : i32
          %dma_wait3A_465 = arith.constant 0 : i32
          %dma_wait3A_466 = tpu.memref_slice %arg9[%dma_wait3A_464, %dma_wait3A_465] : memref<8x4096xf32, #tpu.memory_space<vmem>> -> memref<1x4096xf32, #tpu.memory_space<vmem>>
          %dma_wait3A_467 = arith.constant 0 : i32
          %dma_wait3A_468 = arith.constant 0 : i32
          %dma_wait3A_469 = tpu.memref_slice %arg4[%dma_wait3A_467, %dma_wait3A_468] : memref<16384x4096xf32, #tpu.memory_space<hbm>> -> memref<1x4096xf32, #tpu.memory_space<hbm>>
          %dma_wait3A_470 = arith.constant 0 : i32
          %dma_wait3A_471 = arith.constant 0 : i32
          %dma_wait3A_472 = tpu.memref_slice %arg4[%dma_wait3A_470, %dma_wait3A_471] : memref<16384x4096xf32, #tpu.memory_space<hbm>> -> memref<1x4096xf32, #tpu.memory_space<hbm>>
          %dma_wait3A_473 = arith.constant 0 : i32
          %dma_wait3A_474 = arith.constant 0 : i32
          %dma_wait3A_475 = tpu.memref_slice %arg9[%dma_wait3A_473, %dma_wait3A_474] : memref<8x4096xf32, #tpu.memory_space<vmem>> -> memref<1x4096xf32, #tpu.memory_space<vmem>>
          tpu.wait_dma2 semaphore(%arg13 : memref<!tpu.dma_semaphore, #tpu.memory_space<semaphore_mem>>) src(%dma_wait3A_475 : memref<1x4096xf32, #tpu.memory_space<vmem>>) dst(%dma_wait3A_472 : memref<1x4096xf32, #tpu.memory_space<hbm>>)
        } else {
        }
        %mul3A_366 = arith.constant 16 : i32
        %mul3A_367 = arith.muli %while3A_237, %mul3A_366 : i32
        %add3A_368 = arith.constant 9 : i32
        %add3A_369 = arith.addi %mul3A_367, %add3A_368 : i32
        %lt3A_370 = arith.cmpi slt, %add3A_369, %reduce_max3A_174 : i32
        %convert_element_type3A_371 = arith.extui %lt3A_370 : i1 to i32
        %cond3A_372 = arith.constant 0 : i32
        %cond3A_373 = arith.cmpi ne, %convert_element_type3A_371, %cond3A_372 : i32
        scf.if %cond3A_373 {
          %slice3A = vector.extract_strided_slice %get3A_240 {offsets = [9], sizes = [1], strides = [1]} : vector<16xi32> to vector<1xi32>
          %squeeze3A = vector.extract %slice3A[0] : i32 from vector<1xi32>
          %and3A_464 = arith.constant 7 : i32
          %and3A_465 = arith.andi %squeeze3A, %and3A_464 : i32
          %shift_right_arithmetic3A = arith.constant 3 : i32
          %shift_right_arithmetic3A_466 = arith.shrsi %squeeze3A, %shift_right_arithmetic3A : i32
          %dma_start3A_467 = arith.constant 0 : i32
          %dma_start3A_468 = tpu.memref_slice %arg9[%and3A_465, %dma_start3A_467] : memref<8x4096xf32, #tpu.memory_space<vmem>> -> memref<1x4096xf32, #tpu.memory_space<vmem>>
          %dma_start3A_469 = arith.constant 0 : i32
          %dma_start3A_470 = tpu.memref_slice %arg4[%shift_right_arithmetic3A_466, %dma_start3A_469] : memref<16384x4096xf32, #tpu.memory_space<hbm>> -> memref<1x4096xf32, #tpu.memory_space<hbm>>
          %dma_start3A_471 = arith.constant 0 : i32
          %dma_start3A_472 = tpu.memref_slice %arg4[%shift_right_arithmetic3A_466, %dma_start3A_471] : memref<16384x4096xf32, #tpu.memory_space<hbm>> -> memref<1x4096xf32, #tpu.memory_space<hbm>>
          %dma_start3A_473 = arith.constant 0 : i32
          %dma_start3A_474 = tpu.memref_slice %arg9[%and3A_465, %dma_start3A_473] : memref<8x4096xf32, #tpu.memory_space<vmem>> -> memref<1x4096xf32, #tpu.memory_space<vmem>>
          tpu.enqueue_dma source(%dma_start3A_474 : memref<1x4096xf32, #tpu.memory_space<vmem>>) target(%dma_start3A_472 : memref<1x4096xf32, #tpu.memory_space<hbm>>) target_semaphore(%arg13 : memref<!tpu.dma_semaphore, #tpu.memory_space<semaphore_mem>>)
        } else {
        }
        %ge3A_374 = arith.constant 16 : i32
        %ge3A_375 = arith.cmpi sge, %add3A_369, %ge3A_374 : i32
        %and3A_376 = arith.andi %lt3A_370, %ge3A_375 : i1
        %convert_element_type3A_377 = arith.extui %and3A_376 : i1 to i32
        %cond3A_378 = arith.constant 0 : i32
        %cond3A_379 = arith.cmpi ne, %convert_element_type3A_377, %cond3A_378 : i32
        scf.if %cond3A_379 {
          %dma_wait3A_464 = arith.constant 0 : i32
          %dma_wait3A_465 = arith.constant 0 : i32
          %dma_wait3A_466 = tpu.memref_slice %arg9[%dma_wait3A_464, %dma_wait3A_465] : memref<8x4096xf32, #tpu.memory_space<vmem>> -> memref<1x4096xf32, #tpu.memory_space<vmem>>
          %dma_wait3A_467 = arith.constant 0 : i32
          %dma_wait3A_468 = arith.constant 0 : i32
          %dma_wait3A_469 = tpu.memref_slice %arg4[%dma_wait3A_467, %dma_wait3A_468] : memref<16384x4096xf32, #tpu.memory_space<hbm>> -> memref<1x4096xf32, #tpu.memory_space<hbm>>
          %dma_wait3A_470 = arith.constant 0 : i32
          %dma_wait3A_471 = arith.constant 0 : i32
          %dma_wait3A_472 = tpu.memref_slice %arg4[%dma_wait3A_470, %dma_wait3A_471] : memref<16384x4096xf32, #tpu.memory_space<hbm>> -> memref<1x4096xf32, #tpu.memory_space<hbm>>
          %dma_wait3A_473 = arith.constant 0 : i32
          %dma_wait3A_474 = arith.constant 0 : i32
          %dma_wait3A_475 = tpu.memref_slice %arg9[%dma_wait3A_473, %dma_wait3A_474] : memref<8x4096xf32, #tpu.memory_space<vmem>> -> memref<1x4096xf32, #tpu.memory_space<vmem>>
          tpu.wait_dma2 semaphore(%arg13 : memref<!tpu.dma_semaphore, #tpu.memory_space<semaphore_mem>>) src(%dma_wait3A_475 : memref<1x4096xf32, #tpu.memory_space<vmem>>) dst(%dma_wait3A_472 : memref<1x4096xf32, #tpu.memory_space<hbm>>)
        } else {
        }
        %mul3A_380 = arith.constant 16 : i32
        %mul3A_381 = arith.muli %while3A_237, %mul3A_380 : i32
        %add3A_382 = arith.constant 10 : i32
        %add3A_383 = arith.addi %mul3A_381, %add3A_382 : i32
        %lt3A_384 = arith.cmpi slt, %add3A_383, %reduce_max3A_174 : i32
        %convert_element_type3A_385 = arith.extui %lt3A_384 : i1 to i32
        %cond3A_386 = arith.constant 0 : i32
        %cond3A_387 = arith.cmpi ne, %convert_element_type3A_385, %cond3A_386 : i32
        scf.if %cond3A_387 {
          %slice3A = vector.extract_strided_slice %get3A_240 {offsets = [10], sizes = [1], strides = [1]} : vector<16xi32> to vector<1xi32>
          %squeeze3A = vector.extract %slice3A[0] : i32 from vector<1xi32>
          %and3A_464 = arith.constant 7 : i32
          %and3A_465 = arith.andi %squeeze3A, %and3A_464 : i32
          %shift_right_arithmetic3A = arith.constant 3 : i32
          %shift_right_arithmetic3A_466 = arith.shrsi %squeeze3A, %shift_right_arithmetic3A : i32
          %dma_start3A_467 = arith.constant 0 : i32
          %dma_start3A_468 = tpu.memref_slice %arg9[%and3A_465, %dma_start3A_467] : memref<8x4096xf32, #tpu.memory_space<vmem>> -> memref<1x4096xf32, #tpu.memory_space<vmem>>
          %dma_start3A_469 = arith.constant 0 : i32
          %dma_start3A_470 = tpu.memref_slice %arg4[%shift_right_arithmetic3A_466, %dma_start3A_469] : memref<16384x4096xf32, #tpu.memory_space<hbm>> -> memref<1x4096xf32, #tpu.memory_space<hbm>>
          %dma_start3A_471 = arith.constant 0 : i32
          %dma_start3A_472 = tpu.memref_slice %arg4[%shift_right_arithmetic3A_466, %dma_start3A_471] : memref<16384x4096xf32, #tpu.memory_space<hbm>> -> memref<1x4096xf32, #tpu.memory_space<hbm>>
          %dma_start3A_473 = arith.constant 0 : i32
          %dma_start3A_474 = tpu.memref_slice %arg9[%and3A_465, %dma_start3A_473] : memref<8x4096xf32, #tpu.memory_space<vmem>> -> memref<1x4096xf32, #tpu.memory_space<vmem>>
          tpu.enqueue_dma source(%dma_start3A_474 : memref<1x4096xf32, #tpu.memory_space<vmem>>) target(%dma_start3A_472 : memref<1x4096xf32, #tpu.memory_space<hbm>>) target_semaphore(%arg13 : memref<!tpu.dma_semaphore, #tpu.memory_space<semaphore_mem>>)
        } else {
        }
        %ge3A_388 = arith.constant 16 : i32
        %ge3A_389 = arith.cmpi sge, %add3A_383, %ge3A_388 : i32
        %and3A_390 = arith.andi %lt3A_384, %ge3A_389 : i1
        %convert_element_type3A_391 = arith.extui %and3A_390 : i1 to i32
        %cond3A_392 = arith.constant 0 : i32
        %cond3A_393 = arith.cmpi ne, %convert_element_type3A_391, %cond3A_392 : i32
        scf.if %cond3A_393 {
          %dma_wait3A_464 = arith.constant 0 : i32
          %dma_wait3A_465 = arith.constant 0 : i32
          %dma_wait3A_466 = tpu.memref_slice %arg9[%dma_wait3A_464, %dma_wait3A_465] : memref<8x4096xf32, #tpu.memory_space<vmem>> -> memref<1x4096xf32, #tpu.memory_space<vmem>>
          %dma_wait3A_467 = arith.constant 0 : i32
          %dma_wait3A_468 = arith.constant 0 : i32
          %dma_wait3A_469 = tpu.memref_slice %arg4[%dma_wait3A_467, %dma_wait3A_468] : memref<16384x4096xf32, #tpu.memory_space<hbm>> -> memref<1x4096xf32, #tpu.memory_space<hbm>>
          %dma_wait3A_470 = arith.constant 0 : i32
          %dma_wait3A_471 = arith.constant 0 : i32
          %dma_wait3A_472 = tpu.memref_slice %arg4[%dma_wait3A_470, %dma_wait3A_471] : memref<16384x4096xf32, #tpu.memory_space<hbm>> -> memref<1x4096xf32, #tpu.memory_space<hbm>>
          %dma_wait3A_473 = arith.constant 0 : i32
          %dma_wait3A_474 = arith.constant 0 : i32
          %dma_wait3A_475 = tpu.memref_slice %arg9[%dma_wait3A_473, %dma_wait3A_474] : memref<8x4096xf32, #tpu.memory_space<vmem>> -> memref<1x4096xf32, #tpu.memory_space<vmem>>
          tpu.wait_dma2 semaphore(%arg13 : memref<!tpu.dma_semaphore, #tpu.memory_space<semaphore_mem>>) src(%dma_wait3A_475 : memref<1x4096xf32, #tpu.memory_space<vmem>>) dst(%dma_wait3A_472 : memref<1x4096xf32, #tpu.memory_space<hbm>>)
        } else {
        }
        %mul3A_394 = arith.constant 16 : i32
        %mul3A_395 = arith.muli %while3A_237, %mul3A_394 : i32
        %add3A_396 = arith.constant 11 : i32
        %add3A_397 = arith.addi %mul3A_395, %add3A_396 : i32
        %lt3A_398 = arith.cmpi slt, %add3A_397, %reduce_max3A_174 : i32
        %convert_element_type3A_399 = arith.extui %lt3A_398 : i1 to i32
        %cond3A_400 = arith.constant 0 : i32
        %cond3A_401 = arith.cmpi ne, %convert_element_type3A_399, %cond3A_400 : i32
        scf.if %cond3A_401 {
          %slice3A = vector.extract_strided_slice %get3A_240 {offsets = [11], sizes = [1], strides = [1]} : vector<16xi32> to vector<1xi32>
          %squeeze3A = vector.extract %slice3A[0] : i32 from vector<1xi32>
          %and3A_464 = arith.constant 7 : i32
          %and3A_465 = arith.andi %squeeze3A, %and3A_464 : i32
          %shift_right_arithmetic3A = arith.constant 3 : i32
          %shift_right_arithmetic3A_466 = arith.shrsi %squeeze3A, %shift_right_arithmetic3A : i32
          %dma_start3A_467 = arith.constant 0 : i32
          %dma_start3A_468 = tpu.memref_slice %arg9[%and3A_465, %dma_start3A_467] : memref<8x4096xf32, #tpu.memory_space<vmem>> -> memref<1x4096xf32, #tpu.memory_space<vmem>>
          %dma_start3A_469 = arith.constant 0 : i32
          %dma_start3A_470 = tpu.memref_slice %arg4[%shift_right_arithmetic3A_466, %dma_start3A_469] : memref<16384x4096xf32, #tpu.memory_space<hbm>> -> memref<1x4096xf32, #tpu.memory_space<hbm>>
          %dma_start3A_471 = arith.constant 0 : i32
          %dma_start3A_472 = tpu.memref_slice %arg4[%shift_right_arithmetic3A_466, %dma_start3A_471] : memref<16384x4096xf32, #tpu.memory_space<hbm>> -> memref<1x4096xf32, #tpu.memory_space<hbm>>
          %dma_start3A_473 = arith.constant 0 : i32
          %dma_start3A_474 = tpu.memref_slice %arg9[%and3A_465, %dma_start3A_473] : memref<8x4096xf32, #tpu.memory_space<vmem>> -> memref<1x4096xf32, #tpu.memory_space<vmem>>
          tpu.enqueue_dma source(%dma_start3A_474 : memref<1x4096xf32, #tpu.memory_space<vmem>>) target(%dma_start3A_472 : memref<1x4096xf32, #tpu.memory_space<hbm>>) target_semaphore(%arg13 : memref<!tpu.dma_semaphore, #tpu.memory_space<semaphore_mem>>)
        } else {
        }
        %ge3A_402 = arith.constant 16 : i32
        %ge3A_403 = arith.cmpi sge, %add3A_397, %ge3A_402 : i32
        %and3A_404 = arith.andi %lt3A_398, %ge3A_403 : i1
        %convert_element_type3A_405 = arith.extui %and3A_404 : i1 to i32
        %cond3A_406 = arith.constant 0 : i32
        %cond3A_407 = arith.cmpi ne, %convert_element_type3A_405, %cond3A_406 : i32
        scf.if %cond3A_407 {
          %dma_wait3A_464 = arith.constant 0 : i32
          %dma_wait3A_465 = arith.constant 0 : i32
          %dma_wait3A_466 = tpu.memref_slice %arg9[%dma_wait3A_464, %dma_wait3A_465] : memref<8x4096xf32, #tpu.memory_space<vmem>> -> memref<1x4096xf32, #tpu.memory_space<vmem>>
          %dma_wait3A_467 = arith.constant 0 : i32
          %dma_wait3A_468 = arith.constant 0 : i32
          %dma_wait3A_469 = tpu.memref_slice %arg4[%dma_wait3A_467, %dma_wait3A_468] : memref<16384x4096xf32, #tpu.memory_space<hbm>> -> memref<1x4096xf32, #tpu.memory_space<hbm>>
          %dma_wait3A_470 = arith.constant 0 : i32
          %dma_wait3A_471 = arith.constant 0 : i32
          %dma_wait3A_472 = tpu.memref_slice %arg4[%dma_wait3A_470, %dma_wait3A_471] : memref<16384x4096xf32, #tpu.memory_space<hbm>> -> memref<1x4096xf32, #tpu.memory_space<hbm>>
          %dma_wait3A_473 = arith.constant 0 : i32
          %dma_wait3A_474 = arith.constant 0 : i32
          %dma_wait3A_475 = tpu.memref_slice %arg9[%dma_wait3A_473, %dma_wait3A_474] : memref<8x4096xf32, #tpu.memory_space<vmem>> -> memref<1x4096xf32, #tpu.memory_space<vmem>>
          tpu.wait_dma2 semaphore(%arg13 : memref<!tpu.dma_semaphore, #tpu.memory_space<semaphore_mem>>) src(%dma_wait3A_475 : memref<1x4096xf32, #tpu.memory_space<vmem>>) dst(%dma_wait3A_472 : memref<1x4096xf32, #tpu.memory_space<hbm>>)
        } else {
        }
        %mul3A_408 = arith.constant 16 : i32
        %mul3A_409 = arith.muli %while3A_237, %mul3A_408 : i32
        %add3A_410 = arith.constant 12 : i32
        %add3A_411 = arith.addi %mul3A_409, %add3A_410 : i32
        %lt3A_412 = arith.cmpi slt, %add3A_411, %reduce_max3A_174 : i32
        %convert_element_type3A_413 = arith.extui %lt3A_412 : i1 to i32
        %cond3A_414 = arith.constant 0 : i32
        %cond3A_415 = arith.cmpi ne, %convert_element_type3A_413, %cond3A_414 : i32
        scf.if %cond3A_415 {
          %slice3A = vector.extract_strided_slice %get3A_240 {offsets = [12], sizes = [1], strides = [1]} : vector<16xi32> to vector<1xi32>
          %squeeze3A = vector.extract %slice3A[0] : i32 from vector<1xi32>
          %and3A_464 = arith.constant 7 : i32
          %and3A_465 = arith.andi %squeeze3A, %and3A_464 : i32
          %shift_right_arithmetic3A = arith.constant 3 : i32
          %shift_right_arithmetic3A_466 = arith.shrsi %squeeze3A, %shift_right_arithmetic3A : i32
          %dma_start3A_467 = arith.constant 0 : i32
          %dma_start3A_468 = tpu.memref_slice %arg9[%and3A_465, %dma_start3A_467] : memref<8x4096xf32, #tpu.memory_space<vmem>> -> memref<1x4096xf32, #tpu.memory_space<vmem>>
          %dma_start3A_469 = arith.constant 0 : i32
          %dma_start3A_470 = tpu.memref_slice %arg4[%shift_right_arithmetic3A_466, %dma_start3A_469] : memref<16384x4096xf32, #tpu.memory_space<hbm>> -> memref<1x4096xf32, #tpu.memory_space<hbm>>
          %dma_start3A_471 = arith.constant 0 : i32
          %dma_start3A_472 = tpu.memref_slice %arg4[%shift_right_arithmetic3A_466, %dma_start3A_471] : memref<16384x4096xf32, #tpu.memory_space<hbm>> -> memref<1x4096xf32, #tpu.memory_space<hbm>>
          %dma_start3A_473 = arith.constant 0 : i32
          %dma_start3A_474 = tpu.memref_slice %arg9[%and3A_465, %dma_start3A_473] : memref<8x4096xf32, #tpu.memory_space<vmem>> -> memref<1x4096xf32, #tpu.memory_space<vmem>>
          tpu.enqueue_dma source(%dma_start3A_474 : memref<1x4096xf32, #tpu.memory_space<vmem>>) target(%dma_start3A_472 : memref<1x4096xf32, #tpu.memory_space<hbm>>) target_semaphore(%arg13 : memref<!tpu.dma_semaphore, #tpu.memory_space<semaphore_mem>>)
        } else {
        }
        %ge3A_416 = arith.constant 16 : i32
        %ge3A_417 = arith.cmpi sge, %add3A_411, %ge3A_416 : i32
        %and3A_418 = arith.andi %lt3A_412, %ge3A_417 : i1
        %convert_element_type3A_419 = arith.extui %and3A_418 : i1 to i32
        %cond3A_420 = arith.constant 0 : i32
        %cond3A_421 = arith.cmpi ne, %convert_element_type3A_419, %cond3A_420 : i32
        scf.if %cond3A_421 {
          %dma_wait3A_464 = arith.constant 0 : i32
          %dma_wait3A_465 = arith.constant 0 : i32
          %dma_wait3A_466 = tpu.memref_slice %arg9[%dma_wait3A_464, %dma_wait3A_465] : memref<8x4096xf32, #tpu.memory_space<vmem>> -> memref<1x4096xf32, #tpu.memory_space<vmem>>
          %dma_wait3A_467 = arith.constant 0 : i32
          %dma_wait3A_468 = arith.constant 0 : i32
          %dma_wait3A_469 = tpu.memref_slice %arg4[%dma_wait3A_467, %dma_wait3A_468] : memref<16384x4096xf32, #tpu.memory_space<hbm>> -> memref<1x4096xf32, #tpu.memory_space<hbm>>
          %dma_wait3A_470 = arith.constant 0 : i32
          %dma_wait3A_471 = arith.constant 0 : i32
          %dma_wait3A_472 = tpu.memref_slice %arg4[%dma_wait3A_470, %dma_wait3A_471] : memref<16384x4096xf32, #tpu.memory_space<hbm>> -> memref<1x4096xf32, #tpu.memory_space<hbm>>
          %dma_wait3A_473 = arith.constant 0 : i32
          %dma_wait3A_474 = arith.constant 0 : i32
          %dma_wait3A_475 = tpu.memref_slice %arg9[%dma_wait3A_473, %dma_wait3A_474] : memref<8x4096xf32, #tpu.memory_space<vmem>> -> memref<1x4096xf32, #tpu.memory_space<vmem>>
          tpu.wait_dma2 semaphore(%arg13 : memref<!tpu.dma_semaphore, #tpu.memory_space<semaphore_mem>>) src(%dma_wait3A_475 : memref<1x4096xf32, #tpu.memory_space<vmem>>) dst(%dma_wait3A_472 : memref<1x4096xf32, #tpu.memory_space<hbm>>)
        } else {
        }
        %mul3A_422 = arith.constant 16 : i32
        %mul3A_423 = arith.muli %while3A_237, %mul3A_422 : i32
        %add3A_424 = arith.constant 13 : i32
        %add3A_425 = arith.addi %mul3A_423, %add3A_424 : i32
        %lt3A_426 = arith.cmpi slt, %add3A_425, %reduce_max3A_174 : i32
        %convert_element_type3A_427 = arith.extui %lt3A_426 : i1 to i32
        %cond3A_428 = arith.constant 0 : i32
        %cond3A_429 = arith.cmpi ne, %convert_element_type3A_427, %cond3A_428 : i32
        scf.if %cond3A_429 {
          %slice3A = vector.extract_strided_slice %get3A_240 {offsets = [13], sizes = [1], strides = [1]} : vector<16xi32> to vector<1xi32>
          %squeeze3A = vector.extract %slice3A[0] : i32 from vector<1xi32>
          %and3A_464 = arith.constant 7 : i32
          %and3A_465 = arith.andi %squeeze3A, %and3A_464 : i32
          %shift_right_arithmetic3A = arith.constant 3 : i32
          %shift_right_arithmetic3A_466 = arith.shrsi %squeeze3A, %shift_right_arithmetic3A : i32
          %dma_start3A_467 = arith.constant 0 : i32
          %dma_start3A_468 = tpu.memref_slice %arg9[%and3A_465, %dma_start3A_467] : memref<8x4096xf32, #tpu.memory_space<vmem>> -> memref<1x4096xf32, #tpu.memory_space<vmem>>
          %dma_start3A_469 = arith.constant 0 : i32
          %dma_start3A_470 = tpu.memref_slice %arg4[%shift_right_arithmetic3A_466, %dma_start3A_469] : memref<16384x4096xf32, #tpu.memory_space<hbm>> -> memref<1x4096xf32, #tpu.memory_space<hbm>>
          %dma_start3A_471 = arith.constant 0 : i32
          %dma_start3A_472 = tpu.memref_slice %arg4[%shift_right_arithmetic3A_466, %dma_start3A_471] : memref<16384x4096xf32, #tpu.memory_space<hbm>> -> memref<1x4096xf32, #tpu.memory_space<hbm>>
          %dma_start3A_473 = arith.constant 0 : i32
          %dma_start3A_474 = tpu.memref_slice %arg9[%and3A_465, %dma_start3A_473] : memref<8x4096xf32, #tpu.memory_space<vmem>> -> memref<1x4096xf32, #tpu.memory_space<vmem>>
          tpu.enqueue_dma source(%dma_start3A_474 : memref<1x4096xf32, #tpu.memory_space<vmem>>) target(%dma_start3A_472 : memref<1x4096xf32, #tpu.memory_space<hbm>>) target_semaphore(%arg13 : memref<!tpu.dma_semaphore, #tpu.memory_space<semaphore_mem>>)
        } else {
        }
        %ge3A_430 = arith.constant 16 : i32
        %ge3A_431 = arith.cmpi sge, %add3A_425, %ge3A_430 : i32
        %and3A_432 = arith.andi %lt3A_426, %ge3A_431 : i1
        %convert_element_type3A_433 = arith.extui %and3A_432 : i1 to i32
        %cond3A_434 = arith.constant 0 : i32
        %cond3A_435 = arith.cmpi ne, %convert_element_type3A_433, %cond3A_434 : i32
        scf.if %cond3A_435 {
          %dma_wait3A_464 = arith.constant 0 : i32
          %dma_wait3A_465 = arith.constant 0 : i32
          %dma_wait3A_466 = tpu.memref_slice %arg9[%dma_wait3A_464, %dma_wait3A_465] : memref<8x4096xf32, #tpu.memory_space<vmem>> -> memref<1x4096xf32, #tpu.memory_space<vmem>>
          %dma_wait3A_467 = arith.constant 0 : i32
          %dma_wait3A_468 = arith.constant 0 : i32
          %dma_wait3A_469 = tpu.memref_slice %arg4[%dma_wait3A_467, %dma_wait3A_468] : memref<16384x4096xf32, #tpu.memory_space<hbm>> -> memref<1x4096xf32, #tpu.memory_space<hbm>>
          %dma_wait3A_470 = arith.constant 0 : i32
          %dma_wait3A_471 = arith.constant 0 : i32
          %dma_wait3A_472 = tpu.memref_slice %arg4[%dma_wait3A_470, %dma_wait3A_471] : memref<16384x4096xf32, #tpu.memory_space<hbm>> -> memref<1x4096xf32, #tpu.memory_space<hbm>>
          %dma_wait3A_473 = arith.constant 0 : i32
          %dma_wait3A_474 = arith.constant 0 : i32
          %dma_wait3A_475 = tpu.memref_slice %arg9[%dma_wait3A_473, %dma_wait3A_474] : memref<8x4096xf32, #tpu.memory_space<vmem>> -> memref<1x4096xf32, #tpu.memory_space<vmem>>
          tpu.wait_dma2 semaphore(%arg13 : memref<!tpu.dma_semaphore, #tpu.memory_space<semaphore_mem>>) src(%dma_wait3A_475 : memref<1x4096xf32, #tpu.memory_space<vmem>>) dst(%dma_wait3A_472 : memref<1x4096xf32, #tpu.memory_space<hbm>>)
        } else {
        }
        %mul3A_436 = arith.constant 16 : i32
        %mul3A_437 = arith.muli %while3A_237, %mul3A_436 : i32
        %add3A_438 = arith.constant 14 : i32
        %add3A_439 = arith.addi %mul3A_437, %add3A_438 : i32
        %lt3A_440 = arith.cmpi slt, %add3A_439, %reduce_max3A_174 : i32
        %convert_element_type3A_441 = arith.extui %lt3A_440 : i1 to i32
        %cond3A_442 = arith.constant 0 : i32
        %cond3A_443 = arith.cmpi ne, %convert_element_type3A_441, %cond3A_442 : i32
        scf.if %cond3A_443 {
          %slice3A = vector.extract_strided_slice %get3A_240 {offsets = [14], sizes = [1], strides = [1]} : vector<16xi32> to vector<1xi32>
          %squeeze3A = vector.extract %slice3A[0] : i32 from vector<1xi32>
          %and3A_464 = arith.constant 7 : i32
          %and3A_465 = arith.andi %squeeze3A, %and3A_464 : i32
          %shift_right_arithmetic3A = arith.constant 3 : i32
          %shift_right_arithmetic3A_466 = arith.shrsi %squeeze3A, %shift_right_arithmetic3A : i32
          %dma_start3A_467 = arith.constant 0 : i32
          %dma_start3A_468 = tpu.memref_slice %arg9[%and3A_465, %dma_start3A_467] : memref<8x4096xf32, #tpu.memory_space<vmem>> -> memref<1x4096xf32, #tpu.memory_space<vmem>>
          %dma_start3A_469 = arith.constant 0 : i32
          %dma_start3A_470 = tpu.memref_slice %arg4[%shift_right_arithmetic3A_466, %dma_start3A_469] : memref<16384x4096xf32, #tpu.memory_space<hbm>> -> memref<1x4096xf32, #tpu.memory_space<hbm>>
          %dma_start3A_471 = arith.constant 0 : i32
          %dma_start3A_472 = tpu.memref_slice %arg4[%shift_right_arithmetic3A_466, %dma_start3A_471] : memref<16384x4096xf32, #tpu.memory_space<hbm>> -> memref<1x4096xf32, #tpu.memory_space<hbm>>
          %dma_start3A_473 = arith.constant 0 : i32
          %dma_start3A_474 = tpu.memref_slice %arg9[%and3A_465, %dma_start3A_473] : memref<8x4096xf32, #tpu.memory_space<vmem>> -> memref<1x4096xf32, #tpu.memory_space<vmem>>
          tpu.enqueue_dma source(%dma_start3A_474 : memref<1x4096xf32, #tpu.memory_space<vmem>>) target(%dma_start3A_472 : memref<1x4096xf32, #tpu.memory_space<hbm>>) target_semaphore(%arg13 : memref<!tpu.dma_semaphore, #tpu.memory_space<semaphore_mem>>)
        } else {
        }
        %ge3A_444 = arith.constant 16 : i32
        %ge3A_445 = arith.cmpi sge, %add3A_439, %ge3A_444 : i32
        %and3A_446 = arith.andi %lt3A_440, %ge3A_445 : i1
        %convert_element_type3A_447 = arith.extui %and3A_446 : i1 to i32
        %cond3A_448 = arith.constant 0 : i32
        %cond3A_449 = arith.cmpi ne, %convert_element_type3A_447, %cond3A_448 : i32
        scf.if %cond3A_449 {
          %dma_wait3A_464 = arith.constant 0 : i32
          %dma_wait3A_465 = arith.constant 0 : i32
          %dma_wait3A_466 = tpu.memref_slice %arg9[%dma_wait3A_464, %dma_wait3A_465] : memref<8x4096xf32, #tpu.memory_space<vmem>> -> memref<1x4096xf32, #tpu.memory_space<vmem>>
          %dma_wait3A_467 = arith.constant 0 : i32
          %dma_wait3A_468 = arith.constant 0 : i32
          %dma_wait3A_469 = tpu.memref_slice %arg4[%dma_wait3A_467, %dma_wait3A_468] : memref<16384x4096xf32, #tpu.memory_space<hbm>> -> memref<1x4096xf32, #tpu.memory_space<hbm>>
          %dma_wait3A_470 = arith.constant 0 : i32
          %dma_wait3A_471 = arith.constant 0 : i32
          %dma_wait3A_472 = tpu.memref_slice %arg4[%dma_wait3A_470, %dma_wait3A_471] : memref<16384x4096xf32, #tpu.memory_space<hbm>> -> memref<1x4096xf32, #tpu.memory_space<hbm>>
          %dma_wait3A_473 = arith.constant 0 : i32
          %dma_wait3A_474 = arith.constant 0 : i32
          %dma_wait3A_475 = tpu.memref_slice %arg9[%dma_wait3A_473, %dma_wait3A_474] : memref<8x4096xf32, #tpu.memory_space<vmem>> -> memref<1x4096xf32, #tpu.memory_space<vmem>>
          tpu.wait_dma2 semaphore(%arg13 : memref<!tpu.dma_semaphore, #tpu.memory_space<semaphore_mem>>) src(%dma_wait3A_475 : memref<1x4096xf32, #tpu.memory_space<vmem>>) dst(%dma_wait3A_472 : memref<1x4096xf32, #tpu.memory_space<hbm>>)
        } else {
        }
        %mul3A_450 = arith.constant 16 : i32
        %mul3A_451 = arith.muli %while3A_237, %mul3A_450 : i32
        %add3A_452 = arith.constant 15 : i32
        %add3A_453 = arith.addi %mul3A_451, %add3A_452 : i32
        %lt3A_454 = arith.cmpi slt, %add3A_453, %reduce_max3A_174 : i32
        %convert_element_type3A_455 = arith.extui %lt3A_454 : i1 to i32
        %cond3A_456 = arith.constant 0 : i32
        %cond3A_457 = arith.cmpi ne, %convert_element_type3A_455, %cond3A_456 : i32
        scf.if %cond3A_457 {
          %slice3A = vector.extract_strided_slice %get3A_240 {offsets = [15], sizes = [1], strides = [1]} : vector<16xi32> to vector<1xi32>
          %squeeze3A = vector.extract %slice3A[0] : i32 from vector<1xi32>
          %and3A_464 = arith.constant 7 : i32
          %and3A_465 = arith.andi %squeeze3A, %and3A_464 : i32
          %shift_right_arithmetic3A = arith.constant 3 : i32
          %shift_right_arithmetic3A_466 = arith.shrsi %squeeze3A, %shift_right_arithmetic3A : i32
          %dma_start3A_467 = arith.constant 0 : i32
          %dma_start3A_468 = tpu.memref_slice %arg9[%and3A_465, %dma_start3A_467] : memref<8x4096xf32, #tpu.memory_space<vmem>> -> memref<1x4096xf32, #tpu.memory_space<vmem>>
          %dma_start3A_469 = arith.constant 0 : i32
          %dma_start3A_470 = tpu.memref_slice %arg4[%shift_right_arithmetic3A_466, %dma_start3A_469] : memref<16384x4096xf32, #tpu.memory_space<hbm>> -> memref<1x4096xf32, #tpu.memory_space<hbm>>
          %dma_start3A_471 = arith.constant 0 : i32
          %dma_start3A_472 = tpu.memref_slice %arg4[%shift_right_arithmetic3A_466, %dma_start3A_471] : memref<16384x4096xf32, #tpu.memory_space<hbm>> -> memref<1x4096xf32, #tpu.memory_space<hbm>>
          %dma_start3A_473 = arith.constant 0 : i32
          %dma_start3A_474 = tpu.memref_slice %arg9[%and3A_465, %dma_start3A_473] : memref<8x4096xf32, #tpu.memory_space<vmem>> -> memref<1x4096xf32, #tpu.memory_space<vmem>>
          tpu.enqueue_dma source(%dma_start3A_474 : memref<1x4096xf32, #tpu.memory_space<vmem>>) target(%dma_start3A_472 : memref<1x4096xf32, #tpu.memory_space<hbm>>) target_semaphore(%arg13 : memref<!tpu.dma_semaphore, #tpu.memory_space<semaphore_mem>>)
        } else {
        }
        %ge3A_458 = arith.constant 16 : i32
        %ge3A_459 = arith.cmpi sge, %add3A_453, %ge3A_458 : i32
        %and3A_460 = arith.andi %lt3A_454, %ge3A_459 : i1
        %convert_element_type3A_461 = arith.extui %and3A_460 : i1 to i32
        %cond3A_462 = arith.constant 0 : i32
        %cond3A_463 = arith.cmpi ne, %convert_element_type3A_461, %cond3A_462 : i32
        scf.if %cond3A_463 {
          %dma_wait3A_464 = arith.constant 0 : i32
          %dma_wait3A_465 = arith.constant 0 : i32
          %dma_wait3A_466 = tpu.memref_slice %arg9[%dma_wait3A_464, %dma_wait3A_465] : memref<8x4096xf32, #tpu.memory_space<vmem>> -> memref<1x4096xf32, #tpu.memory_space<vmem>>
          %dma_wait3A_467 = arith.constant 0 : i32
          %dma_wait3A_468 = arith.constant 0 : i32
          %dma_wait3A_469 = tpu.memref_slice %arg4[%dma_wait3A_467, %dma_wait3A_468] : memref<16384x4096xf32, #tpu.memory_space<hbm>> -> memref<1x4096xf32, #tpu.memory_space<hbm>>
          %dma_wait3A_470 = arith.constant 0 : i32
          %dma_wait3A_471 = arith.constant 0 : i32
          %dma_wait3A_472 = tpu.memref_slice %arg4[%dma_wait3A_470, %dma_wait3A_471] : memref<16384x4096xf32, #tpu.memory_space<hbm>> -> memref<1x4096xf32, #tpu.memory_space<hbm>>
          %dma_wait3A_473 = arith.constant 0 : i32
          %dma_wait3A_474 = arith.constant 0 : i32
          %dma_wait3A_475 = tpu.memref_slice %arg9[%dma_wait3A_473, %dma_wait3A_474] : memref<8x4096xf32, #tpu.memory_space<vmem>> -> memref<1x4096xf32, #tpu.memory_space<vmem>>
          tpu.wait_dma2 semaphore(%arg13 : memref<!tpu.dma_semaphore, #tpu.memory_space<semaphore_mem>>) src(%dma_wait3A_475 : memref<1x4096xf32, #tpu.memory_space<vmem>>) dst(%dma_wait3A_472 : memref<1x4096xf32, #tpu.memory_space<hbm>>)
        } else {
        }
      }
      %scan3A_236 = arith.constant 0 : i32
      scf.yield %scan3A_236, %reduce_max3A_174 : i32, i32
    }
    %scan3A_48 = arith.constant 16 : i32
    %min3A = arith.constant 16 : i32
    %min3A_49 = arith.minsi %scan3A_47#0, %min3A : i32
    %while3A = arith.constant 0 : i32
    %while3A_50 = arith.constant 0 : i32
    %while3A_51 = arith.subi %min3A_49, %while3A_50 : i32
    %while3A_52 = arith.addi %while3A_50, %while3A_51 : i32
    %while3A_53 = arith.constant 1 : i32
    %while3A_54 = arith.divsi %while3A_51, %while3A_53 : i32
    %while3A_55 = arith.muli %while3A_54, %while3A_53 : i32
    %while3A_56 = arith.addi %while3A_50, %while3A_55 : i32
    %while3A_57 = arith.constant 1 : i32
    scf.for %while3A_71 = %while3A_50 to %while3A_56 step %while3A_57  : i32 {
      %dma_wait3A = arith.constant 0 : i32
      %dma_wait3A_72 = arith.constant 0 : i32
      %dma_wait3A_73 = tpu.memref_slice %arg8[%dma_wait3A, %dma_wait3A_72] : memref<8x4096xf32, #tpu.memory_space<vmem>> -> memref<1x4096xf32, #tpu.memory_space<vmem>>
      %dma_wait3A_74 = arith.constant 0 : i32
      %dma_wait3A_75 = arith.constant 0 : i32
      %dma_wait3A_76 = tpu.memref_slice %arg4[%dma_wait3A_74, %dma_wait3A_75] : memref<16384x4096xf32, #tpu.memory_space<hbm>> -> memref<1x4096xf32, #tpu.memory_space<hbm>>
      %dma_wait3A_77 = arith.constant 0 : i32
      %dma_wait3A_78 = arith.constant 0 : i32
      %dma_wait3A_79 = tpu.memref_slice %arg4[%dma_wait3A_77, %dma_wait3A_78] : memref<16384x4096xf32, #tpu.memory_space<hbm>> -> memref<1x4096xf32, #tpu.memory_space<hbm>>
      %dma_wait3A_80 = arith.constant 0 : i32
      %dma_wait3A_81 = arith.constant 0 : i32
      %dma_wait3A_82 = tpu.memref_slice %arg8[%dma_wait3A_80, %dma_wait3A_81] : memref<8x4096xf32, #tpu.memory_space<vmem>> -> memref<1x4096xf32, #tpu.memory_space<vmem>>
      tpu.wait_dma2 semaphore(%arg12 : memref<!tpu.dma_semaphore, #tpu.memory_space<semaphore_mem>>) src(%dma_wait3A_82 : memref<1x4096xf32, #tpu.memory_space<vmem>>) dst(%dma_wait3A_79 : memref<1x4096xf32, #tpu.memory_space<hbm>>)
    }
    %while3A_58 = arith.constant 1 : i32
    scf.for %while3A_71 = %while3A_56 to %while3A_52 step %while3A_58  : i32 {
      %dma_wait3A = arith.constant 0 : i32
      %dma_wait3A_72 = arith.constant 0 : i32
      %dma_wait3A_73 = tpu.memref_slice %arg8[%dma_wait3A, %dma_wait3A_72] : memref<8x4096xf32, #tpu.memory_space<vmem>> -> memref<1x4096xf32, #tpu.memory_space<vmem>>
      %dma_wait3A_74 = arith.constant 0 : i32
      %dma_wait3A_75 = arith.constant 0 : i32
      %dma_wait3A_76 = tpu.memref_slice %arg4[%dma_wait3A_74, %dma_wait3A_75] : memref<16384x4096xf32, #tpu.memory_space<hbm>> -> memref<1x4096xf32, #tpu.memory_space<hbm>>
      %dma_wait3A_77 = arith.constant 0 : i32
      %dma_wait3A_78 = arith.constant 0 : i32
      %dma_wait3A_79 = tpu.memref_slice %arg4[%dma_wait3A_77, %dma_wait3A_78] : memref<16384x4096xf32, #tpu.memory_space<hbm>> -> memref<1x4096xf32, #tpu.memory_space<hbm>>
      %dma_wait3A_80 = arith.constant 0 : i32
      %dma_wait3A_81 = arith.constant 0 : i32
      %dma_wait3A_82 = tpu.memref_slice %arg8[%dma_wait3A_80, %dma_wait3A_81] : memref<8x4096xf32, #tpu.memory_space<vmem>> -> memref<1x4096xf32, #tpu.memory_space<vmem>>
      tpu.wait_dma2 semaphore(%arg12 : memref<!tpu.dma_semaphore, #tpu.memory_space<semaphore_mem>>) src(%dma_wait3A_82 : memref<1x4096xf32, #tpu.memory_space<vmem>>) dst(%dma_wait3A_79 : memref<1x4096xf32, #tpu.memory_space<hbm>>)
    }
    %min3A_59 = arith.constant 16 : i32
    %min3A_60 = arith.minsi %scan3A_47#1, %min3A_59 : i32
    %while3A_61 = arith.constant 0 : i32
    %while3A_62 = arith.constant 0 : i32
    %while3A_63 = arith.subi %min3A_60, %while3A_62 : i32
    %while3A_64 = arith.addi %while3A_62, %while3A_63 : i32
    %while3A_65 = arith.constant 1 : i32
    %while3A_66 = arith.divsi %while3A_63, %while3A_65 : i32
    %while3A_67 = arith.muli %while3A_66, %while3A_65 : i32
    %while3A_68 = arith.addi %while3A_62, %while3A_67 : i32
    %while3A_69 = arith.constant 1 : i32
    scf.for %while3A_71 = %while3A_62 to %while3A_68 step %while3A_69  : i32 {
      %dma_wait3A = arith.constant 0 : i32
      %dma_wait3A_72 = arith.constant 0 : i32
      %dma_wait3A_73 = tpu.memref_slice %arg9[%dma_wait3A, %dma_wait3A_72] : memref<8x4096xf32, #tpu.memory_space<vmem>> -> memref<1x4096xf32, #tpu.memory_space<vmem>>
      %dma_wait3A_74 = arith.constant 0 : i32
      %dma_wait3A_75 = arith.constant 0 : i32
      %dma_wait3A_76 = tpu.memref_slice %arg4[%dma_wait3A_74, %dma_wait3A_75] : memref<16384x4096xf32, #tpu.memory_space<hbm>> -> memref<1x4096xf32, #tpu.memory_space<hbm>>
      %dma_wait3A_77 = arith.constant 0 : i32
      %dma_wait3A_78 = arith.constant 0 : i32
      %dma_wait3A_79 = tpu.memref_slice %arg4[%dma_wait3A_77, %dma_wait3A_78] : memref<16384x4096xf32, #tpu.memory_space<hbm>> -> memref<1x4096xf32, #tpu.memory_space<hbm>>
      %dma_wait3A_80 = arith.constant 0 : i32
      %dma_wait3A_81 = arith.constant 0 : i32
      %dma_wait3A_82 = tpu.memref_slice %arg9[%dma_wait3A_80, %dma_wait3A_81] : memref<8x4096xf32, #tpu.memory_space<vmem>> -> memref<1x4096xf32, #tpu.memory_space<vmem>>
      tpu.wait_dma2 semaphore(%arg13 : memref<!tpu.dma_semaphore, #tpu.memory_space<semaphore_mem>>) src(%dma_wait3A_82 : memref<1x4096xf32, #tpu.memory_space<vmem>>) dst(%dma_wait3A_79 : memref<1x4096xf32, #tpu.memory_space<hbm>>)
    }
    %while3A_70 = arith.constant 1 : i32
    scf.for %while3A_71 = %while3A_68 to %while3A_64 step %while3A_70  : i32 {
      %dma_wait3A = arith.constant 0 : i32
      %dma_wait3A_72 = arith.constant 0 : i32
      %dma_wait3A_73 = tpu.memref_slice %arg9[%dma_wait3A, %dma_wait3A_72] : memref<8x4096xf32, #tpu.memory_space<vmem>> -> memref<1x4096xf32, #tpu.memory_space<vmem>>
      %dma_wait3A_74 = arith.constant 0 : i32
      %dma_wait3A_75 = arith.constant 0 : i32
      %dma_wait3A_76 = tpu.memref_slice %arg4[%dma_wait3A_74, %dma_wait3A_75] : memref<16384x4096xf32, #tpu.memory_space<hbm>> -> memref<1x4096xf32, #tpu.memory_space<hbm>>
      %dma_wait3A_77 = arith.constant 0 : i32
      %dma_wait3A_78 = arith.constant 0 : i32
      %dma_wait3A_79 = tpu.memref_slice %arg4[%dma_wait3A_77, %dma_wait3A_78] : memref<16384x4096xf32, #tpu.memory_space<hbm>> -> memref<1x4096xf32, #tpu.memory_space<hbm>>
      %dma_wait3A_80 = arith.constant 0 : i32
      %dma_wait3A_81 = arith.constant 0 : i32
      %dma_wait3A_82 = tpu.memref_slice %arg9[%dma_wait3A_80, %dma_wait3A_81] : memref<8x4096xf32, #tpu.memory_space<vmem>> -> memref<1x4096xf32, #tpu.memory_space<vmem>>
      tpu.wait_dma2 semaphore(%arg13 : memref<!tpu.dma_semaphore, #tpu.memory_space<semaphore_mem>>) src(%dma_wait3A_82 : memref<1x4096xf32, #tpu.memory_space<vmem>>) dst(%dma_wait3A_79 : memref<1x4096xf32, #tpu.memory_space<hbm>>)
    }
    return
  }
}

</mosaic_0001>

<sc_bundles>
// kernel: _sc_scatter_gather.3.cloned.1.call-start
scs
__scs_entry_jumppad:
0x0: {  	(pc) =	sbr.rel $0x88, $3  }
0x1: {  	(tag) =	ssettag $0x0;
	lr =	simm.s32 $0x1  }
0x2: {  	[smem:$0x3F9F] =	sst lr;
	_ =	strace $0xD0000000  }
0x3: {  	_ = 	snop  }
0x4: {  	_ = 	snop  }
0x5: {  	_ = 	snop  }
0x6: {  	_ = 	snop  }
0x7: {  	_ = 	snop  }
__scs_overlays_trampoline_lowered:
0x8: {  	[smem:$0x3FAE] =	sst s0  }
0x9: {  	[smem:$0x3FAF] =	sst s1  }
0xa: {  	[smem:$0x3FB0] =	sst s2  }
0xb: {  	[smem:$0x3FB1] =	sst s3  }
0xc: {  	[smem:$0x3FB2] =	sst s4  }
0xd: {  	[smem:$0x3FB3] =	sst s5  }
0xe: {  	[smem:$0x3FB4] =	sst s6  }
0xf: {  	[smem:$0x3FB5] =	sst s7  }
0x10: {  	[smem:$0x3FB6] =	sst s8  }
0x11: {  	[smem:$0x3FB7] =	sst s9;
	s0 =	simm.s32 @!p0 $0x0  }
0x12: {  	s1 =	sld [smem:$0x3F9D];
	s0 =	simm.s32 @p0 $0x1  }
0x13: {  	[smem:$0x3FB8] =	sst s0;
	s0 =	simm.s32 @!p1 $0x0  }
0x14: {  	s2 =	sld [smem:$0x3F9C];
	s0 =	simm.s32 @p1 $0x1  }
0x15: {  	[smem:$0x3FB9] =	sst s0;
	s0 =	simm.s32 @!p2 $0x0  }
0x16: {  	s3 =	sld [smem:$0x3FDB];
	s0 =	simm.s32 @p2 $0x1  }
0x17: {  	s4 =	simm.s32 $0x1BF5;
	[smem:$0x3FBB] =	sst s0  }
0x18: {  	s0 =	sld [smem:$0x3F9E];
	_ =	swait.ge [sflag:s4], $0x0  }
0x19: {  	s7 =	sld [smem:$0x3F9F]  }
0x1a: {  	s8 =	sadd.s32 $0xFFFFE003, lr  }
0x1b: {  	s9 =	sadd.s32 $0xFFFFFEF7, lr;
	s5 =	simm.s32 $0xFFFFFFFF;
	p2 =	slt.u32 s8, $0xFFFFF086  }
0x1c: {  	p1 =	slt.u32 s9, $0xF7A;
	s5 =	simm.s32 @!p2 $0x0  }
0x1d: {  	s5 =	simm.s32 @p1 $0x1;
	p0 =	seq.s32 s7, s2  }
0x1e: {  	s7 =	smul.u32 @!p0 $0xF7A, s2;
	p2 =	seq.s32 @!p0 s5, $0x0  }
0x1f: {  	s9 =	smul.u32 $0xF7A, s1;
	s8 =	simm.s32 @!p0 $0x1BF5;
	p2 =	por !p2, p0  }
0x20: {  	[sflag:s8] =	ssyncset.s32 @!p0 $0xFFFFF086;
	s6 =	sadd.s32 @!p0 s3, s7;
	s7 =	simm.s32 @!p0 $0x108  }
0x21: {  	s3 =	sadd.s32 s3, s9;
	s6 =	sadd.s32 @!p0 $0x88, s6;
	s7 =	simm.s32 @p2 $0x1082  }
0x22: {  	[simem:s7], [sflag:s8] =	dma.local @!p0 [hbm:s6], $0xF7A  }
0x23: {  	s9 =	sor.u32 $0xD0000000, s2;
	s6 =	simm.s32 $0x108;
	_ =	swait.ge @!p0 [sflag:s8], $0x0  }
0x24: {  	s3 =	sadd.s32 $0x88, s3;
	s6 =	simm.s32 @!p1 $0x1082;
	[sflag:s4] =	ssyncset.s32 $0xFFFFF086  }
0x25: {  	[simem:s6], [sflag:s4] =	dma.local [hbm:s3], $0xF7A  }
0x26: {  	[smem:$0x3F9F] =	sst s1;
	(tag) =	ssettag s2;
	_ =	strace s9  }
0x27: {  	s1 =	sld [smem:$0x3FAF]  }
0x28: {  	s2 =	sld [smem:$0x3FB0]  }
0x29: {  	s4 =	sld [smem:$0x3FB2]  }
0x2a: {  	p0 =	seq.s32 s5, $0x0;
	s5 =	sld [smem:$0x3FB3]  }
0x2b: {  	s6 =	sld [smem:$0x3FB4]  }
0x2c: {  	s7 =	sld [smem:$0x3FB5]  }
0x2d: {  	s3 =	simm.s32 $0x108;
	s8 =	sld [smem:$0x3FB6]  }
0x2e: {  	s3 =	simm.s32 @!p0 $0x1082;
	s9 =	sld [smem:$0x3FB7]  }
0x2f: {  	lr =	sadd.s32 s0, s3;
	s0 =	sld [smem:$0x3FAE]  }
0x30: {  	s3 =	sld [smem:$0x3FB1]  }
0x31: {  	[smem:$0x3FBA] =	sst s10  }
0x32: {  	s10 =	sld [smem:$0x3FB8];
	_ =	sdelay $0x3  }
0x33: {  	p0 =	seq.s32 s10, $0x1;
	s10 =	sld [smem:$0x3FBA];
	_ =	sdelay $0x3  }
0x34: {  	[smem:$0x3FBA] =	sst s10  }
0x35: {  	s10 =	sld [smem:$0x3FB9];
	_ =	sdelay $0x3  }
0x36: {  	p1 =	seq.s32 s10, $0x1;
	s10 =	sld [smem:$0x3FBA];
	_ =	sdelay $0x3  }
0x37: {  	[smem:$0x3FBA] =	sst s10  }
0x38: {  	s10 =	sld [smem:$0x3FBB]  }
0x39: {  	_ = 	snop;
	(pc) =	sbr.ind lr, $3  }
0x3a: {  	_ = 	snop  }
0x3b: {  	_ = 	snop  }
0x3c: {  	p2 =	seq.s32 s10, $0x1;
	s10 =	sld [smem:$0x3FBA]  }
0x3d: {  	_ =	shalt  }
0x3e: {  	_ =	shalt  }
0x3f: {  	_ =	shalt  }
0x40: {  	_ =	shalt  }
0x41: {  	_ =	shalt  }
0x42: {  	_ =	shalt  }
0x43: {  	_ =	shalt  }
0x44: {  	_ =	shalt  }
0x45: {  	_ =	shalt  }
0x46: {  	_ =	shalt  }
0x47: {  	_ =	shalt  }
0x48: {  	_ =	shalt  }
0x49: {  	_ =	shalt  }
0x4a: {  	_ =	shalt  }
0x4b: {  	_ =	shalt  }
0x4c: {  	_ =	shalt  }
0x4d: {  	_ =	shalt  }
0x4e: {  	_ =	shalt  }
0x4f: {  	_ =	shalt  }
0x50: {  	_ =	shalt  }
0x51: {  	_ =	shalt  }
0x52: {  	_ =	shalt  }
0x53: {  	_ =	shalt  }
0x54: {  	_ =	shalt  }
0x55: {  	_ =	shalt  }
0x56: {  	_ =	shalt  }
0x57: {  	_ =	shalt  }
0x58: {  	_ =	shalt  }
0x59: {  	_ =	shalt  }
0x5a: {  	_ =	shalt  }
0x5b: {  	_ =	shalt  }
0x5c: {  	_ =	shalt  }
0x5d: {  	_ =	shalt  }
0x5e: {  	_ =	shalt  }
0x5f: {  	_ =	shalt  }
0x60: {  	_ =	shalt  }
0x61: {  	_ =	shalt  }
0x62: {  	_ =	shalt  }
0x63: {  	_ =	shalt  }
0x64: {  	_ =	shalt  }
0x65: {  	_ =	shalt  }
0x66: {  	_ =	shalt  }
0x67: {  	_ =	shalt  }
0x68: {  	_ =	shalt  }
0x69: {  	_ =	shalt  }
0x6a: {  	_ =	shalt  }
0x6b: {  	_ =	shalt  }
0x6c: {  	_ =	shalt  }
0x6d: {  	_ =	shalt  }
0x6e: {  	_ =	shalt  }
0x6f: {  	_ =	shalt  }
0x70: {  	_ =	shalt  }
0x71: {  	_ =	shalt  }
0x72: {  	_ =	shalt  }
0x73: {  	_ =	shalt  }
0x74: {  	_ =	shalt  }
0x75: {  	_ =	shalt  }
0x76: {  	_ =	shalt  }
0x77: {  	_ =	shalt  }
0x78: {  	_ =	shalt  }
0x79: {  	_ =	shalt  }
0x7a: {  	_ =	shalt  }
0x7b: {  	_ =	shalt  }
0x7c: {  	_ =	shalt  }
0x7d: {  	_ =	shalt  }
0x7e: {  	_ =	shalt  }
0x7f: {  	_ =	shalt  }
0x80: {  	_ =	shalt  }
0x81: {  	_ =	shalt  }
0x82: {  	_ =	shalt  }
0x83: {  	_ =	shalt  }
0x84: {  	_ =	shalt  }
0x85: {  	_ =	shalt  }
0x86: {  	_ =	shalt  }
0x87: {  	_ =	shalt  }
.Lfunc_end0:
.L_simem_size_0:
called_computation_lowered:
.L_overlay_start_0:
0x88: {  	s2 =	sld [smem:$0x3FD9]  }
0x89: {  	s3 =	sld [smem:$0x3FFE];
	_ =	sdelay $0x1  }
0x8a: {  	s1 =	srdreg.scid  }
0x8b: {  	s0 =	sand.u32 $0x1, s1  }
0x8c: {  	s18 =	sshll.u32 s0, $0xA;
	s2 =	sadd.s32 s3, s2  }
0x8d: {  	s2 =	sadd.s32 s2, s18  }
0x8e: {  	[smem:$0x3FC6] =	sst s2  }
0x8f: {  	_ = 	snop  }
0x90: {  	s2 =	sld [smem:$0x3FC9]  }
0x91: {  	s19 =	sld [smem:$0x3FC8]  }
0x92: {  	s4 =	sld [smem:$0x3FD0];
	(tm) =	ssettm $0x1  }
0x93: {  	s5 =	sld [smem:$0x3FFB];
	_ =	sdelay $0x3  }
0x94: {  	_ =	strace s5  }
0x95: {  	s5 =	sld [smem:$0x3FFC];
	_ =	sdelay $0x3  }
0x96: {  	_ =	strace s5  }
0x97: {  	s5 =	sld [smem:$0x3FFD];
	_ =	sdelay $0x3  }
0x98: {  	_ =	strace s5  }
0x99: {  	_ =	strace $0x8FFFFFFF  }
0x9a: {  	s20 =	sld [smem:$0x3FDB];
	_ =	sdelay $0x1  }
0x9b: {  	s6 =	simm.s32 $_scs_section_size  }
0x9c: {  	s7 =	simm.s32 $_size__tile_overlayer_lowered;
	s8 =	simm.s32 $_tile_overlayer_lowered  }
0x9d: {  	s23 =	simm.s32 $0x1BFF;
	s22 =	sshll.u32 s8, $0x1;
	s5 =	sadd.s32 s6, s20  }
0x9e: {  	s9 =	simm.s32 $0x0;
	s21 =	sshll.u32 s7, $0x1;
	s7 =	sadd.s32 s22, s5  }
0x9f: {  	[timem:s9], [sflag:s23] =	dma.local [hbm:s7], s21  }
0xa0: {  	_ =	swait.ge [sflag:s23], s21  }
0xa1: {  	s6 =	ssub.s32 $0x0, s21;
	[sflag:s23] =	ssyncset.done $0x0  }
0xa2: {  	[sflag:s23] =	ssyncadd.s32 s6;
	_ =	sdelay $0x1  }
0xa3: {  	s24 =	simm.s32 $0x1B8B  }
0xa4: {  	_ =	swait.ge [sflag:s24], $0x1  }
0xa5: {  	[sflag:s24] =	ssyncset.done $0x0  }
0xa6: {  	s25 =	simm.s32 $0x1B8E;
	[sflag:s24] =	ssyncadd.s32 $0xFFFFFFFF  }
0xa7: {  	s26 =	simm.s32 $execute0_lowered;
	[smem:$0x3FD2] =	sst s25  }
0xa8: {  	s6 =	sshll.u32 s26, $0x1;
	_ =	strace $0x80000046;
	[dreg:$0x1] =	wrdreg $0xFFFFFFFF  }
0xa9: {  	s28 =	simm.s32 $_size_execute0_lowered;
	s5 =	sadd.s32 s5, s6;
	[dreg:$0x0] =	wrdreg $0x0  }
0xaa: {  	s6 =	sshll.u32 s28, $0x1;
	[dreg:$0x2] =	wrdreg s5  }
0xab: {  	[dreg:$0x3] =	wrdreg s6  }
0xac: {  	[dreg:$0x4] =	wrdreg $0xC0  }
0xad: {  	_ =	task [dreg:s9], $0x5FFFF  }
0xae: {  	[dreg:$0x1] =	wrdreg $0xFFFFFFFF  }
0xaf: {  	[dreg:$0x0] =	wrdreg $0x60  }
0xb0: {  	[dreg:$0x2] =	wrdreg s2  }
0xb1: {  	[dreg:$0x3] =	wrdreg s19  }
0xb2: {  	[dreg:$0x4] =	wrdreg s4  }
0xb3: {  	[dreg:$0x5] =	wrdreg $0x9  }
0xb4: {  	_ =	task.clear_ibuf [dreg:s9], $0x6FFFF;
	_ =	strace $0x90000046  }
0xb5: {  	s29 =	simm.s32 $0x9;
	_ =	strace $0x80000048  }
0xb6: {  	_ =	swait.ge [sflag:s29], $0x1  }
0xb7: {  	[sflag:s29] =	ssyncadd.s32 $0xFFFFFFFF  }
0xb8: {  	_ =	strace $0x90000048  }
0xb9: {  	_ =	sfence  }
0xba: {  	s30 =	sld [smem:$0x0];
	_ =	sdelay $0x2  }
0xbb: {  	s31 =	sshll.u32 s1, $0xD;
	s1 =	sshrl.u32 s1, $0x2  }
0xbc: {  	s3 =	sand.u32 $0x4000, s31;
	s1 =	sadd.s32 s1, s30  }
0xbd: {  	s0 =	sor.u32 s3, s0;
	s1 =	sshll.u32 s1, $0x11  }
0xbe: {  	s0 =	sor.u32 s1, s0  }
0xbf: {  	s0 =	sadd.s32 $0x8F2B, s0  }
0xc0: {  	[sflag:s0] =	ssyncadd.remote.s32 $0x1  }
0xc1: {  	_ =	sfence.sel $0xFFFF  }
0xc2: {  	[dreg:$0x0] =	wrdreg $0xFFFFFFFF;
	(pc) =	sbr.abs _section_cstart, $3  }
0xc3: {  	[dreg:$0x1] =	wrdreg $0xFFFFFFFF  }
0xc4: {  	_ =	task.clear_ibuf [dreg:s9], $0x2FFFF;
	_ =	strace $0x9FFFFFFF  }
0xc5: {  	(tm) =	ssettm $0x7FFFFFFF  }
tec
execute0_lowered:
.L_overlay_start_1:
0x0: {  	(tag) =	ssettag $0x1  }
0x1: {  	s1 =	rddreg [dreg:$0x0]  }
0x2: {  	s4 =	rddreg [dreg:$0x2];
	s0 =	srdreg.scid  }
0x3: {  	s2 =	stileid.u32;
	s5 =	simm.s32 $0x0;
	s10 =	simm.s32 $0xC000  }
0x4: {  	s11 =	simm.s32 $0x5;
	s12 =	simm.s32 $0x4000;
	s13 =	simm.s32 $0x1  }
0x5: {  	s14 =	simm.s32 $0x8000;
	s15 =	simm.s32 $0x4;
	s16 =	simm.s32 $0x14000  }
0x6: {  	s17 =	simm.s32 $0x3;
	s18 =	simm.s32 $0x2;
	s19 =	simm.s32 $0x0  }
.Ltmp0:
0x7: {  	s0 =	sand.u32 $0x1, s0;
	s2 =	sshll.u32 s2, $0x9;
	(pc) =	sbr.rel .LBB2_1-.Ltmp0, $4  }
0x8: {  	[smem:$0x7FF] =	sst s5;
	s3 =	sshll.u32 s0, $0x8;
	s0 =	ssub.s32 $0x2, s0  }
0x9: {  	_ =	strace $0x80000047;
	s2 =	sor.u32 s3, s2;
	s31 =	sshrl.u32 s0, $0x1  }
0xa: {  	v0 =	vlaneseq.u32;
	s6 =	sshll.u32 s2, $0x9;
	s0 =	ssub.s32 s0, s31;
	s7 =	sshrl.u32 s2, $0x3  }
0xb: {  	v3 =	vimm.s32 $0x0;
	v2 =	vmul.u32 $0x100, v0;
	v1 =	vmov s2;
	s6 =	sadd.s32 s1, s6;
	s8 =	sor.u32 $0x2, s7;
	s9 =	smax.u32 s0, $0x1  }
.LBB2_166:
0xc: {  	[sflag:s15] =	ssyncadd.s32 $0xFFFFF000  }
.LBB2_167:
0xd: {  	s19 =	sadd.s32 $0x1, s19  }
0xe: {  	p0 =	sne.s32 s19, s9  }
.Ltmp1:
0xf: {  	_ = 	snop;
	(pc) =	sbr.rel @!p0 .LBB2_168-.Ltmp1, $1  }
0x10: {  	_ =	sdelay $0x3  }
.LBB2_1:
0x11: {  	[tilespmem:s10], [sflag:$0x1] =	stream.linear.gather [hbm4b:s6+s5], $0x8000, $0x38;
	[tilespmem:$0x1C000] =	vst v63  }
0x12: {  	s0 =	rddreg [dreg:$0x1]  }
0x13: {  	[tilespmem:s5], [sflag:$0x5] =	stream.linear.gather [hbm4b:s0+s5], $0x4000, $0x38;
	[tilespmem:$0x1C000] =	vst v63  }
0x14: {  	_ =	swait.ge [sflag:s11], $0x4000  }
0x15: {  	[sflag:s11] =	ssyncset.done $0x0  }
0x16: {  	s20 =	simm.s32 $0x10;
	s21 =	simm.s32 $0x0;
	v4 =	vimm.s32 $0x0;
	[sflag:s11] =	ssyncadd.s32 $0xFFFFC000  }
.LBB2_2:
0x17: {  	v5 =	vld [tilespmem:s20+$0xFFFFFFF0];
	_ =	sdelay $0x4  }
0x18: {  	v5 =	vsub.s32 v5, v1  }
0x19: {  	vm0 =	vlt.u32 v5, $0x100  }
0x1a: {  	v6 =	vsel vm0, $0x1, v3  }
0x1b: {  	(xrf0) =	vadd.scan.msk.s32 $0xffff, v6;
	_ =	sdelay $0x5  }
0x1c: {  	v6, _, _ =	vpop (xrf0)  }
0x1d: {  	v6 =	vadd.s32 v6, v4  }
0x1e: {  	v6 =	vadd.s32 $0xFFFFFFFF, v6  }
0x1f: {  	v7 =	vmov s21  }
0x20: {  	v7 =	vshll.u32 v7, $0x8  }
0x21: {  	v7 =	vor.u32 v2, v7  }
0x22: {  	v5 =	vadd.s32 v7, v5  }
0x23: {  	[tilespmem:v6+s12+$0x0] =	vst.idx.msk vm0, v5  }
0x24: {  	v5 =	vld [tilespmem:s20+$0x0];
	_ =	sdelay $0x4  }
0x25: {  	v5 =	vsub.s32 v5, v1  }
0x26: {  	vm1 =	vlt.u32 v5, $0x100  }
0x27: {  	v6 =	vsel vm1, $0x1, v3  }
0x28: {  	(xrf0) =	vadd.scan.msk.s32 $0xffff, v6;
	_ =	sdelay $0x1  }
0x29: {  	v6 =	vmpcnt.ones.xlane vm0;
	_ =	sdelay $0x3  }
0x2a: {  	v4 =	vadd.s32 v4, v6;
	v6, _, _ =	vpop (xrf0)  }
0x2b: {  	v6 =	vadd.s32 v6, v4  }
0x2c: {  	s0 =	sadd.s32 $0x10, s21;
	p0 =	sne.s32 s21, $0x3FE0;
	v6 =	vadd.s32 $0xFFFFFFFF, v6  }
.Ltmp2:
0x2d: {  	v7 =	vmov s0;
	(pc) =	sbr.rel @p0 .LBB2_2-.Ltmp2, $4  }
0x2e: {  	v7 =	vshll.u32 v7, $0x8  }
0x2f: {  	v7 =	vor.u32 v2, v7;
	v8 =	vmpcnt.ones.xlane vm1  }
0x30: {  	v5 =	vadd.s32 v7, v5  }
0x31: {  	s21 =	sadd.s32 $0x20, s21;
	s20 =	sadd.s32 $0x20, s20;
	v4 =	vadd.s32 v4, v8;
	[tilespmem:v6+s12+$0x0] =	vst.idx.msk vm1, v5  }
0x32: {  	v4 =	vxor.u32 $0x80000000, v4  }
0x33: {  	(xrf0) =	vmax.scan.msk.u32 $0xffff, v4;
	_ =	sdelay $0x5  }
0x34: {  	v4, _, _ =	vpop (xrf0)  }
0x35: {  	(v2sf) =	vpush v4, $0xF;
	_ =	sdelay $0xe  }
0x36: {  	s0 =	spop (v2sf)  }
0x37: {  	s2 =	sadd.s32 $0x8000000F, s0  }
0x38: {  	s3 =	sand.u32 $0xF, s2  }
0x39: {  	s31 =	sshra.s32 s2, $0x1F;
	p1 =	slt.s32 s2, $0x1;
	p0 =	sne.s32 s3, $0x0  }
.Ltmp3:
0x3a: {  	s3 =	sshrl.u32 s31, $0x1C;
	p0 =	por !p1, !p0;
	(pc) =	sbr.rel .LBB2_4-.Ltmp3, $4  }
0x3b: {  	s2 =	sadd.s32 s3, s2;
	s3 =	simm.s32 $0x1;
	p0 =	por !p0, !p0  }
0x3c: {  	s2 =	sshra.s32 s2, $0x4;
	s3 =	simm.s32 @!p0 $0x0  }
0x3d: {  	s0 =	sxor.u32 $0x80000000, s0;
	s20 =	ssub.s32 s2, s3  }
0x3e: {  	s22 =	simm.s32 $0x0;
	s21 =	simm.s32 $0x0;
	v4 =	vmov s0;
	p0 =	slt.s32 s20, $0x1  }
.LBB2_162:
0x3f: {  	s21 =	sadd.s32 $0x1, s21  }
0x40: {  	p1 =	sne.s32 s21, $0x10  }
.Ltmp4:
0x41: {  	_ = 	snop;
	(pc) =	sbr.rel @!p1 .LBB2_163-.Ltmp4, $1  }
0x42: {  	_ =	sdelay $0x3  }
.LBB2_4:
.Ltmp5:
0x43: {  	(pc) =	sbr.rel @p0 .LBB2_5-.Ltmp5, $2  }
0x44: {  	_ =	sdelay $0x2  }
0x45: {  	s23 =	sshll.u32 s21, $0x4  }
0x46: {  	p2 =	sne.s32 s20, $0x1  }
.Ltmp6:
0x47: {  	_ = 	snop;
	(pc) =	sbr.rel @!p2 .LBB2_7-.Ltmp6, $3  }
0x48: {  	_ =	sdelay $0x1  }
0x49: {  	s0 =	sor.u32 $0x8, s23;
	s2 =	simm.s32 $0x4000  }
0x4a: {  	v5 =	vmov s23;
	v10 =	vimm.s32 $0x0;
	s24 =	simm.s32 $0x0;
	s25 =	sadd.s32 $0xFFFFFFFF, s20;
	p1 =	por $0x0, $0x0;
	v6 =	vmov s0;
	v7 =	vld [tilespmem:s2+$0x0]  }
0x4b: {  	_ =	sdelay $0x3  }
0x4c: {  	v8 =	vand.u32 $0xFF, v7  }
0x4d: {  	vm0 =	vge.u32 v8, v5;
	vm1 =	vlt.u32 v8, v6;
	v8 =	vor.u32 s24, v0  }
0x4e: {  	vm0 =	vmand vm0, vm1;
	vm15 =	vlt.s32 v8, v4  }
0x4f: {  	vm0 =	vmand vm15, vm0  }
0x50: {  	v8 =	vsel vm0, $0x1, v3  }
0x51: {  	(xrf0) =	vadd.scan.msk.s32 $0xffff, v8;
	_ =	sdelay $0x5  }
0x52: {  	v8, _, _ =	vpop (xrf0)  }
0x53: {  	v8 =	vadd.s32 v8, v10  }
0x54: {  	v8 =	vadd.s32 $0xFFFFFFFF, v8  }
0x55: {  	p2 =	sne.s32 s25, $0x1  }
.Ltmp7:
0x56: {  	v9 =	vshra.s32 v7, $0x5;
	(pc) =	sbr.rel @!p2 .LBB2_9-.Ltmp7, $4  }
0x57: {  	v7 =	vand.u32 $0x7, v7;
	v9 =	vand.u32 $0xFFFFFFF8, v9;
	v11 =	vmpcnt.ones.xlane vm0  }
0x58: {  	v7 =	vor.u32 v7, v9  }
0x59: {  	s26 =	simm.s32 $0x4010;
	v9 =	vadd.s32 v10, v11;
	[tilespmem:v8+s14+$0x0] =	vst.idx.msk vm0, v7  }
0x5a: {  	s28 =	sadd.s32 $0xFFFFFFFF, s25;
	p1 =	por $0x1, $0x1;
	s25 =	simm.s32 $0x0;
	v8 =	vmov v9;
	v7 =	vld [tilespmem:s26+$0x0]  }
.LBB2_10:
0x5b: {  	p2 =	sne.s32 s28, $0x1;
	_ =	sdelay $0x3  }
0x5c: {  	s25 =	sadd.s32 $0x10, s25;
	v10 =	vand.u32 $0xFF, v7  }
0x5d: {  	vm0 =	vge.u32 v10, v5;
	vm1 =	vlt.u32 v10, v6;
	v10 =	vor.u32 s25, v0  }
0x5e: {  	vm0 =	vmand vm0, vm1;
	vm1 =	vlt.s32 v10, v4  }
0x5f: {  	vm0 =	vmand vm1, vm0  }
0x60: {  	v10 =	vsel vm0, $0x1, v3;
	v11 =	vmpcnt.ones.xlane vm0  }
0x61: {  	(xrf0) =	vadd.scan.msk.s32 $0xffff, v10  }
0x62: {  	v9 =	vadd.s32 v9, v11;
	_ =	sdelay $0x4  }
0x63: {  	v10, _, _ =	vpop (xrf0)  }
0x64: {  	v10 =	vadd.s32 v10, v8;
	v8 =	vmov v9  }
0x65: {  	v10 =	vadd.s32 $0xFFFFFFFF, v10;
	_ =	sdelay $0x1  }
.Ltmp8:
0x66: {  	v11 =	vshra.s32 v7, $0x5;
	(pc) =	sbr.rel @p2 .LBB2_10-.Ltmp8, $4  }
0x67: {  	v7 =	vand.u32 $0x7, v7;
	v11 =	vand.u32 $0xFFFFFFF8, v11  }
0x68: {  	v7 =	vor.u32 v7, v11  }
0x69: {  	s26 =	sadd.s32 $0x10, s26;
	[tilespmem:v10+s14+$0x0] =	vst.idx.msk vm0, v7  }
0x6a: {  	s28 =	sadd.s32 $0xFFFFFFFF, s28;
	v7 =	vld [tilespmem:s26+$0x0]  }
0x6b: {  	v10 =	vmov v9  }
.LBB2_12:
0x6c: {  	_ =	sdelay $0x1  }
0x6d: {  	s0 =	sadd.s32 @p1 $0x10, s25  }
0x6e: {  	s24 =	smov.u32 @p1 s0;
	v9 =	vand.u32 $0xFF, v7  }
0x6f: {  	vm0 =	vge.u32 v9, v5;
	vm1 =	vlt.u32 v9, v6;
	v5 =	vor.u32 s24, v0  }
0x70: {  	vm0 =	vmand vm0, vm1;
	vm15 =	vlt.s32 v5, v4  }
0x71: {  	vm0 =	vmand vm15, vm0  }
0x72: {  	v5 =	vsel vm0, $0x1, v3  }
0x73: {  	(xrf0) =	vadd.scan.msk.s32 $0xffff, v5;
	_ =	sdelay $0x5  }
0x74: {  	v5, _, _ =	vpop (xrf0)  }
0x75: {  	v5 =	vadd.s32 v5, v8  }
0x76: {  	v5 =	vadd.s32 $0xFFFFFFFF, v5  }
.Ltmp9:
0x77: {  	_ = 	snop;
	(pc) =	sbr.rel .LBB2_13-.Ltmp9, $4  }
0x78: {  	v63 =	vshra.s32 v7, $0x5;
	v6 =	vmpcnt.ones.xlane vm0  }
0x79: {  	v7 =	vand.u32 $0x7, v7;
	v8 =	vand.u32 $0xFFFFFFF8, v63  }
0x7a: {  	v6 =	vadd.s32 v10, v6;
	v7 =	vor.u32 v7, v8  }
0x7b: {  	[tilespmem:v5+s14+$0x0] =	vst.idx.msk vm0, v7;
	v5 =	vxor.u32 $0x80000000, v6  }
.LBB2_5:
0x7c: {  	v5 =	vimm.s32 $0x80000000  }
.LBB2_13:
0x7d: {  	(xrf0) =	vmax.scan.msk.u32 $0xffff, v5;
	_ =	sdelay $0x5  }
0x7e: {  	v5, _, _ =	vpop (xrf0)  }
0x7f: {  	(v2sf) =	vpush v5, $0xF;
	_ =	sdelay $0x9  }
0x80: {  	p1 =	slt.s32 s22, $0x1  }
.Ltmp10:
0x81: {  	_ = 	snop;
	(pc) =	sbr.rel @p1 .LBB2_17-.Ltmp10, $2  }
0x82: {  	_ =	sdelay $0x2  }
0x83: {  	s24 =	spop (v2sf)  }
0x84: {  	p1 =	slt.s32 s22, $0x10  }
0x85: {  	s22 =	simm.s32 @!p1 $0x10  }
0x86: {  	p1 =	sne.s32 s22, $0x1  }
.Ltmp11:
0x87: {  	_ = 	snop;
	(pc) =	sbr.rel @!p1 .LBB2_16-.Ltmp11, $3  }
0x88: {  	_ =	sdelay $0x1  }
0x89: {  	_ =	swait.ge [sflag:s15], $0x1000  }
0x8a: {  	[sflag:s15] =	ssyncset.done $0x0;
	s0 =	sadd.s32 $0xFFFFFFFF, s22  }
.LBB2_15:
0x8b: {  	p1 =	sne.s32 s0, $0x1;
	s0 =	sadd.s32 $0xFFFFFFFF, s0;
	[sflag:s15] =	ssyncadd.s32 $0xFFFFF000  }
.Ltmp12:
0x8c: {  	(pc) =	sbr.rel @p1 .LBB2_15-.Ltmp12, $3  }
0x8d: {  	_ =	sdelay $0x1  }
0x8e: {  	_ =	swait.ge [sflag:s15], $0x1000  }
0x8f: {  	[sflag:s15] =	ssyncset.done $0x0  }
.LBB2_16:
0x90: {  	[sflag:s15] =	ssyncadd.s32 $0xFFFFF000  }
.LBB2_17:
0x91: {  	s22 =	sshll.u32 s21, $0x1  }
0x92: {  	s26 =	simm.s32 $0x0;
	s30 =	sadd.s32 $0x8000000F, s24;
	s25 =	sor.u32 $0x1, s22  }
0x93: {  	s2 =	sand.u32 $0xF, s30;
	s31 =	sshra.s32 s30, $0x1F;
	s0 =	sadd.s32 s7, s25  }
0x94: {  	p2 =	slt.s32 s30, $0x1;
	p1 =	sne.s32 s2, $0x0;
	s0 =	sshll.u32 s0, $0xC  }
0x95: {  	s2 =	sshrl.u32 s31, $0x1C;
	p1 =	por !p2, !p1;
	s0 =	sadd.s32 s1, s0  }
0x96: {  	[tilespmem:s16], [sflag:$0x2] =	stream.linear.gather [hbm4b:s0+s26], $0x8000, $0x38;
	[tilespmem:$0x1C000] =	vst v63  }
0x97: {  	p1 =	por !p1, !p1;
	s0 =	sadd.s32 s2, s30;
	s2 =	simm.s32 $0x1  }
0x98: {  	s0 =	sshra.s32 s0, $0x4;
	s2 =	simm.s32 @!p1 $0x0  }
0x99: {  	s28 =	ssub.s32 s0, s2  }
0x9a: {  	p1 =	sgt.s32 s28, $0x0  }
.Ltmp13:
0x9b: {  	_ = 	snop;
	(pc) =	sbr.rel @p1 .LBB2_20-.Ltmp13, $4  }
0x9c: {  	_ = 	snop  }
0x9d: {  	_ =	swait.ge [sflag:s13], $0x8000  }
0x9e: {  	[sflag:s13] =	ssyncset.done $0x0  }
0x9f: {  	s24 =	sxor.u32 $0x80000000, s24;
	[sflag:s13] =	ssyncadd.s32 $0xFFFF8000  }
.LBB2_18:
.Ltmp14:
0xa0: {  	(pc) =	sbr.rel @p0 .LBB2_19-.Ltmp14, $1  }
0xa1: {  	_ =	sdelay $0x3  }
0xa2: {  	p2 =	sne.s32 s20, $0x1  }
.Ltmp15:
0xa3: {  	_ = 	snop;
	(pc) =	sbr.rel @!p2 .LBB2_86-.Ltmp15, $3  }
0xa4: {  	_ =	sdelay $0x1  }
0xa5: {  	s0 =	sshll.u32 s25, $0x3;
	s2 =	sadd.s32 $0x10, s23;
	s31 =	simm.s32 $0x4000  }
0xa6: {  	v10 =	vimm.s32 $0x0;
	s23 =	simm.s32 $0x0;
	s25 =	sadd.s32 $0xFFFFFFFF, s20;
	p1 =	por $0x0, $0x0;
	v5 =	vmov s0;
	v6 =	vmov s2;
	v7 =	vld [tilespmem:s31+$0x0]  }
0xa7: {  	_ =	sdelay $0x3  }
0xa8: {  	v8 =	vand.u32 $0xFF, v7  }
0xa9: {  	vm0 =	vge.u32 v8, v5;
	vm1 =	vlt.u32 v8, v6;
	v8 =	vor.u32 s23, v0  }
0xaa: {  	vm0 =	vmand vm0, vm1;
	vm15 =	vlt.s32 v8, v4  }
0xab: {  	vm0 =	vmand vm15, vm0  }
0xac: {  	v8 =	vsel vm0, $0x1, v3  }
0xad: {  	(xrf0) =	vadd.scan.msk.s32 $0xffff, v8;
	_ =	sdelay $0x5  }
0xae: {  	v8, _, _ =	vpop (xrf0)  }
0xaf: {  	v8 =	vadd.s32 v8, v10  }
0xb0: {  	v8 =	vadd.s32 $0xFFFFFFFF, v8  }
0xb1: {  	p2 =	sne.s32 s25, $0x1  }
.Ltmp16:
0xb2: {  	v9 =	vshra.s32 v7, $0x5;
	(pc) =	sbr.rel @!p2 .LBB2_88-.Ltmp16, $4  }
0xb3: {  	v7 =	vand.u32 $0x7, v7;
	v9 =	vand.u32 $0xFFFFFFF8, v9;
	v11 =	vmpcnt.ones.xlane vm0  }
0xb4: {  	v7 =	vor.u32 v7, v9  }
0xb5: {  	s26 =	simm.s32 $0x4010;
	v9 =	vadd.s32 v10, v11;
	[tilespmem:v8+s14+$0x0] =	vst.idx.msk vm0, v7  }
0xb6: {  	s28 =	sadd.s32 $0xFFFFFFFF, s25;
	p1 =	por $0x1, $0x1;
	s25 =	simm.s32 $0x0;
	v8 =	vmov v9;
	v7 =	vld [tilespmem:s26+$0x0]  }
.LBB2_89:
0xb7: {  	p2 =	sne.s32 s28, $0x1;
	_ =	sdelay $0x3  }
0xb8: {  	s25 =	sadd.s32 $0x10, s25;
	v10 =	vand.u32 $0xFF, v7  }
0xb9: {  	vm0 =	vge.u32 v10, v5;
	vm1 =	vlt.u32 v10, v6;
	v10 =	vor.u32 s25, v0  }
0xba: {  	vm0 =	vmand vm0, vm1;
	vm1 =	vlt.s32 v10, v4  }
0xbb: {  	vm0 =	vmand vm1, vm0  }
0xbc: {  	v10 =	vsel vm0, $0x1, v3;
	v11 =	vmpcnt.ones.xlane vm0  }
0xbd: {  	(xrf0) =	vadd.scan.msk.s32 $0xffff, v10  }
0xbe: {  	v9 =	vadd.s32 v9, v11;
	_ =	sdelay $0x4  }
0xbf: {  	v10, _, _ =	vpop (xrf0)  }
0xc0: {  	v10 =	vadd.s32 v10, v8;
	v8 =	vmov v9  }
0xc1: {  	v10 =	vadd.s32 $0xFFFFFFFF, v10;
	_ =	sdelay $0x1  }
.Ltmp17:
0xc2: {  	v11 =	vshra.s32 v7, $0x5;
	(pc) =	sbr.rel @p2 .LBB2_89-.Ltmp17, $4  }
0xc3: {  	v7 =	vand.u32 $0x7, v7;
	v11 =	vand.u32 $0xFFFFFFF8, v11  }
0xc4: {  	v7 =	vor.u32 v7, v11  }
0xc5: {  	s26 =	sadd.s32 $0x10, s26;
	[tilespmem:v10+s14+$0x0] =	vst.idx.msk vm0, v7  }
0xc6: {  	s28 =	sadd.s32 $0xFFFFFFFF, s28;
	v7 =	vld [tilespmem:s26+$0x0]  }
0xc7: {  	v10 =	vmov v9  }
.LBB2_91:
0xc8: {  	_ =	sdelay $0x1  }
0xc9: {  	s0 =	sadd.s32 @p1 $0x10, s25  }
0xca: {  	s23 =	smov.u32 @p1 s0;
	v9 =	vand.u32 $0xFF, v7  }
0xcb: {  	vm0 =	vge.u32 v9, v5;
	vm1 =	vlt.u32 v9, v6;
	v5 =	vor.u32 s23, v0  }
0xcc: {  	vm0 =	vmand vm0, vm1;
	vm15 =	vlt.s32 v5, v4  }
0xcd: {  	vm0 =	vmand vm15, vm0  }
0xce: {  	v5 =	vsel vm0, $0x1, v3  }
0xcf: {  	(xrf0) =	vadd.scan.msk.s32 $0xffff, v5;
	_ =	sdelay $0x5  }
0xd0: {  	v5, _, _ =	vpop (xrf0)  }
0xd1: {  	v5 =	vadd.s32 v5, v8  }
0xd2: {  	v5 =	vadd.s32 $0xFFFFFFFF, v5  }
.Ltmp18:
0xd3: {  	_ = 	snop;
	(pc) =	sbr.rel .LBB2_92-.Ltmp18, $4  }
0xd4: {  	v63 =	vshra.s32 v7, $0x5;
	v6 =	vmpcnt.ones.xlane vm0  }
0xd5: {  	v7 =	vand.u32 $0x7, v7;
	v8 =	vand.u32 $0xFFFFFFF8, v63  }
0xd6: {  	v6 =	vadd.s32 v10, v6;
	v7 =	vor.u32 v7, v8  }
0xd7: {  	[tilespmem:v5+s14+$0x0] =	vst.idx.msk vm0, v7;
	v5 =	vxor.u32 $0x80000000, v6  }
.LBB2_83:
0xd8: {  	[hbm4b:s3+s5] =	stream.linear.scatter [tilespmem:s30], [sflag:$0x3], $0x80, $0x38;
	[tilespmem:$0x1C000] =	vst v63  }
0xd9: {  	p1 =	seq.s32 s29, $0x0  }
0xda: {  	s0 =	simm.s32 @!p1 $0x3  }
0xdb: {  	_ =	swait.ge @!p1 [sflag:s0], $0x1000  }
0xdc: {  	[sflag:s0] =	ssyncset.done @!p1 $0x0  }
0xdd: {  	[sflag:s0] =	ssyncadd.s32 @!p1 $0xFFFFF000  }
.LBB2_84:
0xde: {  	s26 =	sadd.s32 $0x1, s26  }
0xdf: {  	p1 =	seq.s32 s26, s28  }
.Ltmp19:
0xe0: {  	_ = 	snop;
	(pc) =	sbr.rel @p1 .LBB2_18-.Ltmp19, $1  }
0xe1: {  	_ =	sdelay $0x3  }
.LBB2_20:
0xe2: {  	s29 =	sshll.u32 s26, $0x4  }
0xe3: {  	p1 =	sge.s32 s29, s24  }
.Ltmp20:
0xe4: {  	_ = 	snop;
	(pc) =	sbr.rel @p1 .LBB2_24-.Ltmp20, $2  }
0xe5: {  	_ =	sdelay $0x2  }
0xe6: {  	v5 =	vld [tilespmem:s29+$0x8000]  }
0xe7: {  	_ =	sdelay $0x3  }
0xe8: {  	(v2sf) =	vpush v5, $0x0;
	_ =	sdelay $0xe  }
0xe9: {  	s0 =	spop (v2sf)  }
0xea: {  	s2 =	sshra.s32 s0, $0x3  }
0xeb: {  	s3 =	sshll.u32 s2, $0xC;
	s2 =	sshll.u32 s2, $0x7  }
0xec: {  	s3 =	sand.u32 $0xFFFF8000, s3;
	s2 =	sand.u32 $0x380, s2  }
0xed: {  	s0 =	sshll.u32 s0, $0x7;
	s2 =	sor.u32 s2, s3  }
0xee: {  	s0 =	sand.u32 $0x380, s0;
	s2 =	sshrl.u32 s2, $0x3  }
0xef: {  	s30 =	sor.u32 $0xC000, s0;
	s31 =	sadd.s32 s4, s2  }
0xf0: {  	s0 =	simm.s32 $0x80;
	s2 =	sadd.s32 $0x400, s30;
	s3 =	sadd.s32 $0x0, s31  }
.LBB2_22:
0xf1: {  	[hbm4b:s3+s5] =	stream.linear.scatter [tilespmem:s30], [sflag:$0x3], $0x80, $0x38;
	[tilespmem:$0x1C000] =	vst v63  }
0xf2: {  	s3 =	smov.u32 s0;
	s30 =	smov.u32 s2;
	p1 =	sne.s32 s0, $0xF80  }
.Ltmp21:
0xf3: {  	s0 =	sadd.s32 $0x80, s0;
	(pc) =	sbr.rel @p1 .LBB2_22-.Ltmp21, $2  }
0xf4: {  	_ =	sdelay $0x2  }
0xf5: {  	s2 =	sadd.s32 $0x400, s2;
	s3 =	sadd.s32 s3, s31  }
0xf6: {  	[hbm4b:s3+s5] =	stream.linear.scatter [tilespmem:s30], [sflag:$0x3], $0x80, $0x38;
	[tilespmem:$0x1C000] =	vst v63  }
0xf7: {  	p1 =	seq.s32 s29, $0x0  }
0xf8: {  	s0 =	simm.s32 @!p1 $0x3  }
0xf9: {  	_ =	swait.ge @!p1 [sflag:s0], $0x1000  }
0xfa: {  	[sflag:s0] =	ssyncset.done @!p1 $0x0  }
0xfb: {  	[sflag:s0] =	ssyncadd.s32 @!p1 $0xFFFFF000  }
.LBB2_24:
0xfc: {  	s0 =	sor.u32 $0x1, s29  }
0xfd: {  	p1 =	sge.s32 s0, s24  }
.Ltmp22:
0xfe: {  	_ = 	snop;
	(pc) =	sbr.rel @p1 .LBB2_28-.Ltmp22, $1  }
0xff: {  	_ =	sdelay $0x3  }
0x100: {  	(v2sf) =	vpush v5, $0x1;
	_ =	sdelay $0xe  }
0x101: {  	s0 =	spop (v2sf)  }
0x102: {  	s2 =	sshra.s32 s0, $0x3  }
0x103: {  	s3 =	sshll.u32 s2, $0xC;
	s2 =	sshll.u32 s2, $0x7  }
0x104: {  	s3 =	sand.u32 $0xFFFF8000, s3;
	s2 =	sand.u32 $0x380, s2  }
0x105: {  	s0 =	sshll.u32 s0, $0x7;
	s2 =	sor.u32 s2, s3  }
0x106: {  	s0 =	sand.u32 $0x380, s0;
	s2 =	sshrl.u32 s2, $0x3  }
0x107: {  	s30 =	sor.u32 $0xC000, s0;
	s31 =	sadd.s32 s4, s2  }
0x108: {  	s0 =	simm.s32 $0x80;
	s2 =	sadd.s32 $0x400, s30;
	s3 =	sadd.s32 $0x0, s31  }
.LBB2_26:
0x109: {  	[hbm4b:s3+s5] =	stream.linear.scatter [tilespmem:s30], [sflag:$0x3], $0x80, $0x38;
	[tilespmem:$0x1C000] =	vst v63  }
0x10a: {  	s3 =	smov.u32 s0;
	s30 =	smov.u32 s2;
	p1 =	sne.s32 s0, $0xF80  }
.Ltmp23:
0x10b: {  	s0 =	sadd.s32 $0x80, s0;
	(pc) =	sbr.rel @p1 .LBB2_26-.Ltmp23, $2  }
0x10c: {  	_ =	sdelay $0x2  }
0x10d: {  	s2 =	sadd.s32 $0x400, s2;
	s3 =	sadd.s32 s3, s31  }
0x10e: {  	[hbm4b:s3+s5] =	stream.linear.scatter [tilespmem:s30], [sflag:$0x3], $0x80, $0x38;
	[tilespmem:$0x1C000] =	vst v63  }
0x10f: {  	p1 =	seq.s32 s29, $0x0  }
0x110: {  	s0 =	simm.s32 @!p1 $0x3  }
0x111: {  	_ =	swait.ge @!p1 [sflag:s0], $0x1000  }
0x112: {  	[sflag:s0] =	ssyncset.done @!p1 $0x0  }
0x113: {  	[sflag:s0] =	ssyncadd.s32 @!p1 $0xFFFFF000  }
.LBB2_28:
0x114: {  	s0 =	sor.u32 $0x2, s29  }
0x115: {  	p1 =	sge.s32 s0, s24  }
.Ltmp24:
0x116: {  	_ = 	snop;
	(pc) =	sbr.rel @p1 .LBB2_32-.Ltmp24, $1  }
0x117: {  	_ =	sdelay $0x3  }
0x118: {  	(v2sf) =	vpush v5, $0x2;
	_ =	sdelay $0xe  }
0x119: {  	s0 =	spop (v2sf)  }
0x11a: {  	s2 =	sshra.s32 s0, $0x3  }
0x11b: {  	s3 =	sshll.u32 s2, $0xC;
	s2 =	sshll.u32 s2, $0x7  }
0x11c: {  	s3 =	sand.u32 $0xFFFF8000, s3;
	s2 =	sand.u32 $0x380, s2  }
0x11d: {  	s0 =	sshll.u32 s0, $0x7;
	s2 =	sor.u32 s2, s3  }
0x11e: {  	s0 =	sand.u32 $0x380, s0;
	s2 =	sshrl.u32 s2, $0x3  }
0x11f: {  	s30 =	sor.u32 $0xC000, s0;
	s31 =	sadd.s32 s4, s2  }
0x120: {  	s0 =	simm.s32 $0x80;
	s2 =	sadd.s32 $0x400, s30;
	s3 =	sadd.s32 $0x0, s31  }
.LBB2_30:
0x121: {  	[hbm4b:s3+s5] =	stream.linear.scatter [tilespmem:s30], [sflag:$0x3], $0x80, $0x38;
	[tilespmem:$0x1C000] =	vst v63  }
0x122: {  	s3 =	smov.u32 s0;
	s30 =	smov.u32 s2;
	p1 =	sne.s32 s0, $0xF80  }
.Ltmp25:
0x123: {  	s0 =	sadd.s32 $0x80, s0;
	(pc) =	sbr.rel @p1 .LBB2_30-.Ltmp25, $2  }
0x124: {  	_ =	sdelay $0x2  }
0x125: {  	s2 =	sadd.s32 $0x400, s2;
	s3 =	sadd.s32 s3, s31  }
0x126: {  	[hbm4b:s3+s5] =	stream.linear.scatter [tilespmem:s30], [sflag:$0x3], $0x80, $0x38;
	[tilespmem:$0x1C000] =	vst v63  }
0x127: {  	p1 =	seq.s32 s29, $0x0  }
0x128: {  	s0 =	simm.s32 @!p1 $0x3  }
0x129: {  	_ =	swait.ge @!p1 [sflag:s0], $0x1000  }
0x12a: {  	[sflag:s0] =	ssyncset.done @!p1 $0x0  }
0x12b: {  	[sflag:s0] =	ssyncadd.s32 @!p1 $0xFFFFF000  }
.LBB2_32:
0x12c: {  	s0 =	sor.u32 $0x3, s29  }
0x12d: {  	p1 =	sge.s32 s0, s24  }
.Ltmp26:
0x12e: {  	_ = 	snop;
	(pc) =	sbr.rel @p1 .LBB2_36-.Ltmp26, $1  }
0x12f: {  	_ =	sdelay $0x3  }
0x130: {  	(v2sf) =	vpush v5, $0x3;
	_ =	sdelay $0xe  }
0x131: {  	s0 =	spop (v2sf)  }
0x132: {  	s2 =	sshra.s32 s0, $0x3  }
0x133: {  	s3 =	sshll.u32 s2, $0xC;
	s2 =	sshll.u32 s2, $0x7  }
0x134: {  	s3 =	sand.u32 $0xFFFF8000, s3;
	s2 =	sand.u32 $0x380, s2  }
0x135: {  	s0 =	sshll.u32 s0, $0x7;
	s2 =	sor.u32 s2, s3  }
0x136: {  	s0 =	sand.u32 $0x380, s0;
	s2 =	sshrl.u32 s2, $0x3  }
0x137: {  	s30 =	sor.u32 $0xC000, s0;
	s31 =	sadd.s32 s4, s2  }
0x138: {  	s0 =	simm.s32 $0x80;
	s2 =	sadd.s32 $0x400, s30;
	s3 =	sadd.s32 $0x0, s31  }
.LBB2_34:
0x139: {  	[hbm4b:s3+s5] =	stream.linear.scatter [tilespmem:s30], [sflag:$0x3], $0x80, $0x38;
	[tilespmem:$0x1C000] =	vst v63  }
0x13a: {  	s3 =	smov.u32 s0;
	s30 =	smov.u32 s2;
	p1 =	sne.s32 s0, $0xF80  }
.Ltmp27:
0x13b: {  	s0 =	sadd.s32 $0x80, s0;
	(pc) =	sbr.rel @p1 .LBB2_34-.Ltmp27, $2  }
0x13c: {  	_ =	sdelay $0x2  }
0x13d: {  	s2 =	sadd.s32 $0x400, s2;
	s3 =	sadd.s32 s3, s31  }
0x13e: {  	[hbm4b:s3+s5] =	stream.linear.scatter [tilespmem:s30], [sflag:$0x3], $0x80, $0x38;
	[tilespmem:$0x1C000] =	vst v63  }
0x13f: {  	p1 =	seq.s32 s29, $0x0  }
0x140: {  	s0 =	simm.s32 @!p1 $0x3  }
0x141: {  	_ =	swait.ge @!p1 [sflag:s0], $0x1000  }
0x142: {  	[sflag:s0] =	ssyncset.done @!p1 $0x0  }
0x143: {  	[sflag:s0] =	ssyncadd.s32 @!p1 $0xFFFFF000  }
.LBB2_36:
0x144: {  	s0 =	sor.u32 $0x4, s29  }
0x145: {  	p1 =	sge.s32 s0, s24  }
.Ltmp28:
0x146: {  	_ = 	snop;
	(pc) =	sbr.rel @p1 .LBB2_40-.Ltmp28, $1  }
0x147: {  	_ =	sdelay $0x3  }
0x148: {  	(v2sf) =	vpush v5, $0x4;
	_ =	sdelay $0xe  }
0x149: {  	s0 =	spop (v2sf)  }
0x14a: {  	s2 =	sshra.s32 s0, $0x3  }
0x14b: {  	s3 =	sshll.u32 s2, $0xC;
	s2 =	sshll.u32 s2, $0x7  }
0x14c: {  	s3 =	sand.u32 $0xFFFF8000, s3;
	s2 =	sand.u32 $0x380, s2  }
0x14d: {  	s0 =	sshll.u32 s0, $0x7;
	s2 =	sor.u32 s2, s3  }
0x14e: {  	s0 =	sand.u32 $0x380, s0;
	s2 =	sshrl.u32 s2, $0x3  }
0x14f: {  	s30 =	sor.u32 $0xC000, s0;
	s31 =	sadd.s32 s4, s2  }
0x150: {  	s0 =	simm.s32 $0x80;
	s2 =	sadd.s32 $0x400, s30;
	s3 =	sadd.s32 $0x0, s31  }
.LBB2_38:
0x151: {  	[hbm4b:s3+s5] =	stream.linear.scatter [tilespmem:s30], [sflag:$0x3], $0x80, $0x38;
	[tilespmem:$0x1C000] =	vst v63  }
0x152: {  	s3 =	smov.u32 s0;
	s30 =	smov.u32 s2;
	p1 =	sne.s32 s0, $0xF80  }
.Ltmp29:
0x153: {  	s0 =	sadd.s32 $0x80, s0;
	(pc) =	sbr.rel @p1 .LBB2_38-.Ltmp29, $2  }
0x154: {  	_ =	sdelay $0x2  }
0x155: {  	s2 =	sadd.s32 $0x400, s2;
	s3 =	sadd.s32 s3, s31  }
0x156: {  	[hbm4b:s3+s5] =	stream.linear.scatter [tilespmem:s30], [sflag:$0x3], $0x80, $0x38;
	[tilespmem:$0x1C000] =	vst v63  }
0x157: {  	p1 =	seq.s32 s29, $0x0  }
0x158: {  	s0 =	simm.s32 @!p1 $0x3  }
0x159: {  	_ =	swait.ge @!p1 [sflag:s0], $0x1000  }
0x15a: {  	[sflag:s0] =	ssyncset.done @!p1 $0x0  }
0x15b: {  	[sflag:s0] =	ssyncadd.s32 @!p1 $0xFFFFF000  }
.LBB2_40:
0x15c: {  	s0 =	sor.u32 $0x5, s29  }
0x15d: {  	p1 =	sge.s32 s0, s24  }
.Ltmp30:
0x15e: {  	_ = 	snop;
	(pc) =	sbr.rel @p1 .LBB2_44-.Ltmp30, $1  }
0x15f: {  	_ =	sdelay $0x3  }
0x160: {  	(v2sf) =	vpush v5, $0x5;
	_ =	sdelay $0xe  }
0x161: {  	s0 =	spop (v2sf)  }
0x162: {  	s2 =	sshra.s32 s0, $0x3  }
0x163: {  	s3 =	sshll.u32 s2, $0xC;
	s2 =	sshll.u32 s2, $0x7  }
0x164: {  	s3 =	sand.u32 $0xFFFF8000, s3;
	s2 =	sand.u32 $0x380, s2  }
0x165: {  	s0 =	sshll.u32 s0, $0x7;
	s2 =	sor.u32 s2, s3  }
0x166: {  	s0 =	sand.u32 $0x380, s0;
	s2 =	sshrl.u32 s2, $0x3  }
0x167: {  	s30 =	sor.u32 $0xC000, s0;
	s31 =	sadd.s32 s4, s2  }
0x168: {  	s0 =	simm.s32 $0x80;
	s2 =	sadd.s32 $0x400, s30;
	s3 =	sadd.s32 $0x0, s31  }
.LBB2_42:
0x169: {  	[hbm4b:s3+s5] =	stream.linear.scatter [tilespmem:s30], [sflag:$0x3], $0x80, $0x38;
	[tilespmem:$0x1C000] =	vst v63  }
0x16a: {  	s3 =	smov.u32 s0;
	s30 =	smov.u32 s2;
	p1 =	sne.s32 s0, $0xF80  }
.Ltmp31:
0x16b: {  	s0 =	sadd.s32 $0x80, s0;
	(pc) =	sbr.rel @p1 .LBB2_42-.Ltmp31, $2  }
0x16c: {  	_ =	sdelay $0x2  }
0x16d: {  	s2 =	sadd.s32 $0x400, s2;
	s3 =	sadd.s32 s3, s31  }
0x16e: {  	[hbm4b:s3+s5] =	stream.linear.scatter [tilespmem:s30], [sflag:$0x3], $0x80, $0x38;
	[tilespmem:$0x1C000] =	vst v63  }
0x16f: {  	p1 =	seq.s32 s29, $0x0  }
0x170: {  	s0 =	simm.s32 @!p1 $0x3  }
0x171: {  	_ =	swait.ge @!p1 [sflag:s0], $0x1000  }
0x172: {  	[sflag:s0] =	ssyncset.done @!p1 $0x0  }
0x173: {  	[sflag:s0] =	ssyncadd.s32 @!p1 $0xFFFFF000  }
.LBB2_44:
0x174: {  	s0 =	sor.u32 $0x6, s29  }
0x175: {  	p1 =	sge.s32 s0, s24  }
.Ltmp32:
0x176: {  	_ = 	snop;
	(pc) =	sbr.rel @p1 .LBB2_48-.Ltmp32, $1  }
0x177: {  	_ =	sdelay $0x3  }
0x178: {  	(v2sf) =	vpush v5, $0x6;
	_ =	sdelay $0xe  }
0x179: {  	s0 =	spop (v2sf)  }
0x17a: {  	s2 =	sshra.s32 s0, $0x3  }
0x17b: {  	s3 =	sshll.u32 s2, $0xC;
	s2 =	sshll.u32 s2, $0x7  }
0x17c: {  	s3 =	sand.u32 $0xFFFF8000, s3;
	s2 =	sand.u32 $0x380, s2  }
0x17d: {  	s0 =	sshll.u32 s0, $0x7;
	s2 =	sor.u32 s2, s3  }
0x17e: {  	s0 =	sand.u32 $0x380, s0;
	s2 =	sshrl.u32 s2, $0x3  }
0x17f: {  	s30 =	sor.u32 $0xC000, s0;
	s31 =	sadd.s32 s4, s2  }
0x180: {  	s0 =	simm.s32 $0x80;
	s2 =	sadd.s32 $0x400, s30;
	s3 =	sadd.s32 $0x0, s31  }
.LBB2_46:
0x181: {  	[hbm4b:s3+s5] =	stream.linear.scatter [tilespmem:s30], [sflag:$0x3], $0x80, $0x38;
	[tilespmem:$0x1C000] =	vst v63  }
0x182: {  	s3 =	smov.u32 s0;
	s30 =	smov.u32 s2;
	p1 =	sne.s32 s0, $0xF80  }
.Ltmp33:
0x183: {  	s0 =	sadd.s32 $0x80, s0;
	(pc) =	sbr.rel @p1 .LBB2_46-.Ltmp33, $2  }
0x184: {  	_ =	sdelay $0x2  }
0x185: {  	s2 =	sadd.s32 $0x400, s2;
	s3 =	sadd.s32 s3, s31  }
0x186: {  	[hbm4b:s3+s5] =	stream.linear.scatter [tilespmem:s30], [sflag:$0x3], $0x80, $0x38;
	[tilespmem:$0x1C000] =	vst v63  }
0x187: {  	p1 =	seq.s32 s29, $0x0  }
0x188: {  	s0 =	simm.s32 @!p1 $0x3  }
0x189: {  	_ =	swait.ge @!p1 [sflag:s0], $0x1000  }
0x18a: {  	[sflag:s0] =	ssyncset.done @!p1 $0x0  }
0x18b: {  	[sflag:s0] =	ssyncadd.s32 @!p1 $0xFFFFF000  }
.LBB2_48:
0x18c: {  	s0 =	sor.u32 $0x7, s29  }
0x18d: {  	p1 =	sge.s32 s0, s24  }
.Ltmp34:
0x18e: {  	_ = 	snop;
	(pc) =	sbr.rel @p1 .LBB2_52-.Ltmp34, $1  }
0x18f: {  	_ =	sdelay $0x3  }
0x190: {  	(v2sf) =	vpush v5, $0x7;
	_ =	sdelay $0xe  }
0x191: {  	s0 =	spop (v2sf)  }
0x192: {  	s2 =	sshra.s32 s0, $0x3  }
0x193: {  	s3 =	sshll.u32 s2, $0xC;
	s2 =	sshll.u32 s2, $0x7  }
0x194: {  	s3 =	sand.u32 $0xFFFF8000, s3;
	s2 =	sand.u32 $0x380, s2  }
0x195: {  	s0 =	sshll.u32 s0, $0x7;
	s2 =	sor.u32 s2, s3  }
0x196: {  	s0 =	sand.u32 $0x380, s0;
	s2 =	sshrl.u32 s2, $0x3  }
0x197: {  	s30 =	sor.u32 $0xC000, s0;
	s31 =	sadd.s32 s4, s2  }
0x198: {  	s0 =	simm.s32 $0x80;
	s2 =	sadd.s32 $0x400, s30;
	s3 =	sadd.s32 $0x0, s31  }
.LBB2_50:
0x199: {  	[hbm4b:s3+s5] =	stream.linear.scatter [tilespmem:s30], [sflag:$0x3], $0x80, $0x38;
	[tilespmem:$0x1C000] =	vst v63  }
0x19a: {  	s3 =	smov.u32 s0;
	s30 =	smov.u32 s2;
	p1 =	sne.s32 s0, $0xF80  }
.Ltmp35:
0x19b: {  	s0 =	sadd.s32 $0x80, s0;
	(pc) =	sbr.rel @p1 .LBB2_50-.Ltmp35, $2  }
0x19c: {  	_ =	sdelay $0x2  }
0x19d: {  	s2 =	sadd.s32 $0x400, s2;
	s3 =	sadd.s32 s3, s31  }
0x19e: {  	[hbm4b:s3+s5] =	stream.linear.scatter [tilespmem:s30], [sflag:$0x3], $0x80, $0x38;
	[tilespmem:$0x1C000] =	vst v63  }
0x19f: {  	p1 =	seq.s32 s29, $0x0  }
0x1a0: {  	s0 =	simm.s32 @!p1 $0x3  }
0x1a1: {  	_ =	swait.ge @!p1 [sflag:s0], $0x1000  }
0x1a2: {  	[sflag:s0] =	ssyncset.done @!p1 $0x0  }
0x1a3: {  	[sflag:s0] =	ssyncadd.s32 @!p1 $0xFFFFF000  }
.LBB2_52:
0x1a4: {  	s0 =	sor.u32 $0x8, s29  }
0x1a5: {  	p1 =	sge.s32 s0, s24  }
.Ltmp36:
0x1a6: {  	_ = 	snop;
	(pc) =	sbr.rel @p1 .LBB2_56-.Ltmp36, $1  }
0x1a7: {  	_ =	sdelay $0x3  }
0x1a8: {  	(v2sf) =	vpush v5, $0x8;
	_ =	sdelay $0xe  }
0x1a9: {  	s0 =	spop (v2sf)  }
0x1aa: {  	s2 =	sshra.s32 s0, $0x3  }
0x1ab: {  	s3 =	sshll.u32 s2, $0xC;
	s2 =	sshll.u32 s2, $0x7  }
0x1ac: {  	s3 =	sand.u32 $0xFFFF8000, s3;
	s2 =	sand.u32 $0x380, s2  }
0x1ad: {  	s0 =	sshll.u32 s0, $0x7;
	s2 =	sor.u32 s2, s3  }
0x1ae: {  	s0 =	sand.u32 $0x380, s0;
	s2 =	sshrl.u32 s2, $0x3  }
0x1af: {  	s30 =	sor.u32 $0xC000, s0;
	s31 =	sadd.s32 s4, s2  }
0x1b0: {  	s0 =	simm.s32 $0x80;
	s2 =	sadd.s32 $0x400, s30;
	s3 =	sadd.s32 $0x0, s31  }
.LBB2_54:
0x1b1: {  	[hbm4b:s3+s5] =	stream.linear.scatter [tilespmem:s30], [sflag:$0x3], $0x80, $0x38;
	[tilespmem:$0x1C000] =	vst v63  }
0x1b2: {  	s3 =	smov.u32 s0;
	s30 =	smov.u32 s2;
	p1 =	sne.s32 s0, $0xF80  }
.Ltmp37:
0x1b3: {  	s0 =	sadd.s32 $0x80, s0;
	(pc) =	sbr.rel @p1 .LBB2_54-.Ltmp37, $2  }
0x1b4: {  	_ =	sdelay $0x2  }
0x1b5: {  	s2 =	sadd.s32 $0x400, s2;
	s3 =	sadd.s32 s3, s31  }
0x1b6: {  	[hbm4b:s3+s5] =	stream.linear.scatter [tilespmem:s30], [sflag:$0x3], $0x80, $0x38;
	[tilespmem:$0x1C000] =	vst v63  }
0x1b7: {  	p1 =	seq.s32 s29, $0x0  }
0x1b8: {  	s0 =	simm.s32 @!p1 $0x3  }
0x1b9: {  	_ =	swait.ge @!p1 [sflag:s0], $0x1000  }
0x1ba: {  	[sflag:s0] =	ssyncset.done @!p1 $0x0  }
0x1bb: {  	[sflag:s0] =	ssyncadd.s32 @!p1 $0xFFFFF000  }
.LBB2_56:
0x1bc: {  	s0 =	sor.u32 $0x9, s29  }
0x1bd: {  	p1 =	sge.s32 s0, s24  }
.Ltmp38:
0x1be: {  	_ = 	snop;
	(pc) =	sbr.rel @p1 .LBB2_60-.Ltmp38, $1  }
0x1bf: {  	_ =	sdelay $0x3  }
0x1c0: {  	(v2sf) =	vpush v5, $0x9;
	_ =	sdelay $0xe  }
0x1c1: {  	s0 =	spop (v2sf)  }
0x1c2: {  	s2 =	sshra.s32 s0, $0x3  }
0x1c3: {  	s3 =	sshll.u32 s2, $0xC;
	s2 =	sshll.u32 s2, $0x7  }
0x1c4: {  	s3 =	sand.u32 $0xFFFF8000, s3;
	s2 =	sand.u32 $0x380, s2  }
0x1c5: {  	s0 =	sshll.u32 s0, $0x7;
	s2 =	sor.u32 s2, s3  }
0x1c6: {  	s0 =	sand.u32 $0x380, s0;
	s2 =	sshrl.u32 s2, $0x3  }
0x1c7: {  	s30 =	sor.u32 $0xC000, s0;
	s31 =	sadd.s32 s4, s2  }
0x1c8: {  	s0 =	simm.s32 $0x80;
	s2 =	sadd.s32 $0x400, s30;
	s3 =	sadd.s32 $0x0, s31  }
.LBB2_58:
0x1c9: {  	[hbm4b:s3+s5] =	stream.linear.scatter [tilespmem:s30], [sflag:$0x3], $0x80, $0x38;
	[tilespmem:$0x1C000] =	vst v63  }
0x1ca: {  	s3 =	smov.u32 s0;
	s30 =	smov.u32 s2;
	p1 =	sne.s32 s0, $0xF80  }
.Ltmp39:
0x1cb: {  	s0 =	sadd.s32 $0x80, s0;
	(pc) =	sbr.rel @p1 .LBB2_58-.Ltmp39, $2  }
0x1cc: {  	_ =	sdelay $0x2  }
0x1cd: {  	s2 =	sadd.s32 $0x400, s2;
	s3 =	sadd.s32 s3, s31  }
0x1ce: {  	[hbm4b:s3+s5] =	stream.linear.scatter [tilespmem:s30], [sflag:$0x3], $0x80, $0x38;
	[tilespmem:$0x1C000] =	vst v63  }
0x1cf: {  	p1 =	seq.s32 s29, $0x0  }
0x1d0: {  	s0 =	simm.s32 @!p1 $0x3  }
0x1d1: {  	_ =	swait.ge @!p1 [sflag:s0], $0x1000  }
0x1d2: {  	[sflag:s0] =	ssyncset.done @!p1 $0x0  }
0x1d3: {  	[sflag:s0] =	ssyncadd.s32 @!p1 $0xFFFFF000  }
.LBB2_60:
0x1d4: {  	s0 =	sor.u32 $0xA, s29  }
0x1d5: {  	p1 =	sge.s32 s0, s24  }
.Ltmp40:
0x1d6: {  	_ = 	snop;
	(pc) =	sbr.rel @p1 .LBB2_64-.Ltmp40, $1  }
0x1d7: {  	_ =	sdelay $0x3  }
0x1d8: {  	(v2sf) =	vpush v5, $0xA;
	_ =	sdelay $0xe  }
0x1d9: {  	s0 =	spop (v2sf)  }
0x1da: {  	s2 =	sshra.s32 s0, $0x3  }
0x1db: {  	s3 =	sshll.u32 s2, $0xC;
	s2 =	sshll.u32 s2, $0x7  }
0x1dc: {  	s3 =	sand.u32 $0xFFFF8000, s3;
	s2 =	sand.u32 $0x380, s2  }
0x1dd: {  	s0 =	sshll.u32 s0, $0x7;
	s2 =	sor.u32 s2, s3  }
0x1de: {  	s0 =	sand.u32 $0x380, s0;
	s2 =	sshrl.u32 s2, $0x3  }
0x1df: {  	s30 =	sor.u32 $0xC000, s0;
	s31 =	sadd.s32 s4, s2  }
0x1e0: {  	s0 =	simm.s32 $0x80;
	s2 =	sadd.s32 $0x400, s30;
	s3 =	sadd.s32 $0x0, s31  }
.LBB2_62:
0x1e1: {  	[hbm4b:s3+s5] =	stream.linear.scatter [tilespmem:s30], [sflag:$0x3], $0x80, $0x38;
	[tilespmem:$0x1C000] =	vst v63  }
0x1e2: {  	s3 =	smov.u32 s0;
	s30 =	smov.u32 s2;
	p1 =	sne.s32 s0, $0xF80  }
.Ltmp41:
0x1e3: {  	s0 =	sadd.s32 $0x80, s0;
	(pc) =	sbr.rel @p1 .LBB2_62-.Ltmp41, $2  }
0x1e4: {  	_ =	sdelay $0x2  }
0x1e5: {  	s2 =	sadd.s32 $0x400, s2;
	s3 =	sadd.s32 s3, s31  }
0x1e6: {  	[hbm4b:s3+s5] =	stream.linear.scatter [tilespmem:s30], [sflag:$0x3], $0x80, $0x38;
	[tilespmem:$0x1C000] =	vst v63  }
0x1e7: {  	p1 =	seq.s32 s29, $0x0  }
0x1e8: {  	s0 =	simm.s32 @!p1 $0x3  }
0x1e9: {  	_ =	swait.ge @!p1 [sflag:s0], $0x1000  }
0x1ea: {  	[sflag:s0] =	ssyncset.done @!p1 $0x0  }
0x1eb: {  	[sflag:s0] =	ssyncadd.s32 @!p1 $0xFFFFF000  }
.LBB2_64:
0x1ec: {  	s0 =	sor.u32 $0xB, s29  }
0x1ed: {  	p1 =	sge.s32 s0, s24  }
.Ltmp42:
0x1ee: {  	_ = 	snop;
	(pc) =	sbr.rel @p1 .LBB2_68-.Ltmp42, $1  }
0x1ef: {  	_ =	sdelay $0x3  }
0x1f0: {  	(v2sf) =	vpush v5, $0xB;
	_ =	sdelay $0xe  }
0x1f1: {  	s0 =	spop (v2sf)  }
0x1f2: {  	s2 =	sshra.s32 s0, $0x3  }
0x1f3: {  	s3 =	sshll.u32 s2, $0xC;
	s2 =	sshll.u32 s2, $0x7  }
0x1f4: {  	s3 =	sand.u32 $0xFFFF8000, s3;
	s2 =	sand.u32 $0x380, s2  }
0x1f5: {  	s0 =	sshll.u32 s0, $0x7;
	s2 =	sor.u32 s2, s3  }
0x1f6: {  	s0 =	sand.u32 $0x380, s0;
	s2 =	sshrl.u32 s2, $0x3  }
0x1f7: {  	s30 =	sor.u32 $0xC000, s0;
	s31 =	sadd.s32 s4, s2  }
0x1f8: {  	s0 =	simm.s32 $0x80;
	s2 =	sadd.s32 $0x400, s30;
	s3 =	sadd.s32 $0x0, s31  }
.LBB2_66:
0x1f9: {  	[hbm4b:s3+s5] =	stream.linear.scatter [tilespmem:s30], [sflag:$0x3], $0x80, $0x38;
	[tilespmem:$0x1C000] =	vst v63  }
0x1fa: {  	s3 =	smov.u32 s0;
	s30 =	smov.u32 s2;
	p1 =	sne.s32 s0, $0xF80  }
.Ltmp43:
0x1fb: {  	s0 =	sadd.s32 $0x80, s0;
	(pc) =	sbr.rel @p1 .LBB2_66-.Ltmp43, $2  }
0x1fc: {  	_ =	sdelay $0x2  }
0x1fd: {  	s2 =	sadd.s32 $0x400, s2;
	s3 =	sadd.s32 s3, s31  }
0x1fe: {  	[hbm4b:s3+s5] =	stream.linear.scatter [tilespmem:s30], [sflag:$0x3], $0x80, $0x38;
	[tilespmem:$0x1C000] =	vst v63  }
0x1ff: {  	p1 =	seq.s32 s29, $0x0  }
0x200: {  	s0 =	simm.s32 @!p1 $0x3  }
0x201: {  	_ =	swait.ge @!p1 [sflag:s0], $0x1000  }
0x202: {  	[sflag:s0] =	ssyncset.done @!p1 $0x0  }
0x203: {  	[sflag:s0] =	ssyncadd.s32 @!p1 $0xFFFFF000  }
.LBB2_68:
0x204: {  	s0 =	sor.u32 $0xC, s29  }
0x205: {  	p1 =	sge.s32 s0, s24  }
.Ltmp44:
0x206: {  	_ = 	snop;
	(pc) =	sbr.rel @p1 .LBB2_72-.Ltmp44, $1  }
0x207: {  	_ =	sdelay $0x3  }
0x208: {  	(v2sf) =	vpush v5, $0xC;
	_ =	sdelay $0xe  }
0x209: {  	s0 =	spop (v2sf)  }
0x20a: {  	s2 =	sshra.s32 s0, $0x3  }
0x20b: {  	s3 =	sshll.u32 s2, $0xC;
	s2 =	sshll.u32 s2, $0x7  }
0x20c: {  	s3 =	sand.u32 $0xFFFF8000, s3;
	s2 =	sand.u32 $0x380, s2  }
0x20d: {  	s0 =	sshll.u32 s0, $0x7;
	s2 =	sor.u32 s2, s3  }
0x20e: {  	s0 =	sand.u32 $0x380, s0;
	s2 =	sshrl.u32 s2, $0x3  }
0x20f: {  	s30 =	sor.u32 $0xC000, s0;
	s31 =	sadd.s32 s4, s2  }
0x210: {  	s0 =	simm.s32 $0x80;
	s2 =	sadd.s32 $0x400, s30;
	s3 =	sadd.s32 $0x0, s31  }
.LBB2_70:
0x211: {  	[hbm4b:s3+s5] =	stream.linear.scatter [tilespmem:s30], [sflag:$0x3], $0x80, $0x38;
	[tilespmem:$0x1C000] =	vst v63  }
0x212: {  	s3 =	smov.u32 s0;
	s30 =	smov.u32 s2;
	p1 =	sne.s32 s0, $0xF80  }
.Ltmp45:
0x213: {  	s0 =	sadd.s32 $0x80, s0;
	(pc) =	sbr.rel @p1 .LBB2_70-.Ltmp45, $2  }
0x214: {  	_ =	sdelay $0x2  }
0x215: {  	s2 =	sadd.s32 $0x400, s2;
	s3 =	sadd.s32 s3, s31  }
0x216: {  	[hbm4b:s3+s5] =	stream.linear.scatter [tilespmem:s30], [sflag:$0x3], $0x80, $0x38;
	[tilespmem:$0x1C000] =	vst v63  }
0x217: {  	p1 =	seq.s32 s29, $0x0  }
0x218: {  	s0 =	simm.s32 @!p1 $0x3  }
0x219: {  	_ =	swait.ge @!p1 [sflag:s0], $0x1000  }
0x21a: {  	[sflag:s0] =	ssyncset.done @!p1 $0x0  }
0x21b: {  	[sflag:s0] =	ssyncadd.s32 @!p1 $0xFFFFF000  }
.LBB2_72:
0x21c: {  	s0 =	sor.u32 $0xD, s29  }
0x21d: {  	p1 =	sge.s32 s0, s24  }
.Ltmp46:
0x21e: {  	_ = 	snop;
	(pc) =	sbr.rel @p1 .LBB2_76-.Ltmp46, $1  }
0x21f: {  	_ =	sdelay $0x3  }
0x220: {  	(v2sf) =	vpush v5, $0xD;
	_ =	sdelay $0xe  }
0x221: {  	s0 =	spop (v2sf)  }
0x222: {  	s2 =	sshra.s32 s0, $0x3  }
0x223: {  	s3 =	sshll.u32 s2, $0xC;
	s2 =	sshll.u32 s2, $0x7  }
0x224: {  	s3 =	sand.u32 $0xFFFF8000, s3;
	s2 =	sand.u32 $0x380, s2  }
0x225: {  	s0 =	sshll.u32 s0, $0x7;
	s2 =	sor.u32 s2, s3  }
0x226: {  	s0 =	sand.u32 $0x380, s0;
	s2 =	sshrl.u32 s2, $0x3  }
0x227: {  	s30 =	sor.u32 $0xC000, s0;
	s31 =	sadd.s32 s4, s2  }
0x228: {  	s0 =	simm.s32 $0x80;
	s2 =	sadd.s32 $0x400, s30;
	s3 =	sadd.s32 $0x0, s31  }
.LBB2_74:
0x229: {  	[hbm4b:s3+s5] =	stream.linear.scatter [tilespmem:s30], [sflag:$0x3], $0x80, $0x38;
	[tilespmem:$0x1C000] =	vst v63  }
0x22a: {  	s3 =	smov.u32 s0;
	s30 =	smov.u32 s2;
	p1 =	sne.s32 s0, $0xF80  }
.Ltmp47:
0x22b: {  	s0 =	sadd.s32 $0x80, s0;
	(pc) =	sbr.rel @p1 .LBB2_74-.Ltmp47, $2  }
0x22c: {  	_ =	sdelay $0x2  }
0x22d: {  	s2 =	sadd.s32 $0x400, s2;
	s3 =	sadd.s32 s3, s31  }
0x22e: {  	[hbm4b:s3+s5] =	stream.linear.scatter [tilespmem:s30], [sflag:$0x3], $0x80, $0x38;
	[tilespmem:$0x1C000] =	vst v63  }
0x22f: {  	p1 =	seq.s32 s29, $0x0  }
0x230: {  	s0 =	simm.s32 @!p1 $0x3  }
0x231: {  	_ =	swait.ge @!p1 [sflag:s0], $0x1000  }
0x232: {  	[sflag:s0] =	ssyncset.done @!p1 $0x0  }
0x233: {  	[sflag:s0] =	ssyncadd.s32 @!p1 $0xFFFFF000  }
.LBB2_76:
0x234: {  	s0 =	sor.u32 $0xE, s29  }
0x235: {  	p1 =	sge.s32 s0, s24  }
.Ltmp48:
0x236: {  	_ = 	snop;
	(pc) =	sbr.rel @p1 .LBB2_80-.Ltmp48, $1  }
0x237: {  	_ =	sdelay $0x3  }
0x238: {  	(v2sf) =	vpush v5, $0xE;
	_ =	sdelay $0xe  }
0x239: {  	s0 =	spop (v2sf)  }
0x23a: {  	s2 =	sshra.s32 s0, $0x3  }
0x23b: {  	s3 =	sshll.u32 s2, $0xC;
	s2 =	sshll.u32 s2, $0x7  }
0x23c: {  	s3 =	sand.u32 $0xFFFF8000, s3;
	s2 =	sand.u32 $0x380, s2  }
0x23d: {  	s0 =	sshll.u32 s0, $0x7;
	s2 =	sor.u32 s2, s3  }
0x23e: {  	s0 =	sand.u32 $0x380, s0;
	s2 =	sshrl.u32 s2, $0x3  }
0x23f: {  	s30 =	sor.u32 $0xC000, s0;
	s31 =	sadd.s32 s4, s2  }
0x240: {  	s0 =	simm.s32 $0x80;
	s2 =	sadd.s32 $0x400, s30;
	s3 =	sadd.s32 $0x0, s31  }
.LBB2_78:
0x241: {  	[hbm4b:s3+s5] =	stream.linear.scatter [tilespmem:s30], [sflag:$0x3], $0x80, $0x38;
	[tilespmem:$0x1C000] =	vst v63  }
0x242: {  	s3 =	smov.u32 s0;
	s30 =	smov.u32 s2;
	p1 =	sne.s32 s0, $0xF80  }
.Ltmp49:
0x243: {  	s0 =	sadd.s32 $0x80, s0;
	(pc) =	sbr.rel @p1 .LBB2_78-.Ltmp49, $2  }
0x244: {  	_ =	sdelay $0x2  }
0x245: {  	s2 =	sadd.s32 $0x400, s2;
	s3 =	sadd.s32 s3, s31  }
0x246: {  	[hbm4b:s3+s5] =	stream.linear.scatter [tilespmem:s30], [sflag:$0x3], $0x80, $0x38;
	[tilespmem:$0x1C000] =	vst v63  }
0x247: {  	p1 =	seq.s32 s29, $0x0  }
0x248: {  	s0 =	simm.s32 @!p1 $0x3  }
0x249: {  	_ =	swait.ge @!p1 [sflag:s0], $0x1000  }
0x24a: {  	[sflag:s0] =	ssyncset.done @!p1 $0x0  }
0x24b: {  	[sflag:s0] =	ssyncadd.s32 @!p1 $0xFFFFF000  }
.LBB2_80:
0x24c: {  	s0 =	sor.u32 $0xF, s29  }
0x24d: {  	p1 =	sge.s32 s0, s24  }
.Ltmp50:
0x24e: {  	_ = 	snop;
	(pc) =	sbr.rel @p1 .LBB2_84-.Ltmp50, $1  }
0x24f: {  	_ =	sdelay $0x3  }
0x250: {  	(v2sf) =	vpush v5, $0xF;
	_ =	sdelay $0xe  }
0x251: {  	s0 =	spop (v2sf)  }
0x252: {  	s2 =	sshra.s32 s0, $0x3  }
0x253: {  	s3 =	sshll.u32 s2, $0xC;
	s2 =	sshll.u32 s2, $0x7  }
0x254: {  	s3 =	sand.u32 $0xFFFF8000, s3;
	s2 =	sand.u32 $0x380, s2  }
0x255: {  	s0 =	sshll.u32 s0, $0x7;
	s2 =	sor.u32 s2, s3  }
0x256: {  	s0 =	sand.u32 $0x380, s0;
	s2 =	sshrl.u32 s2, $0x3  }
0x257: {  	s30 =	sor.u32 $0xC000, s0;
	s31 =	sadd.s32 s4, s2  }
0x258: {  	s0 =	simm.s32 $0x80;
	s2 =	sadd.s32 $0x400, s30;
	s3 =	sadd.s32 $0x0, s31  }
.LBB2_82:
0x259: {  	[hbm4b:s3+s5] =	stream.linear.scatter [tilespmem:s30], [sflag:$0x3], $0x80, $0x38;
	[tilespmem:$0x1C000] =	vst v63  }
0x25a: {  	s3 =	smov.u32 s0;
	s30 =	smov.u32 s2;
	p1 =	sne.s32 s0, $0xF80  }
.Ltmp51:
0x25b: {  	s0 =	sadd.s32 $0x80, s0;
	(pc) =	sbr.rel @p1 .LBB2_82-.Ltmp51, $2  }
0x25c: {  	_ =	sdelay $0x2  }
0x25d: {  	s2 =	sadd.s32 $0x400, s2;
	s3 =	sadd.s32 s3, s31  }
.Ltmp52:
0x25e: {  	_ = 	snop;
	(pc) =	sbr.rel .LBB2_83-.Ltmp52, $1  }
0x25f: {  	_ =	sdelay $0x3  }
.LBB2_19:
0x260: {  	v5 =	vimm.s32 $0x80000000  }
.LBB2_92:
0x261: {  	(xrf0) =	vmax.scan.msk.u32 $0xffff, v5;
	_ =	sdelay $0x5  }
0x262: {  	v5, _, _ =	vpop (xrf0)  }
0x263: {  	(v2sf) =	vpush v5, $0xF;
	_ =	sdelay $0x9  }
0x264: {  	p1 =	slt.s32 s24, $0x1  }
.Ltmp53:
0x265: {  	_ = 	snop;
	(pc) =	sbr.rel @p1 .LBB2_96-.Ltmp53, $2  }
0x266: {  	_ =	sdelay $0x2  }
0x267: {  	s25 =	spop (v2sf)  }
0x268: {  	p1 =	slt.s32 s24, $0x10  }
0x269: {  	s24 =	simm.s32 @!p1 $0x10  }
0x26a: {  	p1 =	sne.s32 s24, $0x1  }
.Ltmp54:
0x26b: {  	_ = 	snop;
	(pc) =	sbr.rel @!p1 .LBB2_95-.Ltmp54, $3  }
0x26c: {  	_ =	sdelay $0x1  }
0x26d: {  	_ =	swait.ge [sflag:s17], $0x1000  }
0x26e: {  	[sflag:s17] =	ssyncset.done $0x0;
	s0 =	sadd.s32 $0xFFFFFFFF, s24  }
.LBB2_94:
0x26f: {  	p1 =	sne.s32 s0, $0x1;
	s0 =	sadd.s32 $0xFFFFFFFF, s0;
	[sflag:s17] =	ssyncadd.s32 $0xFFFFF000  }
.Ltmp55:
0x270: {  	(pc) =	sbr.rel @p1 .LBB2_94-.Ltmp55, $3  }
0x271: {  	_ =	sdelay $0x1  }
0x272: {  	_ =	swait.ge [sflag:s17], $0x1000  }
0x273: {  	[sflag:s17] =	ssyncset.done $0x0  }
.LBB2_95:
0x274: {  	[sflag:s17] =	ssyncadd.s32 $0xFFFFF000  }
.LBB2_96:
0x275: {  	p1 =	seq.s32 s21, $0xF  }
0x276: {  	s28 =	sadd.s32 $0x8000000F, s25;
	s0 =	sadd.s32 @!p1 s22, s8  }
0x277: {  	s2 =	simm.s32 @!p1 $0x0;
	s3 =	simm.s32 @!p1 $0xC000;
	s0 =	sshll.u32 @!p1 s0, $0xC  }
0x278: {  	s29 =	sand.u32 $0xF, s28;
	s30 =	sshra.s32 s28, $0x1F;
	s0 =	sand.u32 @!p1 $0x1FFFE000, s0  }
0x279: {  	p6 =	slt.s32 s28, $0x1;
	p2 =	sne.s32 s29, $0x0;
	s0 =	sadd.s32 @!p1 s1, s0  }
0x27a: {  	[tilespmem:s3], [sflag:$0x1] =	stream.linear.gather @!p1 [hbm4b:s0+s2], $0x8000, $0x38;
	[tilespmem:$0x1C000] =	vst v63  }
0x27b: {  	s31 =	sshrl.u32 s30, $0x1C;
	p1 =	por !p6, !p2  }
0x27c: {  	s0 =	sadd.s32 s31, s28;
	s2 =	simm.s32 $0x1;
	p1 =	por !p1, !p1  }
0x27d: {  	s0 =	sshra.s32 s0, $0x4;
	s2 =	simm.s32 @!p1 $0x0  }
0x27e: {  	s23 =	ssub.s32 s0, s2  }
0x27f: {  	p1 =	slt.s32 s23, $0x1  }
.Ltmp56:
0x280: {  	_ = 	snop;
	(pc) =	sbr.rel @!p1 .LBB2_97-.Ltmp56, $4  }
.Ltmp57:
0x281: {  	_ = 	snop;
	(pc) =	sbr.rel @p1 .LBB2_162-.Ltmp57, $4  }
0x282: {  	_ =	swait.ge [sflag:s18], $0x8000  }
0x283: {  	[sflag:s18] =	ssyncset.done $0x0  }
0x284: {  	s24 =	simm.s32 $0x0;
	s22 =	sxor.u32 $0x80000000, s25;
	[sflag:s18] =	ssyncadd.s32 $0xFFFF8000  }
0x285: {  	_ = 	snop  }
.LBB2_160:
0x286: {  	[hbm4b:s3+s5] =	stream.linear.scatter [tilespmem:s26], [sflag:$0x4], $0x80, $0x38;
	[tilespmem:$0x1C000] =	vst v63  }
0x287: {  	p1 =	seq.s32 s25, $0x0  }
0x288: {  	s0 =	simm.s32 @!p1 $0x4  }
0x289: {  	_ =	swait.ge @!p1 [sflag:s0], $0x1000  }
0x28a: {  	[sflag:s0] =	ssyncset.done @!p1 $0x0  }
0x28b: {  	[sflag:s0] =	ssyncadd.s32 @!p1 $0xFFFFF000  }
.LBB2_161:
0x28c: {  	s24 =	sadd.s32 $0x1, s24  }
0x28d: {  	p1 =	sne.s32 s24, s23  }
.Ltmp58:
0x28e: {  	_ = 	snop;
	(pc) =	sbr.rel @!p1 .LBB2_162-.Ltmp58, $1  }
0x28f: {  	_ =	sdelay $0x3  }
.LBB2_97:
0x290: {  	s25 =	sshll.u32 s24, $0x4  }
0x291: {  	p1 =	sge.s32 s25, s22  }
.Ltmp59:
0x292: {  	_ = 	snop;
	(pc) =	sbr.rel @p1 .LBB2_101-.Ltmp59, $2  }
0x293: {  	_ =	sdelay $0x2  }
0x294: {  	v5 =	vld [tilespmem:s25+$0x8000]  }
0x295: {  	_ =	sdelay $0x3  }
0x296: {  	(v2sf) =	vpush v5, $0x0;
	_ =	sdelay $0xe  }
0x297: {  	s0 =	spop (v2sf)  }
0x298: {  	s2 =	sshra.s32 s0, $0x3  }
0x299: {  	s3 =	sshll.u32 s2, $0xC;
	s2 =	sshll.u32 s2, $0x7  }
0x29a: {  	s3 =	sand.u32 $0xFFFF8000, s3;
	s2 =	sand.u32 $0x380, s2  }
0x29b: {  	s0 =	sshll.u32 s0, $0x7;
	s2 =	sor.u32 s2, s3  }
0x29c: {  	s0 =	sand.u32 $0x380, s0;
	s2 =	sshrl.u32 s2, $0x3  }
0x29d: {  	s26 =	sor.u32 $0x14000, s0;
	s28 =	sadd.s32 s4, s2  }
0x29e: {  	s0 =	simm.s32 $0x80;
	s2 =	sadd.s32 $0x400, s26;
	s3 =	sadd.s32 $0x0, s28  }
.LBB2_99:
0x29f: {  	[hbm4b:s3+s5] =	stream.linear.scatter [tilespmem:s26], [sflag:$0x4], $0x80, $0x38;
	[tilespmem:$0x1C000] =	vst v63  }
0x2a0: {  	s3 =	smov.u32 s0;
	s26 =	smov.u32 s2;
	p1 =	sne.s32 s0, $0xF80  }
.Ltmp60:
0x2a1: {  	s0 =	sadd.s32 $0x80, s0;
	(pc) =	sbr.rel @p1 .LBB2_99-.Ltmp60, $2  }
0x2a2: {  	_ =	sdelay $0x2  }
0x2a3: {  	s2 =	sadd.s32 $0x400, s2;
	s3 =	sadd.s32 s3, s28  }
0x2a4: {  	[hbm4b:s3+s5] =	stream.linear.scatter [tilespmem:s26], [sflag:$0x4], $0x80, $0x38;
	[tilespmem:$0x1C000] =	vst v63  }
0x2a5: {  	p1 =	seq.s32 s25, $0x0  }
0x2a6: {  	s0 =	simm.s32 @!p1 $0x4  }
0x2a7: {  	_ =	swait.ge @!p1 [sflag:s0], $0x1000  }
0x2a8: {  	[sflag:s0] =	ssyncset.done @!p1 $0x0  }
0x2a9: {  	[sflag:s0] =	ssyncadd.s32 @!p1 $0xFFFFF000  }
.LBB2_101:
0x2aa: {  	s0 =	sor.u32 $0x1, s25  }
0x2ab: {  	p1 =	sge.s32 s0, s22  }
.Ltmp61:
0x2ac: {  	_ = 	snop;
	(pc) =	sbr.rel @p1 .LBB2_105-.Ltmp61, $1  }
0x2ad: {  	_ =	sdelay $0x3  }
0x2ae: {  	(v2sf) =	vpush v5, $0x1;
	_ =	sdelay $0xe  }
0x2af: {  	s0 =	spop (v2sf)  }
0x2b0: {  	s2 =	sshra.s32 s0, $0x3  }
0x2b1: {  	s3 =	sshll.u32 s2, $0xC;
	s2 =	sshll.u32 s2, $0x7  }
0x2b2: {  	s3 =	sand.u32 $0xFFFF8000, s3;
	s2 =	sand.u32 $0x380, s2  }
0x2b3: {  	s0 =	sshll.u32 s0, $0x7;
	s2 =	sor.u32 s2, s3  }
0x2b4: {  	s0 =	sand.u32 $0x380, s0;
	s2 =	sshrl.u32 s2, $0x3  }
0x2b5: {  	s26 =	sor.u32 $0x14000, s0;
	s28 =	sadd.s32 s4, s2  }
0x2b6: {  	s0 =	simm.s32 $0x80;
	s2 =	sadd.s32 $0x400, s26;
	s3 =	sadd.s32 $0x0, s28  }
.LBB2_103:
0x2b7: {  	[hbm4b:s3+s5] =	stream.linear.scatter [tilespmem:s26], [sflag:$0x4], $0x80, $0x38;
	[tilespmem:$0x1C000] =	vst v63  }
0x2b8: {  	s3 =	smov.u32 s0;
	s26 =	smov.u32 s2;
	p1 =	sne.s32 s0, $0xF80  }
.Ltmp62:
0x2b9: {  	s0 =	sadd.s32 $0x80, s0;
	(pc) =	sbr.rel @p1 .LBB2_103-.Ltmp62, $2  }
0x2ba: {  	_ =	sdelay $0x2  }
0x2bb: {  	s2 =	sadd.s32 $0x400, s2;
	s3 =	sadd.s32 s3, s28  }
0x2bc: {  	[hbm4b:s3+s5] =	stream.linear.scatter [tilespmem:s26], [sflag:$0x4], $0x80, $0x38;
	[tilespmem:$0x1C000] =	vst v63  }
0x2bd: {  	p1 =	seq.s32 s25, $0x0  }
0x2be: {  	s0 =	simm.s32 @!p1 $0x4  }
0x2bf: {  	_ =	swait.ge @!p1 [sflag:s0], $0x1000  }
0x2c0: {  	[sflag:s0] =	ssyncset.done @!p1 $0x0  }
0x2c1: {  	[sflag:s0] =	ssyncadd.s32 @!p1 $0xFFFFF000  }
.LBB2_105:
0x2c2: {  	s0 =	sor.u32 $0x2, s25  }
0x2c3: {  	p1 =	sge.s32 s0, s22  }
.Ltmp63:
0x2c4: {  	_ = 	snop;
	(pc) =	sbr.rel @p1 .LBB2_109-.Ltmp63, $1  }
0x2c5: {  	_ =	sdelay $0x3  }
0x2c6: {  	(v2sf) =	vpush v5, $0x2;
	_ =	sdelay $0xe  }
0x2c7: {  	s0 =	spop (v2sf)  }
0x2c8: {  	s2 =	sshra.s32 s0, $0x3  }
0x2c9: {  	s3 =	sshll.u32 s2, $0xC;
	s2 =	sshll.u32 s2, $0x7  }
0x2ca: {  	s3 =	sand.u32 $0xFFFF8000, s3;
	s2 =	sand.u32 $0x380, s2  }
0x2cb: {  	s0 =	sshll.u32 s0, $0x7;
	s2 =	sor.u32 s2, s3  }
0x2cc: {  	s0 =	sand.u32 $0x380, s0;
	s2 =	sshrl.u32 s2, $0x3  }
0x2cd: {  	s26 =	sor.u32 $0x14000, s0;
	s28 =	sadd.s32 s4, s2  }
0x2ce: {  	s0 =	simm.s32 $0x80;
	s2 =	sadd.s32 $0x400, s26;
	s3 =	sadd.s32 $0x0, s28  }
.LBB2_107:
0x2cf: {  	[hbm4b:s3+s5] =	stream.linear.scatter [tilespmem:s26], [sflag:$0x4], $0x80, $0x38;
	[tilespmem:$0x1C000] =	vst v63  }
0x2d0: {  	s3 =	smov.u32 s0;
	s26 =	smov.u32 s2;
	p1 =	sne.s32 s0, $0xF80  }
.Ltmp64:
0x2d1: {  	s0 =	sadd.s32 $0x80, s0;
	(pc) =	sbr.rel @p1 .LBB2_107-.Ltmp64, $2  }
0x2d2: {  	_ =	sdelay $0x2  }
0x2d3: {  	s2 =	sadd.s32 $0x400, s2;
	s3 =	sadd.s32 s3, s28  }
0x2d4: {  	[hbm4b:s3+s5] =	stream.linear.scatter [tilespmem:s26], [sflag:$0x4], $0x80, $0x38;
	[tilespmem:$0x1C000] =	vst v63  }
0x2d5: {  	p1 =	seq.s32 s25, $0x0  }
0x2d6: {  	s0 =	simm.s32 @!p1 $0x4  }
0x2d7: {  	_ =	swait.ge @!p1 [sflag:s0], $0x1000  }
0x2d8: {  	[sflag:s0] =	ssyncset.done @!p1 $0x0  }
0x2d9: {  	[sflag:s0] =	ssyncadd.s32 @!p1 $0xFFFFF000  }
.LBB2_109:
0x2da: {  	s0 =	sor.u32 $0x3, s25  }
0x2db: {  	p1 =	sge.s32 s0, s22  }
.Ltmp65:
0x2dc: {  	_ = 	snop;
	(pc) =	sbr.rel @p1 .LBB2_113-.Ltmp65, $1  }
0x2dd: {  	_ =	sdelay $0x3  }
0x2de: {  	(v2sf) =	vpush v5, $0x3;
	_ =	sdelay $0xe  }
0x2df: {  	s0 =	spop (v2sf)  }
0x2e0: {  	s2 =	sshra.s32 s0, $0x3  }
0x2e1: {  	s3 =	sshll.u32 s2, $0xC;
	s2 =	sshll.u32 s2, $0x7  }
0x2e2: {  	s3 =	sand.u32 $0xFFFF8000, s3;
	s2 =	sand.u32 $0x380, s2  }
0x2e3: {  	s0 =	sshll.u32 s0, $0x7;
	s2 =	sor.u32 s2, s3  }
0x2e4: {  	s0 =	sand.u32 $0x380, s0;
	s2 =	sshrl.u32 s2, $0x3  }
0x2e5: {  	s26 =	sor.u32 $0x14000, s0;
	s28 =	sadd.s32 s4, s2  }
0x2e6: {  	s0 =	simm.s32 $0x80;
	s2 =	sadd.s32 $0x400, s26;
	s3 =	sadd.s32 $0x0, s28  }
.LBB2_111:
0x2e7: {  	[hbm4b:s3+s5] =	stream.linear.scatter [tilespmem:s26], [sflag:$0x4], $0x80, $0x38;
	[tilespmem:$0x1C000] =	vst v63  }
0x2e8: {  	s3 =	smov.u32 s0;
	s26 =	smov.u32 s2;
	p1 =	sne.s32 s0, $0xF80  }
.Ltmp66:
0x2e9: {  	s0 =	sadd.s32 $0x80, s0;
	(pc) =	sbr.rel @p1 .LBB2_111-.Ltmp66, $2  }
0x2ea: {  	_ =	sdelay $0x2  }
0x2eb: {  	s2 =	sadd.s32 $0x400, s2;
	s3 =	sadd.s32 s3, s28  }
0x2ec: {  	[hbm4b:s3+s5] =	stream.linear.scatter [tilespmem:s26], [sflag:$0x4], $0x80, $0x38;
	[tilespmem:$0x1C000] =	vst v63  }
0x2ed: {  	p1 =	seq.s32 s25, $0x0  }
0x2ee: {  	s0 =	simm.s32 @!p1 $0x4  }
0x2ef: {  	_ =	swait.ge @!p1 [sflag:s0], $0x1000  }
0x2f0: {  	[sflag:s0] =	ssyncset.done @!p1 $0x0  }
0x2f1: {  	[sflag:s0] =	ssyncadd.s32 @!p1 $0xFFFFF000  }
.LBB2_113:
0x2f2: {  	s0 =	sor.u32 $0x4, s25  }
0x2f3: {  	p1 =	sge.s32 s0, s22  }
.Ltmp67:
0x2f4: {  	_ = 	snop;
	(pc) =	sbr.rel @p1 .LBB2_117-.Ltmp67, $1  }
0x2f5: {  	_ =	sdelay $0x3  }
0x2f6: {  	(v2sf) =	vpush v5, $0x4;
	_ =	sdelay $0xe  }
0x2f7: {  	s0 =	spop (v2sf)  }
0x2f8: {  	s2 =	sshra.s32 s0, $0x3  }
0x2f9: {  	s3 =	sshll.u32 s2, $0xC;
	s2 =	sshll.u32 s2, $0x7  }
0x2fa: {  	s3 =	sand.u32 $0xFFFF8000, s3;
	s2 =	sand.u32 $0x380, s2  }
0x2fb: {  	s0 =	sshll.u32 s0, $0x7;
	s2 =	sor.u32 s2, s3  }
0x2fc: {  	s0 =	sand.u32 $0x380, s0;
	s2 =	sshrl.u32 s2, $0x3  }
0x2fd: {  	s26 =	sor.u32 $0x14000, s0;
	s28 =	sadd.s32 s4, s2  }
0x2fe: {  	s0 =	simm.s32 $0x80;
	s2 =	sadd.s32 $0x400, s26;
	s3 =	sadd.s32 $0x0, s28  }
.LBB2_115:
0x2ff: {  	[hbm4b:s3+s5] =	stream.linear.scatter [tilespmem:s26], [sflag:$0x4], $0x80, $0x38;
	[tilespmem:$0x1C000] =	vst v63  }
0x300: {  	s3 =	smov.u32 s0;
	s26 =	smov.u32 s2;
	p1 =	sne.s32 s0, $0xF80  }
.Ltmp68:
0x301: {  	s0 =	sadd.s32 $0x80, s0;
	(pc) =	sbr.rel @p1 .LBB2_115-.Ltmp68, $2  }
0x302: {  	_ =	sdelay $0x2  }
0x303: {  	s2 =	sadd.s32 $0x400, s2;
	s3 =	sadd.s32 s3, s28  }
0x304: {  	[hbm4b:s3+s5] =	stream.linear.scatter [tilespmem:s26], [sflag:$0x4], $0x80, $0x38;
	[tilespmem:$0x1C000] =	vst v63  }
0x305: {  	p1 =	seq.s32 s25, $0x0  }
0x306: {  	s0 =	simm.s32 @!p1 $0x4  }
0x307: {  	_ =	swait.ge @!p1 [sflag:s0], $0x1000  }
0x308: {  	[sflag:s0] =	ssyncset.done @!p1 $0x0  }
0x309: {  	[sflag:s0] =	ssyncadd.s32 @!p1 $0xFFFFF000  }
.LBB2_117:
0x30a: {  	s0 =	sor.u32 $0x5, s25  }
0x30b: {  	p1 =	sge.s32 s0, s22  }
.Ltmp69:
0x30c: {  	_ = 	snop;
	(pc) =	sbr.rel @p1 .LBB2_121-.Ltmp69, $1  }
0x30d: {  	_ =	sdelay $0x3  }
0x30e: {  	(v2sf) =	vpush v5, $0x5;
	_ =	sdelay $0xe  }
0x30f: {  	s0 =	spop (v2sf)  }
0x310: {  	s2 =	sshra.s32 s0, $0x3  }
0x311: {  	s3 =	sshll.u32 s2, $0xC;
	s2 =	sshll.u32 s2, $0x7  }
0x312: {  	s3 =	sand.u32 $0xFFFF8000, s3;
	s2 =	sand.u32 $0x380, s2  }
0x313: {  	s0 =	sshll.u32 s0, $0x7;
	s2 =	sor.u32 s2, s3  }
0x314: {  	s0 =	sand.u32 $0x380, s0;
	s2 =	sshrl.u32 s2, $0x3  }
0x315: {  	s26 =	sor.u32 $0x14000, s0;
	s28 =	sadd.s32 s4, s2  }
0x316: {  	s0 =	simm.s32 $0x80;
	s2 =	sadd.s32 $0x400, s26;
	s3 =	sadd.s32 $0x0, s28  }
.LBB2_119:
0x317: {  	[hbm4b:s3+s5] =	stream.linear.scatter [tilespmem:s26], [sflag:$0x4], $0x80, $0x38;
	[tilespmem:$0x1C000] =	vst v63  }
0x318: {  	s3 =	smov.u32 s0;
	s26 =	smov.u32 s2;
	p1 =	sne.s32 s0, $0xF80  }
.Ltmp70:
0x319: {  	s0 =	sadd.s32 $0x80, s0;
	(pc) =	sbr.rel @p1 .LBB2_119-.Ltmp70, $2  }
0x31a: {  	_ =	sdelay $0x2  }
0x31b: {  	s2 =	sadd.s32 $0x400, s2;
	s3 =	sadd.s32 s3, s28  }
0x31c: {  	[hbm4b:s3+s5] =	stream.linear.scatter [tilespmem:s26], [sflag:$0x4], $0x80, $0x38;
	[tilespmem:$0x1C000] =	vst v63  }
0x31d: {  	p1 =	seq.s32 s25, $0x0  }
0x31e: {  	s0 =	simm.s32 @!p1 $0x4  }
0x31f: {  	_ =	swait.ge @!p1 [sflag:s0], $0x1000  }
0x320: {  	[sflag:s0] =	ssyncset.done @!p1 $0x0  }
0x321: {  	[sflag:s0] =	ssyncadd.s32 @!p1 $0xFFFFF000  }
.LBB2_121:
0x322: {  	s0 =	sor.u32 $0x6, s25  }
0x323: {  	p1 =	sge.s32 s0, s22  }
.Ltmp71:
0x324: {  	_ = 	snop;
	(pc) =	sbr.rel @p1 .LBB2_125-.Ltmp71, $1  }
0x325: {  	_ =	sdelay $0x3  }
0x326: {  	(v2sf) =	vpush v5, $0x6;
	_ =	sdelay $0xe  }
0x327: {  	s0 =	spop (v2sf)  }
0x328: {  	s2 =	sshra.s32 s0, $0x3  }
0x329: {  	s3 =	sshll.u32 s2, $0xC;
	s2 =	sshll.u32 s2, $0x7  }
0x32a: {  	s3 =	sand.u32 $0xFFFF8000, s3;
	s2 =	sand.u32 $0x380, s2  }
0x32b: {  	s0 =	sshll.u32 s0, $0x7;
	s2 =	sor.u32 s2, s3  }
0x32c: {  	s0 =	sand.u32 $0x380, s0;
	s2 =	sshrl.u32 s2, $0x3  }
0x32d: {  	s26 =	sor.u32 $0x14000, s0;
	s28 =	sadd.s32 s4, s2  }
0x32e: {  	s0 =	simm.s32 $0x80;
	s2 =	sadd.s32 $0x400, s26;
	s3 =	sadd.s32 $0x0, s28  }
.LBB2_123:
0x32f: {  	[hbm4b:s3+s5] =	stream.linear.scatter [tilespmem:s26], [sflag:$0x4], $0x80, $0x38;
	[tilespmem:$0x1C000] =	vst v63  }
0x330: {  	s3 =	smov.u32 s0;
	s26 =	smov.u32 s2;
	p1 =	sne.s32 s0, $0xF80  }
.Ltmp72:
0x331: {  	s0 =	sadd.s32 $0x80, s0;
	(pc) =	sbr.rel @p1 .LBB2_123-.Ltmp72, $2  }
0x332: {  	_ =	sdelay $0x2  }
0x333: {  	s2 =	sadd.s32 $0x400, s2;
	s3 =	sadd.s32 s3, s28  }
0x334: {  	[hbm4b:s3+s5] =	stream.linear.scatter [tilespmem:s26], [sflag:$0x4], $0x80, $0x38;
	[tilespmem:$0x1C000] =	vst v63  }
0x335: {  	p1 =	seq.s32 s25, $0x0  }
0x336: {  	s0 =	simm.s32 @!p1 $0x4  }
0x337: {  	_ =	swait.ge @!p1 [sflag:s0], $0x1000  }
0x338: {  	[sflag:s0] =	ssyncset.done @!p1 $0x0  }
0x339: {  	[sflag:s0] =	ssyncadd.s32 @!p1 $0xFFFFF000  }
.LBB2_125:
0x33a: {  	s0 =	sor.u32 $0x7, s25  }
0x33b: {  	p1 =	sge.s32 s0, s22  }
.Ltmp73:
0x33c: {  	_ = 	snop;
	(pc) =	sbr.rel @p1 .LBB2_129-.Ltmp73, $1  }
0x33d: {  	_ =	sdelay $0x3  }
0x33e: {  	(v2sf) =	vpush v5, $0x7;
	_ =	sdelay $0xe  }
0x33f: {  	s0 =	spop (v2sf)  }
0x340: {  	s2 =	sshra.s32 s0, $0x3  }
0x341: {  	s3 =	sshll.u32 s2, $0xC;
	s2 =	sshll.u32 s2, $0x7  }
0x342: {  	s3 =	sand.u32 $0xFFFF8000, s3;
	s2 =	sand.u32 $0x380, s2  }
0x343: {  	s0 =	sshll.u32 s0, $0x7;
	s2 =	sor.u32 s2, s3  }
0x344: {  	s0 =	sand.u32 $0x380, s0;
	s2 =	sshrl.u32 s2, $0x3  }
0x345: {  	s26 =	sor.u32 $0x14000, s0;
	s28 =	sadd.s32 s4, s2  }
0x346: {  	s0 =	simm.s32 $0x80;
	s2 =	sadd.s32 $0x400, s26;
	s3 =	sadd.s32 $0x0, s28  }
.LBB2_127:
0x347: {  	[hbm4b:s3+s5] =	stream.linear.scatter [tilespmem:s26], [sflag:$0x4], $0x80, $0x38;
	[tilespmem:$0x1C000] =	vst v63  }
0x348: {  	s3 =	smov.u32 s0;
	s26 =	smov.u32 s2;
	p1 =	sne.s32 s0, $0xF80  }
.Ltmp74:
0x349: {  	s0 =	sadd.s32 $0x80, s0;
	(pc) =	sbr.rel @p1 .LBB2_127-.Ltmp74, $2  }
0x34a: {  	_ =	sdelay $0x2  }
0x34b: {  	s2 =	sadd.s32 $0x400, s2;
	s3 =	sadd.s32 s3, s28  }
0x34c: {  	[hbm4b:s3+s5] =	stream.linear.scatter [tilespmem:s26], [sflag:$0x4], $0x80, $0x38;
	[tilespmem:$0x1C000] =	vst v63  }
0x34d: {  	p1 =	seq.s32 s25, $0x0  }
0x34e: {  	s0 =	simm.s32 @!p1 $0x4  }
0x34f: {  	_ =	swait.ge @!p1 [sflag:s0], $0x1000  }
0x350: {  	[sflag:s0] =	ssyncset.done @!p1 $0x0  }
0x351: {  	[sflag:s0] =	ssyncadd.s32 @!p1 $0xFFFFF000  }
.LBB2_129:
0x352: {  	s0 =	sor.u32 $0x8, s25  }
0x353: {  	p1 =	sge.s32 s0, s22  }
.Ltmp75:
0x354: {  	_ = 	snop;
	(pc) =	sbr.rel @p1 .LBB2_133-.Ltmp75, $1  }
0x355: {  	_ =	sdelay $0x3  }
0x356: {  	(v2sf) =	vpush v5, $0x8;
	_ =	sdelay $0xe  }
0x357: {  	s0 =	spop (v2sf)  }
0x358: {  	s2 =	sshra.s32 s0, $0x3  }
0x359: {  	s3 =	sshll.u32 s2, $0xC;
	s2 =	sshll.u32 s2, $0x7  }
0x35a: {  	s3 =	sand.u32 $0xFFFF8000, s3;
	s2 =	sand.u32 $0x380, s2  }
0x35b: {  	s0 =	sshll.u32 s0, $0x7;
	s2 =	sor.u32 s2, s3  }
0x35c: {  	s0 =	sand.u32 $0x380, s0;
	s2 =	sshrl.u32 s2, $0x3  }
0x35d: {  	s26 =	sor.u32 $0x14000, s0;
	s28 =	sadd.s32 s4, s2  }
0x35e: {  	s0 =	simm.s32 $0x80;
	s2 =	sadd.s32 $0x400, s26;
	s3 =	sadd.s32 $0x0, s28  }
.LBB2_131:
0x35f: {  	[hbm4b:s3+s5] =	stream.linear.scatter [tilespmem:s26], [sflag:$0x4], $0x80, $0x38;
	[tilespmem:$0x1C000] =	vst v63  }
0x360: {  	s3 =	smov.u32 s0;
	s26 =	smov.u32 s2;
	p1 =	sne.s32 s0, $0xF80  }
.Ltmp76:
0x361: {  	s0 =	sadd.s32 $0x80, s0;
	(pc) =	sbr.rel @p1 .LBB2_131-.Ltmp76, $2  }
0x362: {  	_ =	sdelay $0x2  }
0x363: {  	s2 =	sadd.s32 $0x400, s2;
	s3 =	sadd.s32 s3, s28  }
0x364: {  	[hbm4b:s3+s5] =	stream.linear.scatter [tilespmem:s26], [sflag:$0x4], $0x80, $0x38;
	[tilespmem:$0x1C000] =	vst v63  }
0x365: {  	p1 =	seq.s32 s25, $0x0  }
0x366: {  	s0 =	simm.s32 @!p1 $0x4  }
0x367: {  	_ =	swait.ge @!p1 [sflag:s0], $0x1000  }
0x368: {  	[sflag:s0] =	ssyncset.done @!p1 $0x0  }
0x369: {  	[sflag:s0] =	ssyncadd.s32 @!p1 $0xFFFFF000  }
.LBB2_133:
0x36a: {  	s0 =	sor.u32 $0x9, s25  }
0x36b: {  	p1 =	sge.s32 s0, s22  }
.Ltmp77:
0x36c: {  	_ = 	snop;
	(pc) =	sbr.rel @p1 .LBB2_137-.Ltmp77, $1  }
0x36d: {  	_ =	sdelay $0x3  }
0x36e: {  	(v2sf) =	vpush v5, $0x9;
	_ =	sdelay $0xe  }
0x36f: {  	s0 =	spop (v2sf)  }
0x370: {  	s2 =	sshra.s32 s0, $0x3  }
0x371: {  	s3 =	sshll.u32 s2, $0xC;
	s2 =	sshll.u32 s2, $0x7  }
0x372: {  	s3 =	sand.u32 $0xFFFF8000, s3;
	s2 =	sand.u32 $0x380, s2  }
0x373: {  	s0 =	sshll.u32 s0, $0x7;
	s2 =	sor.u32 s2, s3  }
0x374: {  	s0 =	sand.u32 $0x380, s0;
	s2 =	sshrl.u32 s2, $0x3  }
0x375: {  	s26 =	sor.u32 $0x14000, s0;
	s28 =	sadd.s32 s4, s2  }
0x376: {  	s0 =	simm.s32 $0x80;
	s2 =	sadd.s32 $0x400, s26;
	s3 =	sadd.s32 $0x0, s28  }
.LBB2_135:
0x377: {  	[hbm4b:s3+s5] =	stream.linear.scatter [tilespmem:s26], [sflag:$0x4], $0x80, $0x38;
	[tilespmem:$0x1C000] =	vst v63  }
0x378: {  	s3 =	smov.u32 s0;
	s26 =	smov.u32 s2;
	p1 =	sne.s32 s0, $0xF80  }
.Ltmp78:
0x379: {  	s0 =	sadd.s32 $0x80, s0;
	(pc) =	sbr.rel @p1 .LBB2_135-.Ltmp78, $2  }
0x37a: {  	_ =	sdelay $0x2  }
0x37b: {  	s2 =	sadd.s32 $0x400, s2;
	s3 =	sadd.s32 s3, s28  }
0x37c: {  	[hbm4b:s3+s5] =	stream.linear.scatter [tilespmem:s26], [sflag:$0x4], $0x80, $0x38;
	[tilespmem:$0x1C000] =	vst v63  }
0x37d: {  	p1 =	seq.s32 s25, $0x0  }
0x37e: {  	s0 =	simm.s32 @!p1 $0x4  }
0x37f: {  	_ =	swait.ge @!p1 [sflag:s0], $0x1000  }
0x380: {  	[sflag:s0] =	ssyncset.done @!p1 $0x0  }
0x381: {  	[sflag:s0] =	ssyncadd.s32 @!p1 $0xFFFFF000  }
.LBB2_137:
0x382: {  	s0 =	sor.u32 $0xA, s25  }
0x383: {  	p1 =	sge.s32 s0, s22  }
.Ltmp79:
0x384: {  	_ = 	snop;
	(pc) =	sbr.rel @p1 .LBB2_141-.Ltmp79, $1  }
0x385: {  	_ =	sdelay $0x3  }
0x386: {  	(v2sf) =	vpush v5, $0xA;
	_ =	sdelay $0xe  }
0x387: {  	s0 =	spop (v2sf)  }
0x388: {  	s2 =	sshra.s32 s0, $0x3  }
0x389: {  	s3 =	sshll.u32 s2, $0xC;
	s2 =	sshll.u32 s2, $0x7  }
0x38a: {  	s3 =	sand.u32 $0xFFFF8000, s3;
	s2 =	sand.u32 $0x380, s2  }
0x38b: {  	s0 =	sshll.u32 s0, $0x7;
	s2 =	sor.u32 s2, s3  }
0x38c: {  	s0 =	sand.u32 $0x380, s0;
	s2 =	sshrl.u32 s2, $0x3  }
0x38d: {  	s26 =	sor.u32 $0x14000, s0;
	s28 =	sadd.s32 s4, s2  }
0x38e: {  	s0 =	simm.s32 $0x80;
	s2 =	sadd.s32 $0x400, s26;
	s3 =	sadd.s32 $0x0, s28  }
.LBB2_139:
0x38f: {  	[hbm4b:s3+s5] =	stream.linear.scatter [tilespmem:s26], [sflag:$0x4], $0x80, $0x38;
	[tilespmem:$0x1C000] =	vst v63  }
0x390: {  	s3 =	smov.u32 s0;
	s26 =	smov.u32 s2;
	p1 =	sne.s32 s0, $0xF80  }
.Ltmp80:
0x391: {  	s0 =	sadd.s32 $0x80, s0;
	(pc) =	sbr.rel @p1 .LBB2_139-.Ltmp80, $2  }
0x392: {  	_ =	sdelay $0x2  }
0x393: {  	s2 =	sadd.s32 $0x400, s2;
	s3 =	sadd.s32 s3, s28  }
0x394: {  	[hbm4b:s3+s5] =	stream.linear.scatter [tilespmem:s26], [sflag:$0x4], $0x80, $0x38;
	[tilespmem:$0x1C000] =	vst v63  }
0x395: {  	p1 =	seq.s32 s25, $0x0  }
0x396: {  	s0 =	simm.s32 @!p1 $0x4  }
0x397: {  	_ =	swait.ge @!p1 [sflag:s0], $0x1000  }
0x398: {  	[sflag:s0] =	ssyncset.done @!p1 $0x0  }
0x399: {  	[sflag:s0] =	ssyncadd.s32 @!p1 $0xFFFFF000  }
.LBB2_141:
0x39a: {  	s0 =	sor.u32 $0xB, s25  }
0x39b: {  	p1 =	sge.s32 s0, s22  }
.Ltmp81:
0x39c: {  	_ = 	snop;
	(pc) =	sbr.rel @p1 .LBB2_145-.Ltmp81, $1  }
0x39d: {  	_ =	sdelay $0x3  }
0x39e: {  	(v2sf) =	vpush v5, $0xB;
	_ =	sdelay $0xe  }
0x39f: {  	s0 =	spop (v2sf)  }
0x3a0: {  	s2 =	sshra.s32 s0, $0x3  }
0x3a1: {  	s3 =	sshll.u32 s2, $0xC;
	s2 =	sshll.u32 s2, $0x7  }
0x3a2: {  	s3 =	sand.u32 $0xFFFF8000, s3;
	s2 =	sand.u32 $0x380, s2  }
0x3a3: {  	s0 =	sshll.u32 s0, $0x7;
	s2 =	sor.u32 s2, s3  }
0x3a4: {  	s0 =	sand.u32 $0x380, s0;
	s2 =	sshrl.u32 s2, $0x3  }
0x3a5: {  	s26 =	sor.u32 $0x14000, s0;
	s28 =	sadd.s32 s4, s2  }
0x3a6: {  	s0 =	simm.s32 $0x80;
	s2 =	sadd.s32 $0x400, s26;
	s3 =	sadd.s32 $0x0, s28  }
.LBB2_143:
0x3a7: {  	[hbm4b:s3+s5] =	stream.linear.scatter [tilespmem:s26], [sflag:$0x4], $0x80, $0x38;
	[tilespmem:$0x1C000] =	vst v63  }
0x3a8: {  	s3 =	smov.u32 s0;
	s26 =	smov.u32 s2;
	p1 =	sne.s32 s0, $0xF80  }
.Ltmp82:
0x3a9: {  	s0 =	sadd.s32 $0x80, s0;
	(pc) =	sbr.rel @p1 .LBB2_143-.Ltmp82, $2  }
0x3aa: {  	_ =	sdelay $0x2  }
0x3ab: {  	s2 =	sadd.s32 $0x400, s2;
	s3 =	sadd.s32 s3, s28  }
0x3ac: {  	[hbm4b:s3+s5] =	stream.linear.scatter [tilespmem:s26], [sflag:$0x4], $0x80, $0x38;
	[tilespmem:$0x1C000] =	vst v63  }
0x3ad: {  	p1 =	seq.s32 s25, $0x0  }
0x3ae: {  	s0 =	simm.s32 @!p1 $0x4  }
0x3af: {  	_ =	swait.ge @!p1 [sflag:s0], $0x1000  }
0x3b0: {  	[sflag:s0] =	ssyncset.done @!p1 $0x0  }
0x3b1: {  	[sflag:s0] =	ssyncadd.s32 @!p1 $0xFFFFF000  }
.LBB2_145:
0x3b2: {  	s0 =	sor.u32 $0xC, s25  }
0x3b3: {  	p1 =	sge.s32 s0, s22  }
.Ltmp83:
0x3b4: {  	_ = 	snop;
	(pc) =	sbr.rel @p1 .LBB2_149-.Ltmp83, $1  }
0x3b5: {  	_ =	sdelay $0x3  }
0x3b6: {  	(v2sf) =	vpush v5, $0xC;
	_ =	sdelay $0xe  }
0x3b7: {  	s0 =	spop (v2sf)  }
0x3b8: {  	s2 =	sshra.s32 s0, $0x3  }
0x3b9: {  	s3 =	sshll.u32 s2, $0xC;
	s2 =	sshll.u32 s2, $0x7  }
0x3ba: {  	s3 =	sand.u32 $0xFFFF8000, s3;
	s2 =	sand.u32 $0x380, s2  }
0x3bb: {  	s0 =	sshll.u32 s0, $0x7;
	s2 =	sor.u32 s2, s3  }
0x3bc: {  	s0 =	sand.u32 $0x380, s0;
	s2 =	sshrl.u32 s2, $0x3  }
0x3bd: {  	s26 =	sor.u32 $0x14000, s0;
	s28 =	sadd.s32 s4, s2  }
0x3be: {  	s0 =	simm.s32 $0x80;
	s2 =	sadd.s32 $0x400, s26;
	s3 =	sadd.s32 $0x0, s28  }
.LBB2_147:
0x3bf: {  	[hbm4b:s3+s5] =	stream.linear.scatter [tilespmem:s26], [sflag:$0x4], $0x80, $0x38;
	[tilespmem:$0x1C000] =	vst v63  }
0x3c0: {  	s3 =	smov.u32 s0;
	s26 =	smov.u32 s2;
	p1 =	sne.s32 s0, $0xF80  }
.Ltmp84:
0x3c1: {  	s0 =	sadd.s32 $0x80, s0;
	(pc) =	sbr.rel @p1 .LBB2_147-.Ltmp84, $2  }
0x3c2: {  	_ =	sdelay $0x2  }
0x3c3: {  	s2 =	sadd.s32 $0x400, s2;
	s3 =	sadd.s32 s3, s28  }
0x3c4: {  	[hbm4b:s3+s5] =	stream.linear.scatter [tilespmem:s26], [sflag:$0x4], $0x80, $0x38;
	[tilespmem:$0x1C000] =	vst v63  }
0x3c5: {  	p1 =	seq.s32 s25, $0x0  }
0x3c6: {  	s0 =	simm.s32 @!p1 $0x4  }
0x3c7: {  	_ =	swait.ge @!p1 [sflag:s0], $0x1000  }
0x3c8: {  	[sflag:s0] =	ssyncset.done @!p1 $0x0  }
0x3c9: {  	[sflag:s0] =	ssyncadd.s32 @!p1 $0xFFFFF000  }
.LBB2_149:
0x3ca: {  	s0 =	sor.u32 $0xD, s25  }
0x3cb: {  	p1 =	sge.s32 s0, s22  }
.Ltmp85:
0x3cc: {  	_ = 	snop;
	(pc) =	sbr.rel @p1 .LBB2_153-.Ltmp85, $1  }
0x3cd: {  	_ =	sdelay $0x3  }
0x3ce: {  	(v2sf) =	vpush v5, $0xD;
	_ =	sdelay $0xe  }
0x3cf: {  	s0 =	spop (v2sf)  }
0x3d0: {  	s2 =	sshra.s32 s0, $0x3  }
0x3d1: {  	s3 =	sshll.u32 s2, $0xC;
	s2 =	sshll.u32 s2, $0x7  }
0x3d2: {  	s3 =	sand.u32 $0xFFFF8000, s3;
	s2 =	sand.u32 $0x380, s2  }
0x3d3: {  	s0 =	sshll.u32 s0, $0x7;
	s2 =	sor.u32 s2, s3  }
0x3d4: {  	s0 =	sand.u32 $0x380, s0;
	s2 =	sshrl.u32 s2, $0x3  }
0x3d5: {  	s26 =	sor.u32 $0x14000, s0;
	s28 =	sadd.s32 s4, s2  }
0x3d6: {  	s0 =	simm.s32 $0x80;
	s2 =	sadd.s32 $0x400, s26;
	s3 =	sadd.s32 $0x0, s28  }
.LBB2_151:
0x3d7: {  	[hbm4b:s3+s5] =	stream.linear.scatter [tilespmem:s26], [sflag:$0x4], $0x80, $0x38;
	[tilespmem:$0x1C000] =	vst v63  }
0x3d8: {  	s3 =	smov.u32 s0;
	s26 =	smov.u32 s2;
	p1 =	sne.s32 s0, $0xF80  }
.Ltmp86:
0x3d9: {  	s0 =	sadd.s32 $0x80, s0;
	(pc) =	sbr.rel @p1 .LBB2_151-.Ltmp86, $2  }
0x3da: {  	_ =	sdelay $0x2  }
0x3db: {  	s2 =	sadd.s32 $0x400, s2;
	s3 =	sadd.s32 s3, s28  }
0x3dc: {  	[hbm4b:s3+s5] =	stream.linear.scatter [tilespmem:s26], [sflag:$0x4], $0x80, $0x38;
	[tilespmem:$0x1C000] =	vst v63  }
0x3dd: {  	p1 =	seq.s32 s25, $0x0  }
0x3de: {  	s0 =	simm.s32 @!p1 $0x4  }
0x3df: {  	_ =	swait.ge @!p1 [sflag:s0], $0x1000  }
0x3e0: {  	[sflag:s0] =	ssyncset.done @!p1 $0x0  }
0x3e1: {  	[sflag:s0] =	ssyncadd.s32 @!p1 $0xFFFFF000  }
.LBB2_153:
0x3e2: {  	s0 =	sor.u32 $0xE, s25  }
0x3e3: {  	p1 =	sge.s32 s0, s22  }
.Ltmp87:
0x3e4: {  	_ = 	snop;
	(pc) =	sbr.rel @p1 .LBB2_157-.Ltmp87, $1  }
0x3e5: {  	_ =	sdelay $0x3  }
0x3e6: {  	(v2sf) =	vpush v5, $0xE;
	_ =	sdelay $0xe  }
0x3e7: {  	s0 =	spop (v2sf)  }
0x3e8: {  	s2 =	sshra.s32 s0, $0x3  }
0x3e9: {  	s3 =	sshll.u32 s2, $0xC;
	s2 =	sshll.u32 s2, $0x7  }
0x3ea: {  	s3 =	sand.u32 $0xFFFF8000, s3;
	s2 =	sand.u32 $0x380, s2  }
0x3eb: {  	s0 =	sshll.u32 s0, $0x7;
	s2 =	sor.u32 s2, s3  }
0x3ec: {  	s0 =	sand.u32 $0x380, s0;
	s2 =	sshrl.u32 s2, $0x3  }
0x3ed: {  	s26 =	sor.u32 $0x14000, s0;
	s28 =	sadd.s32 s4, s2  }
0x3ee: {  	s0 =	simm.s32 $0x80;
	s2 =	sadd.s32 $0x400, s26;
	s3 =	sadd.s32 $0x0, s28  }
.LBB2_155:
0x3ef: {  	[hbm4b:s3+s5] =	stream.linear.scatter [tilespmem:s26], [sflag:$0x4], $0x80, $0x38;
	[tilespmem:$0x1C000] =	vst v63  }
0x3f0: {  	s3 =	smov.u32 s0;
	s26 =	smov.u32 s2;
	p1 =	sne.s32 s0, $0xF80  }
.Ltmp88:
0x3f1: {  	s0 =	sadd.s32 $0x80, s0;
	(pc) =	sbr.rel @p1 .LBB2_155-.Ltmp88, $2  }
0x3f2: {  	_ =	sdelay $0x2  }
0x3f3: {  	s2 =	sadd.s32 $0x400, s2;
	s3 =	sadd.s32 s3, s28  }
0x3f4: {  	[hbm4b:s3+s5] =	stream.linear.scatter [tilespmem:s26], [sflag:$0x4], $0x80, $0x38;
	[tilespmem:$0x1C000] =	vst v63  }
0x3f5: {  	p1 =	seq.s32 s25, $0x0  }
0x3f6: {  	s0 =	simm.s32 @!p1 $0x4  }
0x3f7: {  	_ =	swait.ge @!p1 [sflag:s0], $0x1000  }
0x3f8: {  	[sflag:s0] =	ssyncset.done @!p1 $0x0  }
0x3f9: {  	[sflag:s0] =	ssyncadd.s32 @!p1 $0xFFFFF000  }
.LBB2_157:
0x3fa: {  	s0 =	sor.u32 $0xF, s25  }
0x3fb: {  	p1 =	sge.s32 s0, s22  }
.Ltmp89:
0x3fc: {  	_ = 	snop;
	(pc) =	sbr.rel @p1 .LBB2_161-.Ltmp89, $1  }
0x3fd: {  	_ =	sdelay $0x3  }
0x3fe: {  	(v2sf) =	vpush v5, $0xF;
	_ =	sdelay $0xe  }
0x3ff: {  	s0 =	spop (v2sf)  }
0x400: {  	s2 =	sshra.s32 s0, $0x3  }
0x401: {  	s3 =	sshll.u32 s2, $0xC;
	s2 =	sshll.u32 s2, $0x7  }
0x402: {  	s3 =	sand.u32 $0xFFFF8000, s3;
	s2 =	sand.u32 $0x380, s2  }
0x403: {  	s0 =	sshll.u32 s0, $0x7;
	s2 =	sor.u32 s2, s3  }
0x404: {  	s0 =	sand.u32 $0x380, s0;
	s2 =	sshrl.u32 s2, $0x3  }
0x405: {  	s26 =	sor.u32 $0x14000, s0;
	s28 =	sadd.s32 s4, s2  }
0x406: {  	s0 =	simm.s32 $0x80;
	s2 =	sadd.s32 $0x400, s26;
	s3 =	sadd.s32 $0x0, s28  }
.LBB2_159:
0x407: {  	[hbm4b:s3+s5] =	stream.linear.scatter [tilespmem:s26], [sflag:$0x4], $0x80, $0x38;
	[tilespmem:$0x1C000] =	vst v63  }
0x408: {  	s3 =	smov.u32 s0;
	s26 =	smov.u32 s2;
	p1 =	sne.s32 s0, $0xF80  }
.Ltmp90:
0x409: {  	s0 =	sadd.s32 $0x80, s0;
	(pc) =	sbr.rel @p1 .LBB2_159-.Ltmp90, $2  }
0x40a: {  	_ =	sdelay $0x2  }
0x40b: {  	s2 =	sadd.s32 $0x400, s2;
	s3 =	sadd.s32 s3, s28  }
.Ltmp91:
0x40c: {  	_ = 	snop;
	(pc) =	sbr.rel .LBB2_160-.Ltmp91, $1  }
0x40d: {  	_ =	sdelay $0x3  }
.LBB2_7:
.Ltmp92:
0x40e: {  	(pc) =	sbr.rel .LBB2_12-.Ltmp92, $2  }
0x40f: {  	_ =	sdelay $0x2  }
0x410: {  	s25 =	simm.s32 $0x0;
	v8 =	vimm.s32 $0x0  }
.LBB2_86:
.Ltmp93:
0x411: {  	(pc) =	sbr.rel .LBB2_91-.Ltmp93, $2  }
0x412: {  	_ =	sdelay $0x2  }
0x413: {  	s25 =	simm.s32 $0x0;
	v8 =	vimm.s32 $0x0  }
.LBB2_9:
.Ltmp94:
0x414: {  	(pc) =	sbr.rel .LBB2_12-.Ltmp94, $2  }
0x415: {  	_ =	sdelay $0x2  }
0x416: {  	s25 =	simm.s32 $0x0;
	v10 =	vmov v9;
	v8 =	vmov v9  }
.LBB2_88:
.Ltmp95:
0x417: {  	(pc) =	sbr.rel .LBB2_91-.Ltmp95, $2  }
0x418: {  	_ =	sdelay $0x2  }
0x419: {  	s25 =	simm.s32 $0x0;
	v10 =	vmov v9;
	v8 =	vmov v9  }
.LBB2_163:
0x41a: {  	p0 =	slt.s32 s22, $0x1  }
.Ltmp96:
0x41b: {  	_ = 	snop;
	(pc) =	sbr.rel @p0 .LBB2_167-.Ltmp96, $1  }
0x41c: {  	_ =	sdelay $0x3  }
0x41d: {  	p0 =	slt.s32 s22, $0x10  }
0x41e: {  	s22 =	simm.s32 @!p0 $0x10  }
0x41f: {  	p0 =	sne.s32 s22, $0x1  }
.Ltmp97:
0x420: {  	_ = 	snop;
	(pc) =	sbr.rel @!p0 .LBB2_166-.Ltmp97, $3  }
0x421: {  	_ =	sdelay $0x1  }
0x422: {  	_ =	swait.ge [sflag:s15], $0x1000  }
0x423: {  	[sflag:s15] =	ssyncset.done $0x0;
	s0 =	sadd.s32 $0xFFFFFFFF, s22  }
.LBB2_165:
0x424: {  	p0 =	sne.s32 s0, $0x1;
	s0 =	sadd.s32 $0xFFFFFFFF, s0;
	[sflag:s15] =	ssyncadd.s32 $0xFFFFF000  }
.Ltmp98:
0x425: {  	(pc) =	sbr.rel @p0 .LBB2_165-.Ltmp98, $3  }
0x426: {  	_ =	sdelay $0x1  }
0x427: {  	_ =	swait.ge [sflag:s15], $0x1000  }
0x428: {  	[sflag:s15] =	ssyncset.done $0x0  }
.Ltmp99:
0x429: {  	_ = 	snop;
	(pc) =	sbr.rel .LBB2_166-.Ltmp99, $1  }
0x42a: {  	_ =	sdelay $0x3  }
.LBB2_168:
0x42b: {  	_ =	sfence.sel $0x180000  }
0x42c: {  	[bflag:$0x0] =	sbarrier.arrive $0xFFFF  }
0x42d: {  	_ =	strace $0x90000047  }
0x42e: {  	s0 =	stileid.u32;
	[bflag:$0x2] =	sbarrier.arrive $0xFFFF  }
0x42f: {  	p0 =	sne.s32 s0, $0x0;
	s0 =	rddreg [dreg:$0x3]  }
0x430: {  	s0 =	sadd.s32 @!p0 $0x100000, s0  }
0x431: {  	[sflag:s0] =	ssyncadd.tile.s32 @!p0 $0x1;
	_ =	shalt  }
.Lfunc_end2:
_tile_overlayer_lowered:
.L_overlay_start_2:
0x432: {  	(tag) =	ssettag $0x2  }
0x433: {  	s0 =	rddreg [dreg:$0x0];
	s2 =	stileid.u32  }
0x434: {  	s1 =	rddreg [dreg:$0x1];
	p0 =	sne.s32 s2, $0x0  }
0x435: {  	s3 =	rddreg [dreg:$0x2];
	[bflag:$0x3] =	sbarrier.arrive $0xFFFF;
	s2 =	simm.s32 @!p0 $0x1C05  }
0x436: {  	[timem:s3], [sflag:s2] =	dma.local @!p0 [hbm:s0], s1  }
0x437: {  	s0 =	simm.s32 @!p0 $0x5  }
0x438: {  	_ =	swait.ge @!p0 [sflag:s0], s1  }
0x439: {  	s1 =	ssub.s32 @!p0 $0x0, s1;
	[sflag:s0] =	ssyncset.done @!p0 $0x0  }
0x43a: {  	[sflag:s0] =	ssyncadd.s32 @!p0 s1  }
0x43b: {  	[bflag:$0x3] =	sbarrier.arrive $0xFFFF  }
0x43c: {  	_ =	shalt  }

</sc_bundles>
